<compile_context>
chip_gen: v7x
topology: tpu7x:2x2x1
jax: 0.10.2.dev20260603
libtpu: 0.0.44.dev20260713+nightly
codegen_flags: <defaults>
</compile_context>

<pallas_src>
import functools

import jax
import jax.numpy as jnp
from jax import lax
from jax.experimental import pallas as pl
from jax.experimental.pallas import tpu as pltpu
from jax.experimental.pallas import tpu_sc as plsc

N = 10000
E = 320000
D = 128
NC = 2
NS = 16
NW = NC * NS
EPW = E // NW
CHUNK = 125
NCHUNK = EPW // CHUNK
CH_S = 50
NCH_S = EPW // CH_S
KB = 8
NBLK = NCH_S // KB
SLOTR = 2 * KB
MBUF = 6
NBUF = 5
AP = 624
ZW = 640
DW = 16

_mesh = plsc.VectorSubcoreMesh(core_axis_name="c", subcore_axis_name="s")


def _count_body(srcr, dstr, zrows, ones_hbm, dout_hbm, dsum_hbm,
                sidx_v, didx_v, ones_v, acc, ssem):
    cid = lax.axis_index("c")
    sid = lax.axis_index("s")
    wid = cid * NS + sid

    pltpu.sync_copy(ones_hbm, ones_v)
    base = sid * AP
    pltpu.sync_copy(zrows, acc.at[pl.ds(base, ZW)])
    pltpu.sync_copy(srcr.at[wid], sidx_v)
    pltpu.sync_copy(dstr.at[wid], didx_v)
    plsc.subcore_barrier()

    @pl.loop(0, NCHUNK, step=8)
    def _(j0):
        for t in range(8):
            pltpu.async_copy(ones_v, acc.at[sidx_v.at[j0 + t]], ssem, add=True)

        @pl.loop(0, 8)
        def _(_t):
            pltpu.make_async_copy(ones_v, acc.at[sidx_v.at[j0]], ssem).wait()

    plsc.subcore_barrier()
    pltpu.sync_copy(acc.at[pl.ds(base, ZW)],
                    dout_hbm.at[pl.ds(cid * N + base, ZW)])
    plsc.subcore_barrier()

    @pl.loop(0, NCHUNK, step=8)
    def _(j0):
        for t in range(8):
            pltpu.async_copy(ones_v, acc.at[didx_v.at[j0 + t]], ssem, add=True)

        @pl.loop(0, 8)
        def _(_t):
            pltpu.make_async_copy(ones_v, acc.at[didx_v.at[j0]], ssem).wait()

    plsc.subcore_barrier()
    pltpu.sync_copy(acc.at[pl.ds(base, ZW)],
                    dsum_hbm.at[pl.ds(cid * N + base, ZW)])


_count = pl.kernel(
    _count_body,
    out_type=[
        jax.ShapeDtypeStruct((NC * N, D), jnp.float32),
        jax.ShapeDtypeStruct((NC * N, D), jnp.float32),
    ],
    mesh=_mesh,
    scratch_types=[
        pltpu.VMEM((NCHUNK, CHUNK), jnp.int32),
        pltpu.VMEM((NCHUNK, CHUNK), jnp.int32),
        pltpu.VMEM((CHUNK, D), jnp.float32),
        pltpu.VMEM_SHARED((N, D), jnp.float32),
        pltpu.SemaphoreType.DMA,
    ],
)


def _spmm_body(h_hbm, srcrB, dstrB, zrows, out_hbm,
               sidx, didx, rows_v, acc, gsem, ssem, bsem):
    cid = lax.axis_index("c")
    sid = lax.axis_index("s")
    wid = cid * NS + sid

    base = sid * AP
    pltpu.sync_copy(zrows, acc.at[pl.ds(base, ZW)])
    pltpu.sync_copy(srcrB.at[wid, 0], sidx.at[pl.ds(0, KB)])
    pltpu.sync_copy(dstrB.at[wid, 0], didx.at[pl.ds(0, KB)])
    pltpu.async_copy(srcrB.at[wid, 1], sidx.at[pl.ds(KB, KB)], bsem.at[1])
    pltpu.async_copy(dstrB.at[wid, 1], didx.at[pl.ds(KB, KB)], bsem.at[1])
    plsc.subcore_barrier()

    for b in range(NBUF):
        pltpu.async_copy(h_hbm.at[sidx.at[b]], rows_v.at[b], gsem.at[b])

    @pl.loop(0, NCH_S)
    def _(j):
        b = lax.rem(j, MBUF)
        pltpu.make_async_copy(h_hbm.at[sidx.at[0]], rows_v.at[b],
                              gsem.at[b]).wait()
        pltpu.async_copy(rows_v.at[b], acc.at[didx.at[lax.rem(j, SLOTR)]],
                         ssem.at[b], add=True)
        jn = j + NBUF

        @pl.when(jn < NCH_S)
        def _():
            bn = lax.rem(jn, MBUF)

            @pl.when(jn >= MBUF)
            def _():
                pltpu.make_async_copy(rows_v.at[bn], acc.at[didx.at[0]],
                                      ssem.at[bn]).wait()

            @pl.when(lax.rem(jn, KB) == 0)
            def _():
                p = lax.rem(jn // KB, 2)
                pltpu.make_async_copy(srcrB.at[wid, 0], sidx.at[pl.ds(0, KB)],
                                      bsem.at[p]).wait()
                pltpu.make_async_copy(dstrB.at[wid, 0], didx.at[pl.ds(0, KB)],
                                      bsem.at[p]).wait()

            pltpu.async_copy(h_hbm.at[sidx.at[lax.rem(jn, SLOTR)]],
                             rows_v.at[bn], gsem.at[bn])

        blk_next = j // KB + 1

        @pl.when(jnp.logical_and(lax.rem(j, KB) == 2,
                                 jnp.logical_and(blk_next >= 2,
                                                 blk_next < NBLK)))
        def _():
            p = lax.rem(blk_next, 2)
            off = pl.multiple_of(p * KB, 8)
            pltpu.async_copy(srcrB.at[wid, blk_next],
                             sidx.at[pl.ds(off, KB)], bsem.at[p])
            pltpu.async_copy(dstrB.at[wid, blk_next],
                             didx.at[pl.ds(off, KB)], bsem.at[p])

    @pl.loop(0, MBUF)
    def _(b):
        pltpu.make_async_copy(rows_v.at[b], acc.at[didx.at[0]],
                              ssem.at[b]).wait()

    plsc.subcore_barrier()
    pltpu.sync_copy(acc.at[pl.ds(base, ZW)],
                    out_hbm.at[pl.ds(cid * N + base, ZW)])


_spmm = pl.kernel(
    _spmm_body,
    out_type=jax.ShapeDtypeStruct((NC * N, D), jnp.float32),
    mesh=_mesh,
    scratch_types=[
        pltpu.VMEM((SLOTR, CH_S), jnp.int32),
        pltpu.VMEM((SLOTR, CH_S), jnp.int32),
        pltpu.VMEM((MBUF, CH_S, D), jnp.float32),
        pltpu.VMEM_SHARED((N, D), jnp.float32),
        pltpu.SemaphoreType.DMA((MBUF,)),
        pltpu.SemaphoreType.DMA((MBUF,)),
        pltpu.SemaphoreType.DMA((2,)),
    ],
)


_BT = 1000


def _prep_body(x_ref, dop_ref, dip_ref, xs_ref, ns_ref, nd_ref):
    dout = dop_ref[0][:, :DW] + dop_ref[1][:, :DW]
    din = dip_ref[0][:, :DW] + dip_ref[1][:, :DW] - dout
    ns = lax.rsqrt(jnp.maximum(dout, 1.0))
    nd = lax.rsqrt(jnp.maximum(din, 1.0))
    ns_ref[...] = ns
    nd_ref[...] = nd
    xs_ref[...] = x_ref[...] * ns[:, 0:1]


def _layer_body(relu_next, p_ref, ns_ref, nd_ref, w_ref, b_ref, o_ref):
    agg = (p_ref[0] + p_ref[1]) * nd_ref[...][:, 0:1]
    h = jnp.dot(agg, w_ref[...], preferred_element_type=jnp.float32)
    h = h + b_ref[...]
    if relu_next:
        h = jnp.maximum(h, 0.0) * ns_ref[...][:, 0:1]
    o_ref[...] = h


def _prep(x, dout_p, din_p):
    grid = N // _BT
    return pl.pallas_call(
        _prep_body,
        grid=(grid,),
        in_specs=[
            pl.BlockSpec((_BT, D), lambda i: (i, 0)),
            pl.BlockSpec((NC, _BT, D), lambda i: (0, i, 0)),
            pl.BlockSpec((NC, _BT, D), lambda i: (0, i, 0)),
        ],
        out_specs=[
            pl.BlockSpec((_BT, D), lambda i: (i, 0)),
            pl.BlockSpec((_BT, DW), lambda i: (i, 0)),
            pl.BlockSpec((_BT, DW), lambda i: (i, 0)),
        ],
        out_shape=[
            jax.ShapeDtypeStruct((N, D), jnp.float32),
            jax.ShapeDtypeStruct((N, DW), jnp.float32),
            jax.ShapeDtypeStruct((N, DW), jnp.float32),
        ],
    )(x, dout_p, din_p)


def _layer(parts, ns, nd, W, b, relu_next):
    grid = N // _BT
    return pl.pallas_call(
        functools.partial(_layer_body, relu_next),
        grid=(grid,),
        in_specs=[
            pl.BlockSpec((NC, _BT, D), lambda i: (0, i, 0)),
            pl.BlockSpec((_BT, DW), lambda i: (i, 0)),
            pl.BlockSpec((_BT, DW), lambda i: (i, 0)),
            pl.BlockSpec((D, D), lambda i: (0, 0)),
            pl.BlockSpec((1, D), lambda i: (0, 0)),
        ],
        out_specs=pl.BlockSpec((_BT, D), lambda i: (i, 0)),
        out_shape=jax.ShapeDtypeStruct((N, D), jnp.float32),
    )(parts, ns, nd, W, b.reshape(1, D))


def kernel(x, edge_index, W1, b1, W2, b2, W3, b3):
    ei = edge_index.astype(jnp.int32)
    srcr_c = ei[0].reshape(NW, NCHUNK, CHUNK)
    dstr_c = ei[1].reshape(NW, NCHUNK, CHUNK)
    srcr_s = ei[0].reshape(NW, NBLK, KB, CH_S)
    dstr_s = ei[1].reshape(NW, NBLK, KB, CH_S)
    zrows = jnp.zeros((ZW, D), jnp.float32)
    ones = jnp.ones((CHUNK, D), jnp.float32)

    dout_p, dsum_p = _count(srcr_c, dstr_c, zrows, ones)
    dout_p = dout_p.reshape(NC, N, D)
    din_p = dsum_p.reshape(NC, N, D)
    h, ns, nd = _prep(x, dout_p, din_p)

    for W, b, relu_next in ((W1, b1, True), (W2, b2, True), (W3, b3, False)):
        parts = _spmm(h, srcr_s, dstr_s, zrows).reshape(NC, N, D)
        h = _layer(parts, ns, nd, W, b, relu_next)
    return h

# --- scband reference (transcript-rebuilt; emitter-appended) ---
"""Pipeline reference for scband-sage-7739531067740 (READ-ONLY COPY).

The authoritative reference and input builder live on the scoring server;
editing this copy changes nothing except your own understanding.
"""

import jax, jax.numpy as jnp
import numpy as np

N_NODES = 10000
N_EDGES = 320000
D_IN = 128
D_HID = 128
D_OUT = 128

def setup_inputs(seed: int = 0) -> dict:
    key = jax.random.key(seed)
    k1, k2, k3, k4, k5 = jax.random.split(key, 5)
    x = jax.random.normal(k1, (N_NODES, D_IN), dtype=jnp.float32)
    edge_index = jax.random.randint(k2, (2, N_EDGES), 0, N_NODES, dtype=jnp.int64)
    W1 = jax.random.normal(k3, (D_IN, D_HID), dtype=jnp.float32) * (1.0 / np.sqrt(D_IN))
    b1 = jnp.zeros((D_HID,), dtype=jnp.float32)
    W2 = jax.random.normal(k4, (D_HID, D_OUT), dtype=jnp.float32) * (1.0 / np.sqrt(D_HID))
    b2 = jnp.zeros((D_OUT,), dtype=jnp.float32)
    W3 = jax.random.normal(k5, (D_OUT, D_OUT), dtype=jnp.float32) * (1.0 / np.sqrt(D_OUT))
    b3 = jnp.zeros((D_OUT,), dtype=jnp.float32)
    return {"x": x, "edge_index": edge_index, "W1": W1, "b1": b1, "W2": W2, "b2": b2, "W3": W3, "b3": b3}

def _graph_conv(h, src, dst, W, b, n_nodes):
    # DGL GraphConv with norm='both': D_dst^{-1/2} * A^T * (D_src^{-1/2} * h) @ W + b
    deg_out = jnp.bincount(src, length=n_nodes).astype(jnp.float32)
    deg_in = jnp.bincount(dst, length=n_nodes).astype(jnp.float32)
    norm_src = jnp.clip(deg_out, 1.0, None) ** -0.5
    norm_dst = jnp.clip(deg_in, 1.0, None) ** -0.5
    h = h * norm_src[:, None]
    msg = jnp.take(h, src, axis=0)
    agg = jax.ops.segment_sum(msg, dst, num_segments=n_nodes)
    agg = agg * norm_dst[:, None]
    return agg @ W + b

def reference(x, edge_index, W1, b1, W2, b2, W3, b3):
    src = edge_index[0]
    dst = edge_index[1]
    h = _graph_conv(x, src, dst, W1, b1, N_NODES)
    h = jax.nn.relu(h)
    h = _graph_conv(h, src, dst, W2, b2, N_NODES)
    h = jax.nn.relu(h)
    h = _graph_conv(h, src, dst, W3, b3, N_NODES)
    return h

if __name__ == "__main__":
    import jax
    _d = setup_inputs()
    print(jax.jit(kernel)(*tuple(_d.values())))

</pallas_src>

<mosaic_0001>
#map = affine_map<(d0, d1) -> (0, 0)>
#map1 = affine_map<(d0, d1) -> (0, 0, 0, 0)>
module attributes {stable_mosaic.version = 14 : i64} {
  func.func @_spmm_body(%arg0: i32, %arg1: i32, %arg2: memref<10000x128xf32, #tpu.memory_space<hbm>>, %arg3: memref<32x25x8x50xi32, #tpu.memory_space<hbm>>, %arg4: memref<32x25x8x50xi32, #tpu.memory_space<hbm>>, %arg5: memref<640x128xf32, #tpu.memory_space<hbm>>, %arg6: memref<20000x128xf32, #tpu.memory_space<hbm>>, %arg7: memref<16x50xi32, #tpu.memory_space<vmem>>, %arg8: memref<16x50xi32, #tpu.memory_space<vmem>>, %arg9: memref<6x50x128xf32, #tpu.memory_space<vmem>>, %arg10: memref<10000x128xf32, #tpu.memory_space<vmem_shared>>, %arg11: memref<6x!tpu.dma_semaphore, #tpu.memory_space<semaphore_mem>>, %arg12: memref<6x!tpu.dma_semaphore, #tpu.memory_space<semaphore_mem>>, %arg13: memref<2x!tpu.dma_semaphore, #tpu.memory_space<semaphore_mem>>) attributes {dimension_semantics = [#tpu.dimension_semantics<core_parallel>, #tpu.dimension_semantics<subcore_parallel>], iteration_bounds = array<i64: 2, 16>, scalar_prefetch = 0 : i64, scratch_operands = 7 : i64, tpu.core_type = #tpu.core_type<sc_vector_subcore>, window_params = [{transform_indices = #map}, {transform_indices = #map1}, {transform_indices = #map1}, {transform_indices = #map}, {transform_indices = #map}]} {
    %mul3A = arith.constant 16 : i32
    %mul3A_0 = arith.muli %arg0, %mul3A : i32
    %add3A = arith.addi %mul3A_0, %arg1 : i32
    %mul3A_1 = arith.constant 624 : i32
    %mul3A_2 = arith.muli %arg1, %mul3A_1 : i32
    "tpu.region"() ({
      %run_scoped3A_127 = tpu.sem_alloc : memref<!tpu.dma_semaphore, #tpu.memory_space<semaphore_mem>>
      %dma_start3A_128 = arith.constant 0 : i32
      %dma_start3A_129 = tpu.memref_slice %arg10[%mul3A_2, %dma_start3A_128] : memref<10000x128xf32, #tpu.memory_space<vmem_shared>> -> memref<640x128xf32, #tpu.memory_space<vmem_shared>>
      tpu.enqueue_dma source(%arg5 : memref<640x128xf32, #tpu.memory_space<hbm>>) target(%dma_start3A_129 : memref<640x128xf32, #tpu.memory_space<vmem_shared>>) target_semaphore(%run_scoped3A_127 : memref<!tpu.dma_semaphore, #tpu.memory_space<semaphore_mem>>)
      %dma_wait3A = arith.constant 0 : i32
      %dma_wait3A_130 = tpu.memref_slice %arg10[%mul3A_2, %dma_wait3A] : memref<10000x128xf32, #tpu.memory_space<vmem_shared>> -> memref<640x128xf32, #tpu.memory_space<vmem_shared>>
      tpu.wait_dma2 semaphore(%run_scoped3A_127 : memref<!tpu.dma_semaphore, #tpu.memory_space<semaphore_mem>>) src(%arg5 : memref<640x128xf32, #tpu.memory_space<hbm>>) dst(%dma_wait3A_130 : memref<640x128xf32, #tpu.memory_space<vmem_shared>>)
      tpu.yield
    }) : () -> ()
    %run_scoped3A = arith.constant 0 : i32
    "tpu.region"() ({
      %run_scoped3A_127 = tpu.sem_alloc : memref<!tpu.dma_semaphore, #tpu.memory_space<semaphore_mem>>
      %dma_start3A_128 = arith.constant 0 : i32
      %dma_start3A_129 = arith.constant 0 : i32
      %dma_start3A_130 = tpu.memref_slice %arg7[%dma_start3A_128, %dma_start3A_129] : memref<16x50xi32, #tpu.memory_space<vmem>> -> memref<8x50xi32, #tpu.memory_space<vmem>>
      %dma_start3A_131 = arith.constant 0 : i32
      %dma_start3A_132 = arith.constant 0 : i32
      %dma_start3A_133 = tpu.memref_slice %arg3[%add3A, %run_scoped3A, %dma_start3A_131, %dma_start3A_132] : memref<32x25x8x50xi32, #tpu.memory_space<hbm>> -> memref<1x1x8x50xi32, #tpu.memory_space<hbm>>
      %dma_start3A_134 = tpu.memref_squeeze %dma_start3A_133 : memref<1x1x8x50xi32, #tpu.memory_space<hbm>> -> memref<8x50xi32, #tpu.memory_space<hbm>>
      %dma_start3A_135 = arith.constant 0 : i32
      %dma_start3A_136 = arith.constant 0 : i32
      %dma_start3A_137 = tpu.memref_slice %arg7[%dma_start3A_135, %dma_start3A_136] : memref<16x50xi32, #tpu.memory_space<vmem>> -> memref<8x50xi32, #tpu.memory_space<vmem>>
      %dma_start3A_138 = arith.constant 0 : i32
      %dma_start3A_139 = arith.constant 0 : i32
      %dma_start3A_140 = tpu.memref_slice %arg3[%add3A, %run_scoped3A, %dma_start3A_138, %dma_start3A_139] : memref<32x25x8x50xi32, #tpu.memory_space<hbm>> -> memref<1x1x8x50xi32, #tpu.memory_space<hbm>>
      %dma_start3A_141 = tpu.memref_squeeze %dma_start3A_140 : memref<1x1x8x50xi32, #tpu.memory_space<hbm>> -> memref<8x50xi32, #tpu.memory_space<hbm>>
      tpu.enqueue_dma source(%dma_start3A_141 : memref<8x50xi32, #tpu.memory_space<hbm>>) target(%dma_start3A_137 : memref<8x50xi32, #tpu.memory_space<vmem>>) target_semaphore(%run_scoped3A_127 : memref<!tpu.dma_semaphore, #tpu.memory_space<semaphore_mem>>)
      %dma_wait3A = arith.constant 0 : i32
      %dma_wait3A_142 = arith.constant 0 : i32
      %dma_wait3A_143 = tpu.memref_slice %arg7[%dma_wait3A, %dma_wait3A_142] : memref<16x50xi32, #tpu.memory_space<vmem>> -> memref<8x50xi32, #tpu.memory_space<vmem>>
      %dma_wait3A_144 = arith.constant 0 : i32
      %dma_wait3A_145 = arith.constant 0 : i32
      %dma_wait3A_146 = tpu.memref_slice %arg3[%add3A, %run_scoped3A, %dma_wait3A_144, %dma_wait3A_145] : memref<32x25x8x50xi32, #tpu.memory_space<hbm>> -> memref<1x1x8x50xi32, #tpu.memory_space<hbm>>
      %dma_wait3A_147 = tpu.memref_squeeze %dma_wait3A_146 : memref<1x1x8x50xi32, #tpu.memory_space<hbm>> -> memref<8x50xi32, #tpu.memory_space<hbm>>
      %dma_wait3A_148 = arith.constant 0 : i32
      %dma_wait3A_149 = arith.constant 0 : i32
      %dma_wait3A_150 = tpu.memref_slice %arg7[%dma_wait3A_148, %dma_wait3A_149] : memref<16x50xi32, #tpu.memory_space<vmem>> -> memref<8x50xi32, #tpu.memory_space<vmem>>
      %dma_wait3A_151 = arith.constant 0 : i32
      %dma_wait3A_152 = arith.constant 0 : i32
      %dma_wait3A_153 = tpu.memref_slice %arg3[%add3A, %run_scoped3A, %dma_wait3A_151, %dma_wait3A_152] : memref<32x25x8x50xi32, #tpu.memory_space<hbm>> -> memref<1x1x8x50xi32, #tpu.memory_space<hbm>>
      %dma_wait3A_154 = tpu.memref_squeeze %dma_wait3A_153 : memref<1x1x8x50xi32, #tpu.memory_space<hbm>> -> memref<8x50xi32, #tpu.memory_space<hbm>>
      tpu.wait_dma2 semaphore(%run_scoped3A_127 : memref<!tpu.dma_semaphore, #tpu.memory_space<semaphore_mem>>) src(%dma_wait3A_154 : memref<8x50xi32, #tpu.memory_space<hbm>>) dst(%dma_wait3A_150 : memref<8x50xi32, #tpu.memory_space<vmem>>)
      tpu.yield
    }) : () -> ()
    %run_scoped3A_3 = arith.constant 0 : i32
    "tpu.region"() ({
      %run_scoped3A_127 = tpu.sem_alloc : memref<!tpu.dma_semaphore, #tpu.memory_space<semaphore_mem>>
      %dma_start3A_128 = arith.constant 0 : i32
      %dma_start3A_129 = arith.constant 0 : i32
      %dma_start3A_130 = tpu.memref_slice %arg8[%dma_start3A_128, %dma_start3A_129] : memref<16x50xi32, #tpu.memory_space<vmem>> -> memref<8x50xi32, #tpu.memory_space<vmem>>
      %dma_start3A_131 = arith.constant 0 : i32
      %dma_start3A_132 = arith.constant 0 : i32
      %dma_start3A_133 = tpu.memref_slice %arg4[%add3A, %run_scoped3A_3, %dma_start3A_131, %dma_start3A_132] : memref<32x25x8x50xi32, #tpu.memory_space<hbm>> -> memref<1x1x8x50xi32, #tpu.memory_space<hbm>>
      %dma_start3A_134 = tpu.memref_squeeze %dma_start3A_133 : memref<1x1x8x50xi32, #tpu.memory_space<hbm>> -> memref<8x50xi32, #tpu.memory_space<hbm>>
      %dma_start3A_135 = arith.constant 0 : i32
      %dma_start3A_136 = arith.constant 0 : i32
      %dma_start3A_137 = tpu.memref_slice %arg8[%dma_start3A_135, %dma_start3A_136] : memref<16x50xi32, #tpu.memory_space<vmem>> -> memref<8x50xi32, #tpu.memory_space<vmem>>
      %dma_start3A_138 = arith.constant 0 : i32
      %dma_start3A_139 = arith.constant 0 : i32
      %dma_start3A_140 = tpu.memref_slice %arg4[%add3A, %run_scoped3A_3, %dma_start3A_138, %dma_start3A_139] : memref<32x25x8x50xi32, #tpu.memory_space<hbm>> -> memref<1x1x8x50xi32, #tpu.memory_space<hbm>>
      %dma_start3A_141 = tpu.memref_squeeze %dma_start3A_140 : memref<1x1x8x50xi32, #tpu.memory_space<hbm>> -> memref<8x50xi32, #tpu.memory_space<hbm>>
      tpu.enqueue_dma source(%dma_start3A_141 : memref<8x50xi32, #tpu.memory_space<hbm>>) target(%dma_start3A_137 : memref<8x50xi32, #tpu.memory_space<vmem>>) target_semaphore(%run_scoped3A_127 : memref<!tpu.dma_semaphore, #tpu.memory_space<semaphore_mem>>)
      %dma_wait3A = arith.constant 0 : i32
      %dma_wait3A_142 = arith.constant 0 : i32
      %dma_wait3A_143 = tpu.memref_slice %arg8[%dma_wait3A, %dma_wait3A_142] : memref<16x50xi32, #tpu.memory_space<vmem>> -> memref<8x50xi32, #tpu.memory_space<vmem>>
      %dma_wait3A_144 = arith.constant 0 : i32
      %dma_wait3A_145 = arith.constant 0 : i32
      %dma_wait3A_146 = tpu.memref_slice %arg4[%add3A, %run_scoped3A_3, %dma_wait3A_144, %dma_wait3A_145] : memref<32x25x8x50xi32, #tpu.memory_space<hbm>> -> memref<1x1x8x50xi32, #tpu.memory_space<hbm>>
      %dma_wait3A_147 = tpu.memref_squeeze %dma_wait3A_146 : memref<1x1x8x50xi32, #tpu.memory_space<hbm>> -> memref<8x50xi32, #tpu.memory_space<hbm>>
      %dma_wait3A_148 = arith.constant 0 : i32
      %dma_wait3A_149 = arith.constant 0 : i32
      %dma_wait3A_150 = tpu.memref_slice %arg8[%dma_wait3A_148, %dma_wait3A_149] : memref<16x50xi32, #tpu.memory_space<vmem>> -> memref<8x50xi32, #tpu.memory_space<vmem>>
      %dma_wait3A_151 = arith.constant 0 : i32
      %dma_wait3A_152 = arith.constant 0 : i32
      %dma_wait3A_153 = tpu.memref_slice %arg4[%add3A, %run_scoped3A_3, %dma_wait3A_151, %dma_wait3A_152] : memref<32x25x8x50xi32, #tpu.memory_space<hbm>> -> memref<1x1x8x50xi32, #tpu.memory_space<hbm>>
      %dma_wait3A_154 = tpu.memref_squeeze %dma_wait3A_153 : memref<1x1x8x50xi32, #tpu.memory_space<hbm>> -> memref<8x50xi32, #tpu.memory_space<hbm>>
      tpu.wait_dma2 semaphore(%run_scoped3A_127 : memref<!tpu.dma_semaphore, #tpu.memory_space<semaphore_mem>>) src(%dma_wait3A_154 : memref<8x50xi32, #tpu.memory_space<hbm>>) dst(%dma_wait3A_150 : memref<8x50xi32, #tpu.memory_space<vmem>>)
      tpu.yield
    }) : () -> ()
    %dma_start3A = arith.constant 1 : i32
    %dma_start3A_4 = arith.constant 1 : i32
    %dma_start3A_5 = arith.constant 8 : i32
    %dma_start3A_6 = arith.constant 0 : i32
    %dma_start3A_7 = tpu.memref_slice %arg7[%dma_start3A_5, %dma_start3A_6] : memref<16x50xi32, #tpu.memory_space<vmem>> -> memref<8x50xi32, #tpu.memory_space<vmem>>
    %dma_start3A_8 = arith.constant 0 : i32
    %dma_start3A_9 = arith.constant 0 : i32
    %dma_start3A_10 = tpu.memref_slice %arg3[%add3A, %dma_start3A, %dma_start3A_8, %dma_start3A_9] : memref<32x25x8x50xi32, #tpu.memory_space<hbm>> -> memref<1x1x8x50xi32, #tpu.memory_space<hbm>>
    %dma_start3A_11 = tpu.memref_squeeze %dma_start3A_10 : memref<1x1x8x50xi32, #tpu.memory_space<hbm>> -> memref<8x50xi32, #tpu.memory_space<hbm>>
    %dma_start3A_12 = tpu.memref_slice %arg13[%dma_start3A_4] : memref<2x!tpu.dma_semaphore, #tpu.memory_space<semaphore_mem>> -> memref<1x!tpu.dma_semaphore, #tpu.memory_space<semaphore_mem>>
    %dma_start3A_13 = tpu.memref_squeeze %dma_start3A_12 : memref<1x!tpu.dma_semaphore, #tpu.memory_space<semaphore_mem>> -> memref<!tpu.dma_semaphore, #tpu.memory_space<semaphore_mem>>
    %dma_start3A_14 = arith.constant 8 : i32
    %dma_start3A_15 = arith.constant 0 : i32
    %dma_start3A_16 = tpu.memref_slice %arg7[%dma_start3A_14, %dma_start3A_15] : memref<16x50xi32, #tpu.memory_space<vmem>> -> memref<8x50xi32, #tpu.memory_space<vmem>>
    %dma_start3A_17 = arith.constant 0 : i32
    %dma_start3A_18 = arith.constant 0 : i32
    %dma_start3A_19 = tpu.memref_slice %arg3[%add3A, %dma_start3A, %dma_start3A_17, %dma_start3A_18] : memref<32x25x8x50xi32, #tpu.memory_space<hbm>> -> memref<1x1x8x50xi32, #tpu.memory_space<hbm>>
    %dma_start3A_20 = tpu.memref_squeeze %dma_start3A_19 : memref<1x1x8x50xi32, #tpu.memory_space<hbm>> -> memref<8x50xi32, #tpu.memory_space<hbm>>
    tpu.enqueue_dma source(%dma_start3A_20 : memref<8x50xi32, #tpu.memory_space<hbm>>) target(%dma_start3A_16 : memref<8x50xi32, #tpu.memory_space<vmem>>) target_semaphore(%dma_start3A_13 : memref<!tpu.dma_semaphore, #tpu.memory_space<semaphore_mem>>)
    %dma_start3A_21 = arith.constant 1 : i32
    %dma_start3A_22 = arith.constant 1 : i32
    %dma_start3A_23 = arith.constant 8 : i32
    %dma_start3A_24 = arith.constant 0 : i32
    %dma_start3A_25 = tpu.memref_slice %arg8[%dma_start3A_23, %dma_start3A_24] : memref<16x50xi32, #tpu.memory_space<vmem>> -> memref<8x50xi32, #tpu.memory_space<vmem>>
    %dma_start3A_26 = arith.constant 0 : i32
    %dma_start3A_27 = arith.constant 0 : i32
    %dma_start3A_28 = tpu.memref_slice %arg4[%add3A, %dma_start3A_21, %dma_start3A_26, %dma_start3A_27] : memref<32x25x8x50xi32, #tpu.memory_space<hbm>> -> memref<1x1x8x50xi32, #tpu.memory_space<hbm>>
    %dma_start3A_29 = tpu.memref_squeeze %dma_start3A_28 : memref<1x1x8x50xi32, #tpu.memory_space<hbm>> -> memref<8x50xi32, #tpu.memory_space<hbm>>
    %dma_start3A_30 = tpu.memref_slice %arg13[%dma_start3A_22] : memref<2x!tpu.dma_semaphore, #tpu.memory_space<semaphore_mem>> -> memref<1x!tpu.dma_semaphore, #tpu.memory_space<semaphore_mem>>
    %dma_start3A_31 = tpu.memref_squeeze %dma_start3A_30 : memref<1x!tpu.dma_semaphore, #tpu.memory_space<semaphore_mem>> -> memref<!tpu.dma_semaphore, #tpu.memory_space<semaphore_mem>>
    %dma_start3A_32 = arith.constant 8 : i32
    %dma_start3A_33 = arith.constant 0 : i32
    %dma_start3A_34 = tpu.memref_slice %arg8[%dma_start3A_32, %dma_start3A_33] : memref<16x50xi32, #tpu.memory_space<vmem>> -> memref<8x50xi32, #tpu.memory_space<vmem>>
    %dma_start3A_35 = arith.constant 0 : i32
    %dma_start3A_36 = arith.constant 0 : i32
    %dma_start3A_37 = tpu.memref_slice %arg4[%add3A, %dma_start3A_21, %dma_start3A_35, %dma_start3A_36] : memref<32x25x8x50xi32, #tpu.memory_space<hbm>> -> memref<1x1x8x50xi32, #tpu.memory_space<hbm>>
    %dma_start3A_38 = tpu.memref_squeeze %dma_start3A_37 : memref<1x1x8x50xi32, #tpu.memory_space<hbm>> -> memref<8x50xi32, #tpu.memory_space<hbm>>
    tpu.enqueue_dma source(%dma_start3A_38 : memref<8x50xi32, #tpu.memory_space<hbm>>) target(%dma_start3A_34 : memref<8x50xi32, #tpu.memory_space<vmem>>) target_semaphore(%dma_start3A_31 : memref<!tpu.dma_semaphore, #tpu.memory_space<semaphore_mem>>)
    %barrier3A = arith.constant 0 : index
    tpu.barrier barrier_id(%barrier3A)
    %dma_start3A_39 = arith.constant 0 : i32
    %dma_start3A_40 = arith.constant 0 : i32
    %dma_start3A_41 = arith.constant 0 : i32
    %dma_start3A_42 = arith.constant 0 : i32
    %dma_start3A_43 = arith.constant 0 : i32
    %dma_start3A_44 = tpu.memref_slice %arg9[%dma_start3A_40, %dma_start3A_42, %dma_start3A_43] : memref<6x50x128xf32, #tpu.memory_space<vmem>> -> memref<1x50x128xf32, #tpu.memory_space<vmem>>
    %dma_start3A_45 = tpu.memref_squeeze %dma_start3A_44 : memref<1x50x128xf32, #tpu.memory_space<vmem>> -> memref<50x128xf32, #tpu.memory_space<vmem>>
    %dma_start3A_46 = arith.constant 0 : i32
    %dma_start3A_47 = tpu.memref_slice %arg7[%dma_start3A_39, %dma_start3A_46] : memref<16x50xi32, #tpu.memory_space<vmem>> -> memref<1x50xi32, #tpu.memory_space<vmem>>
    %dma_start3A_48 = tpu.memref_squeeze %dma_start3A_47 : memref<1x50xi32, #tpu.memory_space<vmem>> -> memref<50xi32, #tpu.memory_space<vmem>>
    %dma_start3A_49 = arith.constant 0 : i32
    %dma_start3A_50 = arith.constant 0 : i32
    %dma_start3A_51 = tpu.memref_slice %arg2[%dma_start3A_49, %dma_start3A_50] : memref<10000x128xf32, #tpu.memory_space<hbm>> -> memref<10000x128xf32, #tpu.memory_space<hbm>>
    %dma_start3A_52 = tpu.memref_slice %arg11[%dma_start3A_41] : memref<6x!tpu.dma_semaphore, #tpu.memory_space<semaphore_mem>> -> memref<1x!tpu.dma_semaphore, #tpu.memory_space<semaphore_mem>>
    %dma_start3A_53 = tpu.memref_squeeze %dma_start3A_52 : memref<1x!tpu.dma_semaphore, #tpu.memory_space<semaphore_mem>> -> memref<!tpu.dma_semaphore, #tpu.memory_space<semaphore_mem>>
    tpu.enqueue_indirect_dma source(%dma_start3A_51 : memref<10000x128xf32, #tpu.memory_space<hbm>>) target(%dma_start3A_45 : memref<50x128xf32, #tpu.memory_space<vmem>>) offsets(%dma_start3A_48 : memref<50xi32, #tpu.memory_space<vmem>>) semaphore(%dma_start3A_53 : memref<!tpu.dma_semaphore, #tpu.memory_space<semaphore_mem>>)
    %dma_start3A_54 = arith.constant 1 : i32
    %dma_start3A_55 = arith.constant 1 : i32
    %dma_start3A_56 = arith.constant 1 : i32
    %dma_start3A_57 = arith.constant 0 : i32
    %dma_start3A_58 = arith.constant 0 : i32
    %dma_start3A_59 = tpu.memref_slice %arg9[%dma_start3A_55, %dma_start3A_57, %dma_start3A_58] : memref<6x50x128xf32, #tpu.memory_space<vmem>> -> memref<1x50x128xf32, #tpu.memory_space<vmem>>
    %dma_start3A_60 = tpu.memref_squeeze %dma_start3A_59 : memref<1x50x128xf32, #tpu.memory_space<vmem>> -> memref<50x128xf32, #tpu.memory_space<vmem>>
    %dma_start3A_61 = arith.constant 0 : i32
    %dma_start3A_62 = tpu.memref_slice %arg7[%dma_start3A_54, %dma_start3A_61] : memref<16x50xi32, #tpu.memory_space<vmem>> -> memref<1x50xi32, #tpu.memory_space<vmem>>
    %dma_start3A_63 = tpu.memref_squeeze %dma_start3A_62 : memref<1x50xi32, #tpu.memory_space<vmem>> -> memref<50xi32, #tpu.memory_space<vmem>>
    %dma_start3A_64 = arith.constant 0 : i32
    %dma_start3A_65 = arith.constant 0 : i32
    %dma_start3A_66 = tpu.memref_slice %arg2[%dma_start3A_64, %dma_start3A_65] : memref<10000x128xf32, #tpu.memory_space<hbm>> -> memref<10000x128xf32, #tpu.memory_space<hbm>>
    %dma_start3A_67 = tpu.memref_slice %arg11[%dma_start3A_56] : memref<6x!tpu.dma_semaphore, #tpu.memory_space<semaphore_mem>> -> memref<1x!tpu.dma_semaphore, #tpu.memory_space<semaphore_mem>>
    %dma_start3A_68 = tpu.memref_squeeze %dma_start3A_67 : memref<1x!tpu.dma_semaphore, #tpu.memory_space<semaphore_mem>> -> memref<!tpu.dma_semaphore, #tpu.memory_space<semaphore_mem>>
    tpu.enqueue_indirect_dma source(%dma_start3A_66 : memref<10000x128xf32, #tpu.memory_space<hbm>>) target(%dma_start3A_60 : memref<50x128xf32, #tpu.memory_space<vmem>>) offsets(%dma_start3A_63 : memref<50xi32, #tpu.memory_space<vmem>>) semaphore(%dma_start3A_68 : memref<!tpu.dma_semaphore, #tpu.memory_space<semaphore_mem>>)
    %dma_start3A_69 = arith.constant 2 : i32
    %dma_start3A_70 = arith.constant 2 : i32
    %dma_start3A_71 = arith.constant 2 : i32
    %dma_start3A_72 = arith.constant 0 : i32
    %dma_start3A_73 = arith.constant 0 : i32
    %dma_start3A_74 = tpu.memref_slice %arg9[%dma_start3A_70, %dma_start3A_72, %dma_start3A_73] : memref<6x50x128xf32, #tpu.memory_space<vmem>> -> memref<1x50x128xf32, #tpu.memory_space<vmem>>
    %dma_start3A_75 = tpu.memref_squeeze %dma_start3A_74 : memref<1x50x128xf32, #tpu.memory_space<vmem>> -> memref<50x128xf32, #tpu.memory_space<vmem>>
    %dma_start3A_76 = arith.constant 0 : i32
    %dma_start3A_77 = tpu.memref_slice %arg7[%dma_start3A_69, %dma_start3A_76] : memref<16x50xi32, #tpu.memory_space<vmem>> -> memref<1x50xi32, #tpu.memory_space<vmem>>
    %dma_start3A_78 = tpu.memref_squeeze %dma_start3A_77 : memref<1x50xi32, #tpu.memory_space<vmem>> -> memref<50xi32, #tpu.memory_space<vmem>>
    %dma_start3A_79 = arith.constant 0 : i32
    %dma_start3A_80 = arith.constant 0 : i32
    %dma_start3A_81 = tpu.memref_slice %arg2[%dma_start3A_79, %dma_start3A_80] : memref<10000x128xf32, #tpu.memory_space<hbm>> -> memref<10000x128xf32, #tpu.memory_space<hbm>>
    %dma_start3A_82 = tpu.memref_slice %arg11[%dma_start3A_71] : memref<6x!tpu.dma_semaphore, #tpu.memory_space<semaphore_mem>> -> memref<1x!tpu.dma_semaphore, #tpu.memory_space<semaphore_mem>>
    %dma_start3A_83 = tpu.memref_squeeze %dma_start3A_82 : memref<1x!tpu.dma_semaphore, #tpu.memory_space<semaphore_mem>> -> memref<!tpu.dma_semaphore, #tpu.memory_space<semaphore_mem>>
    tpu.enqueue_indirect_dma source(%dma_start3A_81 : memref<10000x128xf32, #tpu.memory_space<hbm>>) target(%dma_start3A_75 : memref<50x128xf32, #tpu.memory_space<vmem>>) offsets(%dma_start3A_78 : memref<50xi32, #tpu.memory_space<vmem>>) semaphore(%dma_start3A_83 : memref<!tpu.dma_semaphore, #tpu.memory_space<semaphore_mem>>)
    %dma_start3A_84 = arith.constant 3 : i32
    %dma_start3A_85 = arith.constant 3 : i32
    %dma_start3A_86 = arith.constant 3 : i32
    %dma_start3A_87 = arith.constant 0 : i32
    %dma_start3A_88 = arith.constant 0 : i32
    %dma_start3A_89 = tpu.memref_slice %arg9[%dma_start3A_85, %dma_start3A_87, %dma_start3A_88] : memref<6x50x128xf32, #tpu.memory_space<vmem>> -> memref<1x50x128xf32, #tpu.memory_space<vmem>>
    %dma_start3A_90 = tpu.memref_squeeze %dma_start3A_89 : memref<1x50x128xf32, #tpu.memory_space<vmem>> -> memref<50x128xf32, #tpu.memory_space<vmem>>
    %dma_start3A_91 = arith.constant 0 : i32
    %dma_start3A_92 = tpu.memref_slice %arg7[%dma_start3A_84, %dma_start3A_91] : memref<16x50xi32, #tpu.memory_space<vmem>> -> memref<1x50xi32, #tpu.memory_space<vmem>>
    %dma_start3A_93 = tpu.memref_squeeze %dma_start3A_92 : memref<1x50xi32, #tpu.memory_space<vmem>> -> memref<50xi32, #tpu.memory_space<vmem>>
    %dma_start3A_94 = arith.constant 0 : i32
    %dma_start3A_95 = arith.constant 0 : i32
    %dma_start3A_96 = tpu.memref_slice %arg2[%dma_start3A_94, %dma_start3A_95] : memref<10000x128xf32, #tpu.memory_space<hbm>> -> memref<10000x128xf32, #tpu.memory_space<hbm>>
    %dma_start3A_97 = tpu.memref_slice %arg11[%dma_start3A_86] : memref<6x!tpu.dma_semaphore, #tpu.memory_space<semaphore_mem>> -> memref<1x!tpu.dma_semaphore, #tpu.memory_space<semaphore_mem>>
    %dma_start3A_98 = tpu.memref_squeeze %dma_start3A_97 : memref<1x!tpu.dma_semaphore, #tpu.memory_space<semaphore_mem>> -> memref<!tpu.dma_semaphore, #tpu.memory_space<semaphore_mem>>
    tpu.enqueue_indirect_dma source(%dma_start3A_96 : memref<10000x128xf32, #tpu.memory_space<hbm>>) target(%dma_start3A_90 : memref<50x128xf32, #tpu.memory_space<vmem>>) offsets(%dma_start3A_93 : memref<50xi32, #tpu.memory_space<vmem>>) semaphore(%dma_start3A_98 : memref<!tpu.dma_semaphore, #tpu.memory_space<semaphore_mem>>)
    %dma_start3A_99 = arith.constant 4 : i32
    %dma_start3A_100 = arith.constant 4 : i32
    %dma_start3A_101 = arith.constant 4 : i32
    %dma_start3A_102 = arith.constant 0 : i32
    %dma_start3A_103 = arith.constant 0 : i32
    %dma_start3A_104 = tpu.memref_slice %arg9[%dma_start3A_100, %dma_start3A_102, %dma_start3A_103] : memref<6x50x128xf32, #tpu.memory_space<vmem>> -> memref<1x50x128xf32, #tpu.memory_space<vmem>>
    %dma_start3A_105 = tpu.memref_squeeze %dma_start3A_104 : memref<1x50x128xf32, #tpu.memory_space<vmem>> -> memref<50x128xf32, #tpu.memory_space<vmem>>
    %dma_start3A_106 = arith.constant 0 : i32
    %dma_start3A_107 = tpu.memref_slice %arg7[%dma_start3A_99, %dma_start3A_106] : memref<16x50xi32, #tpu.memory_space<vmem>> -> memref<1x50xi32, #tpu.memory_space<vmem>>
    %dma_start3A_108 = tpu.memref_squeeze %dma_start3A_107 : memref<1x50xi32, #tpu.memory_space<vmem>> -> memref<50xi32, #tpu.memory_space<vmem>>
    %dma_start3A_109 = arith.constant 0 : i32
    %dma_start3A_110 = arith.constant 0 : i32
    %dma_start3A_111 = tpu.memref_slice %arg2[%dma_start3A_109, %dma_start3A_110] : memref<10000x128xf32, #tpu.memory_space<hbm>> -> memref<10000x128xf32, #tpu.memory_space<hbm>>
    %dma_start3A_112 = tpu.memref_slice %arg11[%dma_start3A_101] : memref<6x!tpu.dma_semaphore, #tpu.memory_space<semaphore_mem>> -> memref<1x!tpu.dma_semaphore, #tpu.memory_space<semaphore_mem>>
    %dma_start3A_113 = tpu.memref_squeeze %dma_start3A_112 : memref<1x!tpu.dma_semaphore, #tpu.memory_space<semaphore_mem>> -> memref<!tpu.dma_semaphore, #tpu.memory_space<semaphore_mem>>
    tpu.enqueue_indirect_dma source(%dma_start3A_111 : memref<10000x128xf32, #tpu.memory_space<hbm>>) target(%dma_start3A_105 : memref<50x128xf32, #tpu.memory_space<vmem>>) offsets(%dma_start3A_108 : memref<50xi32, #tpu.memory_space<vmem>>) semaphore(%dma_start3A_113 : memref<!tpu.dma_semaphore, #tpu.memory_space<semaphore_mem>>)
    %scan3A = arith.constant 0 : i32
    %scan3A_114 = arith.constant 200 : i32
    %scan3A_115 = arith.addi %scan3A, %scan3A_114 : i32
    %scan3A_116 = arith.constant 1 : i32
    scf.for %scan3A_127 = %scan3A to %scan3A_115 step %scan3A_116  : i32 {
      %mul3A_128 = arith.constant 1 : i32
      %mul3A_129 = arith.muli %scan3A_127, %mul3A_128 : i32
      %add3A_130 = arith.constant 0 : i32
      %add3A_131 = arith.addi %add3A_130, %mul3A_129 : i32
      %rem3A = arith.constant 6 : i32
      %rem3A_132 = arith.remsi %add3A_131, %rem3A : i32
      %dma_wait3A = arith.constant 0 : i32
      %dma_wait3A_133 = arith.constant 0 : i32
      %dma_wait3A_134 = arith.constant 0 : i32
      %dma_wait3A_135 = tpu.memref_slice %arg9[%rem3A_132, %dma_wait3A_133, %dma_wait3A_134] : memref<6x50x128xf32, #tpu.memory_space<vmem>> -> memref<1x50x128xf32, #tpu.memory_space<vmem>>
      %dma_wait3A_136 = tpu.memref_squeeze %dma_wait3A_135 : memref<1x50x128xf32, #tpu.memory_space<vmem>> -> memref<50x128xf32, #tpu.memory_space<vmem>>
      %dma_wait3A_137 = arith.constant 0 : i32
      %dma_wait3A_138 = tpu.memref_slice %arg7[%dma_wait3A, %dma_wait3A_137] : memref<16x50xi32, #tpu.memory_space<vmem>> -> memref<1x50xi32, #tpu.memory_space<vmem>>
      %dma_wait3A_139 = tpu.memref_squeeze %dma_wait3A_138 : memref<1x50xi32, #tpu.memory_space<vmem>> -> memref<50xi32, #tpu.memory_space<vmem>>
      %dma_wait3A_140 = arith.constant 0 : i32
      %dma_wait3A_141 = arith.constant 0 : i32
      %dma_wait3A_142 = tpu.memref_slice %arg2[%dma_wait3A_140, %dma_wait3A_141] : memref<10000x128xf32, #tpu.memory_space<hbm>> -> memref<10000x128xf32, #tpu.memory_space<hbm>>
      %dma_wait3A_143 = tpu.memref_slice %arg11[%rem3A_132] : memref<6x!tpu.dma_semaphore, #tpu.memory_space<semaphore_mem>> -> memref<1x!tpu.dma_semaphore, #tpu.memory_space<semaphore_mem>>
      %dma_wait3A_144 = tpu.memref_squeeze %dma_wait3A_143 : memref<1x!tpu.dma_semaphore, #tpu.memory_space<semaphore_mem>> -> memref<!tpu.dma_semaphore, #tpu.memory_space<semaphore_mem>>
      tpu.wait_indirect_dma semaphore(%dma_wait3A_144 : memref<!tpu.dma_semaphore, #tpu.memory_space<semaphore_mem>>) src(%dma_wait3A_142 : memref<10000x128xf32, #tpu.memory_space<hbm>>) dst(%dma_wait3A_136 : memref<50x128xf32, #tpu.memory_space<vmem>>)
      %rem3A_145 = arith.constant 16 : i32
      %rem3A_146 = arith.remsi %add3A_131, %rem3A_145 : i32
      %dma_start3A_147 = arith.constant 0 : i32
      %dma_start3A_148 = arith.constant 0 : i32
      %dma_start3A_149 = tpu.memref_slice %arg9[%rem3A_132, %dma_start3A_147, %dma_start3A_148] : memref<6x50x128xf32, #tpu.memory_space<vmem>> -> memref<1x50x128xf32, #tpu.memory_space<vmem>>
      %dma_start3A_150 = tpu.memref_squeeze %dma_start3A_149 : memref<1x50x128xf32, #tpu.memory_space<vmem>> -> memref<50x128xf32, #tpu.memory_space<vmem>>
      %dma_start3A_151 = arith.constant 0 : i32
      %dma_start3A_152 = tpu.memref_slice %arg8[%rem3A_146, %dma_start3A_151] : memref<16x50xi32, #tpu.memory_space<vmem>> -> memref<1x50xi32, #tpu.memory_space<vmem>>
      %dma_start3A_153 = tpu.memref_squeeze %dma_start3A_152 : memref<1x50xi32, #tpu.memory_space<vmem>> -> memref<50xi32, #tpu.memory_space<vmem>>
      %dma_start3A_154 = arith.constant 0 : i32
      %dma_start3A_155 = arith.constant 0 : i32
      %dma_start3A_156 = tpu.memref_slice %arg10[%dma_start3A_154, %dma_start3A_155] : memref<10000x128xf32, #tpu.memory_space<vmem_shared>> -> memref<10000x128xf32, #tpu.memory_space<vmem_shared>>
      %dma_start3A_157 = tpu.memref_slice %arg12[%rem3A_132] : memref<6x!tpu.dma_semaphore, #tpu.memory_space<semaphore_mem>> -> memref<1x!tpu.dma_semaphore, #tpu.memory_space<semaphore_mem>>
      %dma_start3A_158 = tpu.memref_squeeze %dma_start3A_157 : memref<1x!tpu.dma_semaphore, #tpu.memory_space<semaphore_mem>> -> memref<!tpu.dma_semaphore, #tpu.memory_space<semaphore_mem>>
      tpu.enqueue_indirect_dma source(%dma_start3A_150 : memref<50x128xf32, #tpu.memory_space<vmem>>) target(%dma_start3A_156 : memref<10000x128xf32, #tpu.memory_space<vmem_shared>>) offsets(%dma_start3A_153 : memref<50xi32, #tpu.memory_space<vmem>>) semaphore(%dma_start3A_158 : memref<!tpu.dma_semaphore, #tpu.memory_space<semaphore_mem>>) {add = true}
      %add3A_159 = arith.constant 5 : i32
      %add3A_160 = arith.addi %add3A_131, %add3A_159 : i32
      %lt3A = arith.constant 200 : i32
      %lt3A_161 = arith.cmpi slt, %add3A_160, %lt3A : i32
      %convert_element_type3A = arith.extui %lt3A_161 : i1 to i32
      %cond3A = arith.constant 0 : i32
      %cond3A_162 = arith.cmpi ne, %convert_element_type3A, %cond3A : i32
      scf.if %cond3A_162 {
        %rem3A_193 = arith.constant 6 : i32
        %rem3A_194 = arith.remsi %add3A_160, %rem3A_193 : i32
        %ge3A_195 = arith.constant 6 : i32
        %ge3A_196 = arith.cmpi sge, %add3A_160, %ge3A_195 : i32
        %convert_element_type3A_197 = arith.extui %ge3A_196 : i1 to i32
        %cond3A_198 = arith.constant 0 : i32
        %cond3A_199 = arith.cmpi ne, %convert_element_type3A_197, %cond3A_198 : i32
        scf.if %cond3A_199 {
          %dma_wait3A_221 = arith.constant 0 : i32
          %dma_wait3A_222 = arith.constant 0 : i32
          %dma_wait3A_223 = arith.constant 0 : i32
          %dma_wait3A_224 = tpu.memref_slice %arg9[%rem3A_194, %dma_wait3A_222, %dma_wait3A_223] : memref<6x50x128xf32, #tpu.memory_space<vmem>> -> memref<1x50x128xf32, #tpu.memory_space<vmem>>
          %dma_wait3A_225 = tpu.memref_squeeze %dma_wait3A_224 : memref<1x50x128xf32, #tpu.memory_space<vmem>> -> memref<50x128xf32, #tpu.memory_space<vmem>>
          %dma_wait3A_226 = arith.constant 0 : i32
          %dma_wait3A_227 = tpu.memref_slice %arg8[%dma_wait3A_221, %dma_wait3A_226] : memref<16x50xi32, #tpu.memory_space<vmem>> -> memref<1x50xi32, #tpu.memory_space<vmem>>
          %dma_wait3A_228 = tpu.memref_squeeze %dma_wait3A_227 : memref<1x50xi32, #tpu.memory_space<vmem>> -> memref<50xi32, #tpu.memory_space<vmem>>
          %dma_wait3A_229 = arith.constant 0 : i32
          %dma_wait3A_230 = arith.constant 0 : i32
          %dma_wait3A_231 = tpu.memref_slice %arg10[%dma_wait3A_229, %dma_wait3A_230] : memref<10000x128xf32, #tpu.memory_space<vmem_shared>> -> memref<10000x128xf32, #tpu.memory_space<vmem_shared>>
          %dma_wait3A_232 = tpu.memref_slice %arg12[%rem3A_194] : memref<6x!tpu.dma_semaphore, #tpu.memory_space<semaphore_mem>> -> memref<1x!tpu.dma_semaphore, #tpu.memory_space<semaphore_mem>>
          %dma_wait3A_233 = tpu.memref_squeeze %dma_wait3A_232 : memref<1x!tpu.dma_semaphore, #tpu.memory_space<semaphore_mem>> -> memref<!tpu.dma_semaphore, #tpu.memory_space<semaphore_mem>>
          tpu.wait_indirect_dma semaphore(%dma_wait3A_233 : memref<!tpu.dma_semaphore, #tpu.memory_space<semaphore_mem>>) src(%dma_wait3A_225 : memref<50x128xf32, #tpu.memory_space<vmem>>) dst(%dma_wait3A_231 : memref<10000x128xf32, #tpu.memory_space<vmem_shared>>)
        } else {
        }
        %rem3A_200 = arith.constant 8 : i32
        %rem3A_201 = arith.remsi %add3A_160, %rem3A_200 : i32
        %eq3A_202 = arith.constant 0 : i32
        %eq3A_203 = arith.cmpi eq, %rem3A_201, %eq3A_202 : i32
        %convert_element_type3A_204 = arith.extui %eq3A_203 : i1 to i32
        %cond3A_205 = arith.constant 0 : i32
        %cond3A_206 = arith.cmpi ne, %convert_element_type3A_204, %cond3A_205 : i32
        scf.if %cond3A_206 {
          %jit3A_221 = arith.constant 8 : i32
          %div3A_222 = arith.divsi %add3A_160, %jit3A_221 : i32
          %sign3A_223 = arith.constant 0 : i32
          %sign3A_224 = arith.cmpi sgt, %add3A_160, %sign3A_223 : i32
          %sign3A_225 = arith.extui %sign3A_224 : i1 to i32
          %sign3A_226 = arith.constant 0 : i32
          %sign3A_227 = arith.cmpi slt, %add3A_160, %sign3A_226 : i32
          %sign3A_228 = arith.extui %sign3A_227 : i1 to i32
          %sign3A_229 = arith.subi %sign3A_225, %sign3A_228 : i32
          %sign3A_230 = arith.constant 0 : i32
          %sign3A_231 = arith.cmpi sgt, %jit3A_221, %sign3A_230 : i32
          %sign3A_232 = arith.extui %sign3A_231 : i1 to i32
          %sign3A_233 = arith.constant 0 : i32
          %sign3A_234 = arith.cmpi slt, %jit3A_221, %sign3A_233 : i32
          %sign3A_235 = arith.extui %sign3A_234 : i1 to i32
          %sign3A_236 = arith.subi %sign3A_232, %sign3A_235 : i32
          %ne3A_237 = arith.cmpi ne, %sign3A_229, %sign3A_236 : i32
          %rem3A_238 = arith.remsi %add3A_160, %jit3A_221 : i32
          %ne3A_239 = arith.constant 0 : i32
          %ne3A_240 = arith.cmpi ne, %rem3A_238, %ne3A_239 : i32
          %and3A_241 = arith.andi %ne3A_237, %ne3A_240 : i1
          %sub3A_242 = arith.constant 1 : i32
          %sub3A_243 = arith.subi %div3A_222, %sub3A_242 : i32
          %select_n3A_244 = arith.select %and3A_241, %sub3A_243, %div3A_222 : i32
          %rem3A_245 = arith.constant 2 : i32
          %rem3A_246 = arith.remsi %select_n3A_244, %rem3A_245 : i32
          %dma_wait3A_247 = arith.constant 0 : i32
          %dma_wait3A_248 = arith.constant 0 : i32
          %dma_wait3A_249 = arith.constant 0 : i32
          %dma_wait3A_250 = tpu.memref_slice %arg7[%dma_wait3A_248, %dma_wait3A_249] : memref<16x50xi32, #tpu.memory_space<vmem>> -> memref<8x50xi32, #tpu.memory_space<vmem>>
          %dma_wait3A_251 = arith.constant 0 : i32
          %dma_wait3A_252 = arith.constant 0 : i32
          %dma_wait3A_253 = tpu.memref_slice %arg3[%add3A, %dma_wait3A_247, %dma_wait3A_251, %dma_wait3A_252] : memref<32x25x8x50xi32, #tpu.memory_space<hbm>> -> memref<1x1x8x50xi32, #tpu.memory_space<hbm>>
          %dma_wait3A_254 = tpu.memref_squeeze %dma_wait3A_253 : memref<1x1x8x50xi32, #tpu.memory_space<hbm>> -> memref<8x50xi32, #tpu.memory_space<hbm>>
          %dma_wait3A_255 = tpu.memref_slice %arg13[%rem3A_246] : memref<2x!tpu.dma_semaphore, #tpu.memory_space<semaphore_mem>> -> memref<1x!tpu.dma_semaphore, #tpu.memory_space<semaphore_mem>>
          %dma_wait3A_256 = tpu.memref_squeeze %dma_wait3A_255 : memref<1x!tpu.dma_semaphore, #tpu.memory_space<semaphore_mem>> -> memref<!tpu.dma_semaphore, #tpu.memory_space<semaphore_mem>>
          %dma_wait3A_257 = arith.constant 0 : i32
          %dma_wait3A_258 = arith.constant 0 : i32
          %dma_wait3A_259 = tpu.memref_slice %arg7[%dma_wait3A_257, %dma_wait3A_258] : memref<16x50xi32, #tpu.memory_space<vmem>> -> memref<8x50xi32, #tpu.memory_space<vmem>>
          %dma_wait3A_260 = arith.constant 0 : i32
          %dma_wait3A_261 = arith.constant 0 : i32
          %dma_wait3A_262 = tpu.memref_slice %arg3[%add3A, %dma_wait3A_247, %dma_wait3A_260, %dma_wait3A_261] : memref<32x25x8x50xi32, #tpu.memory_space<hbm>> -> memref<1x1x8x50xi32, #tpu.memory_space<hbm>>
          %dma_wait3A_263 = tpu.memref_squeeze %dma_wait3A_262 : memref<1x1x8x50xi32, #tpu.memory_space<hbm>> -> memref<8x50xi32, #tpu.memory_space<hbm>>
          tpu.wait_dma2 semaphore(%dma_wait3A_256 : memref<!tpu.dma_semaphore, #tpu.memory_space<semaphore_mem>>) src(%dma_wait3A_263 : memref<8x50xi32, #tpu.memory_space<hbm>>) dst(%dma_wait3A_259 : memref<8x50xi32, #tpu.memory_space<vmem>>)
          %dma_wait3A_264 = arith.constant 0 : i32
          %dma_wait3A_265 = arith.constant 0 : i32
          %dma_wait3A_266 = arith.constant 0 : i32
          %dma_wait3A_267 = tpu.memref_slice %arg8[%dma_wait3A_265, %dma_wait3A_266] : memref<16x50xi32, #tpu.memory_space<vmem>> -> memref<8x50xi32, #tpu.memory_space<vmem>>
          %dma_wait3A_268 = arith.constant 0 : i32
          %dma_wait3A_269 = arith.constant 0 : i32
          %dma_wait3A_270 = tpu.memref_slice %arg4[%add3A, %dma_wait3A_264, %dma_wait3A_268, %dma_wait3A_269] : memref<32x25x8x50xi32, #tpu.memory_space<hbm>> -> memref<1x1x8x50xi32, #tpu.memory_space<hbm>>
          %dma_wait3A_271 = tpu.memref_squeeze %dma_wait3A_270 : memref<1x1x8x50xi32, #tpu.memory_space<hbm>> -> memref<8x50xi32, #tpu.memory_space<hbm>>
          %dma_wait3A_272 = tpu.memref_slice %arg13[%rem3A_246] : memref<2x!tpu.dma_semaphore, #tpu.memory_space<semaphore_mem>> -> memref<1x!tpu.dma_semaphore, #tpu.memory_space<semaphore_mem>>
          %dma_wait3A_273 = tpu.memref_squeeze %dma_wait3A_272 : memref<1x!tpu.dma_semaphore, #tpu.memory_space<semaphore_mem>> -> memref<!tpu.dma_semaphore, #tpu.memory_space<semaphore_mem>>
          %dma_wait3A_274 = arith.constant 0 : i32
          %dma_wait3A_275 = arith.constant 0 : i32
          %dma_wait3A_276 = tpu.memref_slice %arg8[%dma_wait3A_274, %dma_wait3A_275] : memref<16x50xi32, #tpu.memory_space<vmem>> -> memref<8x50xi32, #tpu.memory_space<vmem>>
          %dma_wait3A_277 = arith.constant 0 : i32
          %dma_wait3A_278 = arith.constant 0 : i32
          %dma_wait3A_279 = tpu.memref_slice %arg4[%add3A, %dma_wait3A_264, %dma_wait3A_277, %dma_wait3A_278] : memref<32x25x8x50xi32, #tpu.memory_space<hbm>> -> memref<1x1x8x50xi32, #tpu.memory_space<hbm>>
          %dma_wait3A_280 = tpu.memref_squeeze %dma_wait3A_279 : memref<1x1x8x50xi32, #tpu.memory_space<hbm>> -> memref<8x50xi32, #tpu.memory_space<hbm>>
          tpu.wait_dma2 semaphore(%dma_wait3A_273 : memref<!tpu.dma_semaphore, #tpu.memory_space<semaphore_mem>>) src(%dma_wait3A_280 : memref<8x50xi32, #tpu.memory_space<hbm>>) dst(%dma_wait3A_276 : memref<8x50xi32, #tpu.memory_space<vmem>>)
        } else {
        }
        %rem3A_207 = arith.constant 16 : i32
        %rem3A_208 = arith.remsi %add3A_160, %rem3A_207 : i32
        %dma_start3A_209 = arith.constant 0 : i32
        %dma_start3A_210 = arith.constant 0 : i32
        %dma_start3A_211 = tpu.memref_slice %arg9[%rem3A_194, %dma_start3A_209, %dma_start3A_210] : memref<6x50x128xf32, #tpu.memory_space<vmem>> -> memref<1x50x128xf32, #tpu.memory_space<vmem>>
        %dma_start3A_212 = tpu.memref_squeeze %dma_start3A_211 : memref<1x50x128xf32, #tpu.memory_space<vmem>> -> memref<50x128xf32, #tpu.memory_space<vmem>>
        %dma_start3A_213 = arith.constant 0 : i32
        %dma_start3A_214 = tpu.memref_slice %arg7[%rem3A_208, %dma_start3A_213] : memref<16x50xi32, #tpu.memory_space<vmem>> -> memref<1x50xi32, #tpu.memory_space<vmem>>
        %dma_start3A_215 = tpu.memref_squeeze %dma_start3A_214 : memref<1x50xi32, #tpu.memory_space<vmem>> -> memref<50xi32, #tpu.memory_space<vmem>>
        %dma_start3A_216 = arith.constant 0 : i32
        %dma_start3A_217 = arith.constant 0 : i32
        %dma_start3A_218 = tpu.memref_slice %arg2[%dma_start3A_216, %dma_start3A_217] : memref<10000x128xf32, #tpu.memory_space<hbm>> -> memref<10000x128xf32, #tpu.memory_space<hbm>>
        %dma_start3A_219 = tpu.memref_slice %arg11[%rem3A_194] : memref<6x!tpu.dma_semaphore, #tpu.memory_space<semaphore_mem>> -> memref<1x!tpu.dma_semaphore, #tpu.memory_space<semaphore_mem>>
        %dma_start3A_220 = tpu.memref_squeeze %dma_start3A_219 : memref<1x!tpu.dma_semaphore, #tpu.memory_space<semaphore_mem>> -> memref<!tpu.dma_semaphore, #tpu.memory_space<semaphore_mem>>
        tpu.enqueue_indirect_dma source(%dma_start3A_218 : memref<10000x128xf32, #tpu.memory_space<hbm>>) target(%dma_start3A_212 : memref<50x128xf32, #tpu.memory_space<vmem>>) offsets(%dma_start3A_215 : memref<50xi32, #tpu.memory_space<vmem>>) semaphore(%dma_start3A_220 : memref<!tpu.dma_semaphore, #tpu.memory_space<semaphore_mem>>)
      } else {
      }
      %jit3A = arith.constant 8 : i32
      %div3A = arith.divsi %add3A_131, %jit3A : i32
      %sign3A = arith.constant 0 : i32
      %sign3A_163 = arith.cmpi sgt, %add3A_131, %sign3A : i32
      %sign3A_164 = arith.extui %sign3A_163 : i1 to i32
      %sign3A_165 = arith.constant 0 : i32
      %sign3A_166 = arith.cmpi slt, %add3A_131, %sign3A_165 : i32
      %sign3A_167 = arith.extui %sign3A_166 : i1 to i32
      %sign3A_168 = arith.subi %sign3A_164, %sign3A_167 : i32
      %sign3A_169 = arith.constant 0 : i32
      %sign3A_170 = arith.cmpi sgt, %jit3A, %sign3A_169 : i32
      %sign3A_171 = arith.extui %sign3A_170 : i1 to i32
      %sign3A_172 = arith.constant 0 : i32
      %sign3A_173 = arith.cmpi slt, %jit3A, %sign3A_172 : i32
      %sign3A_174 = arith.extui %sign3A_173 : i1 to i32
      %sign3A_175 = arith.subi %sign3A_171, %sign3A_174 : i32
      %ne3A = arith.cmpi ne, %sign3A_168, %sign3A_175 : i32
      %rem3A_176 = arith.remsi %add3A_131, %jit3A : i32
      %ne3A_177 = arith.constant 0 : i32
      %ne3A_178 = arith.cmpi ne, %rem3A_176, %ne3A_177 : i32
      %and3A = arith.andi %ne3A, %ne3A_178 : i1
      %sub3A = arith.constant 1 : i32
      %sub3A_179 = arith.subi %div3A, %sub3A : i32
      %select_n3A = arith.select %and3A, %sub3A_179, %div3A : i32
      %add3A_180 = arith.constant 1 : i32
      %add3A_181 = arith.addi %select_n3A, %add3A_180 : i32
      %rem3A_182 = arith.constant 8 : i32
      %rem3A_183 = arith.remsi %add3A_131, %rem3A_182 : i32
      %eq3A = arith.constant 2 : i32
      %eq3A_184 = arith.cmpi eq, %rem3A_183, %eq3A : i32
      %ge3A = arith.constant 2 : i32
      %ge3A_185 = arith.cmpi sge, %add3A_181, %ge3A : i32
      %lt3A_186 = arith.constant 25 : i32
      %lt3A_187 = arith.cmpi slt, %add3A_181, %lt3A_186 : i32
      %and3A_188 = arith.andi %ge3A_185, %lt3A_187 : i1
      %and3A_189 = arith.andi %eq3A_184, %and3A_188 : i1
      %convert_element_type3A_190 = arith.extui %and3A_189 : i1 to i32
      %cond3A_191 = arith.constant 0 : i32
      %cond3A_192 = arith.cmpi ne, %convert_element_type3A_190, %cond3A_191 : i32
      scf.if %cond3A_192 {
        %rem3A_193 = arith.constant 2 : i32
        %rem3A_194 = arith.remsi %add3A_181, %rem3A_193 : i32
        %mul3A_195 = arith.constant 8 : i32
        %mul3A_196 = arith.muli %rem3A_194, %mul3A_195 : i32
        %multiple_of3A = tpu.assume_multiple %mul3A_196, 8 : i32
        %dma_start3A_197 = arith.constant 0 : i32
        %dma_start3A_198 = tpu.memref_slice %arg7[%multiple_of3A, %dma_start3A_197] : memref<16x50xi32, #tpu.memory_space<vmem>> -> memref<8x50xi32, #tpu.memory_space<vmem>>
        %dma_start3A_199 = arith.constant 0 : i32
        %dma_start3A_200 = arith.constant 0 : i32
        %dma_start3A_201 = tpu.memref_slice %arg3[%add3A, %add3A_181, %dma_start3A_199, %dma_start3A_200] : memref<32x25x8x50xi32, #tpu.memory_space<hbm>> -> memref<1x1x8x50xi32, #tpu.memory_space<hbm>>
        %dma_start3A_202 = tpu.memref_squeeze %dma_start3A_201 : memref<1x1x8x50xi32, #tpu.memory_space<hbm>> -> memref<8x50xi32, #tpu.memory_space<hbm>>
        %dma_start3A_203 = tpu.memref_slice %arg13[%rem3A_194] : memref<2x!tpu.dma_semaphore, #tpu.memory_space<semaphore_mem>> -> memref<1x!tpu.dma_semaphore, #tpu.memory_space<semaphore_mem>>
        %dma_start3A_204 = tpu.memref_squeeze %dma_start3A_203 : memref<1x!tpu.dma_semaphore, #tpu.memory_space<semaphore_mem>> -> memref<!tpu.dma_semaphore, #tpu.memory_space<semaphore_mem>>
        %dma_start3A_205 = arith.constant 0 : i32
        %dma_start3A_206 = tpu.memref_slice %arg7[%multiple_of3A, %dma_start3A_205] : memref<16x50xi32, #tpu.memory_space<vmem>> -> memref<8x50xi32, #tpu.memory_space<vmem>>
        %dma_start3A_207 = arith.constant 0 : i32
        %dma_start3A_208 = arith.constant 0 : i32
        %dma_start3A_209 = tpu.memref_slice %arg3[%add3A, %add3A_181, %dma_start3A_207, %dma_start3A_208] : memref<32x25x8x50xi32, #tpu.memory_space<hbm>> -> memref<1x1x8x50xi32, #tpu.memory_space<hbm>>
        %dma_start3A_210 = tpu.memref_squeeze %dma_start3A_209 : memref<1x1x8x50xi32, #tpu.memory_space<hbm>> -> memref<8x50xi32, #tpu.memory_space<hbm>>
        tpu.enqueue_dma source(%dma_start3A_210 : memref<8x50xi32, #tpu.memory_space<hbm>>) target(%dma_start3A_206 : memref<8x50xi32, #tpu.memory_space<vmem>>) target_semaphore(%dma_start3A_204 : memref<!tpu.dma_semaphore, #tpu.memory_space<semaphore_mem>>)
        %dma_start3A_211 = arith.constant 0 : i32
        %dma_start3A_212 = tpu.memref_slice %arg8[%multiple_of3A, %dma_start3A_211] : memref<16x50xi32, #tpu.memory_space<vmem>> -> memref<8x50xi32, #tpu.memory_space<vmem>>
        %dma_start3A_213 = arith.constant 0 : i32
        %dma_start3A_214 = arith.constant 0 : i32
        %dma_start3A_215 = tpu.memref_slice %arg4[%add3A, %add3A_181, %dma_start3A_213, %dma_start3A_214] : memref<32x25x8x50xi32, #tpu.memory_space<hbm>> -> memref<1x1x8x50xi32, #tpu.memory_space<hbm>>
        %dma_start3A_216 = tpu.memref_squeeze %dma_start3A_215 : memref<1x1x8x50xi32, #tpu.memory_space<hbm>> -> memref<8x50xi32, #tpu.memory_space<hbm>>
        %dma_start3A_217 = tpu.memref_slice %arg13[%rem3A_194] : memref<2x!tpu.dma_semaphore, #tpu.memory_space<semaphore_mem>> -> memref<1x!tpu.dma_semaphore, #tpu.memory_space<semaphore_mem>>
        %dma_start3A_218 = tpu.memref_squeeze %dma_start3A_217 : memref<1x!tpu.dma_semaphore, #tpu.memory_space<semaphore_mem>> -> memref<!tpu.dma_semaphore, #tpu.memory_space<semaphore_mem>>
        %dma_start3A_219 = arith.constant 0 : i32
        %dma_start3A_220 = tpu.memref_slice %arg8[%multiple_of3A, %dma_start3A_219] : memref<16x50xi32, #tpu.memory_space<vmem>> -> memref<8x50xi32, #tpu.memory_space<vmem>>
        %dma_start3A_221 = arith.constant 0 : i32
        %dma_start3A_222 = arith.constant 0 : i32
        %dma_start3A_223 = tpu.memref_slice %arg4[%add3A, %add3A_181, %dma_start3A_221, %dma_start3A_222] : memref<32x25x8x50xi32, #tpu.memory_space<hbm>> -> memref<1x1x8x50xi32, #tpu.memory_space<hbm>>
        %dma_start3A_224 = tpu.memref_squeeze %dma_start3A_223 : memref<1x1x8x50xi32, #tpu.memory_space<hbm>> -> memref<8x50xi32, #tpu.memory_space<hbm>>
        tpu.enqueue_dma source(%dma_start3A_224 : memref<8x50xi32, #tpu.memory_space<hbm>>) target(%dma_start3A_220 : memref<8x50xi32, #tpu.memory_space<vmem>>) target_semaphore(%dma_start3A_218 : memref<!tpu.dma_semaphore, #tpu.memory_space<semaphore_mem>>)
      } else {
      }
    }
    %scan3A_117 = arith.constant 200 : i32
    %scan3A_118 = arith.constant 0 : i32
    %scan3A_119 = arith.constant 6 : i32
    %scan3A_120 = arith.addi %scan3A_118, %scan3A_119 : i32
    %scan3A_121 = arith.constant 1 : i32
    scf.for %scan3A_127 = %scan3A_118 to %scan3A_120 step %scan3A_121  : i32 {
      %mul3A_128 = arith.constant 1 : i32
      %mul3A_129 = arith.muli %scan3A_127, %mul3A_128 : i32
      %add3A_130 = arith.constant 0 : i32
      %add3A_131 = arith.addi %add3A_130, %mul3A_129 : i32
      %dma_wait3A = arith.constant 0 : i32
      %dma_wait3A_132 = arith.constant 0 : i32
      %dma_wait3A_133 = arith.constant 0 : i32
      %dma_wait3A_134 = tpu.memref_slice %arg9[%add3A_131, %dma_wait3A_132, %dma_wait3A_133] : memref<6x50x128xf32, #tpu.memory_space<vmem>> -> memref<1x50x128xf32, #tpu.memory_space<vmem>>
      %dma_wait3A_135 = tpu.memref_squeeze %dma_wait3A_134 : memref<1x50x128xf32, #tpu.memory_space<vmem>> -> memref<50x128xf32, #tpu.memory_space<vmem>>
      %dma_wait3A_136 = arith.constant 0 : i32
      %dma_wait3A_137 = tpu.memref_slice %arg8[%dma_wait3A, %dma_wait3A_136] : memref<16x50xi32, #tpu.memory_space<vmem>> -> memref<1x50xi32, #tpu.memory_space<vmem>>
      %dma_wait3A_138 = tpu.memref_squeeze %dma_wait3A_137 : memref<1x50xi32, #tpu.memory_space<vmem>> -> memref<50xi32, #tpu.memory_space<vmem>>
      %dma_wait3A_139 = arith.constant 0 : i32
      %dma_wait3A_140 = arith.constant 0 : i32
      %dma_wait3A_141 = tpu.memref_slice %arg10[%dma_wait3A_139, %dma_wait3A_140] : memref<10000x128xf32, #tpu.memory_space<vmem_shared>> -> memref<10000x128xf32, #tpu.memory_space<vmem_shared>>
      %dma_wait3A_142 = tpu.memref_slice %arg12[%add3A_131] : memref<6x!tpu.dma_semaphore, #tpu.memory_space<semaphore_mem>> -> memref<1x!tpu.dma_semaphore, #tpu.memory_space<semaphore_mem>>
      %dma_wait3A_143 = tpu.memref_squeeze %dma_wait3A_142 : memref<1x!tpu.dma_semaphore, #tpu.memory_space<semaphore_mem>> -> memref<!tpu.dma_semaphore, #tpu.memory_space<semaphore_mem>>
      tpu.wait_indirect_dma semaphore(%dma_wait3A_143 : memref<!tpu.dma_semaphore, #tpu.memory_space<semaphore_mem>>) src(%dma_wait3A_135 : memref<50x128xf32, #tpu.memory_space<vmem>>) dst(%dma_wait3A_141 : memref<10000x128xf32, #tpu.memory_space<vmem_shared>>)
    }
    %scan3A_122 = arith.constant 6 : i32
    %barrier3A_123 = arith.constant 0 : index
    tpu.barrier barrier_id(%barrier3A_123)
    %mul3A_124 = arith.constant 10000 : i32
    %mul3A_125 = arith.muli %arg0, %mul3A_124 : i32
    %add3A_126 = arith.addi %mul3A_125, %mul3A_2 : i32
    "tpu.region"() ({
      %run_scoped3A_127 = tpu.sem_alloc : memref<!tpu.dma_semaphore, #tpu.memory_space<semaphore_mem>>
      %dma_start3A_128 = arith.constant 0 : i32
      %dma_start3A_129 = tpu.memref_slice %arg6[%add3A_126, %dma_start3A_128] : memref<20000x128xf32, #tpu.memory_space<hbm>> -> memref<640x128xf32, #tpu.memory_space<hbm>>
      %dma_start3A_130 = arith.constant 0 : i32
      %dma_start3A_131 = tpu.memref_slice %arg10[%mul3A_2, %dma_start3A_130] : memref<10000x128xf32, #tpu.memory_space<vmem_shared>> -> memref<640x128xf32, #tpu.memory_space<vmem_shared>>
      tpu.enqueue_dma source(%dma_start3A_131 : memref<640x128xf32, #tpu.memory_space<vmem_shared>>) target(%dma_start3A_129 : memref<640x128xf32, #tpu.memory_space<hbm>>) target_semaphore(%run_scoped3A_127 : memref<!tpu.dma_semaphore, #tpu.memory_space<semaphore_mem>>)
      %dma_wait3A = arith.constant 0 : i32
      %dma_wait3A_132 = tpu.memref_slice %arg6[%add3A_126, %dma_wait3A] : memref<20000x128xf32, #tpu.memory_space<hbm>> -> memref<640x128xf32, #tpu.memory_space<hbm>>
      %dma_wait3A_133 = arith.constant 0 : i32
      %dma_wait3A_134 = tpu.memref_slice %arg10[%mul3A_2, %dma_wait3A_133] : memref<10000x128xf32, #tpu.memory_space<vmem_shared>> -> memref<640x128xf32, #tpu.memory_space<vmem_shared>>
      tpu.wait_dma2 semaphore(%run_scoped3A_127 : memref<!tpu.dma_semaphore, #tpu.memory_space<semaphore_mem>>) src(%dma_wait3A_134 : memref<640x128xf32, #tpu.memory_space<vmem_shared>>) dst(%dma_wait3A_132 : memref<640x128xf32, #tpu.memory_space<hbm>>)
      tpu.yield
    }) : () -> ()
    return
  }
}

#map = affine_map<(d0, d1) -> (0, 0, 0)>
#map1 = affine_map<(d0, d1) -> (0, 0)>
module attributes {stable_mosaic.version = 14 : i64} {
  func.func @_count_body(%arg0: i32, %arg1: i32, %arg2: memref<32x80x125xi32, #tpu.memory_space<hbm>>, %arg3: memref<32x80x125xi32, #tpu.memory_space<hbm>>, %arg4: memref<640x128xf32, #tpu.memory_space<hbm>>, %arg5: memref<125x128xf32, #tpu.memory_space<hbm>>, %arg6: memref<20000x128xf32, #tpu.memory_space<hbm>>, %arg7: memref<20000x128xf32, #tpu.memory_space<hbm>>, %arg8: memref<80x125xi32, #tpu.memory_space<vmem>>, %arg9: memref<80x125xi32, #tpu.memory_space<vmem>>, %arg10: memref<125x128xf32, #tpu.memory_space<vmem>>, %arg11: memref<10000x128xf32, #tpu.memory_space<vmem_shared>>, %arg12: memref<!tpu.dma_semaphore, #tpu.memory_space<semaphore_mem>>) attributes {dimension_semantics = [#tpu.dimension_semantics<core_parallel>, #tpu.dimension_semantics<subcore_parallel>], iteration_bounds = array<i64: 2, 16>, scalar_prefetch = 0 : i64, scratch_operands = 5 : i64, tpu.core_type = #tpu.core_type<sc_vector_subcore>, window_params = [{transform_indices = #map}, {transform_indices = #map}, {transform_indices = #map1}, {transform_indices = #map1}, {transform_indices = #map1}, {transform_indices = #map1}]} {
    %mul3A = arith.constant 16 : i32
    %mul3A_0 = arith.muli %arg0, %mul3A : i32
    %add3A = arith.addi %mul3A_0, %arg1 : i32
    "tpu.region"() ({
      %run_scoped3A = tpu.sem_alloc : memref<!tpu.dma_semaphore, #tpu.memory_space<semaphore_mem>>
      tpu.enqueue_dma source(%arg5 : memref<125x128xf32, #tpu.memory_space<hbm>>) target(%arg10 : memref<125x128xf32, #tpu.memory_space<vmem>>) target_semaphore(%run_scoped3A : memref<!tpu.dma_semaphore, #tpu.memory_space<semaphore_mem>>)
      tpu.wait_dma2 semaphore(%run_scoped3A : memref<!tpu.dma_semaphore, #tpu.memory_space<semaphore_mem>>) src(%arg5 : memref<125x128xf32, #tpu.memory_space<hbm>>) dst(%arg10 : memref<125x128xf32, #tpu.memory_space<vmem>>)
      tpu.yield
    }) : () -> ()
    %mul3A_1 = arith.constant 624 : i32
    %mul3A_2 = arith.muli %arg1, %mul3A_1 : i32
    "tpu.region"() ({
      %run_scoped3A = tpu.sem_alloc : memref<!tpu.dma_semaphore, #tpu.memory_space<semaphore_mem>>
      %dma_start3A = arith.constant 0 : i32
      %dma_start3A_21 = tpu.memref_slice %arg11[%mul3A_2, %dma_start3A] : memref<10000x128xf32, #tpu.memory_space<vmem_shared>> -> memref<640x128xf32, #tpu.memory_space<vmem_shared>>
      tpu.enqueue_dma source(%arg4 : memref<640x128xf32, #tpu.memory_space<hbm>>) target(%dma_start3A_21 : memref<640x128xf32, #tpu.memory_space<vmem_shared>>) target_semaphore(%run_scoped3A : memref<!tpu.dma_semaphore, #tpu.memory_space<semaphore_mem>>)
      %dma_wait3A = arith.constant 0 : i32
      %dma_wait3A_22 = tpu.memref_slice %arg11[%mul3A_2, %dma_wait3A] : memref<10000x128xf32, #tpu.memory_space<vmem_shared>> -> memref<640x128xf32, #tpu.memory_space<vmem_shared>>
      tpu.wait_dma2 semaphore(%run_scoped3A : memref<!tpu.dma_semaphore, #tpu.memory_space<semaphore_mem>>) src(%arg4 : memref<640x128xf32, #tpu.memory_space<hbm>>) dst(%dma_wait3A_22 : memref<640x128xf32, #tpu.memory_space<vmem_shared>>)
      tpu.yield
    }) : () -> ()
    "tpu.region"() ({
      %run_scoped3A = tpu.sem_alloc : memref<!tpu.dma_semaphore, #tpu.memory_space<semaphore_mem>>
      %dma_start3A = arith.constant 0 : i32
      %dma_start3A_21 = arith.constant 0 : i32
      %dma_start3A_22 = tpu.memref_slice %arg2[%add3A, %dma_start3A, %dma_start3A_21] : memref<32x80x125xi32, #tpu.memory_space<hbm>> -> memref<1x80x125xi32, #tpu.memory_space<hbm>>
      %dma_start3A_23 = tpu.memref_squeeze %dma_start3A_22 : memref<1x80x125xi32, #tpu.memory_space<hbm>> -> memref<80x125xi32, #tpu.memory_space<hbm>>
      %dma_start3A_24 = arith.constant 0 : i32
      %dma_start3A_25 = arith.constant 0 : i32
      %dma_start3A_26 = tpu.memref_slice %arg2[%add3A, %dma_start3A_24, %dma_start3A_25] : memref<32x80x125xi32, #tpu.memory_space<hbm>> -> memref<1x80x125xi32, #tpu.memory_space<hbm>>
      %dma_start3A_27 = tpu.memref_squeeze %dma_start3A_26 : memref<1x80x125xi32, #tpu.memory_space<hbm>> -> memref<80x125xi32, #tpu.memory_space<hbm>>
      tpu.enqueue_dma source(%dma_start3A_27 : memref<80x125xi32, #tpu.memory_space<hbm>>) target(%arg8 : memref<80x125xi32, #tpu.memory_space<vmem>>) target_semaphore(%run_scoped3A : memref<!tpu.dma_semaphore, #tpu.memory_space<semaphore_mem>>)
      %dma_wait3A = arith.constant 0 : i32
      %dma_wait3A_28 = arith.constant 0 : i32
      %dma_wait3A_29 = tpu.memref_slice %arg2[%add3A, %dma_wait3A, %dma_wait3A_28] : memref<32x80x125xi32, #tpu.memory_space<hbm>> -> memref<1x80x125xi32, #tpu.memory_space<hbm>>
      %dma_wait3A_30 = tpu.memref_squeeze %dma_wait3A_29 : memref<1x80x125xi32, #tpu.memory_space<hbm>> -> memref<80x125xi32, #tpu.memory_space<hbm>>
      %dma_wait3A_31 = arith.constant 0 : i32
      %dma_wait3A_32 = arith.constant 0 : i32
      %dma_wait3A_33 = tpu.memref_slice %arg2[%add3A, %dma_wait3A_31, %dma_wait3A_32] : memref<32x80x125xi32, #tpu.memory_space<hbm>> -> memref<1x80x125xi32, #tpu.memory_space<hbm>>
      %dma_wait3A_34 = tpu.memref_squeeze %dma_wait3A_33 : memref<1x80x125xi32, #tpu.memory_space<hbm>> -> memref<80x125xi32, #tpu.memory_space<hbm>>
      tpu.wait_dma2 semaphore(%run_scoped3A : memref<!tpu.dma_semaphore, #tpu.memory_space<semaphore_mem>>) src(%dma_wait3A_34 : memref<80x125xi32, #tpu.memory_space<hbm>>) dst(%arg8 : memref<80x125xi32, #tpu.memory_space<vmem>>)
      tpu.yield
    }) : () -> ()
    "tpu.region"() ({
      %run_scoped3A = tpu.sem_alloc : memref<!tpu.dma_semaphore, #tpu.memory_space<semaphore_mem>>
      %dma_start3A = arith.constant 0 : i32
      %dma_start3A_21 = arith.constant 0 : i32
      %dma_start3A_22 = tpu.memref_slice %arg3[%add3A, %dma_start3A, %dma_start3A_21] : memref<32x80x125xi32, #tpu.memory_space<hbm>> -> memref<1x80x125xi32, #tpu.memory_space<hbm>>
      %dma_start3A_23 = tpu.memref_squeeze %dma_start3A_22 : memref<1x80x125xi32, #tpu.memory_space<hbm>> -> memref<80x125xi32, #tpu.memory_space<hbm>>
      %dma_start3A_24 = arith.constant 0 : i32
      %dma_start3A_25 = arith.constant 0 : i32
      %dma_start3A_26 = tpu.memref_slice %arg3[%add3A, %dma_start3A_24, %dma_start3A_25] : memref<32x80x125xi32, #tpu.memory_space<hbm>> -> memref<1x80x125xi32, #tpu.memory_space<hbm>>
      %dma_start3A_27 = tpu.memref_squeeze %dma_start3A_26 : memref<1x80x125xi32, #tpu.memory_space<hbm>> -> memref<80x125xi32, #tpu.memory_space<hbm>>
      tpu.enqueue_dma source(%dma_start3A_27 : memref<80x125xi32, #tpu.memory_space<hbm>>) target(%arg9 : memref<80x125xi32, #tpu.memory_space<vmem>>) target_semaphore(%run_scoped3A : memref<!tpu.dma_semaphore, #tpu.memory_space<semaphore_mem>>)
      %dma_wait3A = arith.constant 0 : i32
      %dma_wait3A_28 = arith.constant 0 : i32
      %dma_wait3A_29 = tpu.memref_slice %arg3[%add3A, %dma_wait3A, %dma_wait3A_28] : memref<32x80x125xi32, #tpu.memory_space<hbm>> -> memref<1x80x125xi32, #tpu.memory_space<hbm>>
      %dma_wait3A_30 = tpu.memref_squeeze %dma_wait3A_29 : memref<1x80x125xi32, #tpu.memory_space<hbm>> -> memref<80x125xi32, #tpu.memory_space<hbm>>
      %dma_wait3A_31 = arith.constant 0 : i32
      %dma_wait3A_32 = arith.constant 0 : i32
      %dma_wait3A_33 = tpu.memref_slice %arg3[%add3A, %dma_wait3A_31, %dma_wait3A_32] : memref<32x80x125xi32, #tpu.memory_space<hbm>> -> memref<1x80x125xi32, #tpu.memory_space<hbm>>
      %dma_wait3A_34 = tpu.memref_squeeze %dma_wait3A_33 : memref<1x80x125xi32, #tpu.memory_space<hbm>> -> memref<80x125xi32, #tpu.memory_space<hbm>>
      tpu.wait_dma2 semaphore(%run_scoped3A : memref<!tpu.dma_semaphore, #tpu.memory_space<semaphore_mem>>) src(%dma_wait3A_34 : memref<80x125xi32, #tpu.memory_space<hbm>>) dst(%arg9 : memref<80x125xi32, #tpu.memory_space<vmem>>)
      tpu.yield
    }) : () -> ()
    %barrier3A = arith.constant 0 : index
    tpu.barrier barrier_id(%barrier3A)
    %scan3A = arith.constant 0 : i32
    %scan3A_3 = arith.constant 10 : i32
    %scan3A_4 = arith.addi %scan3A, %scan3A_3 : i32
    %scan3A_5 = arith.constant 1 : i32
    scf.for %scan3A_21 = %scan3A to %scan3A_4 step %scan3A_5  : i32 {
      %mul3A_22 = arith.constant 8 : i32
      %mul3A_23 = arith.muli %scan3A_21, %mul3A_22 : i32
      %add3A_24 = arith.constant 0 : i32
      %add3A_25 = arith.addi %add3A_24, %mul3A_23 : i32
      %add3A_26 = arith.constant 0 : i32
      %add3A_27 = arith.addi %add3A_25, %add3A_26 : i32
      %dma_start3A = arith.constant 0 : i32
      %dma_start3A_28 = tpu.memref_slice %arg8[%add3A_27, %dma_start3A] : memref<80x125xi32, #tpu.memory_space<vmem>> -> memref<1x125xi32, #tpu.memory_space<vmem>>
      %dma_start3A_29 = tpu.memref_squeeze %dma_start3A_28 : memref<1x125xi32, #tpu.memory_space<vmem>> -> memref<125xi32, #tpu.memory_space<vmem>>
      %dma_start3A_30 = arith.constant 0 : i32
      %dma_start3A_31 = arith.constant 0 : i32
      %dma_start3A_32 = tpu.memref_slice %arg11[%dma_start3A_30, %dma_start3A_31] : memref<10000x128xf32, #tpu.memory_space<vmem_shared>> -> memref<10000x128xf32, #tpu.memory_space<vmem_shared>>
      tpu.enqueue_indirect_dma source(%arg10 : memref<125x128xf32, #tpu.memory_space<vmem>>) target(%dma_start3A_32 : memref<10000x128xf32, #tpu.memory_space<vmem_shared>>) offsets(%dma_start3A_29 : memref<125xi32, #tpu.memory_space<vmem>>) semaphore(%arg12 : memref<!tpu.dma_semaphore, #tpu.memory_space<semaphore_mem>>) {add = true}
      %add3A_33 = arith.constant 1 : i32
      %add3A_34 = arith.addi %add3A_25, %add3A_33 : i32
      %dma_start3A_35 = arith.constant 0 : i32
      %dma_start3A_36 = tpu.memref_slice %arg8[%add3A_34, %dma_start3A_35] : memref<80x125xi32, #tpu.memory_space<vmem>> -> memref<1x125xi32, #tpu.memory_space<vmem>>
      %dma_start3A_37 = tpu.memref_squeeze %dma_start3A_36 : memref<1x125xi32, #tpu.memory_space<vmem>> -> memref<125xi32, #tpu.memory_space<vmem>>
      %dma_start3A_38 = arith.constant 0 : i32
      %dma_start3A_39 = arith.constant 0 : i32
      %dma_start3A_40 = tpu.memref_slice %arg11[%dma_start3A_38, %dma_start3A_39] : memref<10000x128xf32, #tpu.memory_space<vmem_shared>> -> memref<10000x128xf32, #tpu.memory_space<vmem_shared>>
      tpu.enqueue_indirect_dma source(%arg10 : memref<125x128xf32, #tpu.memory_space<vmem>>) target(%dma_start3A_40 : memref<10000x128xf32, #tpu.memory_space<vmem_shared>>) offsets(%dma_start3A_37 : memref<125xi32, #tpu.memory_space<vmem>>) semaphore(%arg12 : memref<!tpu.dma_semaphore, #tpu.memory_space<semaphore_mem>>) {add = true}
      %add3A_41 = arith.constant 2 : i32
      %add3A_42 = arith.addi %add3A_25, %add3A_41 : i32
      %dma_start3A_43 = arith.constant 0 : i32
      %dma_start3A_44 = tpu.memref_slice %arg8[%add3A_42, %dma_start3A_43] : memref<80x125xi32, #tpu.memory_space<vmem>> -> memref<1x125xi32, #tpu.memory_space<vmem>>
      %dma_start3A_45 = tpu.memref_squeeze %dma_start3A_44 : memref<1x125xi32, #tpu.memory_space<vmem>> -> memref<125xi32, #tpu.memory_space<vmem>>
      %dma_start3A_46 = arith.constant 0 : i32
      %dma_start3A_47 = arith.constant 0 : i32
      %dma_start3A_48 = tpu.memref_slice %arg11[%dma_start3A_46, %dma_start3A_47] : memref<10000x128xf32, #tpu.memory_space<vmem_shared>> -> memref<10000x128xf32, #tpu.memory_space<vmem_shared>>
      tpu.enqueue_indirect_dma source(%arg10 : memref<125x128xf32, #tpu.memory_space<vmem>>) target(%dma_start3A_48 : memref<10000x128xf32, #tpu.memory_space<vmem_shared>>) offsets(%dma_start3A_45 : memref<125xi32, #tpu.memory_space<vmem>>) semaphore(%arg12 : memref<!tpu.dma_semaphore, #tpu.memory_space<semaphore_mem>>) {add = true}
      %add3A_49 = arith.constant 3 : i32
      %add3A_50 = arith.addi %add3A_25, %add3A_49 : i32
      %dma_start3A_51 = arith.constant 0 : i32
      %dma_start3A_52 = tpu.memref_slice %arg8[%add3A_50, %dma_start3A_51] : memref<80x125xi32, #tpu.memory_space<vmem>> -> memref<1x125xi32, #tpu.memory_space<vmem>>
      %dma_start3A_53 = tpu.memref_squeeze %dma_start3A_52 : memref<1x125xi32, #tpu.memory_space<vmem>> -> memref<125xi32, #tpu.memory_space<vmem>>
      %dma_start3A_54 = arith.constant 0 : i32
      %dma_start3A_55 = arith.constant 0 : i32
      %dma_start3A_56 = tpu.memref_slice %arg11[%dma_start3A_54, %dma_start3A_55] : memref<10000x128xf32, #tpu.memory_space<vmem_shared>> -> memref<10000x128xf32, #tpu.memory_space<vmem_shared>>
      tpu.enqueue_indirect_dma source(%arg10 : memref<125x128xf32, #tpu.memory_space<vmem>>) target(%dma_start3A_56 : memref<10000x128xf32, #tpu.memory_space<vmem_shared>>) offsets(%dma_start3A_53 : memref<125xi32, #tpu.memory_space<vmem>>) semaphore(%arg12 : memref<!tpu.dma_semaphore, #tpu.memory_space<semaphore_mem>>) {add = true}
      %add3A_57 = arith.constant 4 : i32
      %add3A_58 = arith.addi %add3A_25, %add3A_57 : i32
      %dma_start3A_59 = arith.constant 0 : i32
      %dma_start3A_60 = tpu.memref_slice %arg8[%add3A_58, %dma_start3A_59] : memref<80x125xi32, #tpu.memory_space<vmem>> -> memref<1x125xi32, #tpu.memory_space<vmem>>
      %dma_start3A_61 = tpu.memref_squeeze %dma_start3A_60 : memref<1x125xi32, #tpu.memory_space<vmem>> -> memref<125xi32, #tpu.memory_space<vmem>>
      %dma_start3A_62 = arith.constant 0 : i32
      %dma_start3A_63 = arith.constant 0 : i32
      %dma_start3A_64 = tpu.memref_slice %arg11[%dma_start3A_62, %dma_start3A_63] : memref<10000x128xf32, #tpu.memory_space<vmem_shared>> -> memref<10000x128xf32, #tpu.memory_space<vmem_shared>>
      tpu.enqueue_indirect_dma source(%arg10 : memref<125x128xf32, #tpu.memory_space<vmem>>) target(%dma_start3A_64 : memref<10000x128xf32, #tpu.memory_space<vmem_shared>>) offsets(%dma_start3A_61 : memref<125xi32, #tpu.memory_space<vmem>>) semaphore(%arg12 : memref<!tpu.dma_semaphore, #tpu.memory_space<semaphore_mem>>) {add = true}
      %add3A_65 = arith.constant 5 : i32
      %add3A_66 = arith.addi %add3A_25, %add3A_65 : i32
      %dma_start3A_67 = arith.constant 0 : i32
      %dma_start3A_68 = tpu.memref_slice %arg8[%add3A_66, %dma_start3A_67] : memref<80x125xi32, #tpu.memory_space<vmem>> -> memref<1x125xi32, #tpu.memory_space<vmem>>
      %dma_start3A_69 = tpu.memref_squeeze %dma_start3A_68 : memref<1x125xi32, #tpu.memory_space<vmem>> -> memref<125xi32, #tpu.memory_space<vmem>>
      %dma_start3A_70 = arith.constant 0 : i32
      %dma_start3A_71 = arith.constant 0 : i32
      %dma_start3A_72 = tpu.memref_slice %arg11[%dma_start3A_70, %dma_start3A_71] : memref<10000x128xf32, #tpu.memory_space<vmem_shared>> -> memref<10000x128xf32, #tpu.memory_space<vmem_shared>>
      tpu.enqueue_indirect_dma source(%arg10 : memref<125x128xf32, #tpu.memory_space<vmem>>) target(%dma_start3A_72 : memref<10000x128xf32, #tpu.memory_space<vmem_shared>>) offsets(%dma_start3A_69 : memref<125xi32, #tpu.memory_space<vmem>>) semaphore(%arg12 : memref<!tpu.dma_semaphore, #tpu.memory_space<semaphore_mem>>) {add = true}
      %add3A_73 = arith.constant 6 : i32
      %add3A_74 = arith.addi %add3A_25, %add3A_73 : i32
      %dma_start3A_75 = arith.constant 0 : i32
      %dma_start3A_76 = tpu.memref_slice %arg8[%add3A_74, %dma_start3A_75] : memref<80x125xi32, #tpu.memory_space<vmem>> -> memref<1x125xi32, #tpu.memory_space<vmem>>
      %dma_start3A_77 = tpu.memref_squeeze %dma_start3A_76 : memref<1x125xi32, #tpu.memory_space<vmem>> -> memref<125xi32, #tpu.memory_space<vmem>>
      %dma_start3A_78 = arith.constant 0 : i32
      %dma_start3A_79 = arith.constant 0 : i32
      %dma_start3A_80 = tpu.memref_slice %arg11[%dma_start3A_78, %dma_start3A_79] : memref<10000x128xf32, #tpu.memory_space<vmem_shared>> -> memref<10000x128xf32, #tpu.memory_space<vmem_shared>>
      tpu.enqueue_indirect_dma source(%arg10 : memref<125x128xf32, #tpu.memory_space<vmem>>) target(%dma_start3A_80 : memref<10000x128xf32, #tpu.memory_space<vmem_shared>>) offsets(%dma_start3A_77 : memref<125xi32, #tpu.memory_space<vmem>>) semaphore(%arg12 : memref<!tpu.dma_semaphore, #tpu.memory_space<semaphore_mem>>) {add = true}
      %add3A_81 = arith.constant 7 : i32
      %add3A_82 = arith.addi %add3A_25, %add3A_81 : i32
      %dma_start3A_83 = arith.constant 0 : i32
      %dma_start3A_84 = tpu.memref_slice %arg8[%add3A_82, %dma_start3A_83] : memref<80x125xi32, #tpu.memory_space<vmem>> -> memref<1x125xi32, #tpu.memory_space<vmem>>
      %dma_start3A_85 = tpu.memref_squeeze %dma_start3A_84 : memref<1x125xi32, #tpu.memory_space<vmem>> -> memref<125xi32, #tpu.memory_space<vmem>>
      %dma_start3A_86 = arith.constant 0 : i32
      %dma_start3A_87 = arith.constant 0 : i32
      %dma_start3A_88 = tpu.memref_slice %arg11[%dma_start3A_86, %dma_start3A_87] : memref<10000x128xf32, #tpu.memory_space<vmem_shared>> -> memref<10000x128xf32, #tpu.memory_space<vmem_shared>>
      tpu.enqueue_indirect_dma source(%arg10 : memref<125x128xf32, #tpu.memory_space<vmem>>) target(%dma_start3A_88 : memref<10000x128xf32, #tpu.memory_space<vmem_shared>>) offsets(%dma_start3A_85 : memref<125xi32, #tpu.memory_space<vmem>>) semaphore(%arg12 : memref<!tpu.dma_semaphore, #tpu.memory_space<semaphore_mem>>) {add = true}
      %scan3A_89 = arith.constant 0 : i32
      %scan3A_90 = arith.constant 8 : i32
      %scan3A_91 = arith.addi %scan3A_89, %scan3A_90 : i32
      %scan3A_92 = arith.constant 1 : i32
      scf.for %scan3A_94 = %scan3A_89 to %scan3A_91 step %scan3A_92  : i32 {
        %mul3A_95 = arith.constant 1 : i32
        %mul3A_96 = arith.muli %scan3A_94, %mul3A_95 : i32
        %add3A_97 = arith.constant 0 : i32
        %add3A_98 = arith.addi %add3A_97, %mul3A_96 : i32
        %dma_wait3A = arith.constant 0 : i32
        %dma_wait3A_99 = tpu.memref_slice %arg8[%add3A_25, %dma_wait3A] : memref<80x125xi32, #tpu.memory_space<vmem>> -> memref<1x125xi32, #tpu.memory_space<vmem>>
        %dma_wait3A_100 = tpu.memref_squeeze %dma_wait3A_99 : memref<1x125xi32, #tpu.memory_space<vmem>> -> memref<125xi32, #tpu.memory_space<vmem>>
        %dma_wait3A_101 = arith.constant 0 : i32
        %dma_wait3A_102 = arith.constant 0 : i32
        %dma_wait3A_103 = tpu.memref_slice %arg11[%dma_wait3A_101, %dma_wait3A_102] : memref<10000x128xf32, #tpu.memory_space<vmem_shared>> -> memref<10000x128xf32, #tpu.memory_space<vmem_shared>>
        tpu.wait_indirect_dma semaphore(%arg12 : memref<!tpu.dma_semaphore, #tpu.memory_space<semaphore_mem>>) src(%arg10 : memref<125x128xf32, #tpu.memory_space<vmem>>) dst(%dma_wait3A_103 : memref<10000x128xf32, #tpu.memory_space<vmem_shared>>)
      }
      %scan3A_93 = arith.constant 8 : i32
    }
    %scan3A_6 = arith.constant 10 : i32
    %barrier3A_7 = arith.constant 0 : index
    tpu.barrier barrier_id(%barrier3A_7)
    %mul3A_8 = arith.constant 10000 : i32
    %mul3A_9 = arith.muli %arg0, %mul3A_8 : i32
    %add3A_10 = arith.addi %mul3A_9, %mul3A_2 : i32
    "tpu.region"() ({
      %run_scoped3A = tpu.sem_alloc : memref<!tpu.dma_semaphore, #tpu.memory_space<semaphore_mem>>
      %dma_start3A = arith.constant 0 : i32
      %dma_start3A_21 = tpu.memref_slice %arg6[%add3A_10, %dma_start3A] : memref<20000x128xf32, #tpu.memory_space<hbm>> -> memref<640x128xf32, #tpu.memory_space<hbm>>
      %dma_start3A_22 = arith.constant 0 : i32
      %dma_start3A_23 = tpu.memref_slice %arg11[%mul3A_2, %dma_start3A_22] : memref<10000x128xf32, #tpu.memory_space<vmem_shared>> -> memref<640x128xf32, #tpu.memory_space<vmem_shared>>
      tpu.enqueue_dma source(%dma_start3A_23 : memref<640x128xf32, #tpu.memory_space<vmem_shared>>) target(%dma_start3A_21 : memref<640x128xf32, #tpu.memory_space<hbm>>) target_semaphore(%run_scoped3A : memref<!tpu.dma_semaphore, #tpu.memory_space<semaphore_mem>>)
      %dma_wait3A = arith.constant 0 : i32
      %dma_wait3A_24 = tpu.memref_slice %arg6[%add3A_10, %dma_wait3A] : memref<20000x128xf32, #tpu.memory_space<hbm>> -> memref<640x128xf32, #tpu.memory_space<hbm>>
      %dma_wait3A_25 = arith.constant 0 : i32
      %dma_wait3A_26 = tpu.memref_slice %arg11[%mul3A_2, %dma_wait3A_25] : memref<10000x128xf32, #tpu.memory_space<vmem_shared>> -> memref<640x128xf32, #tpu.memory_space<vmem_shared>>
      tpu.wait_dma2 semaphore(%run_scoped3A : memref<!tpu.dma_semaphore, #tpu.memory_space<semaphore_mem>>) src(%dma_wait3A_26 : memref<640x128xf32, #tpu.memory_space<vmem_shared>>) dst(%dma_wait3A_24 : memref<640x128xf32, #tpu.memory_space<hbm>>)
      tpu.yield
    }) : () -> ()
    %barrier3A_11 = arith.constant 0 : index
    tpu.barrier barrier_id(%barrier3A_11)
    %scan3A_12 = arith.constant 0 : i32
    %scan3A_13 = arith.constant 10 : i32
    %scan3A_14 = arith.addi %scan3A_12, %scan3A_13 : i32
    %scan3A_15 = arith.constant 1 : i32
    scf.for %scan3A_21 = %scan3A_12 to %scan3A_14 step %scan3A_15  : i32 {
      %mul3A_22 = arith.constant 8 : i32
      %mul3A_23 = arith.muli %scan3A_21, %mul3A_22 : i32
      %add3A_24 = arith.constant 0 : i32
      %add3A_25 = arith.addi %add3A_24, %mul3A_23 : i32
      %add3A_26 = arith.constant 0 : i32
      %add3A_27 = arith.addi %add3A_25, %add3A_26 : i32
      %dma_start3A = arith.constant 0 : i32
      %dma_start3A_28 = tpu.memref_slice %arg9[%add3A_27, %dma_start3A] : memref<80x125xi32, #tpu.memory_space<vmem>> -> memref<1x125xi32, #tpu.memory_space<vmem>>
      %dma_start3A_29 = tpu.memref_squeeze %dma_start3A_28 : memref<1x125xi32, #tpu.memory_space<vmem>> -> memref<125xi32, #tpu.memory_space<vmem>>
      %dma_start3A_30 = arith.constant 0 : i32
      %dma_start3A_31 = arith.constant 0 : i32
      %dma_start3A_32 = tpu.memref_slice %arg11[%dma_start3A_30, %dma_start3A_31] : memref<10000x128xf32, #tpu.memory_space<vmem_shared>> -> memref<10000x128xf32, #tpu.memory_space<vmem_shared>>
      tpu.enqueue_indirect_dma source(%arg10 : memref<125x128xf32, #tpu.memory_space<vmem>>) target(%dma_start3A_32 : memref<10000x128xf32, #tpu.memory_space<vmem_shared>>) offsets(%dma_start3A_29 : memref<125xi32, #tpu.memory_space<vmem>>) semaphore(%arg12 : memref<!tpu.dma_semaphore, #tpu.memory_space<semaphore_mem>>) {add = true}
      %add3A_33 = arith.constant 1 : i32
      %add3A_34 = arith.addi %add3A_25, %add3A_33 : i32
      %dma_start3A_35 = arith.constant 0 : i32
      %dma_start3A_36 = tpu.memref_slice %arg9[%add3A_34, %dma_start3A_35] : memref<80x125xi32, #tpu.memory_space<vmem>> -> memref<1x125xi32, #tpu.memory_space<vmem>>
      %dma_start3A_37 = tpu.memref_squeeze %dma_start3A_36 : memref<1x125xi32, #tpu.memory_space<vmem>> -> memref<125xi32, #tpu.memory_space<vmem>>
      %dma_start3A_38 = arith.constant 0 : i32
      %dma_start3A_39 = arith.constant 0 : i32
      %dma_start3A_40 = tpu.memref_slice %arg11[%dma_start3A_38, %dma_start3A_39] : memref<10000x128xf32, #tpu.memory_space<vmem_shared>> -> memref<10000x128xf32, #tpu.memory_space<vmem_shared>>
      tpu.enqueue_indirect_dma source(%arg10 : memref<125x128xf32, #tpu.memory_space<vmem>>) target(%dma_start3A_40 : memref<10000x128xf32, #tpu.memory_space<vmem_shared>>) offsets(%dma_start3A_37 : memref<125xi32, #tpu.memory_space<vmem>>) semaphore(%arg12 : memref<!tpu.dma_semaphore, #tpu.memory_space<semaphore_mem>>) {add = true}
      %add3A_41 = arith.constant 2 : i32
      %add3A_42 = arith.addi %add3A_25, %add3A_41 : i32
      %dma_start3A_43 = arith.constant 0 : i32
      %dma_start3A_44 = tpu.memref_slice %arg9[%add3A_42, %dma_start3A_43] : memref<80x125xi32, #tpu.memory_space<vmem>> -> memref<1x125xi32, #tpu.memory_space<vmem>>
      %dma_start3A_45 = tpu.memref_squeeze %dma_start3A_44 : memref<1x125xi32, #tpu.memory_space<vmem>> -> memref<125xi32, #tpu.memory_space<vmem>>
      %dma_start3A_46 = arith.constant 0 : i32
      %dma_start3A_47 = arith.constant 0 : i32
      %dma_start3A_48 = tpu.memref_slice %arg11[%dma_start3A_46, %dma_start3A_47] : memref<10000x128xf32, #tpu.memory_space<vmem_shared>> -> memref<10000x128xf32, #tpu.memory_space<vmem_shared>>
      tpu.enqueue_indirect_dma source(%arg10 : memref<125x128xf32, #tpu.memory_space<vmem>>) target(%dma_start3A_48 : memref<10000x128xf32, #tpu.memory_space<vmem_shared>>) offsets(%dma_start3A_45 : memref<125xi32, #tpu.memory_space<vmem>>) semaphore(%arg12 : memref<!tpu.dma_semaphore, #tpu.memory_space<semaphore_mem>>) {add = true}
      %add3A_49 = arith.constant 3 : i32
      %add3A_50 = arith.addi %add3A_25, %add3A_49 : i32
      %dma_start3A_51 = arith.constant 0 : i32
      %dma_start3A_52 = tpu.memref_slice %arg9[%add3A_50, %dma_start3A_51] : memref<80x125xi32, #tpu.memory_space<vmem>> -> memref<1x125xi32, #tpu.memory_space<vmem>>
      %dma_start3A_53 = tpu.memref_squeeze %dma_start3A_52 : memref<1x125xi32, #tpu.memory_space<vmem>> -> memref<125xi32, #tpu.memory_space<vmem>>
      %dma_start3A_54 = arith.constant 0 : i32
      %dma_start3A_55 = arith.constant 0 : i32
      %dma_start3A_56 = tpu.memref_slice %arg11[%dma_start3A_54, %dma_start3A_55] : memref<10000x128xf32, #tpu.memory_space<vmem_shared>> -> memref<10000x128xf32, #tpu.memory_space<vmem_shared>>
      tpu.enqueue_indirect_dma source(%arg10 : memref<125x128xf32, #tpu.memory_space<vmem>>) target(%dma_start3A_56 : memref<10000x128xf32, #tpu.memory_space<vmem_shared>>) offsets(%dma_start3A_53 : memref<125xi32, #tpu.memory_space<vmem>>) semaphore(%arg12 : memref<!tpu.dma_semaphore, #tpu.memory_space<semaphore_mem>>) {add = true}
      %add3A_57 = arith.constant 4 : i32
      %add3A_58 = arith.addi %add3A_25, %add3A_57 : i32
      %dma_start3A_59 = arith.constant 0 : i32
      %dma_start3A_60 = tpu.memref_slice %arg9[%add3A_58, %dma_start3A_59] : memref<80x125xi32, #tpu.memory_space<vmem>> -> memref<1x125xi32, #tpu.memory_space<vmem>>
      %dma_start3A_61 = tpu.memref_squeeze %dma_start3A_60 : memref<1x125xi32, #tpu.memory_space<vmem>> -> memref<125xi32, #tpu.memory_space<vmem>>
      %dma_start3A_62 = arith.constant 0 : i32
      %dma_start3A_63 = arith.constant 0 : i32
      %dma_start3A_64 = tpu.memref_slice %arg11[%dma_start3A_62, %dma_start3A_63] : memref<10000x128xf32, #tpu.memory_space<vmem_shared>> -> memref<10000x128xf32, #tpu.memory_space<vmem_shared>>
      tpu.enqueue_indirect_dma source(%arg10 : memref<125x128xf32, #tpu.memory_space<vmem>>) target(%dma_start3A_64 : memref<10000x128xf32, #tpu.memory_space<vmem_shared>>) offsets(%dma_start3A_61 : memref<125xi32, #tpu.memory_space<vmem>>) semaphore(%arg12 : memref<!tpu.dma_semaphore, #tpu.memory_space<semaphore_mem>>) {add = true}
      %add3A_65 = arith.constant 5 : i32
      %add3A_66 = arith.addi %add3A_25, %add3A_65 : i32
      %dma_start3A_67 = arith.constant 0 : i32
      %dma_start3A_68 = tpu.memref_slice %arg9[%add3A_66, %dma_start3A_67] : memref<80x125xi32, #tpu.memory_space<vmem>> -> memref<1x125xi32, #tpu.memory_space<vmem>>
      %dma_start3A_69 = tpu.memref_squeeze %dma_start3A_68 : memref<1x125xi32, #tpu.memory_space<vmem>> -> memref<125xi32, #tpu.memory_space<vmem>>
      %dma_start3A_70 = arith.constant 0 : i32
      %dma_start3A_71 = arith.constant 0 : i32
      %dma_start3A_72 = tpu.memref_slice %arg11[%dma_start3A_70, %dma_start3A_71] : memref<10000x128xf32, #tpu.memory_space<vmem_shared>> -> memref<10000x128xf32, #tpu.memory_space<vmem_shared>>
      tpu.enqueue_indirect_dma source(%arg10 : memref<125x128xf32, #tpu.memory_space<vmem>>) target(%dma_start3A_72 : memref<10000x128xf32, #tpu.memory_space<vmem_shared>>) offsets(%dma_start3A_69 : memref<125xi32, #tpu.memory_space<vmem>>) semaphore(%arg12 : memref<!tpu.dma_semaphore, #tpu.memory_space<semaphore_mem>>) {add = true}
      %add3A_73 = arith.constant 6 : i32
      %add3A_74 = arith.addi %add3A_25, %add3A_73 : i32
      %dma_start3A_75 = arith.constant 0 : i32
      %dma_start3A_76 = tpu.memref_slice %arg9[%add3A_74, %dma_start3A_75] : memref<80x125xi32, #tpu.memory_space<vmem>> -> memref<1x125xi32, #tpu.memory_space<vmem>>
      %dma_start3A_77 = tpu.memref_squeeze %dma_start3A_76 : memref<1x125xi32, #tpu.memory_space<vmem>> -> memref<125xi32, #tpu.memory_space<vmem>>
      %dma_start3A_78 = arith.constant 0 : i32
      %dma_start3A_79 = arith.constant 0 : i32
      %dma_start3A_80 = tpu.memref_slice %arg11[%dma_start3A_78, %dma_start3A_79] : memref<10000x128xf32, #tpu.memory_space<vmem_shared>> -> memref<10000x128xf32, #tpu.memory_space<vmem_shared>>
      tpu.enqueue_indirect_dma source(%arg10 : memref<125x128xf32, #tpu.memory_space<vmem>>) target(%dma_start3A_80 : memref<10000x128xf32, #tpu.memory_space<vmem_shared>>) offsets(%dma_start3A_77 : memref<125xi32, #tpu.memory_space<vmem>>) semaphore(%arg12 : memref<!tpu.dma_semaphore, #tpu.memory_space<semaphore_mem>>) {add = true}
      %add3A_81 = arith.constant 7 : i32
      %add3A_82 = arith.addi %add3A_25, %add3A_81 : i32
      %dma_start3A_83 = arith.constant 0 : i32
      %dma_start3A_84 = tpu.memref_slice %arg9[%add3A_82, %dma_start3A_83] : memref<80x125xi32, #tpu.memory_space<vmem>> -> memref<1x125xi32, #tpu.memory_space<vmem>>
      %dma_start3A_85 = tpu.memref_squeeze %dma_start3A_84 : memref<1x125xi32, #tpu.memory_space<vmem>> -> memref<125xi32, #tpu.memory_space<vmem>>
      %dma_start3A_86 = arith.constant 0 : i32
      %dma_start3A_87 = arith.constant 0 : i32
      %dma_start3A_88 = tpu.memref_slice %arg11[%dma_start3A_86, %dma_start3A_87] : memref<10000x128xf32, #tpu.memory_space<vmem_shared>> -> memref<10000x128xf32, #tpu.memory_space<vmem_shared>>
      tpu.enqueue_indirect_dma source(%arg10 : memref<125x128xf32, #tpu.memory_space<vmem>>) target(%dma_start3A_88 : memref<10000x128xf32, #tpu.memory_space<vmem_shared>>) offsets(%dma_start3A_85 : memref<125xi32, #tpu.memory_space<vmem>>) semaphore(%arg12 : memref<!tpu.dma_semaphore, #tpu.memory_space<semaphore_mem>>) {add = true}
      %scan3A_89 = arith.constant 0 : i32
      %scan3A_90 = arith.constant 8 : i32
      %scan3A_91 = arith.addi %scan3A_89, %scan3A_90 : i32
      %scan3A_92 = arith.constant 1 : i32
      scf.for %scan3A_94 = %scan3A_89 to %scan3A_91 step %scan3A_92  : i32 {
        %mul3A_95 = arith.constant 1 : i32
        %mul3A_96 = arith.muli %scan3A_94, %mul3A_95 : i32
        %add3A_97 = arith.constant 0 : i32
        %add3A_98 = arith.addi %add3A_97, %mul3A_96 : i32
        %dma_wait3A = arith.constant 0 : i32
        %dma_wait3A_99 = tpu.memref_slice %arg9[%add3A_25, %dma_wait3A] : memref<80x125xi32, #tpu.memory_space<vmem>> -> memref<1x125xi32, #tpu.memory_space<vmem>>
        %dma_wait3A_100 = tpu.memref_squeeze %dma_wait3A_99 : memref<1x125xi32, #tpu.memory_space<vmem>> -> memref<125xi32, #tpu.memory_space<vmem>>
        %dma_wait3A_101 = arith.constant 0 : i32
        %dma_wait3A_102 = arith.constant 0 : i32
        %dma_wait3A_103 = tpu.memref_slice %arg11[%dma_wait3A_101, %dma_wait3A_102] : memref<10000x128xf32, #tpu.memory_space<vmem_shared>> -> memref<10000x128xf32, #tpu.memory_space<vmem_shared>>
        tpu.wait_indirect_dma semaphore(%arg12 : memref<!tpu.dma_semaphore, #tpu.memory_space<semaphore_mem>>) src(%arg10 : memref<125x128xf32, #tpu.memory_space<vmem>>) dst(%dma_wait3A_103 : memref<10000x128xf32, #tpu.memory_space<vmem_shared>>)
      }
      %scan3A_93 = arith.constant 8 : i32
    }
    %scan3A_16 = arith.constant 10 : i32
    %barrier3A_17 = arith.constant 0 : index
    tpu.barrier barrier_id(%barrier3A_17)
    %mul3A_18 = arith.constant 10000 : i32
    %mul3A_19 = arith.muli %arg0, %mul3A_18 : i32
    %add3A_20 = arith.addi %mul3A_19, %mul3A_2 : i32
    "tpu.region"() ({
      %run_scoped3A = tpu.sem_alloc : memref<!tpu.dma_semaphore, #tpu.memory_space<semaphore_mem>>
      %dma_start3A = arith.constant 0 : i32
      %dma_start3A_21 = tpu.memref_slice %arg7[%add3A_20, %dma_start3A] : memref<20000x128xf32, #tpu.memory_space<hbm>> -> memref<640x128xf32, #tpu.memory_space<hbm>>
      %dma_start3A_22 = arith.constant 0 : i32
      %dma_start3A_23 = tpu.memref_slice %arg11[%mul3A_2, %dma_start3A_22] : memref<10000x128xf32, #tpu.memory_space<vmem_shared>> -> memref<640x128xf32, #tpu.memory_space<vmem_shared>>
      tpu.enqueue_dma source(%dma_start3A_23 : memref<640x128xf32, #tpu.memory_space<vmem_shared>>) target(%dma_start3A_21 : memref<640x128xf32, #tpu.memory_space<hbm>>) target_semaphore(%run_scoped3A : memref<!tpu.dma_semaphore, #tpu.memory_space<semaphore_mem>>)
      %dma_wait3A = arith.constant 0 : i32
      %dma_wait3A_24 = tpu.memref_slice %arg7[%add3A_20, %dma_wait3A] : memref<20000x128xf32, #tpu.memory_space<hbm>> -> memref<640x128xf32, #tpu.memory_space<hbm>>
      %dma_wait3A_25 = arith.constant 0 : i32
      %dma_wait3A_26 = tpu.memref_slice %arg11[%mul3A_2, %dma_wait3A_25] : memref<10000x128xf32, #tpu.memory_space<vmem_shared>> -> memref<640x128xf32, #tpu.memory_space<vmem_shared>>
      tpu.wait_dma2 semaphore(%run_scoped3A : memref<!tpu.dma_semaphore, #tpu.memory_space<semaphore_mem>>) src(%dma_wait3A_26 : memref<640x128xf32, #tpu.memory_space<vmem_shared>>) dst(%dma_wait3A_24 : memref<640x128xf32, #tpu.memory_space<hbm>>)
      tpu.yield
    }) : () -> ()
    return
  }
}

#map = affine_map<(d0, d1) -> (0, 0)>
#map1 = affine_map<(d0, d1) -> (0, 0, 0, 0)>
module attributes {stable_mosaic.version = 14 : i64} {
  func.func @_spmm_body(%arg0: i32, %arg1: i32, %arg2: memref<10000x128xf32, #tpu.memory_space<hbm>>, %arg3: memref<32x25x8x50xi32, #tpu.memory_space<hbm>>, %arg4: memref<32x25x8x50xi32, #tpu.memory_space<hbm>>, %arg5: memref<640x128xf32, #tpu.memory_space<hbm>>, %arg6: memref<20000x128xf32, #tpu.memory_space<hbm>>, %arg7: memref<16x50xi32, #tpu.memory_space<vmem>>, %arg8: memref<16x50xi32, #tpu.memory_space<vmem>>, %arg9: memref<6x50x128xf32, #tpu.memory_space<vmem>>, %arg10: memref<10000x128xf32, #tpu.memory_space<vmem_shared>>, %arg11: memref<6x!tpu.dma_semaphore, #tpu.memory_space<semaphore_mem>>, %arg12: memref<6x!tpu.dma_semaphore, #tpu.memory_space<semaphore_mem>>, %arg13: memref<2x!tpu.dma_semaphore, #tpu.memory_space<semaphore_mem>>) attributes {dimension_semantics = [#tpu.dimension_semantics<core_parallel>, #tpu.dimension_semantics<subcore_parallel>], iteration_bounds = array<i64: 2, 16>, scalar_prefetch = 0 : i64, scratch_operands = 7 : i64, tpu.core_type = #tpu.core_type<sc_vector_subcore>, window_params = [{transform_indices = #map}, {transform_indices = #map1}, {transform_indices = #map1}, {transform_indices = #map}, {transform_indices = #map}]} {
    %mul3A = arith.constant 16 : i32
    %mul3A_0 = arith.muli %arg0, %mul3A : i32
    %add3A = arith.addi %mul3A_0, %arg1 : i32
    %mul3A_1 = arith.constant 624 : i32
    %mul3A_2 = arith.muli %arg1, %mul3A_1 : i32
    "tpu.region"() ({
      %run_scoped3A_127 = tpu.sem_alloc : memref<!tpu.dma_semaphore, #tpu.memory_space<semaphore_mem>>
      %dma_start3A_128 = arith.constant 0 : i32
      %dma_start3A_129 = tpu.memref_slice %arg10[%mul3A_2, %dma_start3A_128] : memref<10000x128xf32, #tpu.memory_space<vmem_shared>> -> memref<640x128xf32, #tpu.memory_space<vmem_shared>>
      tpu.enqueue_dma source(%arg5 : memref<640x128xf32, #tpu.memory_space<hbm>>) target(%dma_start3A_129 : memref<640x128xf32, #tpu.memory_space<vmem_shared>>) target_semaphore(%run_scoped3A_127 : memref<!tpu.dma_semaphore, #tpu.memory_space<semaphore_mem>>)
      %dma_wait3A = arith.constant 0 : i32
      %dma_wait3A_130 = tpu.memref_slice %arg10[%mul3A_2, %dma_wait3A] : memref<10000x128xf32, #tpu.memory_space<vmem_shared>> -> memref<640x128xf32, #tpu.memory_space<vmem_shared>>
      tpu.wait_dma2 semaphore(%run_scoped3A_127 : memref<!tpu.dma_semaphore, #tpu.memory_space<semaphore_mem>>) src(%arg5 : memref<640x128xf32, #tpu.memory_space<hbm>>) dst(%dma_wait3A_130 : memref<640x128xf32, #tpu.memory_space<vmem_shared>>)
      tpu.yield
    }) : () -> ()
    %run_scoped3A = arith.constant 0 : i32
    "tpu.region"() ({
      %run_scoped3A_127 = tpu.sem_alloc : memref<!tpu.dma_semaphore, #tpu.memory_space<semaphore_mem>>
      %dma_start3A_128 = arith.constant 0 : i32
      %dma_start3A_129 = arith.constant 0 : i32
      %dma_start3A_130 = tpu.memref_slice %arg7[%dma_start3A_128, %dma_start3A_129] : memref<16x50xi32, #tpu.memory_space<vmem>> -> memref<8x50xi32, #tpu.memory_space<vmem>>
      %dma_start3A_131 = arith.constant 0 : i32
      %dma_start3A_132 = arith.constant 0 : i32
      %dma_start3A_133 = tpu.memref_slice %arg3[%add3A, %run_scoped3A, %dma_start3A_131, %dma_start3A_132] : memref<32x25x8x50xi32, #tpu.memory_space<hbm>> -> memref<1x1x8x50xi32, #tpu.memory_space<hbm>>
      %dma_start3A_134 = tpu.memref_squeeze %dma_start3A_133 : memref<1x1x8x50xi32, #tpu.memory_space<hbm>> -> memref<8x50xi32, #tpu.memory_space<hbm>>
      %dma_start3A_135 = arith.constant 0 : i32
      %dma_start3A_136 = arith.constant 0 : i32
      %dma_start3A_137 = tpu.memref_slice %arg7[%dma_start3A_135, %dma_start3A_136] : memref<16x50xi32, #tpu.memory_space<vmem>> -> memref<8x50xi32, #tpu.memory_space<vmem>>
      %dma_start3A_138 = arith.constant 0 : i32
      %dma_start3A_139 = arith.constant 0 : i32
      %dma_start3A_140 = tpu.memref_slice %arg3[%add3A, %run_scoped3A, %dma_start3A_138, %dma_start3A_139] : memref<32x25x8x50xi32, #tpu.memory_space<hbm>> -> memref<1x1x8x50xi32, #tpu.memory_space<hbm>>
      %dma_start3A_141 = tpu.memref_squeeze %dma_start3A_140 : memref<1x1x8x50xi32, #tpu.memory_space<hbm>> -> memref<8x50xi32, #tpu.memory_space<hbm>>
      tpu.enqueue_dma source(%dma_start3A_141 : memref<8x50xi32, #tpu.memory_space<hbm>>) target(%dma_start3A_137 : memref<8x50xi32, #tpu.memory_space<vmem>>) target_semaphore(%run_scoped3A_127 : memref<!tpu.dma_semaphore, #tpu.memory_space<semaphore_mem>>)
      %dma_wait3A = arith.constant 0 : i32
      %dma_wait3A_142 = arith.constant 0 : i32
      %dma_wait3A_143 = tpu.memref_slice %arg7[%dma_wait3A, %dma_wait3A_142] : memref<16x50xi32, #tpu.memory_space<vmem>> -> memref<8x50xi32, #tpu.memory_space<vmem>>
      %dma_wait3A_144 = arith.constant 0 : i32
      %dma_wait3A_145 = arith.constant 0 : i32
      %dma_wait3A_146 = tpu.memref_slice %arg3[%add3A, %run_scoped3A, %dma_wait3A_144, %dma_wait3A_145] : memref<32x25x8x50xi32, #tpu.memory_space<hbm>> -> memref<1x1x8x50xi32, #tpu.memory_space<hbm>>
      %dma_wait3A_147 = tpu.memref_squeeze %dma_wait3A_146 : memref<1x1x8x50xi32, #tpu.memory_space<hbm>> -> memref<8x50xi32, #tpu.memory_space<hbm>>
      %dma_wait3A_148 = arith.constant 0 : i32
      %dma_wait3A_149 = arith.constant 0 : i32
      %dma_wait3A_150 = tpu.memref_slice %arg7[%dma_wait3A_148, %dma_wait3A_149] : memref<16x50xi32, #tpu.memory_space<vmem>> -> memref<8x50xi32, #tpu.memory_space<vmem>>
      %dma_wait3A_151 = arith.constant 0 : i32
      %dma_wait3A_152 = arith.constant 0 : i32
      %dma_wait3A_153 = tpu.memref_slice %arg3[%add3A, %run_scoped3A, %dma_wait3A_151, %dma_wait3A_152] : memref<32x25x8x50xi32, #tpu.memory_space<hbm>> -> memref<1x1x8x50xi32, #tpu.memory_space<hbm>>
      %dma_wait3A_154 = tpu.memref_squeeze %dma_wait3A_153 : memref<1x1x8x50xi32, #tpu.memory_space<hbm>> -> memref<8x50xi32, #tpu.memory_space<hbm>>
      tpu.wait_dma2 semaphore(%run_scoped3A_127 : memref<!tpu.dma_semaphore, #tpu.memory_space<semaphore_mem>>) src(%dma_wait3A_154 : memref<8x50xi32, #tpu.memory_space<hbm>>) dst(%dma_wait3A_150 : memref<8x50xi32, #tpu.memory_space<vmem>>)
      tpu.yield
    }) : () -> ()
    %run_scoped3A_3 = arith.constant 0 : i32
    "tpu.region"() ({
      %run_scoped3A_127 = tpu.sem_alloc : memref<!tpu.dma_semaphore, #tpu.memory_space<semaphore_mem>>
      %dma_start3A_128 = arith.constant 0 : i32
      %dma_start3A_129 = arith.constant 0 : i32
      %dma_start3A_130 = tpu.memref_slice %arg8[%dma_start3A_128, %dma_start3A_129] : memref<16x50xi32, #tpu.memory_space<vmem>> -> memref<8x50xi32, #tpu.memory_space<vmem>>
      %dma_start3A_131 = arith.constant 0 : i32
      %dma_start3A_132 = arith.constant 0 : i32
      %dma_start3A_133 = tpu.memref_slice %arg4[%add3A, %run_scoped3A_3, %dma_start3A_131, %dma_start3A_132] : memref<32x25x8x50xi32, #tpu.memory_space<hbm>> -> memref<1x1x8x50xi32, #tpu.memory_space<hbm>>
      %dma_start3A_134 = tpu.memref_squeeze %dma_start3A_133 : memref<1x1x8x50xi32, #tpu.memory_space<hbm>> -> memref<8x50xi32, #tpu.memory_space<hbm>>
      %dma_start3A_135 = arith.constant 0 : i32
      %dma_start3A_136 = arith.constant 0 : i32
      %dma_start3A_137 = tpu.memref_slice %arg8[%dma_start3A_135, %dma_start3A_136] : memref<16x50xi32, #tpu.memory_space<vmem>> -> memref<8x50xi32, #tpu.memory_space<vmem>>
      %dma_start3A_138 = arith.constant 0 : i32
      %dma_start3A_139 = arith.constant 0 : i32
      %dma_start3A_140 = tpu.memref_slice %arg4[%add3A, %run_scoped3A_3, %dma_start3A_138, %dma_start3A_139] : memref<32x25x8x50xi32, #tpu.memory_space<hbm>> -> memref<1x1x8x50xi32, #tpu.memory_space<hbm>>
      %dma_start3A_141 = tpu.memref_squeeze %dma_start3A_140 : memref<1x1x8x50xi32, #tpu.memory_space<hbm>> -> memref<8x50xi32, #tpu.memory_space<hbm>>
      tpu.enqueue_dma source(%dma_start3A_141 : memref<8x50xi32, #tpu.memory_space<hbm>>) target(%dma_start3A_137 : memref<8x50xi32, #tpu.memory_space<vmem>>) target_semaphore(%run_scoped3A_127 : memref<!tpu.dma_semaphore, #tpu.memory_space<semaphore_mem>>)
      %dma_wait3A = arith.constant 0 : i32
      %dma_wait3A_142 = arith.constant 0 : i32
      %dma_wait3A_143 = tpu.memref_slice %arg8[%dma_wait3A, %dma_wait3A_142] : memref<16x50xi32, #tpu.memory_space<vmem>> -> memref<8x50xi32, #tpu.memory_space<vmem>>
      %dma_wait3A_144 = arith.constant 0 : i32
      %dma_wait3A_145 = arith.constant 0 : i32
      %dma_wait3A_146 = tpu.memref_slice %arg4[%add3A, %run_scoped3A_3, %dma_wait3A_144, %dma_wait3A_145] : memref<32x25x8x50xi32, #tpu.memory_space<hbm>> -> memref<1x1x8x50xi32, #tpu.memory_space<hbm>>
      %dma_wait3A_147 = tpu.memref_squeeze %dma_wait3A_146 : memref<1x1x8x50xi32, #tpu.memory_space<hbm>> -> memref<8x50xi32, #tpu.memory_space<hbm>>
      %dma_wait3A_148 = arith.constant 0 : i32
      %dma_wait3A_149 = arith.constant 0 : i32
      %dma_wait3A_150 = tpu.memref_slice %arg8[%dma_wait3A_148, %dma_wait3A_149] : memref<16x50xi32, #tpu.memory_space<vmem>> -> memref<8x50xi32, #tpu.memory_space<vmem>>
      %dma_wait3A_151 = arith.constant 0 : i32
      %dma_wait3A_152 = arith.constant 0 : i32
      %dma_wait3A_153 = tpu.memref_slice %arg4[%add3A, %run_scoped3A_3, %dma_wait3A_151, %dma_wait3A_152] : memref<32x25x8x50xi32, #tpu.memory_space<hbm>> -> memref<1x1x8x50xi32, #tpu.memory_space<hbm>>
      %dma_wait3A_154 = tpu.memref_squeeze %dma_wait3A_153 : memref<1x1x8x50xi32, #tpu.memory_space<hbm>> -> memref<8x50xi32, #tpu.memory_space<hbm>>
      tpu.wait_dma2 semaphore(%run_scoped3A_127 : memref<!tpu.dma_semaphore, #tpu.memory_space<semaphore_mem>>) src(%dma_wait3A_154 : memref<8x50xi32, #tpu.memory_space<hbm>>) dst(%dma_wait3A_150 : memref<8x50xi32, #tpu.memory_space<vmem>>)
      tpu.yield
    }) : () -> ()
    %dma_start3A = arith.constant 1 : i32
    %dma_start3A_4 = arith.constant 1 : i32
    %dma_start3A_5 = arith.constant 8 : i32
    %dma_start3A_6 = arith.constant 0 : i32
    %dma_start3A_7 = tpu.memref_slice %arg7[%dma_start3A_5, %dma_start3A_6] : memref<16x50xi32, #tpu.memory_space<vmem>> -> memref<8x50xi32, #tpu.memory_space<vmem>>
    %dma_start3A_8 = arith.constant 0 : i32
    %dma_start3A_9 = arith.constant 0 : i32
    %dma_start3A_10 = tpu.memref_slice %arg3[%add3A, %dma_start3A, %dma_start3A_8, %dma_start3A_9] : memref<32x25x8x50xi32, #tpu.memory_space<hbm>> -> memref<1x1x8x50xi32, #tpu.memory_space<hbm>>
    %dma_start3A_11 = tpu.memref_squeeze %dma_start3A_10 : memref<1x1x8x50xi32, #tpu.memory_space<hbm>> -> memref<8x50xi32, #tpu.memory_space<hbm>>
    %dma_start3A_12 = tpu.memref_slice %arg13[%dma_start3A_4] : memref<2x!tpu.dma_semaphore, #tpu.memory_space<semaphore_mem>> -> memref<1x!tpu.dma_semaphore, #tpu.memory_space<semaphore_mem>>
    %dma_start3A_13 = tpu.memref_squeeze %dma_start3A_12 : memref<1x!tpu.dma_semaphore, #tpu.memory_space<semaphore_mem>> -> memref<!tpu.dma_semaphore, #tpu.memory_space<semaphore_mem>>
    %dma_start3A_14 = arith.constant 8 : i32
    %dma_start3A_15 = arith.constant 0 : i32
    %dma_start3A_16 = tpu.memref_slice %arg7[%dma_start3A_14, %dma_start3A_15] : memref<16x50xi32, #tpu.memory_space<vmem>> -> memref<8x50xi32, #tpu.memory_space<vmem>>
    %dma_start3A_17 = arith.constant 0 : i32
    %dma_start3A_18 = arith.constant 0 : i32
    %dma_start3A_19 = tpu.memref_slice %arg3[%add3A, %dma_start3A, %dma_start3A_17, %dma_start3A_18] : memref<32x25x8x50xi32, #tpu.memory_space<hbm>> -> memref<1x1x8x50xi32, #tpu.memory_space<hbm>>
    %dma_start3A_20 = tpu.memref_squeeze %dma_start3A_19 : memref<1x1x8x50xi32, #tpu.memory_space<hbm>> -> memref<8x50xi32, #tpu.memory_space<hbm>>
    tpu.enqueue_dma source(%dma_start3A_20 : memref<8x50xi32, #tpu.memory_space<hbm>>) target(%dma_start3A_16 : memref<8x50xi32, #tpu.memory_space<vmem>>) target_semaphore(%dma_start3A_13 : memref<!tpu.dma_semaphore, #tpu.memory_space<semaphore_mem>>)
    %dma_start3A_21 = arith.constant 1 : i32
    %dma_start3A_22 = arith.constant 1 : i32
    %dma_start3A_23 = arith.constant 8 : i32
    %dma_start3A_24 = arith.constant 0 : i32
    %dma_start3A_25 = tpu.memref_slice %arg8[%dma_start3A_23, %dma_start3A_24] : memref<16x50xi32, #tpu.memory_space<vmem>> -> memref<8x50xi32, #tpu.memory_space<vmem>>
    %dma_start3A_26 = arith.constant 0 : i32
    %dma_start3A_27 = arith.constant 0 : i32
    %dma_start3A_28 = tpu.memref_slice %arg4[%add3A, %dma_start3A_21, %dma_start3A_26, %dma_start3A_27] : memref<32x25x8x50xi32, #tpu.memory_space<hbm>> -> memref<1x1x8x50xi32, #tpu.memory_space<hbm>>
    %dma_start3A_29 = tpu.memref_squeeze %dma_start3A_28 : memref<1x1x8x50xi32, #tpu.memory_space<hbm>> -> memref<8x50xi32, #tpu.memory_space<hbm>>
    %dma_start3A_30 = tpu.memref_slice %arg13[%dma_start3A_22] : memref<2x!tpu.dma_semaphore, #tpu.memory_space<semaphore_mem>> -> memref<1x!tpu.dma_semaphore, #tpu.memory_space<semaphore_mem>>
    %dma_start3A_31 = tpu.memref_squeeze %dma_start3A_30 : memref<1x!tpu.dma_semaphore, #tpu.memory_space<semaphore_mem>> -> memref<!tpu.dma_semaphore, #tpu.memory_space<semaphore_mem>>
    %dma_start3A_32 = arith.constant 8 : i32
    %dma_start3A_33 = arith.constant 0 : i32
    %dma_start3A_34 = tpu.memref_slice %arg8[%dma_start3A_32, %dma_start3A_33] : memref<16x50xi32, #tpu.memory_space<vmem>> -> memref<8x50xi32, #tpu.memory_space<vmem>>
    %dma_start3A_35 = arith.constant 0 : i32
    %dma_start3A_36 = arith.constant 0 : i32
    %dma_start3A_37 = tpu.memref_slice %arg4[%add3A, %dma_start3A_21, %dma_start3A_35, %dma_start3A_36] : memref<32x25x8x50xi32, #tpu.memory_space<hbm>> -> memref<1x1x8x50xi32, #tpu.memory_space<hbm>>
    %dma_start3A_38 = tpu.memref_squeeze %dma_start3A_37 : memref<1x1x8x50xi32, #tpu.memory_space<hbm>> -> memref<8x50xi32, #tpu.memory_space<hbm>>
    tpu.enqueue_dma source(%dma_start3A_38 : memref<8x50xi32, #tpu.memory_space<hbm>>) target(%dma_start3A_34 : memref<8x50xi32, #tpu.memory_space<vmem>>) target_semaphore(%dma_start3A_31 : memref<!tpu.dma_semaphore, #tpu.memory_space<semaphore_mem>>)
    %barrier3A = arith.constant 0 : index
    tpu.barrier barrier_id(%barrier3A)
    %dma_start3A_39 = arith.constant 0 : i32
    %dma_start3A_40 = arith.constant 0 : i32
    %dma_start3A_41 = arith.constant 0 : i32
    %dma_start3A_42 = arith.constant 0 : i32
    %dma_start3A_43 = arith.constant 0 : i32
    %dma_start3A_44 = tpu.memref_slice %arg9[%dma_start3A_40, %dma_start3A_42, %dma_start3A_43] : memref<6x50x128xf32, #tpu.memory_space<vmem>> -> memref<1x50x128xf32, #tpu.memory_space<vmem>>
    %dma_start3A_45 = tpu.memref_squeeze %dma_start3A_44 : memref<1x50x128xf32, #tpu.memory_space<vmem>> -> memref<50x128xf32, #tpu.memory_space<vmem>>
    %dma_start3A_46 = arith.constant 0 : i32
    %dma_start3A_47 = tpu.memref_slice %arg7[%dma_start3A_39, %dma_start3A_46] : memref<16x50xi32, #tpu.memory_space<vmem>> -> memref<1x50xi32, #tpu.memory_space<vmem>>
    %dma_start3A_48 = tpu.memref_squeeze %dma_start3A_47 : memref<1x50xi32, #tpu.memory_space<vmem>> -> memref<50xi32, #tpu.memory_space<vmem>>
    %dma_start3A_49 = arith.constant 0 : i32
    %dma_start3A_50 = arith.constant 0 : i32
    %dma_start3A_51 = tpu.memref_slice %arg2[%dma_start3A_49, %dma_start3A_50] : memref<10000x128xf32, #tpu.memory_space<hbm>> -> memref<10000x128xf32, #tpu.memory_space<hbm>>
    %dma_start3A_52 = tpu.memref_slice %arg11[%dma_start3A_41] : memref<6x!tpu.dma_semaphore, #tpu.memory_space<semaphore_mem>> -> memref<1x!tpu.dma_semaphore, #tpu.memory_space<semaphore_mem>>
    %dma_start3A_53 = tpu.memref_squeeze %dma_start3A_52 : memref<1x!tpu.dma_semaphore, #tpu.memory_space<semaphore_mem>> -> memref<!tpu.dma_semaphore, #tpu.memory_space<semaphore_mem>>
    tpu.enqueue_indirect_dma source(%dma_start3A_51 : memref<10000x128xf32, #tpu.memory_space<hbm>>) target(%dma_start3A_45 : memref<50x128xf32, #tpu.memory_space<vmem>>) offsets(%dma_start3A_48 : memref<50xi32, #tpu.memory_space<vmem>>) semaphore(%dma_start3A_53 : memref<!tpu.dma_semaphore, #tpu.memory_space<semaphore_mem>>)
    %dma_start3A_54 = arith.constant 1 : i32
    %dma_start3A_55 = arith.constant 1 : i32
    %dma_start3A_56 = arith.constant 1 : i32
    %dma_start3A_57 = arith.constant 0 : i32
    %dma_start3A_58 = arith.constant 0 : i32
    %dma_start3A_59 = tpu.memref_slice %arg9[%dma_start3A_55, %dma_start3A_57, %dma_start3A_58] : memref<6x50x128xf32, #tpu.memory_space<vmem>> -> memref<1x50x128xf32, #tpu.memory_space<vmem>>
    %dma_start3A_60 = tpu.memref_squeeze %dma_start3A_59 : memref<1x50x128xf32, #tpu.memory_space<vmem>> -> memref<50x128xf32, #tpu.memory_space<vmem>>
    %dma_start3A_61 = arith.constant 0 : i32
    %dma_start3A_62 = tpu.memref_slice %arg7[%dma_start3A_54, %dma_start3A_61] : memref<16x50xi32, #tpu.memory_space<vmem>> -> memref<1x50xi32, #tpu.memory_space<vmem>>
    %dma_start3A_63 = tpu.memref_squeeze %dma_start3A_62 : memref<1x50xi32, #tpu.memory_space<vmem>> -> memref<50xi32, #tpu.memory_space<vmem>>
    %dma_start3A_64 = arith.constant 0 : i32
    %dma_start3A_65 = arith.constant 0 : i32
    %dma_start3A_66 = tpu.memref_slice %arg2[%dma_start3A_64, %dma_start3A_65] : memref<10000x128xf32, #tpu.memory_space<hbm>> -> memref<10000x128xf32, #tpu.memory_space<hbm>>
    %dma_start3A_67 = tpu.memref_slice %arg11[%dma_start3A_56] : memref<6x!tpu.dma_semaphore, #tpu.memory_space<semaphore_mem>> -> memref<1x!tpu.dma_semaphore, #tpu.memory_space<semaphore_mem>>
    %dma_start3A_68 = tpu.memref_squeeze %dma_start3A_67 : memref<1x!tpu.dma_semaphore, #tpu.memory_space<semaphore_mem>> -> memref<!tpu.dma_semaphore, #tpu.memory_space<semaphore_mem>>
    tpu.enqueue_indirect_dma source(%dma_start3A_66 : memref<10000x128xf32, #tpu.memory_space<hbm>>) target(%dma_start3A_60 : memref<50x128xf32, #tpu.memory_space<vmem>>) offsets(%dma_start3A_63 : memref<50xi32, #tpu.memory_space<vmem>>) semaphore(%dma_start3A_68 : memref<!tpu.dma_semaphore, #tpu.memory_space<semaphore_mem>>)
    %dma_start3A_69 = arith.constant 2 : i32
    %dma_start3A_70 = arith.constant 2 : i32
    %dma_start3A_71 = arith.constant 2 : i32
    %dma_start3A_72 = arith.constant 0 : i32
    %dma_start3A_73 = arith.constant 0 : i32
    %dma_start3A_74 = tpu.memref_slice %arg9[%dma_start3A_70, %dma_start3A_72, %dma_start3A_73] : memref<6x50x128xf32, #tpu.memory_space<vmem>> -> memref<1x50x128xf32, #tpu.memory_space<vmem>>
    %dma_start3A_75 = tpu.memref_squeeze %dma_start3A_74 : memref<1x50x128xf32, #tpu.memory_space<vmem>> -> memref<50x128xf32, #tpu.memory_space<vmem>>
    %dma_start3A_76 = arith.constant 0 : i32
    %dma_start3A_77 = tpu.memref_slice %arg7[%dma_start3A_69, %dma_start3A_76] : memref<16x50xi32, #tpu.memory_space<vmem>> -> memref<1x50xi32, #tpu.memory_space<vmem>>
    %dma_start3A_78 = tpu.memref_squeeze %dma_start3A_77 : memref<1x50xi32, #tpu.memory_space<vmem>> -> memref<50xi32, #tpu.memory_space<vmem>>
    %dma_start3A_79 = arith.constant 0 : i32
    %dma_start3A_80 = arith.constant 0 : i32
    %dma_start3A_81 = tpu.memref_slice %arg2[%dma_start3A_79, %dma_start3A_80] : memref<10000x128xf32, #tpu.memory_space<hbm>> -> memref<10000x128xf32, #tpu.memory_space<hbm>>
    %dma_start3A_82 = tpu.memref_slice %arg11[%dma_start3A_71] : memref<6x!tpu.dma_semaphore, #tpu.memory_space<semaphore_mem>> -> memref<1x!tpu.dma_semaphore, #tpu.memory_space<semaphore_mem>>
    %dma_start3A_83 = tpu.memref_squeeze %dma_start3A_82 : memref<1x!tpu.dma_semaphore, #tpu.memory_space<semaphore_mem>> -> memref<!tpu.dma_semaphore, #tpu.memory_space<semaphore_mem>>
    tpu.enqueue_indirect_dma source(%dma_start3A_81 : memref<10000x128xf32, #tpu.memory_space<hbm>>) target(%dma_start3A_75 : memref<50x128xf32, #tpu.memory_space<vmem>>) offsets(%dma_start3A_78 : memref<50xi32, #tpu.memory_space<vmem>>) semaphore(%dma_start3A_83 : memref<!tpu.dma_semaphore, #tpu.memory_space<semaphore_mem>>)
    %dma_start3A_84 = arith.constant 3 : i32
    %dma_start3A_85 = arith.constant 3 : i32
    %dma_start3A_86 = arith.constant 3 : i32
    %dma_start3A_87 = arith.constant 0 : i32
    %dma_start3A_88 = arith.constant 0 : i32
    %dma_start3A_89 = tpu.memref_slice %arg9[%dma_start3A_85, %dma_start3A_87, %dma_start3A_88] : memref<6x50x128xf32, #tpu.memory_space<vmem>> -> memref<1x50x128xf32, #tpu.memory_space<vmem>>
    %dma_start3A_90 = tpu.memref_squeeze %dma_start3A_89 : memref<1x50x128xf32, #tpu.memory_space<vmem>> -> memref<50x128xf32, #tpu.memory_space<vmem>>
    %dma_start3A_91 = arith.constant 0 : i32
    %dma_start3A_92 = tpu.memref_slice %arg7[%dma_start3A_84, %dma_start3A_91] : memref<16x50xi32, #tpu.memory_space<vmem>> -> memref<1x50xi32, #tpu.memory_space<vmem>>
    %dma_start3A_93 = tpu.memref_squeeze %dma_start3A_92 : memref<1x50xi32, #tpu.memory_space<vmem>> -> memref<50xi32, #tpu.memory_space<vmem>>
    %dma_start3A_94 = arith.constant 0 : i32
    %dma_start3A_95 = arith.constant 0 : i32
    %dma_start3A_96 = tpu.memref_slice %arg2[%dma_start3A_94, %dma_start3A_95] : memref<10000x128xf32, #tpu.memory_space<hbm>> -> memref<10000x128xf32, #tpu.memory_space<hbm>>
    %dma_start3A_97 = tpu.memref_slice %arg11[%dma_start3A_86] : memref<6x!tpu.dma_semaphore, #tpu.memory_space<semaphore_mem>> -> memref<1x!tpu.dma_semaphore, #tpu.memory_space<semaphore_mem>>
    %dma_start3A_98 = tpu.memref_squeeze %dma_start3A_97 : memref<1x!tpu.dma_semaphore, #tpu.memory_space<semaphore_mem>> -> memref<!tpu.dma_semaphore, #tpu.memory_space<semaphore_mem>>
    tpu.enqueue_indirect_dma source(%dma_start3A_96 : memref<10000x128xf32, #tpu.memory_space<hbm>>) target(%dma_start3A_90 : memref<50x128xf32, #tpu.memory_space<vmem>>) offsets(%dma_start3A_93 : memref<50xi32, #tpu.memory_space<vmem>>) semaphore(%dma_start3A_98 : memref<!tpu.dma_semaphore, #tpu.memory_space<semaphore_mem>>)
    %dma_start3A_99 = arith.constant 4 : i32
    %dma_start3A_100 = arith.constant 4 : i32
    %dma_start3A_101 = arith.constant 4 : i32
    %dma_start3A_102 = arith.constant 0 : i32
    %dma_start3A_103 = arith.constant 0 : i32
    %dma_start3A_104 = tpu.memref_slice %arg9[%dma_start3A_100, %dma_start3A_102, %dma_start3A_103] : memref<6x50x128xf32, #tpu.memory_space<vmem>> -> memref<1x50x128xf32, #tpu.memory_space<vmem>>
    %dma_start3A_105 = tpu.memref_squeeze %dma_start3A_104 : memref<1x50x128xf32, #tpu.memory_space<vmem>> -> memref<50x128xf32, #tpu.memory_space<vmem>>
    %dma_start3A_106 = arith.constant 0 : i32
    %dma_start3A_107 = tpu.memref_slice %arg7[%dma_start3A_99, %dma_start3A_106] : memref<16x50xi32, #tpu.memory_space<vmem>> -> memref<1x50xi32, #tpu.memory_space<vmem>>
    %dma_start3A_108 = tpu.memref_squeeze %dma_start3A_107 : memref<1x50xi32, #tpu.memory_space<vmem>> -> memref<50xi32, #tpu.memory_space<vmem>>
    %dma_start3A_109 = arith.constant 0 : i32
    %dma_start3A_110 = arith.constant 0 : i32
    %dma_start3A_111 = tpu.memref_slice %arg2[%dma_start3A_109, %dma_start3A_110] : memref<10000x128xf32, #tpu.memory_space<hbm>> -> memref<10000x128xf32, #tpu.memory_space<hbm>>
    %dma_start3A_112 = tpu.memref_slice %arg11[%dma_start3A_101] : memref<6x!tpu.dma_semaphore, #tpu.memory_space<semaphore_mem>> -> memref<1x!tpu.dma_semaphore, #tpu.memory_space<semaphore_mem>>
    %dma_start3A_113 = tpu.memref_squeeze %dma_start3A_112 : memref<1x!tpu.dma_semaphore, #tpu.memory_space<semaphore_mem>> -> memref<!tpu.dma_semaphore, #tpu.memory_space<semaphore_mem>>
    tpu.enqueue_indirect_dma source(%dma_start3A_111 : memref<10000x128xf32, #tpu.memory_space<hbm>>) target(%dma_start3A_105 : memref<50x128xf32, #tpu.memory_space<vmem>>) offsets(%dma_start3A_108 : memref<50xi32, #tpu.memory_space<vmem>>) semaphore(%dma_start3A_113 : memref<!tpu.dma_semaphore, #tpu.memory_space<semaphore_mem>>)
    %scan3A = arith.constant 0 : i32
    %scan3A_114 = arith.constant 200 : i32
    %scan3A_115 = arith.addi %scan3A, %scan3A_114 : i32
    %scan3A_116 = arith.constant 1 : i32
    scf.for %scan3A_127 = %scan3A to %scan3A_115 step %scan3A_116  : i32 {
      %mul3A_128 = arith.constant 1 : i32
      %mul3A_129 = arith.muli %scan3A_127, %mul3A_128 : i32
      %add3A_130 = arith.constant 0 : i32
      %add3A_131 = arith.addi %add3A_130, %mul3A_129 : i32
      %rem3A = arith.constant 6 : i32
      %rem3A_132 = arith.remsi %add3A_131, %rem3A : i32
      %dma_wait3A = arith.constant 0 : i32
      %dma_wait3A_133 = arith.constant 0 : i32
      %dma_wait3A_134 = arith.constant 0 : i32
      %dma_wait3A_135 = tpu.memref_slice %arg9[%rem3A_132, %dma_wait3A_133, %dma_wait3A_134] : memref<6x50x128xf32, #tpu.memory_space<vmem>> -> memref<1x50x128xf32, #tpu.memory_space<vmem>>
      %dma_wait3A_136 = tpu.memref_squeeze %dma_wait3A_135 : memref<1x50x128xf32, #tpu.memory_space<vmem>> -> memref<50x128xf32, #tpu.memory_space<vmem>>
      %dma_wait3A_137 = arith.constant 0 : i32
      %dma_wait3A_138 = tpu.memref_slice %arg7[%dma_wait3A, %dma_wait3A_137] : memref<16x50xi32, #tpu.memory_space<vmem>> -> memref<1x50xi32, #tpu.memory_space<vmem>>
      %dma_wait3A_139 = tpu.memref_squeeze %dma_wait3A_138 : memref<1x50xi32, #tpu.memory_space<vmem>> -> memref<50xi32, #tpu.memory_space<vmem>>
      %dma_wait3A_140 = arith.constant 0 : i32
      %dma_wait3A_141 = arith.constant 0 : i32
      %dma_wait3A_142 = tpu.memref_slice %arg2[%dma_wait3A_140, %dma_wait3A_141] : memref<10000x128xf32, #tpu.memory_space<hbm>> -> memref<10000x128xf32, #tpu.memory_space<hbm>>
      %dma_wait3A_143 = tpu.memref_slice %arg11[%rem3A_132] : memref<6x!tpu.dma_semaphore, #tpu.memory_space<semaphore_mem>> -> memref<1x!tpu.dma_semaphore, #tpu.memory_space<semaphore_mem>>
      %dma_wait3A_144 = tpu.memref_squeeze %dma_wait3A_143 : memref<1x!tpu.dma_semaphore, #tpu.memory_space<semaphore_mem>> -> memref<!tpu.dma_semaphore, #tpu.memory_space<semaphore_mem>>
      tpu.wait_indirect_dma semaphore(%dma_wait3A_144 : memref<!tpu.dma_semaphore, #tpu.memory_space<semaphore_mem>>) src(%dma_wait3A_142 : memref<10000x128xf32, #tpu.memory_space<hbm>>) dst(%dma_wait3A_136 : memref<50x128xf32, #tpu.memory_space<vmem>>)
      %rem3A_145 = arith.constant 16 : i32
      %rem3A_146 = arith.remsi %add3A_131, %rem3A_145 : i32
      %dma_start3A_147 = arith.constant 0 : i32
      %dma_start3A_148 = arith.constant 0 : i32
      %dma_start3A_149 = tpu.memref_slice %arg9[%rem3A_132, %dma_start3A_147, %dma_start3A_148] : memref<6x50x128xf32, #tpu.memory_space<vmem>> -> memref<1x50x128xf32, #tpu.memory_space<vmem>>
      %dma_start3A_150 = tpu.memref_squeeze %dma_start3A_149 : memref<1x50x128xf32, #tpu.memory_space<vmem>> -> memref<50x128xf32, #tpu.memory_space<vmem>>
      %dma_start3A_151 = arith.constant 0 : i32
      %dma_start3A_152 = tpu.memref_slice %arg8[%rem3A_146, %dma_start3A_151] : memref<16x50xi32, #tpu.memory_space<vmem>> -> memref<1x50xi32, #tpu.memory_space<vmem>>
      %dma_start3A_153 = tpu.memref_squeeze %dma_start3A_152 : memref<1x50xi32, #tpu.memory_space<vmem>> -> memref<50xi32, #tpu.memory_space<vmem>>
      %dma_start3A_154 = arith.constant 0 : i32
      %dma_start3A_155 = arith.constant 0 : i32
      %dma_start3A_156 = tpu.memref_slice %arg10[%dma_start3A_154, %dma_start3A_155] : memref<10000x128xf32, #tpu.memory_space<vmem_shared>> -> memref<10000x128xf32, #tpu.memory_space<vmem_shared>>
      %dma_start3A_157 = tpu.memref_slice %arg12[%rem3A_132] : memref<6x!tpu.dma_semaphore, #tpu.memory_space<semaphore_mem>> -> memref<1x!tpu.dma_semaphore, #tpu.memory_space<semaphore_mem>>
      %dma_start3A_158 = tpu.memref_squeeze %dma_start3A_157 : memref<1x!tpu.dma_semaphore, #tpu.memory_space<semaphore_mem>> -> memref<!tpu.dma_semaphore, #tpu.memory_space<semaphore_mem>>
      tpu.enqueue_indirect_dma source(%dma_start3A_150 : memref<50x128xf32, #tpu.memory_space<vmem>>) target(%dma_start3A_156 : memref<10000x128xf32, #tpu.memory_space<vmem_shared>>) offsets(%dma_start3A_153 : memref<50xi32, #tpu.memory_space<vmem>>) semaphore(%dma_start3A_158 : memref<!tpu.dma_semaphore, #tpu.memory_space<semaphore_mem>>) {add = true}
      %add3A_159 = arith.constant 5 : i32
      %add3A_160 = arith.addi %add3A_131, %add3A_159 : i32
      %lt3A = arith.constant 200 : i32
      %lt3A_161 = arith.cmpi slt, %add3A_160, %lt3A : i32
      %convert_element_type3A = arith.extui %lt3A_161 : i1 to i32
      %cond3A = arith.constant 0 : i32
      %cond3A_162 = arith.cmpi ne, %convert_element_type3A, %cond3A : i32
      scf.if %cond3A_162 {
        %rem3A_193 = arith.constant 6 : i32
        %rem3A_194 = arith.remsi %add3A_160, %rem3A_193 : i32
        %ge3A_195 = arith.constant 6 : i32
        %ge3A_196 = arith.cmpi sge, %add3A_160, %ge3A_195 : i32
        %convert_element_type3A_197 = arith.extui %ge3A_196 : i1 to i32
        %cond3A_198 = arith.constant 0 : i32
        %cond3A_199 = arith.cmpi ne, %convert_element_type3A_197, %cond3A_198 : i32
        scf.if %cond3A_199 {
          %dma_wait3A_221 = arith.constant 0 : i32
          %dma_wait3A_222 = arith.constant 0 : i32
          %dma_wait3A_223 = arith.constant 0 : i32
          %dma_wait3A_224 = tpu.memref_slice %arg9[%rem3A_194, %dma_wait3A_222, %dma_wait3A_223] : memref<6x50x128xf32, #tpu.memory_space<vmem>> -> memref<1x50x128xf32, #tpu.memory_space<vmem>>
          %dma_wait3A_225 = tpu.memref_squeeze %dma_wait3A_224 : memref<1x50x128xf32, #tpu.memory_space<vmem>> -> memref<50x128xf32, #tpu.memory_space<vmem>>
          %dma_wait3A_226 = arith.constant 0 : i32
          %dma_wait3A_227 = tpu.memref_slice %arg8[%dma_wait3A_221, %dma_wait3A_226] : memref<16x50xi32, #tpu.memory_space<vmem>> -> memref<1x50xi32, #tpu.memory_space<vmem>>
          %dma_wait3A_228 = tpu.memref_squeeze %dma_wait3A_227 : memref<1x50xi32, #tpu.memory_space<vmem>> -> memref<50xi32, #tpu.memory_space<vmem>>
          %dma_wait3A_229 = arith.constant 0 : i32
          %dma_wait3A_230 = arith.constant 0 : i32
          %dma_wait3A_231 = tpu.memref_slice %arg10[%dma_wait3A_229, %dma_wait3A_230] : memref<10000x128xf32, #tpu.memory_space<vmem_shared>> -> memref<10000x128xf32, #tpu.memory_space<vmem_shared>>
          %dma_wait3A_232 = tpu.memref_slice %arg12[%rem3A_194] : memref<6x!tpu.dma_semaphore, #tpu.memory_space<semaphore_mem>> -> memref<1x!tpu.dma_semaphore, #tpu.memory_space<semaphore_mem>>
          %dma_wait3A_233 = tpu.memref_squeeze %dma_wait3A_232 : memref<1x!tpu.dma_semaphore, #tpu.memory_space<semaphore_mem>> -> memref<!tpu.dma_semaphore, #tpu.memory_space<semaphore_mem>>
          tpu.wait_indirect_dma semaphore(%dma_wait3A_233 : memref<!tpu.dma_semaphore, #tpu.memory_space<semaphore_mem>>) src(%dma_wait3A_225 : memref<50x128xf32, #tpu.memory_space<vmem>>) dst(%dma_wait3A_231 : memref<10000x128xf32, #tpu.memory_space<vmem_shared>>)
        } else {
        }
        %rem3A_200 = arith.constant 8 : i32
        %rem3A_201 = arith.remsi %add3A_160, %rem3A_200 : i32
        %eq3A_202 = arith.constant 0 : i32
        %eq3A_203 = arith.cmpi eq, %rem3A_201, %eq3A_202 : i32
        %convert_element_type3A_204 = arith.extui %eq3A_203 : i1 to i32
        %cond3A_205 = arith.constant 0 : i32
        %cond3A_206 = arith.cmpi ne, %convert_element_type3A_204, %cond3A_205 : i32
        scf.if %cond3A_206 {
          %jit3A_221 = arith.constant 8 : i32
          %div3A_222 = arith.divsi %add3A_160, %jit3A_221 : i32
          %sign3A_223 = arith.constant 0 : i32
          %sign3A_224 = arith.cmpi sgt, %add3A_160, %sign3A_223 : i32
          %sign3A_225 = arith.extui %sign3A_224 : i1 to i32
          %sign3A_226 = arith.constant 0 : i32
          %sign3A_227 = arith.cmpi slt, %add3A_160, %sign3A_226 : i32
          %sign3A_228 = arith.extui %sign3A_227 : i1 to i32
          %sign3A_229 = arith.subi %sign3A_225, %sign3A_228 : i32
          %sign3A_230 = arith.constant 0 : i32
          %sign3A_231 = arith.cmpi sgt, %jit3A_221, %sign3A_230 : i32
          %sign3A_232 = arith.extui %sign3A_231 : i1 to i32
          %sign3A_233 = arith.constant 0 : i32
          %sign3A_234 = arith.cmpi slt, %jit3A_221, %sign3A_233 : i32
          %sign3A_235 = arith.extui %sign3A_234 : i1 to i32
          %sign3A_236 = arith.subi %sign3A_232, %sign3A_235 : i32
          %ne3A_237 = arith.cmpi ne, %sign3A_229, %sign3A_236 : i32
          %rem3A_238 = arith.remsi %add3A_160, %jit3A_221 : i32
          %ne3A_239 = arith.constant 0 : i32
          %ne3A_240 = arith.cmpi ne, %rem3A_238, %ne3A_239 : i32
          %and3A_241 = arith.andi %ne3A_237, %ne3A_240 : i1
          %sub3A_242 = arith.constant 1 : i32
          %sub3A_243 = arith.subi %div3A_222, %sub3A_242 : i32
          %select_n3A_244 = arith.select %and3A_241, %sub3A_243, %div3A_222 : i32
          %rem3A_245 = arith.constant 2 : i32
          %rem3A_246 = arith.remsi %select_n3A_244, %rem3A_245 : i32
          %dma_wait3A_247 = arith.constant 0 : i32
          %dma_wait3A_248 = arith.constant 0 : i32
          %dma_wait3A_249 = arith.constant 0 : i32
          %dma_wait3A_250 = tpu.memref_slice %arg7[%dma_wait3A_248, %dma_wait3A_249] : memref<16x50xi32, #tpu.memory_space<vmem>> -> memref<8x50xi32, #tpu.memory_space<vmem>>
          %dma_wait3A_251 = arith.constant 0 : i32
          %dma_wait3A_252 = arith.constant 0 : i32
          %dma_wait3A_253 = tpu.memref_slice %arg3[%add3A, %dma_wait3A_247, %dma_wait3A_251, %dma_wait3A_252] : memref<32x25x8x50xi32, #tpu.memory_space<hbm>> -> memref<1x1x8x50xi32, #tpu.memory_space<hbm>>
          %dma_wait3A_254 = tpu.memref_squeeze %dma_wait3A_253 : memref<1x1x8x50xi32, #tpu.memory_space<hbm>> -> memref<8x50xi32, #tpu.memory_space<hbm>>
          %dma_wait3A_255 = tpu.memref_slice %arg13[%rem3A_246] : memref<2x!tpu.dma_semaphore, #tpu.memory_space<semaphore_mem>> -> memref<1x!tpu.dma_semaphore, #tpu.memory_space<semaphore_mem>>
          %dma_wait3A_256 = tpu.memref_squeeze %dma_wait3A_255 : memref<1x!tpu.dma_semaphore, #tpu.memory_space<semaphore_mem>> -> memref<!tpu.dma_semaphore, #tpu.memory_space<semaphore_mem>>
          %dma_wait3A_257 = arith.constant 0 : i32
          %dma_wait3A_258 = arith.constant 0 : i32
          %dma_wait3A_259 = tpu.memref_slice %arg7[%dma_wait3A_257, %dma_wait3A_258] : memref<16x50xi32, #tpu.memory_space<vmem>> -> memref<8x50xi32, #tpu.memory_space<vmem>>
          %dma_wait3A_260 = arith.constant 0 : i32
          %dma_wait3A_261 = arith.constant 0 : i32
          %dma_wait3A_262 = tpu.memref_slice %arg3[%add3A, %dma_wait3A_247, %dma_wait3A_260, %dma_wait3A_261] : memref<32x25x8x50xi32, #tpu.memory_space<hbm>> -> memref<1x1x8x50xi32, #tpu.memory_space<hbm>>
          %dma_wait3A_263 = tpu.memref_squeeze %dma_wait3A_262 : memref<1x1x8x50xi32, #tpu.memory_space<hbm>> -> memref<8x50xi32, #tpu.memory_space<hbm>>
          tpu.wait_dma2 semaphore(%dma_wait3A_256 : memref<!tpu.dma_semaphore, #tpu.memory_space<semaphore_mem>>) src(%dma_wait3A_263 : memref<8x50xi32, #tpu.memory_space<hbm>>) dst(%dma_wait3A_259 : memref<8x50xi32, #tpu.memory_space<vmem>>)
          %dma_wait3A_264 = arith.constant 0 : i32
          %dma_wait3A_265 = arith.constant 0 : i32
          %dma_wait3A_266 = arith.constant 0 : i32
          %dma_wait3A_267 = tpu.memref_slice %arg8[%dma_wait3A_265, %dma_wait3A_266] : memref<16x50xi32, #tpu.memory_space<vmem>> -> memref<8x50xi32, #tpu.memory_space<vmem>>
          %dma_wait3A_268 = arith.constant 0 : i32
          %dma_wait3A_269 = arith.constant 0 : i32
          %dma_wait3A_270 = tpu.memref_slice %arg4[%add3A, %dma_wait3A_264, %dma_wait3A_268, %dma_wait3A_269] : memref<32x25x8x50xi32, #tpu.memory_space<hbm>> -> memref<1x1x8x50xi32, #tpu.memory_space<hbm>>
          %dma_wait3A_271 = tpu.memref_squeeze %dma_wait3A_270 : memref<1x1x8x50xi32, #tpu.memory_space<hbm>> -> memref<8x50xi32, #tpu.memory_space<hbm>>
          %dma_wait3A_272 = tpu.memref_slice %arg13[%rem3A_246] : memref<2x!tpu.dma_semaphore, #tpu.memory_space<semaphore_mem>> -> memref<1x!tpu.dma_semaphore, #tpu.memory_space<semaphore_mem>>
          %dma_wait3A_273 = tpu.memref_squeeze %dma_wait3A_272 : memref<1x!tpu.dma_semaphore, #tpu.memory_space<semaphore_mem>> -> memref<!tpu.dma_semaphore, #tpu.memory_space<semaphore_mem>>
          %dma_wait3A_274 = arith.constant 0 : i32
          %dma_wait3A_275 = arith.constant 0 : i32
          %dma_wait3A_276 = tpu.memref_slice %arg8[%dma_wait3A_274, %dma_wait3A_275] : memref<16x50xi32, #tpu.memory_space<vmem>> -> memref<8x50xi32, #tpu.memory_space<vmem>>
          %dma_wait3A_277 = arith.constant 0 : i32
          %dma_wait3A_278 = arith.constant 0 : i32
          %dma_wait3A_279 = tpu.memref_slice %arg4[%add3A, %dma_wait3A_264, %dma_wait3A_277, %dma_wait3A_278] : memref<32x25x8x50xi32, #tpu.memory_space<hbm>> -> memref<1x1x8x50xi32, #tpu.memory_space<hbm>>
          %dma_wait3A_280 = tpu.memref_squeeze %dma_wait3A_279 : memref<1x1x8x50xi32, #tpu.memory_space<hbm>> -> memref<8x50xi32, #tpu.memory_space<hbm>>
          tpu.wait_dma2 semaphore(%dma_wait3A_273 : memref<!tpu.dma_semaphore, #tpu.memory_space<semaphore_mem>>) src(%dma_wait3A_280 : memref<8x50xi32, #tpu.memory_space<hbm>>) dst(%dma_wait3A_276 : memref<8x50xi32, #tpu.memory_space<vmem>>)
        } else {
        }
        %rem3A_207 = arith.constant 16 : i32
        %rem3A_208 = arith.remsi %add3A_160, %rem3A_207 : i32
        %dma_start3A_209 = arith.constant 0 : i32
        %dma_start3A_210 = arith.constant 0 : i32
        %dma_start3A_211 = tpu.memref_slice %arg9[%rem3A_194, %dma_start3A_209, %dma_start3A_210] : memref<6x50x128xf32, #tpu.memory_space<vmem>> -> memref<1x50x128xf32, #tpu.memory_space<vmem>>
        %dma_start3A_212 = tpu.memref_squeeze %dma_start3A_211 : memref<1x50x128xf32, #tpu.memory_space<vmem>> -> memref<50x128xf32, #tpu.memory_space<vmem>>
        %dma_start3A_213 = arith.constant 0 : i32
        %dma_start3A_214 = tpu.memref_slice %arg7[%rem3A_208, %dma_start3A_213] : memref<16x50xi32, #tpu.memory_space<vmem>> -> memref<1x50xi32, #tpu.memory_space<vmem>>
        %dma_start3A_215 = tpu.memref_squeeze %dma_start3A_214 : memref<1x50xi32, #tpu.memory_space<vmem>> -> memref<50xi32, #tpu.memory_space<vmem>>
        %dma_start3A_216 = arith.constant 0 : i32
        %dma_start3A_217 = arith.constant 0 : i32
        %dma_start3A_218 = tpu.memref_slice %arg2[%dma_start3A_216, %dma_start3A_217] : memref<10000x128xf32, #tpu.memory_space<hbm>> -> memref<10000x128xf32, #tpu.memory_space<hbm>>
        %dma_start3A_219 = tpu.memref_slice %arg11[%rem3A_194] : memref<6x!tpu.dma_semaphore, #tpu.memory_space<semaphore_mem>> -> memref<1x!tpu.dma_semaphore, #tpu.memory_space<semaphore_mem>>
        %dma_start3A_220 = tpu.memref_squeeze %dma_start3A_219 : memref<1x!tpu.dma_semaphore, #tpu.memory_space<semaphore_mem>> -> memref<!tpu.dma_semaphore, #tpu.memory_space<semaphore_mem>>
        tpu.enqueue_indirect_dma source(%dma_start3A_218 : memref<10000x128xf32, #tpu.memory_space<hbm>>) target(%dma_start3A_212 : memref<50x128xf32, #tpu.memory_space<vmem>>) offsets(%dma_start3A_215 : memref<50xi32, #tpu.memory_space<vmem>>) semaphore(%dma_start3A_220 : memref<!tpu.dma_semaphore, #tpu.memory_space<semaphore_mem>>)
      } else {
      }
      %jit3A = arith.constant 8 : i32
      %div3A = arith.divsi %add3A_131, %jit3A : i32
      %sign3A = arith.constant 0 : i32
      %sign3A_163 = arith.cmpi sgt, %add3A_131, %sign3A : i32
      %sign3A_164 = arith.extui %sign3A_163 : i1 to i32
      %sign3A_165 = arith.constant 0 : i32
      %sign3A_166 = arith.cmpi slt, %add3A_131, %sign3A_165 : i32
      %sign3A_167 = arith.extui %sign3A_166 : i1 to i32
      %sign3A_168 = arith.subi %sign3A_164, %sign3A_167 : i32
      %sign3A_169 = arith.constant 0 : i32
      %sign3A_170 = arith.cmpi sgt, %jit3A, %sign3A_169 : i32
      %sign3A_171 = arith.extui %sign3A_170 : i1 to i32
      %sign3A_172 = arith.constant 0 : i32
      %sign3A_173 = arith.cmpi slt, %jit3A, %sign3A_172 : i32
      %sign3A_174 = arith.extui %sign3A_173 : i1 to i32
      %sign3A_175 = arith.subi %sign3A_171, %sign3A_174 : i32
      %ne3A = arith.cmpi ne, %sign3A_168, %sign3A_175 : i32
      %rem3A_176 = arith.remsi %add3A_131, %jit3A : i32
      %ne3A_177 = arith.constant 0 : i32
      %ne3A_178 = arith.cmpi ne, %rem3A_176, %ne3A_177 : i32
      %and3A = arith.andi %ne3A, %ne3A_178 : i1
      %sub3A = arith.constant 1 : i32
      %sub3A_179 = arith.subi %div3A, %sub3A : i32
      %select_n3A = arith.select %and3A, %sub3A_179, %div3A : i32
      %add3A_180 = arith.constant 1 : i32
      %add3A_181 = arith.addi %select_n3A, %add3A_180 : i32
      %rem3A_182 = arith.constant 8 : i32
      %rem3A_183 = arith.remsi %add3A_131, %rem3A_182 : i32
      %eq3A = arith.constant 2 : i32
      %eq3A_184 = arith.cmpi eq, %rem3A_183, %eq3A : i32
      %ge3A = arith.constant 2 : i32
      %ge3A_185 = arith.cmpi sge, %add3A_181, %ge3A : i32
      %lt3A_186 = arith.constant 25 : i32
      %lt3A_187 = arith.cmpi slt, %add3A_181, %lt3A_186 : i32
      %and3A_188 = arith.andi %ge3A_185, %lt3A_187 : i1
      %and3A_189 = arith.andi %eq3A_184, %and3A_188 : i1
      %convert_element_type3A_190 = arith.extui %and3A_189 : i1 to i32
      %cond3A_191 = arith.constant 0 : i32
      %cond3A_192 = arith.cmpi ne, %convert_element_type3A_190, %cond3A_191 : i32
      scf.if %cond3A_192 {
        %rem3A_193 = arith.constant 2 : i32
        %rem3A_194 = arith.remsi %add3A_181, %rem3A_193 : i32
        %mul3A_195 = arith.constant 8 : i32
        %mul3A_196 = arith.muli %rem3A_194, %mul3A_195 : i32
        %multiple_of3A = tpu.assume_multiple %mul3A_196, 8 : i32
        %dma_start3A_197 = arith.constant 0 : i32
        %dma_start3A_198 = tpu.memref_slice %arg7[%multiple_of3A, %dma_start3A_197] : memref<16x50xi32, #tpu.memory_space<vmem>> -> memref<8x50xi32, #tpu.memory_space<vmem>>
        %dma_start3A_199 = arith.constant 0 : i32
        %dma_start3A_200 = arith.constant 0 : i32
        %dma_start3A_201 = tpu.memref_slice %arg3[%add3A, %add3A_181, %dma_start3A_199, %dma_start3A_200] : memref<32x25x8x50xi32, #tpu.memory_space<hbm>> -> memref<1x1x8x50xi32, #tpu.memory_space<hbm>>
        %dma_start3A_202 = tpu.memref_squeeze %dma_start3A_201 : memref<1x1x8x50xi32, #tpu.memory_space<hbm>> -> memref<8x50xi32, #tpu.memory_space<hbm>>
        %dma_start3A_203 = tpu.memref_slice %arg13[%rem3A_194] : memref<2x!tpu.dma_semaphore, #tpu.memory_space<semaphore_mem>> -> memref<1x!tpu.dma_semaphore, #tpu.memory_space<semaphore_mem>>
        %dma_start3A_204 = tpu.memref_squeeze %dma_start3A_203 : memref<1x!tpu.dma_semaphore, #tpu.memory_space<semaphore_mem>> -> memref<!tpu.dma_semaphore, #tpu.memory_space<semaphore_mem>>
        %dma_start3A_205 = arith.constant 0 : i32
        %dma_start3A_206 = tpu.memref_slice %arg7[%multiple_of3A, %dma_start3A_205] : memref<16x50xi32, #tpu.memory_space<vmem>> -> memref<8x50xi32, #tpu.memory_space<vmem>>
        %dma_start3A_207 = arith.constant 0 : i32
        %dma_start3A_208 = arith.constant 0 : i32
        %dma_start3A_209 = tpu.memref_slice %arg3[%add3A, %add3A_181, %dma_start3A_207, %dma_start3A_208] : memref<32x25x8x50xi32, #tpu.memory_space<hbm>> -> memref<1x1x8x50xi32, #tpu.memory_space<hbm>>
        %dma_start3A_210 = tpu.memref_squeeze %dma_start3A_209 : memref<1x1x8x50xi32, #tpu.memory_space<hbm>> -> memref<8x50xi32, #tpu.memory_space<hbm>>
        tpu.enqueue_dma source(%dma_start3A_210 : memref<8x50xi32, #tpu.memory_space<hbm>>) target(%dma_start3A_206 : memref<8x50xi32, #tpu.memory_space<vmem>>) target_semaphore(%dma_start3A_204 : memref<!tpu.dma_semaphore, #tpu.memory_space<semaphore_mem>>)
        %dma_start3A_211 = arith.constant 0 : i32
        %dma_start3A_212 = tpu.memref_slice %arg8[%multiple_of3A, %dma_start3A_211] : memref<16x50xi32, #tpu.memory_space<vmem>> -> memref<8x50xi32, #tpu.memory_space<vmem>>
        %dma_start3A_213 = arith.constant 0 : i32
        %dma_start3A_214 = arith.constant 0 : i32
        %dma_start3A_215 = tpu.memref_slice %arg4[%add3A, %add3A_181, %dma_start3A_213, %dma_start3A_214] : memref<32x25x8x50xi32, #tpu.memory_space<hbm>> -> memref<1x1x8x50xi32, #tpu.memory_space<hbm>>
        %dma_start3A_216 = tpu.memref_squeeze %dma_start3A_215 : memref<1x1x8x50xi32, #tpu.memory_space<hbm>> -> memref<8x50xi32, #tpu.memory_space<hbm>>
        %dma_start3A_217 = tpu.memref_slice %arg13[%rem3A_194] : memref<2x!tpu.dma_semaphore, #tpu.memory_space<semaphore_mem>> -> memref<1x!tpu.dma_semaphore, #tpu.memory_space<semaphore_mem>>
        %dma_start3A_218 = tpu.memref_squeeze %dma_start3A_217 : memref<1x!tpu.dma_semaphore, #tpu.memory_space<semaphore_mem>> -> memref<!tpu.dma_semaphore, #tpu.memory_space<semaphore_mem>>
        %dma_start3A_219 = arith.constant 0 : i32
        %dma_start3A_220 = tpu.memref_slice %arg8[%multiple_of3A, %dma_start3A_219] : memref<16x50xi32, #tpu.memory_space<vmem>> -> memref<8x50xi32, #tpu.memory_space<vmem>>
        %dma_start3A_221 = arith.constant 0 : i32
        %dma_start3A_222 = arith.constant 0 : i32
        %dma_start3A_223 = tpu.memref_slice %arg4[%add3A, %add3A_181, %dma_start3A_221, %dma_start3A_222] : memref<32x25x8x50xi32, #tpu.memory_space<hbm>> -> memref<1x1x8x50xi32, #tpu.memory_space<hbm>>
        %dma_start3A_224 = tpu.memref_squeeze %dma_start3A_223 : memref<1x1x8x50xi32, #tpu.memory_space<hbm>> -> memref<8x50xi32, #tpu.memory_space<hbm>>
        tpu.enqueue_dma source(%dma_start3A_224 : memref<8x50xi32, #tpu.memory_space<hbm>>) target(%dma_start3A_220 : memref<8x50xi32, #tpu.memory_space<vmem>>) target_semaphore(%dma_start3A_218 : memref<!tpu.dma_semaphore, #tpu.memory_space<semaphore_mem>>)
      } else {
      }
    }
    %scan3A_117 = arith.constant 200 : i32
    %scan3A_118 = arith.constant 0 : i32
    %scan3A_119 = arith.constant 6 : i32
    %scan3A_120 = arith.addi %scan3A_118, %scan3A_119 : i32
    %scan3A_121 = arith.constant 1 : i32
    scf.for %scan3A_127 = %scan3A_118 to %scan3A_120 step %scan3A_121  : i32 {
      %mul3A_128 = arith.constant 1 : i32
      %mul3A_129 = arith.muli %scan3A_127, %mul3A_128 : i32
      %add3A_130 = arith.constant 0 : i32
      %add3A_131 = arith.addi %add3A_130, %mul3A_129 : i32
      %dma_wait3A = arith.constant 0 : i32
      %dma_wait3A_132 = arith.constant 0 : i32
      %dma_wait3A_133 = arith.constant 0 : i32
      %dma_wait3A_134 = tpu.memref_slice %arg9[%add3A_131, %dma_wait3A_132, %dma_wait3A_133] : memref<6x50x128xf32, #tpu.memory_space<vmem>> -> memref<1x50x128xf32, #tpu.memory_space<vmem>>
      %dma_wait3A_135 = tpu.memref_squeeze %dma_wait3A_134 : memref<1x50x128xf32, #tpu.memory_space<vmem>> -> memref<50x128xf32, #tpu.memory_space<vmem>>
      %dma_wait3A_136 = arith.constant 0 : i32
      %dma_wait3A_137 = tpu.memref_slice %arg8[%dma_wait3A, %dma_wait3A_136] : memref<16x50xi32, #tpu.memory_space<vmem>> -> memref<1x50xi32, #tpu.memory_space<vmem>>
      %dma_wait3A_138 = tpu.memref_squeeze %dma_wait3A_137 : memref<1x50xi32, #tpu.memory_space<vmem>> -> memref<50xi32, #tpu.memory_space<vmem>>
      %dma_wait3A_139 = arith.constant 0 : i32
      %dma_wait3A_140 = arith.constant 0 : i32
      %dma_wait3A_141 = tpu.memref_slice %arg10[%dma_wait3A_139, %dma_wait3A_140] : memref<10000x128xf32, #tpu.memory_space<vmem_shared>> -> memref<10000x128xf32, #tpu.memory_space<vmem_shared>>
      %dma_wait3A_142 = tpu.memref_slice %arg12[%add3A_131] : memref<6x!tpu.dma_semaphore, #tpu.memory_space<semaphore_mem>> -> memref<1x!tpu.dma_semaphore, #tpu.memory_space<semaphore_mem>>
      %dma_wait3A_143 = tpu.memref_squeeze %dma_wait3A_142 : memref<1x!tpu.dma_semaphore, #tpu.memory_space<semaphore_mem>> -> memref<!tpu.dma_semaphore, #tpu.memory_space<semaphore_mem>>
      tpu.wait_indirect_dma semaphore(%dma_wait3A_143 : memref<!tpu.dma_semaphore, #tpu.memory_space<semaphore_mem>>) src(%dma_wait3A_135 : memref<50x128xf32, #tpu.memory_space<vmem>>) dst(%dma_wait3A_141 : memref<10000x128xf32, #tpu.memory_space<vmem_shared>>)
    }
    %scan3A_122 = arith.constant 6 : i32
    %barrier3A_123 = arith.constant 0 : index
    tpu.barrier barrier_id(%barrier3A_123)
    %mul3A_124 = arith.constant 10000 : i32
    %mul3A_125 = arith.muli %arg0, %mul3A_124 : i32
    %add3A_126 = arith.addi %mul3A_125, %mul3A_2 : i32
    "tpu.region"() ({
      %run_scoped3A_127 = tpu.sem_alloc : memref<!tpu.dma_semaphore, #tpu.memory_space<semaphore_mem>>
      %dma_start3A_128 = arith.constant 0 : i32
      %dma_start3A_129 = tpu.memref_slice %arg6[%add3A_126, %dma_start3A_128] : memref<20000x128xf32, #tpu.memory_space<hbm>> -> memref<640x128xf32, #tpu.memory_space<hbm>>
      %dma_start3A_130 = arith.constant 0 : i32
      %dma_start3A_131 = tpu.memref_slice %arg10[%mul3A_2, %dma_start3A_130] : memref<10000x128xf32, #tpu.memory_space<vmem_shared>> -> memref<640x128xf32, #tpu.memory_space<vmem_shared>>
      tpu.enqueue_dma source(%dma_start3A_131 : memref<640x128xf32, #tpu.memory_space<vmem_shared>>) target(%dma_start3A_129 : memref<640x128xf32, #tpu.memory_space<hbm>>) target_semaphore(%run_scoped3A_127 : memref<!tpu.dma_semaphore, #tpu.memory_space<semaphore_mem>>)
      %dma_wait3A = arith.constant 0 : i32
      %dma_wait3A_132 = tpu.memref_slice %arg6[%add3A_126, %dma_wait3A] : memref<20000x128xf32, #tpu.memory_space<hbm>> -> memref<640x128xf32, #tpu.memory_space<hbm>>
      %dma_wait3A_133 = arith.constant 0 : i32
      %dma_wait3A_134 = tpu.memref_slice %arg10[%mul3A_2, %dma_wait3A_133] : memref<10000x128xf32, #tpu.memory_space<vmem_shared>> -> memref<640x128xf32, #tpu.memory_space<vmem_shared>>
      tpu.wait_dma2 semaphore(%run_scoped3A_127 : memref<!tpu.dma_semaphore, #tpu.memory_space<semaphore_mem>>) src(%dma_wait3A_134 : memref<640x128xf32, #tpu.memory_space<vmem_shared>>) dst(%dma_wait3A_132 : memref<640x128xf32, #tpu.memory_space<hbm>>)
      tpu.yield
    }) : () -> ()
    return
  }
}

#map = affine_map<(d0, d1) -> (0, 0)>
#map1 = affine_map<(d0, d1) -> (0, 0, 0, 0)>
module attributes {stable_mosaic.version = 14 : i64} {
  func.func @_spmm_body(%arg0: i32, %arg1: i32, %arg2: memref<10000x128xf32, #tpu.memory_space<hbm>>, %arg3: memref<32x25x8x50xi32, #tpu.memory_space<hbm>>, %arg4: memref<32x25x8x50xi32, #tpu.memory_space<hbm>>, %arg5: memref<640x128xf32, #tpu.memory_space<hbm>>, %arg6: memref<20000x128xf32, #tpu.memory_space<hbm>>, %arg7: memref<16x50xi32, #tpu.memory_space<vmem>>, %arg8: memref<16x50xi32, #tpu.memory_space<vmem>>, %arg9: memref<6x50x128xf32, #tpu.memory_space<vmem>>, %arg10: memref<10000x128xf32, #tpu.memory_space<vmem_shared>>, %arg11: memref<6x!tpu.dma_semaphore, #tpu.memory_space<semaphore_mem>>, %arg12: memref<6x!tpu.dma_semaphore, #tpu.memory_space<semaphore_mem>>, %arg13: memref<2x!tpu.dma_semaphore, #tpu.memory_space<semaphore_mem>>) attributes {dimension_semantics = [#tpu.dimension_semantics<core_parallel>, #tpu.dimension_semantics<subcore_parallel>], iteration_bounds = array<i64: 2, 16>, scalar_prefetch = 0 : i64, scratch_operands = 7 : i64, tpu.core_type = #tpu.core_type<sc_vector_subcore>, window_params = [{transform_indices = #map}, {transform_indices = #map1}, {transform_indices = #map1}, {transform_indices = #map}, {transform_indices = #map}]} {
    %mul3A = arith.constant 16 : i32
    %mul3A_0 = arith.muli %arg0, %mul3A : i32
    %add3A = arith.addi %mul3A_0, %arg1 : i32
    %mul3A_1 = arith.constant 624 : i32
    %mul3A_2 = arith.muli %arg1, %mul3A_1 : i32
    "tpu.region"() ({
      %run_scoped3A_127 = tpu.sem_alloc : memref<!tpu.dma_semaphore, #tpu.memory_space<semaphore_mem>>
      %dma_start3A_128 = arith.constant 0 : i32
      %dma_start3A_129 = tpu.memref_slice %arg10[%mul3A_2, %dma_start3A_128] : memref<10000x128xf32, #tpu.memory_space<vmem_shared>> -> memref<640x128xf32, #tpu.memory_space<vmem_shared>>
      tpu.enqueue_dma source(%arg5 : memref<640x128xf32, #tpu.memory_space<hbm>>) target(%dma_start3A_129 : memref<640x128xf32, #tpu.memory_space<vmem_shared>>) target_semaphore(%run_scoped3A_127 : memref<!tpu.dma_semaphore, #tpu.memory_space<semaphore_mem>>)
      %dma_wait3A = arith.constant 0 : i32
      %dma_wait3A_130 = tpu.memref_slice %arg10[%mul3A_2, %dma_wait3A] : memref<10000x128xf32, #tpu.memory_space<vmem_shared>> -> memref<640x128xf32, #tpu.memory_space<vmem_shared>>
      tpu.wait_dma2 semaphore(%run_scoped3A_127 : memref<!tpu.dma_semaphore, #tpu.memory_space<semaphore_mem>>) src(%arg5 : memref<640x128xf32, #tpu.memory_space<hbm>>) dst(%dma_wait3A_130 : memref<640x128xf32, #tpu.memory_space<vmem_shared>>)
      tpu.yield
    }) : () -> ()
    %run_scoped3A = arith.constant 0 : i32
    "tpu.region"() ({
      %run_scoped3A_127 = tpu.sem_alloc : memref<!tpu.dma_semaphore, #tpu.memory_space<semaphore_mem>>
      %dma_start3A_128 = arith.constant 0 : i32
      %dma_start3A_129 = arith.constant 0 : i32
      %dma_start3A_130 = tpu.memref_slice %arg7[%dma_start3A_128, %dma_start3A_129] : memref<16x50xi32, #tpu.memory_space<vmem>> -> memref<8x50xi32, #tpu.memory_space<vmem>>
      %dma_start3A_131 = arith.constant 0 : i32
      %dma_start3A_132 = arith.constant 0 : i32
      %dma_start3A_133 = tpu.memref_slice %arg3[%add3A, %run_scoped3A, %dma_start3A_131, %dma_start3A_132] : memref<32x25x8x50xi32, #tpu.memory_space<hbm>> -> memref<1x1x8x50xi32, #tpu.memory_space<hbm>>
      %dma_start3A_134 = tpu.memref_squeeze %dma_start3A_133 : memref<1x1x8x50xi32, #tpu.memory_space<hbm>> -> memref<8x50xi32, #tpu.memory_space<hbm>>
      %dma_start3A_135 = arith.constant 0 : i32
      %dma_start3A_136 = arith.constant 0 : i32
      %dma_start3A_137 = tpu.memref_slice %arg7[%dma_start3A_135, %dma_start3A_136] : memref<16x50xi32, #tpu.memory_space<vmem>> -> memref<8x50xi32, #tpu.memory_space<vmem>>
      %dma_start3A_138 = arith.constant 0 : i32
      %dma_start3A_139 = arith.constant 0 : i32
      %dma_start3A_140 = tpu.memref_slice %arg3[%add3A, %run_scoped3A, %dma_start3A_138, %dma_start3A_139] : memref<32x25x8x50xi32, #tpu.memory_space<hbm>> -> memref<1x1x8x50xi32, #tpu.memory_space<hbm>>
      %dma_start3A_141 = tpu.memref_squeeze %dma_start3A_140 : memref<1x1x8x50xi32, #tpu.memory_space<hbm>> -> memref<8x50xi32, #tpu.memory_space<hbm>>
      tpu.enqueue_dma source(%dma_start3A_141 : memref<8x50xi32, #tpu.memory_space<hbm>>) target(%dma_start3A_137 : memref<8x50xi32, #tpu.memory_space<vmem>>) target_semaphore(%run_scoped3A_127 : memref<!tpu.dma_semaphore, #tpu.memory_space<semaphore_mem>>)
      %dma_wait3A = arith.constant 0 : i32
      %dma_wait3A_142 = arith.constant 0 : i32
      %dma_wait3A_143 = tpu.memref_slice %arg7[%dma_wait3A, %dma_wait3A_142] : memref<16x50xi32, #tpu.memory_space<vmem>> -> memref<8x50xi32, #tpu.memory_space<vmem>>
      %dma_wait3A_144 = arith.constant 0 : i32
      %dma_wait3A_145 = arith.constant 0 : i32
      %dma_wait3A_146 = tpu.memref_slice %arg3[%add3A, %run_scoped3A, %dma_wait3A_144, %dma_wait3A_145] : memref<32x25x8x50xi32, #tpu.memory_space<hbm>> -> memref<1x1x8x50xi32, #tpu.memory_space<hbm>>
      %dma_wait3A_147 = tpu.memref_squeeze %dma_wait3A_146 : memref<1x1x8x50xi32, #tpu.memory_space<hbm>> -> memref<8x50xi32, #tpu.memory_space<hbm>>
      %dma_wait3A_148 = arith.constant 0 : i32
      %dma_wait3A_149 = arith.constant 0 : i32
      %dma_wait3A_150 = tpu.memref_slice %arg7[%dma_wait3A_148, %dma_wait3A_149] : memref<16x50xi32, #tpu.memory_space<vmem>> -> memref<8x50xi32, #tpu.memory_space<vmem>>
      %dma_wait3A_151 = arith.constant 0 : i32
      %dma_wait3A_152 = arith.constant 0 : i32
      %dma_wait3A_153 = tpu.memref_slice %arg3[%add3A, %run_scoped3A, %dma_wait3A_151, %dma_wait3A_152] : memref<32x25x8x50xi32, #tpu.memory_space<hbm>> -> memref<1x1x8x50xi32, #tpu.memory_space<hbm>>
      %dma_wait3A_154 = tpu.memref_squeeze %dma_wait3A_153 : memref<1x1x8x50xi32, #tpu.memory_space<hbm>> -> memref<8x50xi32, #tpu.memory_space<hbm>>
      tpu.wait_dma2 semaphore(%run_scoped3A_127 : memref<!tpu.dma_semaphore, #tpu.memory_space<semaphore_mem>>) src(%dma_wait3A_154 : memref<8x50xi32, #tpu.memory_space<hbm>>) dst(%dma_wait3A_150 : memref<8x50xi32, #tpu.memory_space<vmem>>)
      tpu.yield
    }) : () -> ()
    %run_scoped3A_3 = arith.constant 0 : i32
    "tpu.region"() ({
      %run_scoped3A_127 = tpu.sem_alloc : memref<!tpu.dma_semaphore, #tpu.memory_space<semaphore_mem>>
      %dma_start3A_128 = arith.constant 0 : i32
      %dma_start3A_129 = arith.constant 0 : i32
      %dma_start3A_130 = tpu.memref_slice %arg8[%dma_start3A_128, %dma_start3A_129] : memref<16x50xi32, #tpu.memory_space<vmem>> -> memref<8x50xi32, #tpu.memory_space<vmem>>
      %dma_start3A_131 = arith.constant 0 : i32
      %dma_start3A_132 = arith.constant 0 : i32
      %dma_start3A_133 = tpu.memref_slice %arg4[%add3A, %run_scoped3A_3, %dma_start3A_131, %dma_start3A_132] : memref<32x25x8x50xi32, #tpu.memory_space<hbm>> -> memref<1x1x8x50xi32, #tpu.memory_space<hbm>>
      %dma_start3A_134 = tpu.memref_squeeze %dma_start3A_133 : memref<1x1x8x50xi32, #tpu.memory_space<hbm>> -> memref<8x50xi32, #tpu.memory_space<hbm>>
      %dma_start3A_135 = arith.constant 0 : i32
      %dma_start3A_136 = arith.constant 0 : i32
      %dma_start3A_137 = tpu.memref_slice %arg8[%dma_start3A_135, %dma_start3A_136] : memref<16x50xi32, #tpu.memory_space<vmem>> -> memref<8x50xi32, #tpu.memory_space<vmem>>
      %dma_start3A_138 = arith.constant 0 : i32
      %dma_start3A_139 = arith.constant 0 : i32
      %dma_start3A_140 = tpu.memref_slice %arg4[%add3A, %run_scoped3A_3, %dma_start3A_138, %dma_start3A_139] : memref<32x25x8x50xi32, #tpu.memory_space<hbm>> -> memref<1x1x8x50xi32, #tpu.memory_space<hbm>>
      %dma_start3A_141 = tpu.memref_squeeze %dma_start3A_140 : memref<1x1x8x50xi32, #tpu.memory_space<hbm>> -> memref<8x50xi32, #tpu.memory_space<hbm>>
      tpu.enqueue_dma source(%dma_start3A_141 : memref<8x50xi32, #tpu.memory_space<hbm>>) target(%dma_start3A_137 : memref<8x50xi32, #tpu.memory_space<vmem>>) target_semaphore(%run_scoped3A_127 : memref<!tpu.dma_semaphore, #tpu.memory_space<semaphore_mem>>)
      %dma_wait3A = arith.constant 0 : i32
      %dma_wait3A_142 = arith.constant 0 : i32
      %dma_wait3A_143 = tpu.memref_slice %arg8[%dma_wait3A, %dma_wait3A_142] : memref<16x50xi32, #tpu.memory_space<vmem>> -> memref<8x50xi32, #tpu.memory_space<vmem>>
      %dma_wait3A_144 = arith.constant 0 : i32
      %dma_wait3A_145 = arith.constant 0 : i32
      %dma_wait3A_146 = tpu.memref_slice %arg4[%add3A, %run_scoped3A_3, %dma_wait3A_144, %dma_wait3A_145] : memref<32x25x8x50xi32, #tpu.memory_space<hbm>> -> memref<1x1x8x50xi32, #tpu.memory_space<hbm>>
      %dma_wait3A_147 = tpu.memref_squeeze %dma_wait3A_146 : memref<1x1x8x50xi32, #tpu.memory_space<hbm>> -> memref<8x50xi32, #tpu.memory_space<hbm>>
      %dma_wait3A_148 = arith.constant 0 : i32
      %dma_wait3A_149 = arith.constant 0 : i32
      %dma_wait3A_150 = tpu.memref_slice %arg8[%dma_wait3A_148, %dma_wait3A_149] : memref<16x50xi32, #tpu.memory_space<vmem>> -> memref<8x50xi32, #tpu.memory_space<vmem>>
      %dma_wait3A_151 = arith.constant 0 : i32
      %dma_wait3A_152 = arith.constant 0 : i32
      %dma_wait3A_153 = tpu.memref_slice %arg4[%add3A, %run_scoped3A_3, %dma_wait3A_151, %dma_wait3A_152] : memref<32x25x8x50xi32, #tpu.memory_space<hbm>> -> memref<1x1x8x50xi32, #tpu.memory_space<hbm>>
      %dma_wait3A_154 = tpu.memref_squeeze %dma_wait3A_153 : memref<1x1x8x50xi32, #tpu.memory_space<hbm>> -> memref<8x50xi32, #tpu.memory_space<hbm>>
      tpu.wait_dma2 semaphore(%run_scoped3A_127 : memref<!tpu.dma_semaphore, #tpu.memory_space<semaphore_mem>>) src(%dma_wait3A_154 : memref<8x50xi32, #tpu.memory_space<hbm>>) dst(%dma_wait3A_150 : memref<8x50xi32, #tpu.memory_space<vmem>>)
      tpu.yield
    }) : () -> ()
    %dma_start3A = arith.constant 1 : i32
    %dma_start3A_4 = arith.constant 1 : i32
    %dma_start3A_5 = arith.constant 8 : i32
    %dma_start3A_6 = arith.constant 0 : i32
    %dma_start3A_7 = tpu.memref_slice %arg7[%dma_start3A_5, %dma_start3A_6] : memref<16x50xi32, #tpu.memory_space<vmem>> -> memref<8x50xi32, #tpu.memory_space<vmem>>
    %dma_start3A_8 = arith.constant 0 : i32
    %dma_start3A_9 = arith.constant 0 : i32
    %dma_start3A_10 = tpu.memref_slice %arg3[%add3A, %dma_start3A, %dma_start3A_8, %dma_start3A_9] : memref<32x25x8x50xi32, #tpu.memory_space<hbm>> -> memref<1x1x8x50xi32, #tpu.memory_space<hbm>>
    %dma_start3A_11 = tpu.memref_squeeze %dma_start3A_10 : memref<1x1x8x50xi32, #tpu.memory_space<hbm>> -> memref<8x50xi32, #tpu.memory_space<hbm>>
    %dma_start3A_12 = tpu.memref_slice %arg13[%dma_start3A_4] : memref<2x!tpu.dma_semaphore, #tpu.memory_space<semaphore_mem>> -> memref<1x!tpu.dma_semaphore, #tpu.memory_space<semaphore_mem>>
    %dma_start3A_13 = tpu.memref_squeeze %dma_start3A_12 : memref<1x!tpu.dma_semaphore, #tpu.memory_space<semaphore_mem>> -> memref<!tpu.dma_semaphore, #tpu.memory_space<semaphore_mem>>
    %dma_start3A_14 = arith.constant 8 : i32
    %dma_start3A_15 = arith.constant 0 : i32
    %dma_start3A_16 = tpu.memref_slice %arg7[%dma_start3A_14, %dma_start3A_15] : memref<16x50xi32, #tpu.memory_space<vmem>> -> memref<8x50xi32, #tpu.memory_space<vmem>>
    %dma_start3A_17 = arith.constant 0 : i32
    %dma_start3A_18 = arith.constant 0 : i32
    %dma_start3A_19 = tpu.memref_slice %arg3[%add3A, %dma_start3A, %dma_start3A_17, %dma_start3A_18] : memref<32x25x8x50xi32, #tpu.memory_space<hbm>> -> memref<1x1x8x50xi32, #tpu.memory_space<hbm>>
    %dma_start3A_20 = tpu.memref_squeeze %dma_start3A_19 : memref<1x1x8x50xi32, #tpu.memory_space<hbm>> -> memref<8x50xi32, #tpu.memory_space<hbm>>
    tpu.enqueue_dma source(%dma_start3A_20 : memref<8x50xi32, #tpu.memory_space<hbm>>) target(%dma_start3A_16 : memref<8x50xi32, #tpu.memory_space<vmem>>) target_semaphore(%dma_start3A_13 : memref<!tpu.dma_semaphore, #tpu.memory_space<semaphore_mem>>)
    %dma_start3A_21 = arith.constant 1 : i32
    %dma_start3A_22 = arith.constant 1 : i32
    %dma_start3A_23 = arith.constant 8 : i32
    %dma_start3A_24 = arith.constant 0 : i32
    %dma_start3A_25 = tpu.memref_slice %arg8[%dma_start3A_23, %dma_start3A_24] : memref<16x50xi32, #tpu.memory_space<vmem>> -> memref<8x50xi32, #tpu.memory_space<vmem>>
    %dma_start3A_26 = arith.constant 0 : i32
    %dma_start3A_27 = arith.constant 0 : i32
    %dma_start3A_28 = tpu.memref_slice %arg4[%add3A, %dma_start3A_21, %dma_start3A_26, %dma_start3A_27] : memref<32x25x8x50xi32, #tpu.memory_space<hbm>> -> memref<1x1x8x50xi32, #tpu.memory_space<hbm>>
    %dma_start3A_29 = tpu.memref_squeeze %dma_start3A_28 : memref<1x1x8x50xi32, #tpu.memory_space<hbm>> -> memref<8x50xi32, #tpu.memory_space<hbm>>
    %dma_start3A_30 = tpu.memref_slice %arg13[%dma_start3A_22] : memref<2x!tpu.dma_semaphore, #tpu.memory_space<semaphore_mem>> -> memref<1x!tpu.dma_semaphore, #tpu.memory_space<semaphore_mem>>
    %dma_start3A_31 = tpu.memref_squeeze %dma_start3A_30 : memref<1x!tpu.dma_semaphore, #tpu.memory_space<semaphore_mem>> -> memref<!tpu.dma_semaphore, #tpu.memory_space<semaphore_mem>>
    %dma_start3A_32 = arith.constant 8 : i32
    %dma_start3A_33 = arith.constant 0 : i32
    %dma_start3A_34 = tpu.memref_slice %arg8[%dma_start3A_32, %dma_start3A_33] : memref<16x50xi32, #tpu.memory_space<vmem>> -> memref<8x50xi32, #tpu.memory_space<vmem>>
    %dma_start3A_35 = arith.constant 0 : i32
    %dma_start3A_36 = arith.constant 0 : i32
    %dma_start3A_37 = tpu.memref_slice %arg4[%add3A, %dma_start3A_21, %dma_start3A_35, %dma_start3A_36] : memref<32x25x8x50xi32, #tpu.memory_space<hbm>> -> memref<1x1x8x50xi32, #tpu.memory_space<hbm>>
    %dma_start3A_38 = tpu.memref_squeeze %dma_start3A_37 : memref<1x1x8x50xi32, #tpu.memory_space<hbm>> -> memref<8x50xi32, #tpu.memory_space<hbm>>
    tpu.enqueue_dma source(%dma_start3A_38 : memref<8x50xi32, #tpu.memory_space<hbm>>) target(%dma_start3A_34 : memref<8x50xi32, #tpu.memory_space<vmem>>) target_semaphore(%dma_start3A_31 : memref<!tpu.dma_semaphore, #tpu.memory_space<semaphore_mem>>)
    %barrier3A = arith.constant 0 : index
    tpu.barrier barrier_id(%barrier3A)
    %dma_start3A_39 = arith.constant 0 : i32
    %dma_start3A_40 = arith.constant 0 : i32
    %dma_start3A_41 = arith.constant 0 : i32
    %dma_start3A_42 = arith.constant 0 : i32
    %dma_start3A_43 = arith.constant 0 : i32
    %dma_start3A_44 = tpu.memref_slice %arg9[%dma_start3A_40, %dma_start3A_42, %dma_start3A_43] : memref<6x50x128xf32, #tpu.memory_space<vmem>> -> memref<1x50x128xf32, #tpu.memory_space<vmem>>
    %dma_start3A_45 = tpu.memref_squeeze %dma_start3A_44 : memref<1x50x128xf32, #tpu.memory_space<vmem>> -> memref<50x128xf32, #tpu.memory_space<vmem>>
    %dma_start3A_46 = arith.constant 0 : i32
    %dma_start3A_47 = tpu.memref_slice %arg7[%dma_start3A_39, %dma_start3A_46] : memref<16x50xi32, #tpu.memory_space<vmem>> -> memref<1x50xi32, #tpu.memory_space<vmem>>
    %dma_start3A_48 = tpu.memref_squeeze %dma_start3A_47 : memref<1x50xi32, #tpu.memory_space<vmem>> -> memref<50xi32, #tpu.memory_space<vmem>>
    %dma_start3A_49 = arith.constant 0 : i32
    %dma_start3A_50 = arith.constant 0 : i32
    %dma_start3A_51 = tpu.memref_slice %arg2[%dma_start3A_49, %dma_start3A_50] : memref<10000x128xf32, #tpu.memory_space<hbm>> -> memref<10000x128xf32, #tpu.memory_space<hbm>>
    %dma_start3A_52 = tpu.memref_slice %arg11[%dma_start3A_41] : memref<6x!tpu.dma_semaphore, #tpu.memory_space<semaphore_mem>> -> memref<1x!tpu.dma_semaphore, #tpu.memory_space<semaphore_mem>>
    %dma_start3A_53 = tpu.memref_squeeze %dma_start3A_52 : memref<1x!tpu.dma_semaphore, #tpu.memory_space<semaphore_mem>> -> memref<!tpu.dma_semaphore, #tpu.memory_space<semaphore_mem>>
    tpu.enqueue_indirect_dma source(%dma_start3A_51 : memref<10000x128xf32, #tpu.memory_space<hbm>>) target(%dma_start3A_45 : memref<50x128xf32, #tpu.memory_space<vmem>>) offsets(%dma_start3A_48 : memref<50xi32, #tpu.memory_space<vmem>>) semaphore(%dma_start3A_53 : memref<!tpu.dma_semaphore, #tpu.memory_space<semaphore_mem>>)
    %dma_start3A_54 = arith.constant 1 : i32
    %dma_start3A_55 = arith.constant 1 : i32
    %dma_start3A_56 = arith.constant 1 : i32
    %dma_start3A_57 = arith.constant 0 : i32
    %dma_start3A_58 = arith.constant 0 : i32
    %dma_start3A_59 = tpu.memref_slice %arg9[%dma_start3A_55, %dma_start3A_57, %dma_start3A_58] : memref<6x50x128xf32, #tpu.memory_space<vmem>> -> memref<1x50x128xf32, #tpu.memory_space<vmem>>
    %dma_start3A_60 = tpu.memref_squeeze %dma_start3A_59 : memref<1x50x128xf32, #tpu.memory_space<vmem>> -> memref<50x128xf32, #tpu.memory_space<vmem>>
    %dma_start3A_61 = arith.constant 0 : i32
    %dma_start3A_62 = tpu.memref_slice %arg7[%dma_start3A_54, %dma_start3A_61] : memref<16x50xi32, #tpu.memory_space<vmem>> -> memref<1x50xi32, #tpu.memory_space<vmem>>
    %dma_start3A_63 = tpu.memref_squeeze %dma_start3A_62 : memref<1x50xi32, #tpu.memory_space<vmem>> -> memref<50xi32, #tpu.memory_space<vmem>>
    %dma_start3A_64 = arith.constant 0 : i32
    %dma_start3A_65 = arith.constant 0 : i32
    %dma_start3A_66 = tpu.memref_slice %arg2[%dma_start3A_64, %dma_start3A_65] : memref<10000x128xf32, #tpu.memory_space<hbm>> -> memref<10000x128xf32, #tpu.memory_space<hbm>>
    %dma_start3A_67 = tpu.memref_slice %arg11[%dma_start3A_56] : memref<6x!tpu.dma_semaphore, #tpu.memory_space<semaphore_mem>> -> memref<1x!tpu.dma_semaphore, #tpu.memory_space<semaphore_mem>>
    %dma_start3A_68 = tpu.memref_squeeze %dma_start3A_67 : memref<1x!tpu.dma_semaphore, #tpu.memory_space<semaphore_mem>> -> memref<!tpu.dma_semaphore, #tpu.memory_space<semaphore_mem>>
    tpu.enqueue_indirect_dma source(%dma_start3A_66 : memref<10000x128xf32, #tpu.memory_space<hbm>>) target(%dma_start3A_60 : memref<50x128xf32, #tpu.memory_space<vmem>>) offsets(%dma_start3A_63 : memref<50xi32, #tpu.memory_space<vmem>>) semaphore(%dma_start3A_68 : memref<!tpu.dma_semaphore, #tpu.memory_space<semaphore_mem>>)
    %dma_start3A_69 = arith.constant 2 : i32
    %dma_start3A_70 = arith.constant 2 : i32
    %dma_start3A_71 = arith.constant 2 : i32
    %dma_start3A_72 = arith.constant 0 : i32
    %dma_start3A_73 = arith.constant 0 : i32
    %dma_start3A_74 = tpu.memref_slice %arg9[%dma_start3A_70, %dma_start3A_72, %dma_start3A_73] : memref<6x50x128xf32, #tpu.memory_space<vmem>> -> memref<1x50x128xf32, #tpu.memory_space<vmem>>
    %dma_start3A_75 = tpu.memref_squeeze %dma_start3A_74 : memref<1x50x128xf32, #tpu.memory_space<vmem>> -> memref<50x128xf32, #tpu.memory_space<vmem>>
    %dma_start3A_76 = arith.constant 0 : i32
    %dma_start3A_77 = tpu.memref_slice %arg7[%dma_start3A_69, %dma_start3A_76] : memref<16x50xi32, #tpu.memory_space<vmem>> -> memref<1x50xi32, #tpu.memory_space<vmem>>
    %dma_start3A_78 = tpu.memref_squeeze %dma_start3A_77 : memref<1x50xi32, #tpu.memory_space<vmem>> -> memref<50xi32, #tpu.memory_space<vmem>>
    %dma_start3A_79 = arith.constant 0 : i32
    %dma_start3A_80 = arith.constant 0 : i32
    %dma_start3A_81 = tpu.memref_slice %arg2[%dma_start3A_79, %dma_start3A_80] : memref<10000x128xf32, #tpu.memory_space<hbm>> -> memref<10000x128xf32, #tpu.memory_space<hbm>>
    %dma_start3A_82 = tpu.memref_slice %arg11[%dma_start3A_71] : memref<6x!tpu.dma_semaphore, #tpu.memory_space<semaphore_mem>> -> memref<1x!tpu.dma_semaphore, #tpu.memory_space<semaphore_mem>>
    %dma_start3A_83 = tpu.memref_squeeze %dma_start3A_82 : memref<1x!tpu.dma_semaphore, #tpu.memory_space<semaphore_mem>> -> memref<!tpu.dma_semaphore, #tpu.memory_space<semaphore_mem>>
    tpu.enqueue_indirect_dma source(%dma_start3A_81 : memref<10000x128xf32, #tpu.memory_space<hbm>>) target(%dma_start3A_75 : memref<50x128xf32, #tpu.memory_space<vmem>>) offsets(%dma_start3A_78 : memref<50xi32, #tpu.memory_space<vmem>>) semaphore(%dma_start3A_83 : memref<!tpu.dma_semaphore, #tpu.memory_space<semaphore_mem>>)
    %dma_start3A_84 = arith.constant 3 : i32
    %dma_start3A_85 = arith.constant 3 : i32
    %dma_start3A_86 = arith.constant 3 : i32
    %dma_start3A_87 = arith.constant 0 : i32
    %dma_start3A_88 = arith.constant 0 : i32
    %dma_start3A_89 = tpu.memref_slice %arg9[%dma_start3A_85, %dma_start3A_87, %dma_start3A_88] : memref<6x50x128xf32, #tpu.memory_space<vmem>> -> memref<1x50x128xf32, #tpu.memory_space<vmem>>
    %dma_start3A_90 = tpu.memref_squeeze %dma_start3A_89 : memref<1x50x128xf32, #tpu.memory_space<vmem>> -> memref<50x128xf32, #tpu.memory_space<vmem>>
    %dma_start3A_91 = arith.constant 0 : i32
    %dma_start3A_92 = tpu.memref_slice %arg7[%dma_start3A_84, %dma_start3A_91] : memref<16x50xi32, #tpu.memory_space<vmem>> -> memref<1x50xi32, #tpu.memory_space<vmem>>
    %dma_start3A_93 = tpu.memref_squeeze %dma_start3A_92 : memref<1x50xi32, #tpu.memory_space<vmem>> -> memref<50xi32, #tpu.memory_space<vmem>>
    %dma_start3A_94 = arith.constant 0 : i32
    %dma_start3A_95 = arith.constant 0 : i32
    %dma_start3A_96 = tpu.memref_slice %arg2[%dma_start3A_94, %dma_start3A_95] : memref<10000x128xf32, #tpu.memory_space<hbm>> -> memref<10000x128xf32, #tpu.memory_space<hbm>>
    %dma_start3A_97 = tpu.memref_slice %arg11[%dma_start3A_86] : memref<6x!tpu.dma_semaphore, #tpu.memory_space<semaphore_mem>> -> memref<1x!tpu.dma_semaphore, #tpu.memory_space<semaphore_mem>>
    %dma_start3A_98 = tpu.memref_squeeze %dma_start3A_97 : memref<1x!tpu.dma_semaphore, #tpu.memory_space<semaphore_mem>> -> memref<!tpu.dma_semaphore, #tpu.memory_space<semaphore_mem>>
    tpu.enqueue_indirect_dma source(%dma_start3A_96 : memref<10000x128xf32, #tpu.memory_space<hbm>>) target(%dma_start3A_90 : memref<50x128xf32, #tpu.memory_space<vmem>>) offsets(%dma_start3A_93 : memref<50xi32, #tpu.memory_space<vmem>>) semaphore(%dma_start3A_98 : memref<!tpu.dma_semaphore, #tpu.memory_space<semaphore_mem>>)
    %dma_start3A_99 = arith.constant 4 : i32
    %dma_start3A_100 = arith.constant 4 : i32
    %dma_start3A_101 = arith.constant 4 : i32
    %dma_start3A_102 = arith.constant 0 : i32
    %dma_start3A_103 = arith.constant 0 : i32
    %dma_start3A_104 = tpu.memref_slice %arg9[%dma_start3A_100, %dma_start3A_102, %dma_start3A_103] : memref<6x50x128xf32, #tpu.memory_space<vmem>> -> memref<1x50x128xf32, #tpu.memory_space<vmem>>
    %dma_start3A_105 = tpu.memref_squeeze %dma_start3A_104 : memref<1x50x128xf32, #tpu.memory_space<vmem>> -> memref<50x128xf32, #tpu.memory_space<vmem>>
    %dma_start3A_106 = arith.constant 0 : i32
    %dma_start3A_107 = tpu.memref_slice %arg7[%dma_start3A_99, %dma_start3A_106] : memref<16x50xi32, #tpu.memory_space<vmem>> -> memref<1x50xi32, #tpu.memory_space<vmem>>
    %dma_start3A_108 = tpu.memref_squeeze %dma_start3A_107 : memref<1x50xi32, #tpu.memory_space<vmem>> -> memref<50xi32, #tpu.memory_space<vmem>>
    %dma_start3A_109 = arith.constant 0 : i32
    %dma_start3A_110 = arith.constant 0 : i32
    %dma_start3A_111 = tpu.memref_slice %arg2[%dma_start3A_109, %dma_start3A_110] : memref<10000x128xf32, #tpu.memory_space<hbm>> -> memref<10000x128xf32, #tpu.memory_space<hbm>>
    %dma_start3A_112 = tpu.memref_slice %arg11[%dma_start3A_101] : memref<6x!tpu.dma_semaphore, #tpu.memory_space<semaphore_mem>> -> memref<1x!tpu.dma_semaphore, #tpu.memory_space<semaphore_mem>>
    %dma_start3A_113 = tpu.memref_squeeze %dma_start3A_112 : memref<1x!tpu.dma_semaphore, #tpu.memory_space<semaphore_mem>> -> memref<!tpu.dma_semaphore, #tpu.memory_space<semaphore_mem>>
    tpu.enqueue_indirect_dma source(%dma_start3A_111 : memref<10000x128xf32, #tpu.memory_space<hbm>>) target(%dma_start3A_105 : memref<50x128xf32, #tpu.memory_space<vmem>>) offsets(%dma_start3A_108 : memref<50xi32, #tpu.memory_space<vmem>>) semaphore(%dma_start3A_113 : memref<!tpu.dma_semaphore, #tpu.memory_space<semaphore_mem>>)
    %scan3A = arith.constant 0 : i32
    %scan3A_114 = arith.constant 200 : i32
    %scan3A_115 = arith.addi %scan3A, %scan3A_114 : i32
    %scan3A_116 = arith.constant 1 : i32
    scf.for %scan3A_127 = %scan3A to %scan3A_115 step %scan3A_116  : i32 {
      %mul3A_128 = arith.constant 1 : i32
      %mul3A_129 = arith.muli %scan3A_127, %mul3A_128 : i32
      %add3A_130 = arith.constant 0 : i32
      %add3A_131 = arith.addi %add3A_130, %mul3A_129 : i32
      %rem3A = arith.constant 6 : i32
      %rem3A_132 = arith.remsi %add3A_131, %rem3A : i32
      %dma_wait3A = arith.constant 0 : i32
      %dma_wait3A_133 = arith.constant 0 : i32
      %dma_wait3A_134 = arith.constant 0 : i32
      %dma_wait3A_135 = tpu.memref_slice %arg9[%rem3A_132, %dma_wait3A_133, %dma_wait3A_134] : memref<6x50x128xf32, #tpu.memory_space<vmem>> -> memref<1x50x128xf32, #tpu.memory_space<vmem>>
      %dma_wait3A_136 = tpu.memref_squeeze %dma_wait3A_135 : memref<1x50x128xf32, #tpu.memory_space<vmem>> -> memref<50x128xf32, #tpu.memory_space<vmem>>
      %dma_wait3A_137 = arith.constant 0 : i32
      %dma_wait3A_138 = tpu.memref_slice %arg7[%dma_wait3A, %dma_wait3A_137] : memref<16x50xi32, #tpu.memory_space<vmem>> -> memref<1x50xi32, #tpu.memory_space<vmem>>
      %dma_wait3A_139 = tpu.memref_squeeze %dma_wait3A_138 : memref<1x50xi32, #tpu.memory_space<vmem>> -> memref<50xi32, #tpu.memory_space<vmem>>
      %dma_wait3A_140 = arith.constant 0 : i32
      %dma_wait3A_141 = arith.constant 0 : i32
      %dma_wait3A_142 = tpu.memref_slice %arg2[%dma_wait3A_140, %dma_wait3A_141] : memref<10000x128xf32, #tpu.memory_space<hbm>> -> memref<10000x128xf32, #tpu.memory_space<hbm>>
      %dma_wait3A_143 = tpu.memref_slice %arg11[%rem3A_132] : memref<6x!tpu.dma_semaphore, #tpu.memory_space<semaphore_mem>> -> memref<1x!tpu.dma_semaphore, #tpu.memory_space<semaphore_mem>>
      %dma_wait3A_144 = tpu.memref_squeeze %dma_wait3A_143 : memref<1x!tpu.dma_semaphore, #tpu.memory_space<semaphore_mem>> -> memref<!tpu.dma_semaphore, #tpu.memory_space<semaphore_mem>>
      tpu.wait_indirect_dma semaphore(%dma_wait3A_144 : memref<!tpu.dma_semaphore, #tpu.memory_space<semaphore_mem>>) src(%dma_wait3A_142 : memref<10000x128xf32, #tpu.memory_space<hbm>>) dst(%dma_wait3A_136 : memref<50x128xf32, #tpu.memory_space<vmem>>)
      %rem3A_145 = arith.constant 16 : i32
      %rem3A_146 = arith.remsi %add3A_131, %rem3A_145 : i32
      %dma_start3A_147 = arith.constant 0 : i32
      %dma_start3A_148 = arith.constant 0 : i32
      %dma_start3A_149 = tpu.memref_slice %arg9[%rem3A_132, %dma_start3A_147, %dma_start3A_148] : memref<6x50x128xf32, #tpu.memory_space<vmem>> -> memref<1x50x128xf32, #tpu.memory_space<vmem>>
      %dma_start3A_150 = tpu.memref_squeeze %dma_start3A_149 : memref<1x50x128xf32, #tpu.memory_space<vmem>> -> memref<50x128xf32, #tpu.memory_space<vmem>>
      %dma_start3A_151 = arith.constant 0 : i32
      %dma_start3A_152 = tpu.memref_slice %arg8[%rem3A_146, %dma_start3A_151] : memref<16x50xi32, #tpu.memory_space<vmem>> -> memref<1x50xi32, #tpu.memory_space<vmem>>
      %dma_start3A_153 = tpu.memref_squeeze %dma_start3A_152 : memref<1x50xi32, #tpu.memory_space<vmem>> -> memref<50xi32, #tpu.memory_space<vmem>>
      %dma_start3A_154 = arith.constant 0 : i32
      %dma_start3A_155 = arith.constant 0 : i32
      %dma_start3A_156 = tpu.memref_slice %arg10[%dma_start3A_154, %dma_start3A_155] : memref<10000x128xf32, #tpu.memory_space<vmem_shared>> -> memref<10000x128xf32, #tpu.memory_space<vmem_shared>>
      %dma_start3A_157 = tpu.memref_slice %arg12[%rem3A_132] : memref<6x!tpu.dma_semaphore, #tpu.memory_space<semaphore_mem>> -> memref<1x!tpu.dma_semaphore, #tpu.memory_space<semaphore_mem>>
      %dma_start3A_158 = tpu.memref_squeeze %dma_start3A_157 : memref<1x!tpu.dma_semaphore, #tpu.memory_space<semaphore_mem>> -> memref<!tpu.dma_semaphore, #tpu.memory_space<semaphore_mem>>
      tpu.enqueue_indirect_dma source(%dma_start3A_150 : memref<50x128xf32, #tpu.memory_space<vmem>>) target(%dma_start3A_156 : memref<10000x128xf32, #tpu.memory_space<vmem_shared>>) offsets(%dma_start3A_153 : memref<50xi32, #tpu.memory_space<vmem>>) semaphore(%dma_start3A_158 : memref<!tpu.dma_semaphore, #tpu.memory_space<semaphore_mem>>) {add = true}
      %add3A_159 = arith.constant 5 : i32
      %add3A_160 = arith.addi %add3A_131, %add3A_159 : i32
      %lt3A = arith.constant 200 : i32
      %lt3A_161 = arith.cmpi slt, %add3A_160, %lt3A : i32
      %convert_element_type3A = arith.extui %lt3A_161 : i1 to i32
      %cond3A = arith.constant 0 : i32
      %cond3A_162 = arith.cmpi ne, %convert_element_type3A, %cond3A : i32
      scf.if %cond3A_162 {
        %rem3A_193 = arith.constant 6 : i32
        %rem3A_194 = arith.remsi %add3A_160, %rem3A_193 : i32
        %ge3A_195 = arith.constant 6 : i32
        %ge3A_196 = arith.cmpi sge, %add3A_160, %ge3A_195 : i32
        %convert_element_type3A_197 = arith.extui %ge3A_196 : i1 to i32
        %cond3A_198 = arith.constant 0 : i32
        %cond3A_199 = arith.cmpi ne, %convert_element_type3A_197, %cond3A_198 : i32
        scf.if %cond3A_199 {
          %dma_wait3A_221 = arith.constant 0 : i32
          %dma_wait3A_222 = arith.constant 0 : i32
          %dma_wait3A_223 = arith.constant 0 : i32
          %dma_wait3A_224 = tpu.memref_slice %arg9[%rem3A_194, %dma_wait3A_222, %dma_wait3A_223] : memref<6x50x128xf32, #tpu.memory_space<vmem>> -> memref<1x50x128xf32, #tpu.memory_space<vmem>>
          %dma_wait3A_225 = tpu.memref_squeeze %dma_wait3A_224 : memref<1x50x128xf32, #tpu.memory_space<vmem>> -> memref<50x128xf32, #tpu.memory_space<vmem>>
          %dma_wait3A_226 = arith.constant 0 : i32
          %dma_wait3A_227 = tpu.memref_slice %arg8[%dma_wait3A_221, %dma_wait3A_226] : memref<16x50xi32, #tpu.memory_space<vmem>> -> memref<1x50xi32, #tpu.memory_space<vmem>>
          %dma_wait3A_228 = tpu.memref_squeeze %dma_wait3A_227 : memref<1x50xi32, #tpu.memory_space<vmem>> -> memref<50xi32, #tpu.memory_space<vmem>>
          %dma_wait3A_229 = arith.constant 0 : i32
          %dma_wait3A_230 = arith.constant 0 : i32
          %dma_wait3A_231 = tpu.memref_slice %arg10[%dma_wait3A_229, %dma_wait3A_230] : memref<10000x128xf32, #tpu.memory_space<vmem_shared>> -> memref<10000x128xf32, #tpu.memory_space<vmem_shared>>
          %dma_wait3A_232 = tpu.memref_slice %arg12[%rem3A_194] : memref<6x!tpu.dma_semaphore, #tpu.memory_space<semaphore_mem>> -> memref<1x!tpu.dma_semaphore, #tpu.memory_space<semaphore_mem>>
          %dma_wait3A_233 = tpu.memref_squeeze %dma_wait3A_232 : memref<1x!tpu.dma_semaphore, #tpu.memory_space<semaphore_mem>> -> memref<!tpu.dma_semaphore, #tpu.memory_space<semaphore_mem>>
          tpu.wait_indirect_dma semaphore(%dma_wait3A_233 : memref<!tpu.dma_semaphore, #tpu.memory_space<semaphore_mem>>) src(%dma_wait3A_225 : memref<50x128xf32, #tpu.memory_space<vmem>>) dst(%dma_wait3A_231 : memref<10000x128xf32, #tpu.memory_space<vmem_shared>>)
        } else {
        }
        %rem3A_200 = arith.constant 8 : i32
        %rem3A_201 = arith.remsi %add3A_160, %rem3A_200 : i32
        %eq3A_202 = arith.constant 0 : i32
        %eq3A_203 = arith.cmpi eq, %rem3A_201, %eq3A_202 : i32
        %convert_element_type3A_204 = arith.extui %eq3A_203 : i1 to i32
        %cond3A_205 = arith.constant 0 : i32
        %cond3A_206 = arith.cmpi ne, %convert_element_type3A_204, %cond3A_205 : i32
        scf.if %cond3A_206 {
          %jit3A_221 = arith.constant 8 : i32
          %div3A_222 = arith.divsi %add3A_160, %jit3A_221 : i32
          %sign3A_223 = arith.constant 0 : i32
          %sign3A_224 = arith.cmpi sgt, %add3A_160, %sign3A_223 : i32
          %sign3A_225 = arith.extui %sign3A_224 : i1 to i32
          %sign3A_226 = arith.constant 0 : i32
          %sign3A_227 = arith.cmpi slt, %add3A_160, %sign3A_226 : i32
          %sign3A_228 = arith.extui %sign3A_227 : i1 to i32
          %sign3A_229 = arith.subi %sign3A_225, %sign3A_228 : i32
          %sign3A_230 = arith.constant 0 : i32
          %sign3A_231 = arith.cmpi sgt, %jit3A_221, %sign3A_230 : i32
          %sign3A_232 = arith.extui %sign3A_231 : i1 to i32
          %sign3A_233 = arith.constant 0 : i32
          %sign3A_234 = arith.cmpi slt, %jit3A_221, %sign3A_233 : i32
          %sign3A_235 = arith.extui %sign3A_234 : i1 to i32
          %sign3A_236 = arith.subi %sign3A_232, %sign3A_235 : i32
          %ne3A_237 = arith.cmpi ne, %sign3A_229, %sign3A_236 : i32
          %rem3A_238 = arith.remsi %add3A_160, %jit3A_221 : i32
          %ne3A_239 = arith.constant 0 : i32
          %ne3A_240 = arith.cmpi ne, %rem3A_238, %ne3A_239 : i32
          %and3A_241 = arith.andi %ne3A_237, %ne3A_240 : i1
          %sub3A_242 = arith.constant 1 : i32
          %sub3A_243 = arith.subi %div3A_222, %sub3A_242 : i32
          %select_n3A_244 = arith.select %and3A_241, %sub3A_243, %div3A_222 : i32
          %rem3A_245 = arith.constant 2 : i32
          %rem3A_246 = arith.remsi %select_n3A_244, %rem3A_245 : i32
          %dma_wait3A_247 = arith.constant 0 : i32
          %dma_wait3A_248 = arith.constant 0 : i32
          %dma_wait3A_249 = arith.constant 0 : i32
          %dma_wait3A_250 = tpu.memref_slice %arg7[%dma_wait3A_248, %dma_wait3A_249] : memref<16x50xi32, #tpu.memory_space<vmem>> -> memref<8x50xi32, #tpu.memory_space<vmem>>
          %dma_wait3A_251 = arith.constant 0 : i32
          %dma_wait3A_252 = arith.constant 0 : i32
          %dma_wait3A_253 = tpu.memref_slice %arg3[%add3A, %dma_wait3A_247, %dma_wait3A_251, %dma_wait3A_252] : memref<32x25x8x50xi32, #tpu.memory_space<hbm>> -> memref<1x1x8x50xi32, #tpu.memory_space<hbm>>
          %dma_wait3A_254 = tpu.memref_squeeze %dma_wait3A_253 : memref<1x1x8x50xi32, #tpu.memory_space<hbm>> -> memref<8x50xi32, #tpu.memory_space<hbm>>
          %dma_wait3A_255 = tpu.memref_slice %arg13[%rem3A_246] : memref<2x!tpu.dma_semaphore, #tpu.memory_space<semaphore_mem>> -> memref<1x!tpu.dma_semaphore, #tpu.memory_space<semaphore_mem>>
          %dma_wait3A_256 = tpu.memref_squeeze %dma_wait3A_255 : memref<1x!tpu.dma_semaphore, #tpu.memory_space<semaphore_mem>> -> memref<!tpu.dma_semaphore, #tpu.memory_space<semaphore_mem>>
          %dma_wait3A_257 = arith.constant 0 : i32
          %dma_wait3A_258 = arith.constant 0 : i32
          %dma_wait3A_259 = tpu.memref_slice %arg7[%dma_wait3A_257, %dma_wait3A_258] : memref<16x50xi32, #tpu.memory_space<vmem>> -> memref<8x50xi32, #tpu.memory_space<vmem>>
          %dma_wait3A_260 = arith.constant 0 : i32
          %dma_wait3A_261 = arith.constant 0 : i32
          %dma_wait3A_262 = tpu.memref_slice %arg3[%add3A, %dma_wait3A_247, %dma_wait3A_260, %dma_wait3A_261] : memref<32x25x8x50xi32, #tpu.memory_space<hbm>> -> memref<1x1x8x50xi32, #tpu.memory_space<hbm>>
          %dma_wait3A_263 = tpu.memref_squeeze %dma_wait3A_262 : memref<1x1x8x50xi32, #tpu.memory_space<hbm>> -> memref<8x50xi32, #tpu.memory_space<hbm>>
          tpu.wait_dma2 semaphore(%dma_wait3A_256 : memref<!tpu.dma_semaphore, #tpu.memory_space<semaphore_mem>>) src(%dma_wait3A_263 : memref<8x50xi32, #tpu.memory_space<hbm>>) dst(%dma_wait3A_259 : memref<8x50xi32, #tpu.memory_space<vmem>>)
          %dma_wait3A_264 = arith.constant 0 : i32
          %dma_wait3A_265 = arith.constant 0 : i32
          %dma_wait3A_266 = arith.constant 0 : i32
          %dma_wait3A_267 = tpu.memref_slice %arg8[%dma_wait3A_265, %dma_wait3A_266] : memref<16x50xi32, #tpu.memory_space<vmem>> -> memref<8x50xi32, #tpu.memory_space<vmem>>
          %dma_wait3A_268 = arith.constant 0 : i32
          %dma_wait3A_269 = arith.constant 0 : i32
          %dma_wait3A_270 = tpu.memref_slice %arg4[%add3A, %dma_wait3A_264, %dma_wait3A_268, %dma_wait3A_269] : memref<32x25x8x50xi32, #tpu.memory_space<hbm>> -> memref<1x1x8x50xi32, #tpu.memory_space<hbm>>
          %dma_wait3A_271 = tpu.memref_squeeze %dma_wait3A_270 : memref<1x1x8x50xi32, #tpu.memory_space<hbm>> -> memref<8x50xi32, #tpu.memory_space<hbm>>
          %dma_wait3A_272 = tpu.memref_slice %arg13[%rem3A_246] : memref<2x!tpu.dma_semaphore, #tpu.memory_space<semaphore_mem>> -> memref<1x!tpu.dma_semaphore, #tpu.memory_space<semaphore_mem>>
          %dma_wait3A_273 = tpu.memref_squeeze %dma_wait3A_272 : memref<1x!tpu.dma_semaphore, #tpu.memory_space<semaphore_mem>> -> memref<!tpu.dma_semaphore, #tpu.memory_space<semaphore_mem>>
          %dma_wait3A_274 = arith.constant 0 : i32
          %dma_wait3A_275 = arith.constant 0 : i32
          %dma_wait3A_276 = tpu.memref_slice %arg8[%dma_wait3A_274, %dma_wait3A_275] : memref<16x50xi32, #tpu.memory_space<vmem>> -> memref<8x50xi32, #tpu.memory_space<vmem>>
          %dma_wait3A_277 = arith.constant 0 : i32
          %dma_wait3A_278 = arith.constant 0 : i32
          %dma_wait3A_279 = tpu.memref_slice %arg4[%add3A, %dma_wait3A_264, %dma_wait3A_277, %dma_wait3A_278] : memref<32x25x8x50xi32, #tpu.memory_space<hbm>> -> memref<1x1x8x50xi32, #tpu.memory_space<hbm>>
          %dma_wait3A_280 = tpu.memref_squeeze %dma_wait3A_279 : memref<1x1x8x50xi32, #tpu.memory_space<hbm>> -> memref<8x50xi32, #tpu.memory_space<hbm>>
          tpu.wait_dma2 semaphore(%dma_wait3A_273 : memref<!tpu.dma_semaphore, #tpu.memory_space<semaphore_mem>>) src(%dma_wait3A_280 : memref<8x50xi32, #tpu.memory_space<hbm>>) dst(%dma_wait3A_276 : memref<8x50xi32, #tpu.memory_space<vmem>>)
        } else {
        }
        %rem3A_207 = arith.constant 16 : i32
        %rem3A_208 = arith.remsi %add3A_160, %rem3A_207 : i32
        %dma_start3A_209 = arith.constant 0 : i32
        %dma_start3A_210 = arith.constant 0 : i32
        %dma_start3A_211 = tpu.memref_slice %arg9[%rem3A_194, %dma_start3A_209, %dma_start3A_210] : memref<6x50x128xf32, #tpu.memory_space<vmem>> -> memref<1x50x128xf32, #tpu.memory_space<vmem>>
        %dma_start3A_212 = tpu.memref_squeeze %dma_start3A_211 : memref<1x50x128xf32, #tpu.memory_space<vmem>> -> memref<50x128xf32, #tpu.memory_space<vmem>>
        %dma_start3A_213 = arith.constant 0 : i32
        %dma_start3A_214 = tpu.memref_slice %arg7[%rem3A_208, %dma_start3A_213] : memref<16x50xi32, #tpu.memory_space<vmem>> -> memref<1x50xi32, #tpu.memory_space<vmem>>
        %dma_start3A_215 = tpu.memref_squeeze %dma_start3A_214 : memref<1x50xi32, #tpu.memory_space<vmem>> -> memref<50xi32, #tpu.memory_space<vmem>>
        %dma_start3A_216 = arith.constant 0 : i32
        %dma_start3A_217 = arith.constant 0 : i32
        %dma_start3A_218 = tpu.memref_slice %arg2[%dma_start3A_216, %dma_start3A_217] : memref<10000x128xf32, #tpu.memory_space<hbm>> -> memref<10000x128xf32, #tpu.memory_space<hbm>>
        %dma_start3A_219 = tpu.memref_slice %arg11[%rem3A_194] : memref<6x!tpu.dma_semaphore, #tpu.memory_space<semaphore_mem>> -> memref<1x!tpu.dma_semaphore, #tpu.memory_space<semaphore_mem>>
        %dma_start3A_220 = tpu.memref_squeeze %dma_start3A_219 : memref<1x!tpu.dma_semaphore, #tpu.memory_space<semaphore_mem>> -> memref<!tpu.dma_semaphore, #tpu.memory_space<semaphore_mem>>
        tpu.enqueue_indirect_dma source(%dma_start3A_218 : memref<10000x128xf32, #tpu.memory_space<hbm>>) target(%dma_start3A_212 : memref<50x128xf32, #tpu.memory_space<vmem>>) offsets(%dma_start3A_215 : memref<50xi32, #tpu.memory_space<vmem>>) semaphore(%dma_start3A_220 : memref<!tpu.dma_semaphore, #tpu.memory_space<semaphore_mem>>)
      } else {
      }
      %jit3A = arith.constant 8 : i32
      %div3A = arith.divsi %add3A_131, %jit3A : i32
      %sign3A = arith.constant 0 : i32
      %sign3A_163 = arith.cmpi sgt, %add3A_131, %sign3A : i32
      %sign3A_164 = arith.extui %sign3A_163 : i1 to i32
      %sign3A_165 = arith.constant 0 : i32
      %sign3A_166 = arith.cmpi slt, %add3A_131, %sign3A_165 : i32
      %sign3A_167 = arith.extui %sign3A_166 : i1 to i32
      %sign3A_168 = arith.subi %sign3A_164, %sign3A_167 : i32
      %sign3A_169 = arith.constant 0 : i32
      %sign3A_170 = arith.cmpi sgt, %jit3A, %sign3A_169 : i32
      %sign3A_171 = arith.extui %sign3A_170 : i1 to i32
      %sign3A_172 = arith.constant 0 : i32
      %sign3A_173 = arith.cmpi slt, %jit3A, %sign3A_172 : i32
      %sign3A_174 = arith.extui %sign3A_173 : i1 to i32
      %sign3A_175 = arith.subi %sign3A_171, %sign3A_174 : i32
      %ne3A = arith.cmpi ne, %sign3A_168, %sign3A_175 : i32
      %rem3A_176 = arith.remsi %add3A_131, %jit3A : i32
      %ne3A_177 = arith.constant 0 : i32
      %ne3A_178 = arith.cmpi ne, %rem3A_176, %ne3A_177 : i32
      %and3A = arith.andi %ne3A, %ne3A_178 : i1
      %sub3A = arith.constant 1 : i32
      %sub3A_179 = arith.subi %div3A, %sub3A : i32
      %select_n3A = arith.select %and3A, %sub3A_179, %div3A : i32
      %add3A_180 = arith.constant 1 : i32
      %add3A_181 = arith.addi %select_n3A, %add3A_180 : i32
      %rem3A_182 = arith.constant 8 : i32
      %rem3A_183 = arith.remsi %add3A_131, %rem3A_182 : i32
      %eq3A = arith.constant 2 : i32
      %eq3A_184 = arith.cmpi eq, %rem3A_183, %eq3A : i32
      %ge3A = arith.constant 2 : i32
      %ge3A_185 = arith.cmpi sge, %add3A_181, %ge3A : i32
      %lt3A_186 = arith.constant 25 : i32
      %lt3A_187 = arith.cmpi slt, %add3A_181, %lt3A_186 : i32
      %and3A_188 = arith.andi %ge3A_185, %lt3A_187 : i1
      %and3A_189 = arith.andi %eq3A_184, %and3A_188 : i1
      %convert_element_type3A_190 = arith.extui %and3A_189 : i1 to i32
      %cond3A_191 = arith.constant 0 : i32
      %cond3A_192 = arith.cmpi ne, %convert_element_type3A_190, %cond3A_191 : i32
      scf.if %cond3A_192 {
        %rem3A_193 = arith.constant 2 : i32
        %rem3A_194 = arith.remsi %add3A_181, %rem3A_193 : i32
        %mul3A_195 = arith.constant 8 : i32
        %mul3A_196 = arith.muli %rem3A_194, %mul3A_195 : i32
        %multiple_of3A = tpu.assume_multiple %mul3A_196, 8 : i32
        %dma_start3A_197 = arith.constant 0 : i32
        %dma_start3A_198 = tpu.memref_slice %arg7[%multiple_of3A, %dma_start3A_197] : memref<16x50xi32, #tpu.memory_space<vmem>> -> memref<8x50xi32, #tpu.memory_space<vmem>>
        %dma_start3A_199 = arith.constant 0 : i32
        %dma_start3A_200 = arith.constant 0 : i32
        %dma_start3A_201 = tpu.memref_slice %arg3[%add3A, %add3A_181, %dma_start3A_199, %dma_start3A_200] : memref<32x25x8x50xi32, #tpu.memory_space<hbm>> -> memref<1x1x8x50xi32, #tpu.memory_space<hbm>>
        %dma_start3A_202 = tpu.memref_squeeze %dma_start3A_201 : memref<1x1x8x50xi32, #tpu.memory_space<hbm>> -> memref<8x50xi32, #tpu.memory_space<hbm>>
        %dma_start3A_203 = tpu.memref_slice %arg13[%rem3A_194] : memref<2x!tpu.dma_semaphore, #tpu.memory_space<semaphore_mem>> -> memref<1x!tpu.dma_semaphore, #tpu.memory_space<semaphore_mem>>
        %dma_start3A_204 = tpu.memref_squeeze %dma_start3A_203 : memref<1x!tpu.dma_semaphore, #tpu.memory_space<semaphore_mem>> -> memref<!tpu.dma_semaphore, #tpu.memory_space<semaphore_mem>>
        %dma_start3A_205 = arith.constant 0 : i32
        %dma_start3A_206 = tpu.memref_slice %arg7[%multiple_of3A, %dma_start3A_205] : memref<16x50xi32, #tpu.memory_space<vmem>> -> memref<8x50xi32, #tpu.memory_space<vmem>>
        %dma_start3A_207 = arith.constant 0 : i32
        %dma_start3A_208 = arith.constant 0 : i32
        %dma_start3A_209 = tpu.memref_slice %arg3[%add3A, %add3A_181, %dma_start3A_207, %dma_start3A_208] : memref<32x25x8x50xi32, #tpu.memory_space<hbm>> -> memref<1x1x8x50xi32, #tpu.memory_space<hbm>>
        %dma_start3A_210 = tpu.memref_squeeze %dma_start3A_209 : memref<1x1x8x50xi32, #tpu.memory_space<hbm>> -> memref<8x50xi32, #tpu.memory_space<hbm>>
        tpu.enqueue_dma source(%dma_start3A_210 : memref<8x50xi32, #tpu.memory_space<hbm>>) target(%dma_start3A_206 : memref<8x50xi32, #tpu.memory_space<vmem>>) target_semaphore(%dma_start3A_204 : memref<!tpu.dma_semaphore, #tpu.memory_space<semaphore_mem>>)
        %dma_start3A_211 = arith.constant 0 : i32
        %dma_start3A_212 = tpu.memref_slice %arg8[%multiple_of3A, %dma_start3A_211] : memref<16x50xi32, #tpu.memory_space<vmem>> -> memref<8x50xi32, #tpu.memory_space<vmem>>
        %dma_start3A_213 = arith.constant 0 : i32
        %dma_start3A_214 = arith.constant 0 : i32
        %dma_start3A_215 = tpu.memref_slice %arg4[%add3A, %add3A_181, %dma_start3A_213, %dma_start3A_214] : memref<32x25x8x50xi32, #tpu.memory_space<hbm>> -> memref<1x1x8x50xi32, #tpu.memory_space<hbm>>
        %dma_start3A_216 = tpu.memref_squeeze %dma_start3A_215 : memref<1x1x8x50xi32, #tpu.memory_space<hbm>> -> memref<8x50xi32, #tpu.memory_space<hbm>>
        %dma_start3A_217 = tpu.memref_slice %arg13[%rem3A_194] : memref<2x!tpu.dma_semaphore, #tpu.memory_space<semaphore_mem>> -> memref<1x!tpu.dma_semaphore, #tpu.memory_space<semaphore_mem>>
        %dma_start3A_218 = tpu.memref_squeeze %dma_start3A_217 : memref<1x!tpu.dma_semaphore, #tpu.memory_space<semaphore_mem>> -> memref<!tpu.dma_semaphore, #tpu.memory_space<semaphore_mem>>
        %dma_start3A_219 = arith.constant 0 : i32
        %dma_start3A_220 = tpu.memref_slice %arg8[%multiple_of3A, %dma_start3A_219] : memref<16x50xi32, #tpu.memory_space<vmem>> -> memref<8x50xi32, #tpu.memory_space<vmem>>
        %dma_start3A_221 = arith.constant 0 : i32
        %dma_start3A_222 = arith.constant 0 : i32
        %dma_start3A_223 = tpu.memref_slice %arg4[%add3A, %add3A_181, %dma_start3A_221, %dma_start3A_222] : memref<32x25x8x50xi32, #tpu.memory_space<hbm>> -> memref<1x1x8x50xi32, #tpu.memory_space<hbm>>
        %dma_start3A_224 = tpu.memref_squeeze %dma_start3A_223 : memref<1x1x8x50xi32, #tpu.memory_space<hbm>> -> memref<8x50xi32, #tpu.memory_space<hbm>>
        tpu.enqueue_dma source(%dma_start3A_224 : memref<8x50xi32, #tpu.memory_space<hbm>>) target(%dma_start3A_220 : memref<8x50xi32, #tpu.memory_space<vmem>>) target_semaphore(%dma_start3A_218 : memref<!tpu.dma_semaphore, #tpu.memory_space<semaphore_mem>>)
      } else {
      }
    }
    %scan3A_117 = arith.constant 200 : i32
    %scan3A_118 = arith.constant 0 : i32
    %scan3A_119 = arith.constant 6 : i32
    %scan3A_120 = arith.addi %scan3A_118, %scan3A_119 : i32
    %scan3A_121 = arith.constant 1 : i32
    scf.for %scan3A_127 = %scan3A_118 to %scan3A_120 step %scan3A_121  : i32 {
      %mul3A_128 = arith.constant 1 : i32
      %mul3A_129 = arith.muli %scan3A_127, %mul3A_128 : i32
      %add3A_130 = arith.constant 0 : i32
      %add3A_131 = arith.addi %add3A_130, %mul3A_129 : i32
      %dma_wait3A = arith.constant 0 : i32
      %dma_wait3A_132 = arith.constant 0 : i32
      %dma_wait3A_133 = arith.constant 0 : i32
      %dma_wait3A_134 = tpu.memref_slice %arg9[%add3A_131, %dma_wait3A_132, %dma_wait3A_133] : memref<6x50x128xf32, #tpu.memory_space<vmem>> -> memref<1x50x128xf32, #tpu.memory_space<vmem>>
      %dma_wait3A_135 = tpu.memref_squeeze %dma_wait3A_134 : memref<1x50x128xf32, #tpu.memory_space<vmem>> -> memref<50x128xf32, #tpu.memory_space<vmem>>
      %dma_wait3A_136 = arith.constant 0 : i32
      %dma_wait3A_137 = tpu.memref_slice %arg8[%dma_wait3A, %dma_wait3A_136] : memref<16x50xi32, #tpu.memory_space<vmem>> -> memref<1x50xi32, #tpu.memory_space<vmem>>
      %dma_wait3A_138 = tpu.memref_squeeze %dma_wait3A_137 : memref<1x50xi32, #tpu.memory_space<vmem>> -> memref<50xi32, #tpu.memory_space<vmem>>
      %dma_wait3A_139 = arith.constant 0 : i32
      %dma_wait3A_140 = arith.constant 0 : i32
      %dma_wait3A_141 = tpu.memref_slice %arg10[%dma_wait3A_139, %dma_wait3A_140] : memref<10000x128xf32, #tpu.memory_space<vmem_shared>> -> memref<10000x128xf32, #tpu.memory_space<vmem_shared>>
      %dma_wait3A_142 = tpu.memref_slice %arg12[%add3A_131] : memref<6x!tpu.dma_semaphore, #tpu.memory_space<semaphore_mem>> -> memref<1x!tpu.dma_semaphore, #tpu.memory_space<semaphore_mem>>
      %dma_wait3A_143 = tpu.memref_squeeze %dma_wait3A_142 : memref<1x!tpu.dma_semaphore, #tpu.memory_space<semaphore_mem>> -> memref<!tpu.dma_semaphore, #tpu.memory_space<semaphore_mem>>
      tpu.wait_indirect_dma semaphore(%dma_wait3A_143 : memref<!tpu.dma_semaphore, #tpu.memory_space<semaphore_mem>>) src(%dma_wait3A_135 : memref<50x128xf32, #tpu.memory_space<vmem>>) dst(%dma_wait3A_141 : memref<10000x128xf32, #tpu.memory_space<vmem_shared>>)
    }
    %scan3A_122 = arith.constant 6 : i32
    %barrier3A_123 = arith.constant 0 : index
    tpu.barrier barrier_id(%barrier3A_123)
    %mul3A_124 = arith.constant 10000 : i32
    %mul3A_125 = arith.muli %arg0, %mul3A_124 : i32
    %add3A_126 = arith.addi %mul3A_125, %mul3A_2 : i32
    "tpu.region"() ({
      %run_scoped3A_127 = tpu.sem_alloc : memref<!tpu.dma_semaphore, #tpu.memory_space<semaphore_mem>>
      %dma_start3A_128 = arith.constant 0 : i32
      %dma_start3A_129 = tpu.memref_slice %arg6[%add3A_126, %dma_start3A_128] : memref<20000x128xf32, #tpu.memory_space<hbm>> -> memref<640x128xf32, #tpu.memory_space<hbm>>
      %dma_start3A_130 = arith.constant 0 : i32
      %dma_start3A_131 = tpu.memref_slice %arg10[%mul3A_2, %dma_start3A_130] : memref<10000x128xf32, #tpu.memory_space<vmem_shared>> -> memref<640x128xf32, #tpu.memory_space<vmem_shared>>
      tpu.enqueue_dma source(%dma_start3A_131 : memref<640x128xf32, #tpu.memory_space<vmem_shared>>) target(%dma_start3A_129 : memref<640x128xf32, #tpu.memory_space<hbm>>) target_semaphore(%run_scoped3A_127 : memref<!tpu.dma_semaphore, #tpu.memory_space<semaphore_mem>>)
      %dma_wait3A = arith.constant 0 : i32
      %dma_wait3A_132 = tpu.memref_slice %arg6[%add3A_126, %dma_wait3A] : memref<20000x128xf32, #tpu.memory_space<hbm>> -> memref<640x128xf32, #tpu.memory_space<hbm>>
      %dma_wait3A_133 = arith.constant 0 : i32
      %dma_wait3A_134 = tpu.memref_slice %arg10[%mul3A_2, %dma_wait3A_133] : memref<10000x128xf32, #tpu.memory_space<vmem_shared>> -> memref<640x128xf32, #tpu.memory_space<vmem_shared>>
      tpu.wait_dma2 semaphore(%run_scoped3A_127 : memref<!tpu.dma_semaphore, #tpu.memory_space<semaphore_mem>>) src(%dma_wait3A_134 : memref<640x128xf32, #tpu.memory_space<vmem_shared>>) dst(%dma_wait3A_132 : memref<640x128xf32, #tpu.memory_space<hbm>>)
      tpu.yield
    }) : () -> ()
    return
  }
}

module attributes {stable_mosaic.version = 14 : i64} {
  func.func @_prep_body(%arg0: i32, %arg1: memref<1000x128xf32, #tpu.memory_space<vmem>>, %arg2: memref<2x1000x128xf32, #tpu.memory_space<vmem>>, %arg3: memref<2x1000x128xf32, #tpu.memory_space<vmem>>, %arg4: memref<1000x128xf32, #tpu.memory_space<vmem>>, %arg5: memref<1000x16xf32, #tpu.memory_space<vmem>>, %arg6: memref<1000x16xf32, #tpu.memory_space<vmem>>) attributes {dimension_semantics = [#tpu.dimension_semantics<arbitrary>], iteration_bounds = array<i64: 10>, scalar_prefetch = 0 : i64, scratch_operands = 0 : i64, tpu.core_type = #tpu.core_type<tc>, window_params = [{transform_indices = @transform_0, window_bounds = array<i64: 1000, 128>}, {transform_indices = @transform_1, window_bounds = array<i64: 2, 1000, 128>}, {transform_indices = @transform_2, window_bounds = array<i64: 2, 1000, 128>}, {transform_indices = @transform_3, window_bounds = array<i64: 1000, 128>}, {transform_indices = @transform_4, window_bounds = array<i64: 1000, 16>}, {transform_indices = @transform_5, window_bounds = array<i64: 1000, 16>}]} {
    %get3A = arith.constant 0 : index
    %get3A_0 = arith.constant 0 : index
    %get3A_1 = arith.constant 0 : index
    %get3A_2 = vector.load %arg2[%get3A, %get3A_0, %get3A_1] : memref<2x1000x128xf32, #tpu.memory_space<vmem>>, vector<1x1000x128xf32>
    %get3A_3 = vector.shape_cast %get3A_2 : vector<1x1000x128xf32> to vector<1000x128xf32>
    %slice3A = vector.extract_strided_slice %get3A_3 {offsets = [0, 0], sizes = [1000, 16], strides = [1, 1]} : vector<1000x128xf32> to vector<1000x16xf32>
    %get3A_4 = arith.constant 1 : index
    %get3A_5 = arith.constant 0 : index
    %get3A_6 = arith.constant 0 : index
    %get3A_7 = vector.load %arg2[%get3A_4, %get3A_5, %get3A_6] : memref<2x1000x128xf32, #tpu.memory_space<vmem>>, vector<1x1000x128xf32>
    %get3A_8 = vector.shape_cast %get3A_7 : vector<1x1000x128xf32> to vector<1000x128xf32>
    %slice3A_9 = vector.extract_strided_slice %get3A_8 {offsets = [0, 0], sizes = [1000, 16], strides = [1, 1]} : vector<1000x128xf32> to vector<1000x16xf32>
    %add3A = arith.addf %slice3A, %slice3A_9 : vector<1000x16xf32>
    %get3A_10 = arith.constant 0 : index
    %get3A_11 = arith.constant 0 : index
    %get3A_12 = arith.constant 0 : index
    %get3A_13 = vector.load %arg3[%get3A_10, %get3A_11, %get3A_12] : memref<2x1000x128xf32, #tpu.memory_space<vmem>>, vector<1x1000x128xf32>
    %get3A_14 = vector.shape_cast %get3A_13 : vector<1x1000x128xf32> to vector<1000x128xf32>
    %slice3A_15 = vector.extract_strided_slice %get3A_14 {offsets = [0, 0], sizes = [1000, 16], strides = [1, 1]} : vector<1000x128xf32> to vector<1000x16xf32>
    %get3A_16 = arith.constant 1 : index
    %get3A_17 = arith.constant 0 : index
    %get3A_18 = arith.constant 0 : index
    %get3A_19 = vector.load %arg3[%get3A_16, %get3A_17, %get3A_18] : memref<2x1000x128xf32, #tpu.memory_space<vmem>>, vector<1x1000x128xf32>
    %get3A_20 = vector.shape_cast %get3A_19 : vector<1x1000x128xf32> to vector<1000x128xf32>
    %slice3A_21 = vector.extract_strided_slice %get3A_20 {offsets = [0, 0], sizes = [1000, 16], strides = [1, 1]} : vector<1000x128xf32> to vector<1000x16xf32>
    %add3A_22 = arith.addf %slice3A_15, %slice3A_21 : vector<1000x16xf32>
    %sub3A = arith.subf %add3A_22, %add3A : vector<1000x16xf32>
    %max3A = arith.constant 1.000000e+00 : f32
    %max3A_23 = vector.broadcast %max3A : f32 to vector<1000x16xf32>
    %max3A_24 = arith.maximumf %add3A, %max3A_23 : vector<1000x16xf32>
    %rsqrt3A = math.rsqrt %max3A_24 : vector<1000x16xf32>
    %max3A_25 = arith.constant 1.000000e+00 : f32
    %max3A_26 = vector.broadcast %max3A_25 : f32 to vector<1000x16xf32>
    %max3A_27 = arith.maximumf %sub3A, %max3A_26 : vector<1000x16xf32>
    %rsqrt3A_28 = math.rsqrt %max3A_27 : vector<1000x16xf32>
    %swap3A = arith.constant 0 : index
    %swap3A_29 = arith.constant 0 : index
    %swap3A_30 = vector.load %arg5[%swap3A, %swap3A_29] : memref<1000x16xf32, #tpu.memory_space<vmem>>, vector<1000x16xf32>
    tpu.vector_store %arg5[%swap3A, %swap3A_29], %rsqrt3A {strides = array<i32>} : memref<1000x16xf32, #tpu.memory_space<vmem>>, vector<1000x16xf32>,
    %swap3A_31 = arith.constant 0 : index
    %swap3A_32 = arith.constant 0 : index
    %swap3A_33 = vector.load %arg6[%swap3A_31, %swap3A_32] : memref<1000x16xf32, #tpu.memory_space<vmem>>, vector<1000x16xf32>
    tpu.vector_store %arg6[%swap3A_31, %swap3A_32], %rsqrt3A_28 {strides = array<i32>} : memref<1000x16xf32, #tpu.memory_space<vmem>>, vector<1000x16xf32>,
    %get3A_34 = arith.constant 0 : index
    %get3A_35 = arith.constant 0 : index
    %get3A_36 = vector.load %arg1[%get3A_34, %get3A_35] : memref<1000x128xf32, #tpu.memory_space<vmem>>, vector<1000x128xf32>
    %slice3A_37 = vector.extract_strided_slice %rsqrt3A {offsets = [0, 0], sizes = [1000, 1], strides = [1, 1]} : vector<1000x16xf32> to vector<1000x1xf32>
    %mul3A = vector.broadcast %slice3A_37 : vector<1000x1xf32> to vector<1000x128xf32>
    %mul3A_38 = arith.mulf %get3A_36, %mul3A : vector<1000x128xf32>
    %swap3A_39 = arith.constant 0 : index
    %swap3A_40 = arith.constant 0 : index
    %swap3A_41 = vector.load %arg4[%swap3A_39, %swap3A_40] : memref<1000x128xf32, #tpu.memory_space<vmem>>, vector<1000x128xf32>
    tpu.vector_store %arg4[%swap3A_39, %swap3A_40], %mul3A_38 {strides = array<i32>} : memref<1000x128xf32, #tpu.memory_space<vmem>>, vector<1000x128xf32>,
    return
  }
  func.func @transform_0(%arg0: i32) -> (i32, i32) {
    %c0_i32 = arith.constant 0 : i32
    %c0_i32_0 = arith.constant 0 : i32
    return %arg0, %c0_i32 : i32, i32
  }
  func.func @transform_1(%arg0: i32) -> (i32, i32, i32) {
    %c0_i32 = arith.constant 0 : i32
    %c0_i32_0 = arith.constant 0 : i32
    %c0_i32_1 = arith.constant 0 : i32
    return %c0_i32, %arg0, %c0_i32_0 : i32, i32, i32
  }
  func.func @transform_2(%arg0: i32) -> (i32, i32, i32) {
    %c0_i32 = arith.constant 0 : i32
    %c0_i32_0 = arith.constant 0 : i32
    %c0_i32_1 = arith.constant 0 : i32
    return %c0_i32, %arg0, %c0_i32_0 : i32, i32, i32
  }
  func.func @transform_3(%arg0: i32) -> (i32, i32) {
    %c0_i32 = arith.constant 0 : i32
    %c0_i32_0 = arith.constant 0 : i32
    return %arg0, %c0_i32 : i32, i32
  }
  func.func @transform_4(%arg0: i32) -> (i32, i32) {
    %c0_i32 = arith.constant 0 : i32
    %c0_i32_0 = arith.constant 0 : i32
    return %arg0, %c0_i32 : i32, i32
  }
  func.func @transform_5(%arg0: i32) -> (i32, i32) {
    %c0_i32 = arith.constant 0 : i32
    %c0_i32_0 = arith.constant 0 : i32
    return %arg0, %c0_i32 : i32, i32
  }
}

module attributes {stable_mosaic.version = 14 : i64} {
  func.func @_layer_body(%arg0: i32, %arg1: memref<2x1000x128xf32, #tpu.memory_space<vmem>>, %arg2: memref<1000x16xf32, #tpu.memory_space<vmem>>, %arg3: memref<1000x16xf32, #tpu.memory_space<vmem>>, %arg4: memref<128x128xf32, #tpu.memory_space<vmem>>, %arg5: memref<1x128xf32, #tpu.memory_space<vmem>>, %arg6: memref<1000x128xf32, #tpu.memory_space<vmem>>) attributes {dimension_semantics = [#tpu.dimension_semantics<arbitrary>], iteration_bounds = array<i64: 10>, scalar_prefetch = 0 : i64, scratch_operands = 0 : i64, tpu.core_type = #tpu.core_type<tc>, window_params = [{transform_indices = @transform_0, window_bounds = array<i64: 2, 1000, 128>}, {transform_indices = @transform_1, window_bounds = array<i64: 1000, 16>}, {transform_indices = @transform_2, window_bounds = array<i64: 1000, 16>}, {pipeline_mode = #tpu.pipeline_mode<synchronous>, transform_indices = @transform_3, window_bounds = array<i64: 128, 128>}, {pipeline_mode = #tpu.pipeline_mode<synchronous>, transform_indices = @transform_4, window_bounds = array<i64: 1, 128>}, {transform_indices = @transform_5, window_bounds = array<i64: 1000, 128>}]} {
    %get3A = arith.constant 0 : index
    %get3A_0 = arith.constant 0 : index
    %get3A_1 = arith.constant 0 : index
    %get3A_2 = vector.load %arg1[%get3A, %get3A_0, %get3A_1] : memref<2x1000x128xf32, #tpu.memory_space<vmem>>, vector<1x1000x128xf32>
    %get3A_3 = vector.shape_cast %get3A_2 : vector<1x1000x128xf32> to vector<1000x128xf32>
    %get3A_4 = arith.constant 1 : index
    %get3A_5 = arith.constant 0 : index
    %get3A_6 = arith.constant 0 : index
    %get3A_7 = vector.load %arg1[%get3A_4, %get3A_5, %get3A_6] : memref<2x1000x128xf32, #tpu.memory_space<vmem>>, vector<1x1000x128xf32>
    %get3A_8 = vector.shape_cast %get3A_7 : vector<1x1000x128xf32> to vector<1000x128xf32>
    %add3A = arith.addf %get3A_3, %get3A_8 : vector<1000x128xf32>
    %get3A_9 = arith.constant 0 : index
    %get3A_10 = arith.constant 0 : index
    %get3A_11 = vector.load %arg3[%get3A_9, %get3A_10] : memref<1000x16xf32, #tpu.memory_space<vmem>>, vector<1000x16xf32>
    %slice3A = vector.extract_strided_slice %get3A_11 {offsets = [0, 0], sizes = [1000, 1], strides = [1, 1]} : vector<1000x16xf32> to vector<1000x1xf32>
    %mul3A = vector.broadcast %slice3A : vector<1000x1xf32> to vector<1000x128xf32>
    %mul3A_12 = arith.mulf %add3A, %mul3A : vector<1000x128xf32>
    %get3A_13 = arith.constant 0 : index
    %get3A_14 = arith.constant 0 : index
    %get3A_15 = vector.load %arg4[%get3A_13, %get3A_14] : memref<128x128xf32, #tpu.memory_space<vmem>>, vector<128x128xf32>
    %dot_general3A = arith.constant dense<0.000000e+00> : vector<1000x128xf32>
    %dot_general3A_16 = tpu.matmul %mul3A_12, %get3A_15, %dot_general3A {dimension_numbers = #tpu.dot_dimension_numbers<[1], [0], [0], [1], [0, 0, 1, 1], [], []>, transpose_lhs_hint = false} : vector<1000x128xf32>, vector<128x128xf32>, vector<1000x128xf32> -> vector<1000x128xf32>
    %get3A_17 = arith.constant 0 : index
    %get3A_18 = arith.constant 0 : index
    %get3A_19 = vector.load %arg5[%get3A_17, %get3A_18] : memref<1x128xf32, #tpu.memory_space<vmem>>, vector<1x128xf32>
    %add3A_20 = vector.broadcast %get3A_19 : vector<1x128xf32> to vector<1000x128xf32>
    %add3A_21 = arith.addf %dot_general3A_16, %add3A_20 : vector<1000x128xf32>
    %max3A = arith.constant 0.000000e+00 : f32
    %max3A_22 = vector.broadcast %max3A : f32 to vector<1000x128xf32>
    %max3A_23 = arith.maximumf %add3A_21, %max3A_22 : vector<1000x128xf32>
    %get3A_24 = arith.constant 0 : index
    %get3A_25 = arith.constant 0 : index
    %get3A_26 = vector.load %arg2[%get3A_24, %get3A_25] : memref<1000x16xf32, #tpu.memory_space<vmem>>, vector<1000x16xf32>
    %slice3A_27 = vector.extract_strided_slice %get3A_26 {offsets = [0, 0], sizes = [1000, 1], strides = [1, 1]} : vector<1000x16xf32> to vector<1000x1xf32>
    %mul3A_28 = vector.broadcast %slice3A_27 : vector<1000x1xf32> to vector<1000x128xf32>
    %mul3A_29 = arith.mulf %max3A_23, %mul3A_28 : vector<1000x128xf32>
    %swap3A = arith.constant 0 : index
    %swap3A_30 = arith.constant 0 : index
    %swap3A_31 = vector.load %arg6[%swap3A, %swap3A_30] : memref<1000x128xf32, #tpu.memory_space<vmem>>, vector<1000x128xf32>
    tpu.vector_store %arg6[%swap3A, %swap3A_30], %mul3A_29 {strides = array<i32>} : memref<1000x128xf32, #tpu.memory_space<vmem>>, vector<1000x128xf32>,
    return
  }
  func.func @transform_0(%arg0: i32) -> (i32, i32, i32) {
    %c0_i32 = arith.constant 0 : i32
    %c0_i32_0 = arith.constant 0 : i32
    %c0_i32_1 = arith.constant 0 : i32
    return %c0_i32, %arg0, %c0_i32_0 : i32, i32, i32
  }
  func.func @transform_1(%arg0: i32) -> (i32, i32) {
    %c0_i32 = arith.constant 0 : i32
    %c0_i32_0 = arith.constant 0 : i32
    return %arg0, %c0_i32 : i32, i32
  }
  func.func @transform_2(%arg0: i32) -> (i32, i32) {
    %c0_i32 = arith.constant 0 : i32
    %c0_i32_0 = arith.constant 0 : i32
    return %arg0, %c0_i32 : i32, i32
  }
  func.func @transform_3(%arg0: i32) -> (i32, i32) {
    %c0_i32 = arith.constant 0 : i32
    %c0_i32_0 = arith.constant 0 : i32
    %c0_i32_1 = arith.constant 0 : i32
    return %c0_i32, %c0_i32_0 : i32, i32
  }
  func.func @transform_4(%arg0: i32) -> (i32, i32) {
    %c0_i32 = arith.constant 0 : i32
    %c0_i32_0 = arith.constant 0 : i32
    %c0_i32_1 = arith.constant 0 : i32
    return %c0_i32, %c0_i32_0 : i32, i32
  }
  func.func @transform_5(%arg0: i32) -> (i32, i32) {
    %c0_i32 = arith.constant 0 : i32
    %c0_i32_0 = arith.constant 0 : i32
    return %arg0, %c0_i32 : i32, i32
  }
}

module attributes {stable_mosaic.version = 14 : i64} {
  func.func @_layer_body(%arg0: i32, %arg1: memref<2x1000x128xf32, #tpu.memory_space<vmem>>, %arg2: memref<1000x16xf32, #tpu.memory_space<vmem>>, %arg3: memref<1000x16xf32, #tpu.memory_space<vmem>>, %arg4: memref<128x128xf32, #tpu.memory_space<vmem>>, %arg5: memref<1x128xf32, #tpu.memory_space<vmem>>, %arg6: memref<1000x128xf32, #tpu.memory_space<vmem>>) attributes {dimension_semantics = [#tpu.dimension_semantics<arbitrary>], iteration_bounds = array<i64: 10>, scalar_prefetch = 0 : i64, scratch_operands = 0 : i64, tpu.core_type = #tpu.core_type<tc>, window_params = [{transform_indices = @transform_0, window_bounds = array<i64: 2, 1000, 128>}, {transform_indices = @transform_1, window_bounds = array<i64: 1000, 16>}, {transform_indices = @transform_2, window_bounds = array<i64: 1000, 16>}, {pipeline_mode = #tpu.pipeline_mode<synchronous>, transform_indices = @transform_3, window_bounds = array<i64: 128, 128>}, {pipeline_mode = #tpu.pipeline_mode<synchronous>, transform_indices = @transform_4, window_bounds = array<i64: 1, 128>}, {transform_indices = @transform_5, window_bounds = array<i64: 1000, 128>}]} {
    %get3A = arith.constant 0 : index
    %get3A_0 = arith.constant 0 : index
    %get3A_1 = arith.constant 0 : index
    %get3A_2 = vector.load %arg1[%get3A, %get3A_0, %get3A_1] : memref<2x1000x128xf32, #tpu.memory_space<vmem>>, vector<1x1000x128xf32>
    %get3A_3 = vector.shape_cast %get3A_2 : vector<1x1000x128xf32> to vector<1000x128xf32>
    %get3A_4 = arith.constant 1 : index
    %get3A_5 = arith.constant 0 : index
    %get3A_6 = arith.constant 0 : index
    %get3A_7 = vector.load %arg1[%get3A_4, %get3A_5, %get3A_6] : memref<2x1000x128xf32, #tpu.memory_space<vmem>>, vector<1x1000x128xf32>
    %get3A_8 = vector.shape_cast %get3A_7 : vector<1x1000x128xf32> to vector<1000x128xf32>
    %add3A = arith.addf %get3A_3, %get3A_8 : vector<1000x128xf32>
    %get3A_9 = arith.constant 0 : index
    %get3A_10 = arith.constant 0 : index
    %get3A_11 = vector.load %arg3[%get3A_9, %get3A_10] : memref<1000x16xf32, #tpu.memory_space<vmem>>, vector<1000x16xf32>
    %slice3A = vector.extract_strided_slice %get3A_11 {offsets = [0, 0], sizes = [1000, 1], strides = [1, 1]} : vector<1000x16xf32> to vector<1000x1xf32>
    %mul3A = vector.broadcast %slice3A : vector<1000x1xf32> to vector<1000x128xf32>
    %mul3A_12 = arith.mulf %add3A, %mul3A : vector<1000x128xf32>
    %get3A_13 = arith.constant 0 : index
    %get3A_14 = arith.constant 0 : index
    %get3A_15 = vector.load %arg4[%get3A_13, %get3A_14] : memref<128x128xf32, #tpu.memory_space<vmem>>, vector<128x128xf32>
    %dot_general3A = arith.constant dense<0.000000e+00> : vector<1000x128xf32>
    %dot_general3A_16 = tpu.matmul %mul3A_12, %get3A_15, %dot_general3A {dimension_numbers = #tpu.dot_dimension_numbers<[1], [0], [0], [1], [0, 0, 1, 1], [], []>, transpose_lhs_hint = false} : vector<1000x128xf32>, vector<128x128xf32>, vector<1000x128xf32> -> vector<1000x128xf32>
    %get3A_17 = arith.constant 0 : index
    %get3A_18 = arith.constant 0 : index
    %get3A_19 = vector.load %arg5[%get3A_17, %get3A_18] : memref<1x128xf32, #tpu.memory_space<vmem>>, vector<1x128xf32>
    %add3A_20 = vector.broadcast %get3A_19 : vector<1x128xf32> to vector<1000x128xf32>
    %add3A_21 = arith.addf %dot_general3A_16, %add3A_20 : vector<1000x128xf32>
    %swap3A = arith.constant 0 : index
    %swap3A_22 = arith.constant 0 : index
    %swap3A_23 = vector.load %arg6[%swap3A, %swap3A_22] : memref<1000x128xf32, #tpu.memory_space<vmem>>, vector<1000x128xf32>
    tpu.vector_store %arg6[%swap3A, %swap3A_22], %add3A_21 {strides = array<i32>} : memref<1000x128xf32, #tpu.memory_space<vmem>>, vector<1000x128xf32>,
    return
  }
  func.func @transform_0(%arg0: i32) -> (i32, i32, i32) {
    %c0_i32 = arith.constant 0 : i32
    %c0_i32_0 = arith.constant 0 : i32
    %c0_i32_1 = arith.constant 0 : i32
    return %c0_i32, %arg0, %c0_i32_0 : i32, i32, i32
  }
  func.func @transform_1(%arg0: i32) -> (i32, i32) {
    %c0_i32 = arith.constant 0 : i32
    %c0_i32_0 = arith.constant 0 : i32
    return %arg0, %c0_i32 : i32, i32
  }
  func.func @transform_2(%arg0: i32) -> (i32, i32) {
    %c0_i32 = arith.constant 0 : i32
    %c0_i32_0 = arith.constant 0 : i32
    return %arg0, %c0_i32 : i32, i32
  }
  func.func @transform_3(%arg0: i32) -> (i32, i32) {
    %c0_i32 = arith.constant 0 : i32
    %c0_i32_0 = arith.constant 0 : i32
    %c0_i32_1 = arith.constant 0 : i32
    return %c0_i32, %c0_i32_0 : i32, i32
  }
  func.func @transform_4(%arg0: i32) -> (i32, i32) {
    %c0_i32 = arith.constant 0 : i32
    %c0_i32_0 = arith.constant 0 : i32
    %c0_i32_1 = arith.constant 0 : i32
    return %c0_i32, %c0_i32_0 : i32, i32
  }
  func.func @transform_5(%arg0: i32) -> (i32, i32) {
    %c0_i32 = arith.constant 0 : i32
    %c0_i32_0 = arith.constant 0 : i32
    return %arg0, %c0_i32 : i32, i32
  }
}

</mosaic_0001>

<sc_bundles>
// kernel: kernel.10.cloned.1.call-start
scs
__scs_entry_jumppad:
0x0: {  	(pc) =	sbr.rel $0x88, $3  }
0x1: {  	(tag) =	ssettag $0x0;
	lr =	simm.s32 $0x1  }
0x2: {  	[smem:$0x3F99] =	sst lr;
	_ =	strace $0xD0000000  }
0x3: {  	_ = 	snop  }
0x4: {  	_ = 	snop  }
0x5: {  	_ = 	snop  }
0x6: {  	_ = 	snop  }
0x7: {  	_ = 	snop  }
__scs_overlays_trampoline_lowered:
0x8: {  	[smem:$0x3FA8] =	sst s0  }
0x9: {  	[smem:$0x3FA9] =	sst s1  }
0xa: {  	[smem:$0x3FAA] =	sst s2  }
0xb: {  	[smem:$0x3FAB] =	sst s3  }
0xc: {  	[smem:$0x3FAC] =	sst s4  }
0xd: {  	[smem:$0x3FAD] =	sst s5  }
0xe: {  	[smem:$0x3FAE] =	sst s6  }
0xf: {  	[smem:$0x3FAF] =	sst s7  }
0x10: {  	[smem:$0x3FB0] =	sst s8  }
0x11: {  	[smem:$0x3FB1] =	sst s9;
	s0 =	simm.s32 @!p0 $0x0  }
0x12: {  	s1 =	sld [smem:$0x3F97];
	s0 =	simm.s32 @p0 $0x1  }
0x13: {  	[smem:$0x3FB2] =	sst s0;
	s0 =	simm.s32 @!p1 $0x0  }
0x14: {  	s2 =	sld [smem:$0x3F96];
	s0 =	simm.s32 @p1 $0x1  }
0x15: {  	[smem:$0x3FB3] =	sst s0;
	s0 =	simm.s32 @!p2 $0x0  }
0x16: {  	s3 =	sld [smem:$0x3FDB];
	s0 =	simm.s32 @p2 $0x1  }
0x17: {  	s4 =	simm.s32 $0x1BF5;
	[smem:$0x3FB5] =	sst s0  }
0x18: {  	s0 =	sld [smem:$0x3F98];
	_ =	swait.ge [sflag:s4], $0x0  }
0x19: {  	s7 =	sld [smem:$0x3F99]  }
0x1a: {  	s8 =	sadd.s32 $0xFFFFE003, lr  }
0x1b: {  	s9 =	sadd.s32 $0xFFFFFEF7, lr;
	s5 =	simm.s32 $0xFFFFFFFF;
	p2 =	slt.u32 s8, $0xFFFFF086  }
0x1c: {  	p1 =	slt.u32 s9, $0xF7A;
	s5 =	simm.s32 @!p2 $0x0  }
0x1d: {  	s5 =	simm.s32 @p1 $0x1;
	p0 =	seq.s32 s7, s2  }
0x1e: {  	s7 =	smul.u32 @!p0 $0xF7A, s2;
	p2 =	seq.s32 @!p0 s5, $0x0  }
0x1f: {  	s9 =	smul.u32 $0xF7A, s1;
	s8 =	simm.s32 @!p0 $0x1BF5;
	p2 =	por !p2, p0  }
0x20: {  	[sflag:s8] =	ssyncset.s32 @!p0 $0xFFFFF086;
	s6 =	sadd.s32 @!p0 s3, s7;
	s7 =	simm.s32 @!p0 $0x108  }
0x21: {  	s3 =	sadd.s32 s3, s9;
	s6 =	sadd.s32 @!p0 $0x88, s6;
	s7 =	simm.s32 @p2 $0x1082  }
0x22: {  	[simem:s7], [sflag:s8] =	dma.local @!p0 [hbm:s6], $0xF7A  }
0x23: {  	s9 =	sor.u32 $0xD0000000, s2;
	s6 =	simm.s32 $0x108;
	_ =	swait.ge @!p0 [sflag:s8], $0x0  }
0x24: {  	s3 =	sadd.s32 $0x88, s3;
	s6 =	simm.s32 @!p1 $0x1082;
	[sflag:s4] =	ssyncset.s32 $0xFFFFF086  }
0x25: {  	[simem:s6], [sflag:s4] =	dma.local [hbm:s3], $0xF7A  }
0x26: {  	[smem:$0x3F99] =	sst s1;
	(tag) =	ssettag s2;
	_ =	strace s9  }
0x27: {  	s1 =	sld [smem:$0x3FA9]  }
0x28: {  	s2 =	sld [smem:$0x3FAA]  }
0x29: {  	s4 =	sld [smem:$0x3FAC]  }
0x2a: {  	p0 =	seq.s32 s5, $0x0;
	s5 =	sld [smem:$0x3FAD]  }
0x2b: {  	s6 =	sld [smem:$0x3FAE]  }
0x2c: {  	s7 =	sld [smem:$0x3FAF]  }
0x2d: {  	s3 =	simm.s32 $0x108;
	s8 =	sld [smem:$0x3FB0]  }
0x2e: {  	s3 =	simm.s32 @!p0 $0x1082;
	s9 =	sld [smem:$0x3FB1]  }
0x2f: {  	lr =	sadd.s32 s0, s3;
	s0 =	sld [smem:$0x3FA8]  }
0x30: {  	s3 =	sld [smem:$0x3FAB]  }
0x31: {  	[smem:$0x3FB4] =	sst s10  }
0x32: {  	s10 =	sld [smem:$0x3FB2];
	_ =	sdelay $0x3  }
0x33: {  	p0 =	seq.s32 s10, $0x1;
	s10 =	sld [smem:$0x3FB4];
	_ =	sdelay $0x3  }
0x34: {  	[smem:$0x3FB4] =	sst s10  }
0x35: {  	s10 =	sld [smem:$0x3FB3];
	_ =	sdelay $0x3  }
0x36: {  	p1 =	seq.s32 s10, $0x1;
	s10 =	sld [smem:$0x3FB4];
	_ =	sdelay $0x3  }
0x37: {  	[smem:$0x3FB4] =	sst s10  }
0x38: {  	s10 =	sld [smem:$0x3FB5]  }
0x39: {  	_ = 	snop;
	(pc) =	sbr.ind lr, $3  }
0x3a: {  	_ = 	snop  }
0x3b: {  	_ = 	snop  }
0x3c: {  	p2 =	seq.s32 s10, $0x1;
	s10 =	sld [smem:$0x3FB4]  }
0x3d: {  	_ =	shalt  }
0x3e: {  	_ =	shalt  }
0x3f: {  	_ =	shalt  }
0x40: {  	_ =	shalt  }
0x41: {  	_ =	shalt  }
0x42: {  	_ =	shalt  }
0x43: {  	_ =	shalt  }
0x44: {  	_ =	shalt  }
0x45: {  	_ =	shalt  }
0x46: {  	_ =	shalt  }
0x47: {  	_ =	shalt  }
0x48: {  	_ =	shalt  }
0x49: {  	_ =	shalt  }
0x4a: {  	_ =	shalt  }
0x4b: {  	_ =	shalt  }
0x4c: {  	_ =	shalt  }
0x4d: {  	_ =	shalt  }
0x4e: {  	_ =	shalt  }
0x4f: {  	_ =	shalt  }
0x50: {  	_ =	shalt  }
0x51: {  	_ =	shalt  }
0x52: {  	_ =	shalt  }
0x53: {  	_ =	shalt  }
0x54: {  	_ =	shalt  }
0x55: {  	_ =	shalt  }
0x56: {  	_ =	shalt  }
0x57: {  	_ =	shalt  }
0x58: {  	_ =	shalt  }
0x59: {  	_ =	shalt  }
0x5a: {  	_ =	shalt  }
0x5b: {  	_ =	shalt  }
0x5c: {  	_ =	shalt  }
0x5d: {  	_ =	shalt  }
0x5e: {  	_ =	shalt  }
0x5f: {  	_ =	shalt  }
0x60: {  	_ =	shalt  }
0x61: {  	_ =	shalt  }
0x62: {  	_ =	shalt  }
0x63: {  	_ =	shalt  }
0x64: {  	_ =	shalt  }
0x65: {  	_ =	shalt  }
0x66: {  	_ =	shalt  }
0x67: {  	_ =	shalt  }
0x68: {  	_ =	shalt  }
0x69: {  	_ =	shalt  }
0x6a: {  	_ =	shalt  }
0x6b: {  	_ =	shalt  }
0x6c: {  	_ =	shalt  }
0x6d: {  	_ =	shalt  }
0x6e: {  	_ =	shalt  }
0x6f: {  	_ =	shalt  }
0x70: {  	_ =	shalt  }
0x71: {  	_ =	shalt  }
0x72: {  	_ =	shalt  }
0x73: {  	_ =	shalt  }
0x74: {  	_ =	shalt  }
0x75: {  	_ =	shalt  }
0x76: {  	_ =	shalt  }
0x77: {  	_ =	shalt  }
0x78: {  	_ =	shalt  }
0x79: {  	_ =	shalt  }
0x7a: {  	_ =	shalt  }
0x7b: {  	_ =	shalt  }
0x7c: {  	_ =	shalt  }
0x7d: {  	_ =	shalt  }
0x7e: {  	_ =	shalt  }
0x7f: {  	_ =	shalt  }
0x80: {  	_ =	shalt  }
0x81: {  	_ =	shalt  }
0x82: {  	_ =	shalt  }
0x83: {  	_ =	shalt  }
0x84: {  	_ =	shalt  }
0x85: {  	_ =	shalt  }
0x86: {  	_ =	shalt  }
0x87: {  	_ =	shalt  }
.Lfunc_end0:
.L_simem_size_0:
called_computation_lowered:
.L_overlay_start_0:
0x88: {  	s2 =	sld [smem:$0x3FD9]  }
0x89: {  	s3 =	sld [smem:$0x3FFE];
	_ =	sdelay $0x1  }
0x8a: {  	s1 =	srdreg.scid  }
0x8b: {  	s0 =	sand.u32 $0x1, s1  }
0x8c: {  	s17 =	sshll.u32 s0, $0xA;
	s2 =	sadd.s32 s3, s2  }
0x8d: {  	s2 =	sadd.s32 s2, s17  }
0x8e: {  	[smem:$0x3FC0] =	sst s2  }
0x8f: {  	_ = 	snop  }
0x90: {  	s2 =	sld [smem:$0x3FD0];
	(tm) =	ssettm $0x1  }
0x91: {  	s18 =	sld [smem:$0x3FFB];
	_ =	sdelay $0x3  }
0x92: {  	_ =	strace s18  }
0x93: {  	s3 =	sld [smem:$0x3FFC];
	_ =	sdelay $0x3  }
0x94: {  	_ =	strace s3  }
0x95: {  	s3 =	sld [smem:$0x3FFD];
	_ =	sdelay $0x3  }
0x96: {  	_ =	strace s3  }
0x97: {  	_ =	strace $0x8FFFFFFF  }
0x98: {  	s19 =	sld [smem:$0x3FDB];
	_ =	sdelay $0x1  }
0x99: {  	s4 =	simm.s32 $_scs_section_size  }
0x9a: {  	s5 =	simm.s32 $_size__tile_overlayer_lowered;
	s6 =	simm.s32 $_tile_overlayer_lowered  }
0x9b: {  	s22 =	simm.s32 $0x1BFF;
	s21 =	sshll.u32 s6, $0x1;
	s3 =	sadd.s32 s4, s19  }
0x9c: {  	s7 =	simm.s32 $0x0;
	s20 =	sshll.u32 s5, $0x1;
	s5 =	sadd.s32 s21, s3  }
0x9d: {  	[timem:s7], [sflag:s22] =	dma.local [hbm:s5], s20  }
0x9e: {  	_ =	swait.ge [sflag:s22], s20  }
0x9f: {  	s4 =	ssub.s32 $0x0, s20;
	[sflag:s22] =	ssyncset.done $0x0  }
0xa0: {  	[sflag:s22] =	ssyncadd.s32 s4;
	_ =	sdelay $0x1  }
0xa1: {  	s23 =	simm.s32 $0x1B8B  }
0xa2: {  	_ =	swait.ge [sflag:s23], $0x1  }
0xa3: {  	[sflag:s23] =	ssyncset.done $0x0  }
0xa4: {  	s25 =	simm.s32 $0x1B8E;
	s24 =	sld [smem:$0x3FFE];
	[sflag:s23] =	ssyncadd.s32 $0xFFFFFFFF  }
0xa5: {  	s26 =	simm.s32 $execute0_lowered;
	[smem:$0x3FD2] =	sst s25  }
0xa6: {  	s5 =	sshll.u32 s26, $0x1;
	_ =	strace $0x80000046;
	[dreg:$0x1] =	wrdreg $0xFFFFFFFF  }
0xa7: {  	s28 =	simm.s32 $_size_execute0_lowered;
	s3 =	sadd.s32 s3, s5;
	[dreg:$0x0] =	wrdreg $0x0  }
0xa8: {  	s5 =	sshll.u32 s28, $0x1;
	[dreg:$0x2] =	wrdreg s3  }
0xa9: {  	[dreg:$0x3] =	wrdreg s5  }
0xaa: {  	[dreg:$0x4] =	wrdreg $0xC0  }
0xab: {  	_ =	task [dreg:s7], $0x5FFFF  }
0xac: {  	[dreg:$0x1] =	wrdreg $0xFFFFFFFF  }
0xad: {  	[dreg:$0x0] =	wrdreg $0x60  }
0xae: {  	[dreg:$0x2] =	wrdreg s2  }
0xaf: {  	[dreg:$0x3] =	wrdreg s24  }
0xb0: {  	[dreg:$0x4] =	wrdreg $0x90000  }
0xb1: {  	[dreg:$0x5] =	wrdreg $0x9  }
0xb2: {  	_ =	task.clear_ibuf [dreg:s7], $0x6FFFF;
	_ =	strace $0x90000046  }
0xb3: {  	s29 =	simm.s32 $0x9;
	_ =	strace $0x80000048  }
0xb4: {  	_ =	swait.ge [sflag:s29], $0x1  }
0xb5: {  	[sflag:s29] =	ssyncadd.s32 $0xFFFFFFFF  }
0xb6: {  	_ =	strace $0x90000048  }
0xb7: {  	_ =	sfence  }
0xb8: {  	s30 =	sld [smem:$0x0];
	_ =	sdelay $0x2  }
0xb9: {  	s31 =	sshll.u32 s1, $0xD;
	s1 =	sshrl.u32 s1, $0x2  }
0xba: {  	s3 =	sand.u32 $0x4000, s31;
	s1 =	sadd.s32 s1, s30  }
0xbb: {  	s0 =	sor.u32 s3, s0;
	s1 =	sshll.u32 s1, $0x11  }
0xbc: {  	s0 =	sor.u32 s1, s0  }
0xbd: {  	s0 =	sadd.s32 $0x8F2B, s0  }
0xbe: {  	[sflag:s0] =	ssyncadd.remote.s32 $0x1  }
0xbf: {  	_ =	sfence.sel $0xFFFF  }
0xc0: {  	[dreg:$0x0] =	wrdreg $0xFFFFFFFF;
	(pc) =	sbr.abs _section_cstart, $3  }
0xc1: {  	[dreg:$0x1] =	wrdreg $0xFFFFFFFF  }
0xc2: {  	_ =	task.clear_ibuf [dreg:s7], $0x2FFFF;
	_ =	strace $0x9FFFFFFF  }
0xc3: {  	(tm) =	ssettm $0x7FFFFFFF  }
tec
execute0_lowered:
.L_overlay_start_1:
0x0: {  	(tag) =	ssettag $0x1  }
0x1: {  	s6 =	rddreg [dreg:$0x0]  }
0x2: {  	s7 =	rddreg [dreg:$0x1]  }
0x3: {  	s0 =	srdreg.scid;
	s2 =	rddreg [dreg:$0x2];
	s3 =	simm.s32 $0x0  }
0x4: {  	s15 =	simm.s32 $0x2800;
	s16 =	simm.s32 $0x7D;
	s17 =	simm.s32 $0x1  }
0x5: {  	s18 =	simm.s32 $0x0;
	s5 =	sand.u32 $0x1, s0;
	s0 =	stileid.u32  }
0x6: {  	[smem:$0x7FF] =	sst s3;
	s4 =	sadd.s32 $0xCA00, s7;
	s9 =	smul.u32 $0x270, s0  }
0x7: {  	s1 =	sshll.u32 s5, $0x4;
	s10 =	smul.u32 $0x2710, s5;
	s29 =	ssub.s32 $0x2, s5  }
0x8: {  	s12 =	smul.u32 $0x4E000, s0;
	s5 =	sadd.s32 $0xF200, s7;
	s1 =	sor.u32 s0, s1  }
0x9: {  	s31 =	sshll.u32 s0, $0x6;
	s13 =	sshrl.u32 s29, $0x1;
	s8 =	smul.u32 $0x500, s1  }
0xa: {  	s1 =	rddreg [dreg:$0x3];
	_ =	strace $0x80000047;
	s9 =	sadd.s32 s9, s10  }
0xb: {  	s10 =	ssub.s32 s29, s13;
	s30 =	sshrl.u32 s12, $0x2;
	s12 =	simm.s32 $0x2  }
0xc: {  	s13 =	sor.u32 $0x1C02, s31;
	s9 =	sshll.u32 s9, $0x4;
	s14 =	sadd.s32 s30, s2  }
0xd: {  	s10 =	smax.u32 s10, $0x1;
	s11 =	sadd.s32 s8, s7;
	s9 =	sadd.s32 s9, s7  }
0xe: {  	s6 =	sadd.s32 s6, s8;
	s14 =	sshrl.u32 s14, $0x3;
	s7 =	sadd.s32 $0x2A00, s11  }
0xf: {  	s8 =	sadd.s32 $0xFA00, s9;
	s9 =	sadd.s32 $0x5DC00, s9;
	s11 =	simm.s32 $0x5000  }
.LBB2_1:
0x10: {  	[tilespmem:s11], [sflag:$0x2] =	stream.linear.gather [hbm4b:s5+s3], $0x3E80, $0x38;
	[tilespmem:$0x1C880] =	vst v63  }
0x11: {  	_ =	swait.ge [sflag:s12], $0x3E80  }
0x12: {  	[sflag:s12] =	ssyncset.done $0x0  }
0x13: {  	[sflag:s12] =	ssyncadd.s32 $0xFFFFC180  }
0x14: {  	[spmem:s14], [sflag:s13] =	dma.local [hbm:s4], $0x2800  }
0x15: {  	_ =	swait.ge [sflag:s12], $0x2800  }
0x16: {  	[sflag:s12] =	ssyncset.done $0x0  }
0x17: {  	[sflag:s12] =	ssyncadd.s32 $0xFFFFD800  }
0x18: {  	[tilespmem:s3], [sflag:$0x2] =	stream.linear.gather [hbm4b:s6+s3], $0x2800, $0x38;
	[tilespmem:$0x1C880] =	vst v63  }
0x19: {  	_ =	swait.ge [sflag:s12], $0x2800  }
0x1a: {  	[sflag:s12] =	ssyncset.done $0x0  }
0x1b: {  	[sflag:s12] =	ssyncadd.s32 $0xFFFFD800  }
0x1c: {  	[tilespmem:s15], [sflag:$0x2] =	stream.linear.gather [hbm4b:s7+s3], $0x2800, $0x38;
	[tilespmem:$0x1C880] =	vst v63  }
0x1d: {  	_ =	swait.ge [sflag:s12], $0x2800  }
0x1e: {  	[sflag:s12] =	ssyncset.done $0x0  }
0x1f: {  	[sflag:s12] =	ssyncadd.s32 $0xFFFFD800  }
0x20: {  	s19 =	simm.s32 $0x0;
	[bflag:$0x0] =	sbarrier.arrive $0xFFFF  }
0x21: {  	[spmem:s2] =	stream.indirect.scatter.add.f32 [tilespmem:s11], [sflag:$0x1], $0x80, s19, s16, $0xb8;
	[tilespmem:$0x1C880] =	vst v63  }
0x22: {  	s24 =	simm.s32 $0x80  }
0x23: {  	[spmem:s2] =	stream.indirect.scatter.add.f32 [tilespmem:s11], [sflag:$0x1], $0x80, s24, s16, $0xb8;
	[tilespmem:$0x1C880] =	vst v63  }
0x24: {  	s25 =	simm.s32 $0x100  }
0x25: {  	[spmem:s2] =	stream.indirect.scatter.add.f32 [tilespmem:s11], [sflag:$0x1], $0x80, s25, s16, $0xb8;
	[tilespmem:$0x1C880] =	vst v63  }
0x26: {  	s26 =	simm.s32 $0x180  }
0x27: {  	[spmem:s2] =	stream.indirect.scatter.add.f32 [tilespmem:s11], [sflag:$0x1], $0x80, s26, s16, $0xb8;
	[tilespmem:$0x1C880] =	vst v63  }
0x28: {  	s28 =	simm.s32 $0x200  }
0x29: {  	[spmem:s2] =	stream.indirect.scatter.add.f32 [tilespmem:s11], [sflag:$0x1], $0x80, s28, s16, $0xb8;
	[tilespmem:$0x1C880] =	vst v63  }
0x2a: {  	s29 =	simm.s32 $0x280  }
0x2b: {  	[spmem:s2] =	stream.indirect.scatter.add.f32 [tilespmem:s11], [sflag:$0x1], $0x80, s29, s16, $0xb8;
	[tilespmem:$0x1C880] =	vst v63  }
0x2c: {  	s30 =	simm.s32 $0x300  }
0x2d: {  	[spmem:s2] =	stream.indirect.scatter.add.f32 [tilespmem:s11], [sflag:$0x1], $0x80, s30, s16, $0xb8;
	[tilespmem:$0x1C880] =	vst v63  }
0x2e: {  	s31 =	simm.s32 $0x380  }
0x2f: {  	[spmem:s2] =	stream.indirect.scatter.add.f32 [tilespmem:s11], [sflag:$0x1], $0x80, s31, s16, $0xb8;
	[tilespmem:$0x1C880] =	vst v63  }
0x30: {  	_ =	swait.ge [sflag:s17], $0x3E80  }
0x31: {  	[sflag:s17] =	ssyncset.done $0x0  }
0x32: {  	[sflag:s17] =	ssyncadd.s32 $0xFFFFC180  }
0x33: {  	_ =	swait.ge [sflag:s17], $0x3E80  }
0x34: {  	[sflag:s17] =	ssyncset.done $0x0  }
0x35: {  	[sflag:s17] =	ssyncadd.s32 $0xFFFFC180  }
0x36: {  	_ =	swait.ge [sflag:s17], $0x3E80  }
0x37: {  	[sflag:s17] =	ssyncset.done $0x0  }
0x38: {  	[sflag:s17] =	ssyncadd.s32 $0xFFFFC180  }
0x39: {  	_ =	swait.ge [sflag:s17], $0x3E80  }
0x3a: {  	[sflag:s17] =	ssyncset.done $0x0  }
0x3b: {  	[sflag:s17] =	ssyncadd.s32 $0xFFFFC180  }
0x3c: {  	_ =	swait.ge [sflag:s17], $0x3E80  }
0x3d: {  	[sflag:s17] =	ssyncset.done $0x0  }
0x3e: {  	[sflag:s17] =	ssyncadd.s32 $0xFFFFC180  }
0x3f: {  	_ =	swait.ge [sflag:s17], $0x3E80  }
0x40: {  	[sflag:s17] =	ssyncset.done $0x0  }
0x41: {  	[sflag:s17] =	ssyncadd.s32 $0xFFFFC180  }
0x42: {  	_ =	swait.ge [sflag:s17], $0x3E80  }
0x43: {  	[sflag:s17] =	ssyncset.done $0x0  }
0x44: {  	[sflag:s17] =	ssyncadd.s32 $0xFFFFC180  }
0x45: {  	_ =	swait.ge [sflag:s17], $0x3E80  }
0x46: {  	s21 =	simm.s32 $0x2000;
	s19 =	simm.s32 $0x1000;
	[sflag:s17] =	ssyncset.done $0x0  }
.LBB2_2:
0x47: {  	s22 =	sshra.s32 s19, $0x2  }
0x48: {  	[sflag:s17] =	ssyncadd.s32 $0xFFFFC180;
	s19 =	smov.u32 s21;
	s20 =	sadd.s32 $0x1000, s21  }
0x49: {  	[spmem:s2] =	stream.indirect.scatter.add.f32 [tilespmem:s11], [sflag:$0x1], $0x80, s22, s16, $0xb8;
	[tilespmem:$0x1C880] =	vst v63  }
0x4a: {  	p0 =	sne.s32 s21, $0x9000;
	s21 =	sadd.s32 $0x80, s22  }
0x4b: {  	[spmem:s2] =	stream.indirect.scatter.add.f32 [tilespmem:s11], [sflag:$0x1], $0x80, s21, s16, $0xb8;
	[tilespmem:$0x1C880] =	vst v63  }
0x4c: {  	s21 =	sadd.s32 $0x100, s22  }
0x4d: {  	[spmem:s2] =	stream.indirect.scatter.add.f32 [tilespmem:s11], [sflag:$0x1], $0x80, s21, s16, $0xb8;
	[tilespmem:$0x1C880] =	vst v63  }
0x4e: {  	s21 =	sadd.s32 $0x180, s22  }
0x4f: {  	[spmem:s2] =	stream.indirect.scatter.add.f32 [tilespmem:s11], [sflag:$0x1], $0x80, s21, s16, $0xb8;
	[tilespmem:$0x1C880] =	vst v63  }
0x50: {  	s21 =	sadd.s32 $0x200, s22  }
0x51: {  	[spmem:s2] =	stream.indirect.scatter.add.f32 [tilespmem:s11], [sflag:$0x1], $0x80, s21, s16, $0xb8;
	[tilespmem:$0x1C880] =	vst v63  }
0x52: {  	s21 =	sadd.s32 $0x280, s22  }
0x53: {  	[spmem:s2] =	stream.indirect.scatter.add.f32 [tilespmem:s11], [sflag:$0x1], $0x80, s21, s16, $0xb8;
	[tilespmem:$0x1C880] =	vst v63  }
0x54: {  	s21 =	sadd.s32 $0x300, s22  }
0x55: {  	[spmem:s2] =	stream.indirect.scatter.add.f32 [tilespmem:s11], [sflag:$0x1], $0x80, s21, s16, $0xb8;
	[tilespmem:$0x1C880] =	vst v63  }
0x56: {  	s21 =	sadd.s32 $0x380, s22  }
0x57: {  	[spmem:s2] =	stream.indirect.scatter.add.f32 [tilespmem:s11], [sflag:$0x1], $0x80, s21, s16, $0xb8;
	[tilespmem:$0x1C880] =	vst v63  }
0x58: {  	_ =	swait.ge [sflag:s17], $0x3E80  }
0x59: {  	[sflag:s17] =	ssyncset.done $0x0  }
0x5a: {  	[sflag:s17] =	ssyncadd.s32 $0xFFFFC180  }
0x5b: {  	_ =	swait.ge [sflag:s17], $0x3E80  }
0x5c: {  	[sflag:s17] =	ssyncset.done $0x0  }
0x5d: {  	[sflag:s17] =	ssyncadd.s32 $0xFFFFC180  }
0x5e: {  	_ =	swait.ge [sflag:s17], $0x3E80  }
0x5f: {  	[sflag:s17] =	ssyncset.done $0x0  }
0x60: {  	[sflag:s17] =	ssyncadd.s32 $0xFFFFC180  }
0x61: {  	_ =	swait.ge [sflag:s17], $0x3E80  }
0x62: {  	[sflag:s17] =	ssyncset.done $0x0  }
0x63: {  	[sflag:s17] =	ssyncadd.s32 $0xFFFFC180  }
0x64: {  	_ =	swait.ge [sflag:s17], $0x3E80  }
0x65: {  	[sflag:s17] =	ssyncset.done $0x0  }
0x66: {  	[sflag:s17] =	ssyncadd.s32 $0xFFFFC180  }
0x67: {  	_ =	swait.ge [sflag:s17], $0x3E80  }
0x68: {  	[sflag:s17] =	ssyncset.done $0x0  }
0x69: {  	[sflag:s17] =	ssyncadd.s32 $0xFFFFC180  }
.Ltmp0:
0x6a: {  	_ =	swait.ge [sflag:s17], $0x3E80;
	(pc) =	sbr.rel @p0 .LBB2_2-.Ltmp0, $4  }
0x6b: {  	[sflag:s17] =	ssyncset.done $0x0  }
0x6c: {  	[sflag:s17] =	ssyncadd.s32 $0xFFFFC180  }
0x6d: {  	_ =	swait.ge [sflag:s17], $0x3E80  }
0x6e: {  	s21 =	smov.u32 s20;
	[sflag:s17] =	ssyncset.done $0x0  }
0x6f: {  	s19 =	sshra.s32 s19, $0x2;
	[sflag:s17] =	ssyncadd.s32 $0xFFFFC180  }
0x70: {  	[spmem:s2] =	stream.indirect.scatter.add.f32 [tilespmem:s11], [sflag:$0x1], $0x80, s19, s16, $0xb8;
	[tilespmem:$0x1C880] =	vst v63  }
0x71: {  	s20 =	sadd.s32 $0x80, s19  }
0x72: {  	[spmem:s2] =	stream.indirect.scatter.add.f32 [tilespmem:s11], [sflag:$0x1], $0x80, s20, s16, $0xb8;
	[tilespmem:$0x1C880] =	vst v63  }
0x73: {  	s29 =	sadd.s32 $0x100, s19  }
0x74: {  	[spmem:s2] =	stream.indirect.scatter.add.f32 [tilespmem:s11], [sflag:$0x1], $0x80, s29, s16, $0xb8;
	[tilespmem:$0x1C880] =	vst v63  }
0x75: {  	s30 =	sadd.s32 $0x180, s19  }
0x76: {  	[spmem:s2] =	stream.indirect.scatter.add.f32 [tilespmem:s11], [sflag:$0x1], $0x80, s30, s16, $0xb8;
	[tilespmem:$0x1C880] =	vst v63  }
0x77: {  	s31 =	sadd.s32 $0x200, s19  }
0x78: {  	[spmem:s2] =	stream.indirect.scatter.add.f32 [tilespmem:s11], [sflag:$0x1], $0x80, s31, s16, $0xb8;
	[tilespmem:$0x1C880] =	vst v63  }
0x79: {  	s21 =	sadd.s32 $0x280, s19  }
0x7a: {  	[spmem:s2] =	stream.indirect.scatter.add.f32 [tilespmem:s11], [sflag:$0x1], $0x80, s21, s16, $0xb8;
	[tilespmem:$0x1C880] =	vst v63  }
0x7b: {  	s22 =	sadd.s32 $0x300, s19  }
0x7c: {  	[spmem:s2] =	stream.indirect.scatter.add.f32 [tilespmem:s11], [sflag:$0x1], $0x80, s22, s16, $0xb8;
	[tilespmem:$0x1C880] =	vst v63  }
0x7d: {  	s19 =	sadd.s32 $0x380, s19  }
0x7e: {  	[spmem:s2] =	stream.indirect.scatter.add.f32 [tilespmem:s11], [sflag:$0x1], $0x80, s19, s16, $0xb8;
	[tilespmem:$0x1C880] =	vst v63  }
0x7f: {  	_ =	swait.ge [sflag:s17], $0x3E80  }
0x80: {  	[sflag:s17] =	ssyncset.done $0x0  }
0x81: {  	[sflag:s17] =	ssyncadd.s32 $0xFFFFC180  }
0x82: {  	_ =	swait.ge [sflag:s17], $0x3E80  }
0x83: {  	[sflag:s17] =	ssyncset.done $0x0  }
0x84: {  	[sflag:s17] =	ssyncadd.s32 $0xFFFFC180  }
0x85: {  	_ =	swait.ge [sflag:s17], $0x3E80  }
0x86: {  	[sflag:s17] =	ssyncset.done $0x0  }
0x87: {  	[sflag:s17] =	ssyncadd.s32 $0xFFFFC180  }
0x88: {  	_ =	swait.ge [sflag:s17], $0x3E80  }
0x89: {  	[sflag:s17] =	ssyncset.done $0x0  }
0x8a: {  	[sflag:s17] =	ssyncadd.s32 $0xFFFFC180  }
0x8b: {  	_ =	swait.ge [sflag:s17], $0x3E80  }
0x8c: {  	[sflag:s17] =	ssyncset.done $0x0  }
0x8d: {  	[sflag:s17] =	ssyncadd.s32 $0xFFFFC180  }
0x8e: {  	_ =	swait.ge [sflag:s17], $0x3E80  }
0x8f: {  	[sflag:s17] =	ssyncset.done $0x0  }
0x90: {  	[sflag:s17] =	ssyncadd.s32 $0xFFFFC180  }
0x91: {  	_ =	swait.ge [sflag:s17], $0x3E80  }
0x92: {  	[sflag:s17] =	ssyncset.done $0x0  }
0x93: {  	[sflag:s17] =	ssyncadd.s32 $0xFFFFC180  }
0x94: {  	_ =	swait.ge [sflag:s17], $0x3E80  }
0x95: {  	[sflag:s17] =	ssyncset.done $0x0  }
0x96: {  	[sflag:s17] =	ssyncadd.s32 $0xFFFFC180  }
0x97: {  	[bflag:$0x0] =	sbarrier.arrive $0xFFFF  }
0x98: {  	[hbm:s8], [sflag:s13] =	dma.local [spmem:s14], $0x2800  }
0x99: {  	_ =	swait.ge [sflag:s12], $0x2800  }
0x9a: {  	[sflag:s12] =	ssyncset.done $0x0  }
0x9b: {  	[sflag:s12] =	ssyncadd.s32 $0xFFFFD800  }
0x9c: {  	s23 =	simm.s32 $0x2800;
	[bflag:$0x0] =	sbarrier.arrive $0xFFFF  }
0x9d: {  	[spmem:s2] =	stream.indirect.scatter.add.f32 [tilespmem:s11], [sflag:$0x1], $0x80, s23, s16, $0xb8;
	[tilespmem:$0x1C880] =	vst v63  }
0x9e: {  	s24 =	simm.s32 $0x2880  }
0x9f: {  	[spmem:s2] =	stream.indirect.scatter.add.f32 [tilespmem:s11], [sflag:$0x1], $0x80, s24, s16, $0xb8;
	[tilespmem:$0x1C880] =	vst v63  }
0xa0: {  	s25 =	simm.s32 $0x2900  }
0xa1: {  	[spmem:s2] =	stream.indirect.scatter.add.f32 [tilespmem:s11], [sflag:$0x1], $0x80, s25, s16, $0xb8;
	[tilespmem:$0x1C880] =	vst v63  }
0xa2: {  	s26 =	simm.s32 $0x2980  }
0xa3: {  	[spmem:s2] =	stream.indirect.scatter.add.f32 [tilespmem:s11], [sflag:$0x1], $0x80, s26, s16, $0xb8;
	[tilespmem:$0x1C880] =	vst v63  }
0xa4: {  	s28 =	simm.s32 $0x2A00  }
0xa5: {  	[spmem:s2] =	stream.indirect.scatter.add.f32 [tilespmem:s11], [sflag:$0x1], $0x80, s28, s16, $0xb8;
	[tilespmem:$0x1C880] =	vst v63  }
0xa6: {  	s29 =	simm.s32 $0x2A80  }
0xa7: {  	[spmem:s2] =	stream.indirect.scatter.add.f32 [tilespmem:s11], [sflag:$0x1], $0x80, s29, s16, $0xb8;
	[tilespmem:$0x1C880] =	vst v63  }
0xa8: {  	s30 =	simm.s32 $0x2B00  }
0xa9: {  	[spmem:s2] =	stream.indirect.scatter.add.f32 [tilespmem:s11], [sflag:$0x1], $0x80, s30, s16, $0xb8;
	[tilespmem:$0x1C880] =	vst v63  }
0xaa: {  	s31 =	simm.s32 $0x2B80  }
0xab: {  	[spmem:s2] =	stream.indirect.scatter.add.f32 [tilespmem:s11], [sflag:$0x1], $0x80, s31, s16, $0xb8;
	[tilespmem:$0x1C880] =	vst v63  }
0xac: {  	_ =	swait.ge [sflag:s17], $0x3E80  }
0xad: {  	[sflag:s17] =	ssyncset.done $0x0  }
0xae: {  	[sflag:s17] =	ssyncadd.s32 $0xFFFFC180  }
0xaf: {  	_ =	swait.ge [sflag:s17], $0x3E80  }
0xb0: {  	[sflag:s17] =	ssyncset.done $0x0  }
0xb1: {  	[sflag:s17] =	ssyncadd.s32 $0xFFFFC180  }
0xb2: {  	_ =	swait.ge [sflag:s17], $0x3E80  }
0xb3: {  	[sflag:s17] =	ssyncset.done $0x0  }
0xb4: {  	[sflag:s17] =	ssyncadd.s32 $0xFFFFC180  }
0xb5: {  	_ =	swait.ge [sflag:s17], $0x3E80  }
0xb6: {  	[sflag:s17] =	ssyncset.done $0x0  }
0xb7: {  	[sflag:s17] =	ssyncadd.s32 $0xFFFFC180  }
0xb8: {  	_ =	swait.ge [sflag:s17], $0x3E80  }
0xb9: {  	[sflag:s17] =	ssyncset.done $0x0  }
0xba: {  	[sflag:s17] =	ssyncadd.s32 $0xFFFFC180  }
0xbb: {  	_ =	swait.ge [sflag:s17], $0x3E80  }
0xbc: {  	[sflag:s17] =	ssyncset.done $0x0  }
0xbd: {  	[sflag:s17] =	ssyncadd.s32 $0xFFFFC180  }
0xbe: {  	_ =	swait.ge [sflag:s17], $0x3E80  }
0xbf: {  	[sflag:s17] =	ssyncset.done $0x0  }
0xc0: {  	[sflag:s17] =	ssyncadd.s32 $0xFFFFC180  }
0xc1: {  	_ =	swait.ge [sflag:s17], $0x3E80  }
0xc2: {  	s21 =	simm.s32 $0x400;
	s22 =	simm.s32 $0x2000;
	[sflag:s17] =	ssyncset.done $0x0  }
.LBB2_4:
0xc3: {  	s23 =	sadd.s32 $0x2800, s21  }
0xc4: {  	[sflag:s17] =	ssyncadd.s32 $0xFFFFC180;
	s20 =	smov.u32 s22;
	s19 =	sadd.s32 $0x1000, s22  }
0xc5: {  	[spmem:s2] =	stream.indirect.scatter.add.f32 [tilespmem:s11], [sflag:$0x1], $0x80, s23, s16, $0xb8;
	[tilespmem:$0x1C880] =	vst v63  }
0xc6: {  	p0 =	sne.s32 s22, $0x9000;
	s22 =	sadd.s32 $0x2880, s21  }
0xc7: {  	[spmem:s2] =	stream.indirect.scatter.add.f32 [tilespmem:s11], [sflag:$0x1], $0x80, s22, s16, $0xb8;
	[tilespmem:$0x1C880] =	vst v63  }
0xc8: {  	s22 =	sadd.s32 $0x2900, s21  }
0xc9: {  	[spmem:s2] =	stream.indirect.scatter.add.f32 [tilespmem:s11], [sflag:$0x1], $0x80, s22, s16, $0xb8;
	[tilespmem:$0x1C880] =	vst v63  }
0xca: {  	s22 =	sadd.s32 $0x2980, s21  }
0xcb: {  	[spmem:s2] =	stream.indirect.scatter.add.f32 [tilespmem:s11], [sflag:$0x1], $0x80, s22, s16, $0xb8;
	[tilespmem:$0x1C880] =	vst v63  }
0xcc: {  	s22 =	sadd.s32 $0x2A00, s21  }
0xcd: {  	[spmem:s2] =	stream.indirect.scatter.add.f32 [tilespmem:s11], [sflag:$0x1], $0x80, s22, s16, $0xb8;
	[tilespmem:$0x1C880] =	vst v63  }
0xce: {  	s22 =	sadd.s32 $0x2A80, s21  }
0xcf: {  	[spmem:s2] =	stream.indirect.scatter.add.f32 [tilespmem:s11], [sflag:$0x1], $0x80, s22, s16, $0xb8;
	[tilespmem:$0x1C880] =	vst v63  }
0xd0: {  	s22 =	sadd.s32 $0x2B00, s21  }
0xd1: {  	[spmem:s2] =	stream.indirect.scatter.add.f32 [tilespmem:s11], [sflag:$0x1], $0x80, s22, s16, $0xb8;
	[tilespmem:$0x1C880] =	vst v63  }
0xd2: {  	s21 =	sadd.s32 $0x2B80, s21  }
0xd3: {  	[spmem:s2] =	stream.indirect.scatter.add.f32 [tilespmem:s11], [sflag:$0x1], $0x80, s21, s16, $0xb8;
	[tilespmem:$0x1C880] =	vst v63  }
0xd4: {  	_ =	swait.ge [sflag:s17], $0x3E80  }
0xd5: {  	[sflag:s17] =	ssyncset.done $0x0  }
0xd6: {  	[sflag:s17] =	ssyncadd.s32 $0xFFFFC180  }
0xd7: {  	_ =	swait.ge [sflag:s17], $0x3E80  }
0xd8: {  	[sflag:s17] =	ssyncset.done $0x0  }
0xd9: {  	[sflag:s17] =	ssyncadd.s32 $0xFFFFC180  }
0xda: {  	_ =	swait.ge [sflag:s17], $0x3E80  }
0xdb: {  	[sflag:s17] =	ssyncset.done $0x0  }
0xdc: {  	[sflag:s17] =	ssyncadd.s32 $0xFFFFC180  }
0xdd: {  	_ =	swait.ge [sflag:s17], $0x3E80  }
0xde: {  	[sflag:s17] =	ssyncset.done $0x0  }
0xdf: {  	[sflag:s17] =	ssyncadd.s32 $0xFFFFC180  }
0xe0: {  	_ =	swait.ge [sflag:s17], $0x3E80  }
0xe1: {  	[sflag:s17] =	ssyncset.done $0x0  }
0xe2: {  	[sflag:s17] =	ssyncadd.s32 $0xFFFFC180  }
0xe3: {  	_ =	swait.ge [sflag:s17], $0x3E80  }
0xe4: {  	[sflag:s17] =	ssyncset.done $0x0  }
0xe5: {  	[sflag:s17] =	ssyncadd.s32 $0xFFFFC180  }
.Ltmp1:
0xe6: {  	_ =	swait.ge [sflag:s17], $0x3E80;
	(pc) =	sbr.rel @p0 .LBB2_4-.Ltmp1, $4  }
0xe7: {  	[sflag:s17] =	ssyncset.done $0x0  }
0xe8: {  	[sflag:s17] =	ssyncadd.s32 $0xFFFFC180  }
0xe9: {  	_ =	swait.ge [sflag:s17], $0x3E80  }
0xea: {  	s22 =	smov.u32 s19;
	s21 =	sshra.s32 s20, $0x2;
	[sflag:s17] =	ssyncset.done $0x0  }
0xeb: {  	s19 =	sadd.s32 $0x2800, s21;
	[sflag:s17] =	ssyncadd.s32 $0xFFFFC180  }
0xec: {  	[spmem:s2] =	stream.indirect.scatter.add.f32 [tilespmem:s11], [sflag:$0x1], $0x80, s19, s16, $0xb8;
	[tilespmem:$0x1C880] =	vst v63  }
0xed: {  	s24 =	sadd.s32 $0x2880, s21  }
0xee: {  	[spmem:s2] =	stream.indirect.scatter.add.f32 [tilespmem:s11], [sflag:$0x1], $0x80, s24, s16, $0xb8;
	[tilespmem:$0x1C880] =	vst v63  }
0xef: {  	s25 =	sadd.s32 $0x2900, s21  }
0xf0: {  	[spmem:s2] =	stream.indirect.scatter.add.f32 [tilespmem:s11], [sflag:$0x1], $0x80, s25, s16, $0xb8;
	[tilespmem:$0x1C880] =	vst v63  }
0xf1: {  	s26 =	sadd.s32 $0x2980, s21  }
0xf2: {  	[spmem:s2] =	stream.indirect.scatter.add.f32 [tilespmem:s11], [sflag:$0x1], $0x80, s26, s16, $0xb8;
	[tilespmem:$0x1C880] =	vst v63  }
0xf3: {  	s28 =	sadd.s32 $0x2A00, s21  }
0xf4: {  	[spmem:s2] =	stream.indirect.scatter.add.f32 [tilespmem:s11], [sflag:$0x1], $0x80, s28, s16, $0xb8;
	[tilespmem:$0x1C880] =	vst v63  }
0xf5: {  	s29 =	sadd.s32 $0x2A80, s21  }
0xf6: {  	[spmem:s2] =	stream.indirect.scatter.add.f32 [tilespmem:s11], [sflag:$0x1], $0x80, s29, s16, $0xb8;
	[tilespmem:$0x1C880] =	vst v63  }
0xf7: {  	s30 =	sadd.s32 $0x2B00, s21  }
0xf8: {  	[spmem:s2] =	stream.indirect.scatter.add.f32 [tilespmem:s11], [sflag:$0x1], $0x80, s30, s16, $0xb8;
	[tilespmem:$0x1C880] =	vst v63  }
0xf9: {  	s31 =	sadd.s32 $0x2B80, s21  }
0xfa: {  	[spmem:s2] =	stream.indirect.scatter.add.f32 [tilespmem:s11], [sflag:$0x1], $0x80, s31, s16, $0xb8;
	[tilespmem:$0x1C880] =	vst v63  }
0xfb: {  	_ =	swait.ge [sflag:s17], $0x3E80  }
0xfc: {  	[sflag:s17] =	ssyncset.done $0x0  }
0xfd: {  	[sflag:s17] =	ssyncadd.s32 $0xFFFFC180  }
0xfe: {  	_ =	swait.ge [sflag:s17], $0x3E80  }
0xff: {  	[sflag:s17] =	ssyncset.done $0x0  }
0x100: {  	[sflag:s17] =	ssyncadd.s32 $0xFFFFC180  }
0x101: {  	_ =	swait.ge [sflag:s17], $0x3E80  }
0x102: {  	[sflag:s17] =	ssyncset.done $0x0  }
0x103: {  	[sflag:s17] =	ssyncadd.s32 $0xFFFFC180  }
0x104: {  	_ =	swait.ge [sflag:s17], $0x3E80  }
0x105: {  	[sflag:s17] =	ssyncset.done $0x0  }
0x106: {  	[sflag:s17] =	ssyncadd.s32 $0xFFFFC180  }
0x107: {  	_ =	swait.ge [sflag:s17], $0x3E80  }
0x108: {  	[sflag:s17] =	ssyncset.done $0x0  }
0x109: {  	[sflag:s17] =	ssyncadd.s32 $0xFFFFC180  }
0x10a: {  	_ =	swait.ge [sflag:s17], $0x3E80  }
0x10b: {  	[sflag:s17] =	ssyncset.done $0x0  }
0x10c: {  	[sflag:s17] =	ssyncadd.s32 $0xFFFFC180  }
0x10d: {  	_ =	swait.ge [sflag:s17], $0x3E80  }
0x10e: {  	[sflag:s17] =	ssyncset.done $0x0  }
0x10f: {  	[sflag:s17] =	ssyncadd.s32 $0xFFFFC180  }
0x110: {  	_ =	swait.ge [sflag:s17], $0x3E80  }
0x111: {  	s18 =	sadd.s32 $0x1, s18;
	[sflag:s17] =	ssyncset.done $0x0  }
0x112: {  	p0 =	sne.s32 s18, s10;
	[sflag:s17] =	ssyncadd.s32 $0xFFFFC180  }
.Ltmp2:
0x113: {  	[bflag:$0x0] =	sbarrier.arrive $0xFFFF;
	(pc) =	sbr.rel @p0 .LBB2_1-.Ltmp2, $4  }
0x114: {  	[hbm:s9], [sflag:s13] =	dma.local [spmem:s14], $0x2800  }
0x115: {  	_ =	swait.ge [sflag:s12], $0x2800  }
0x116: {  	[sflag:s12] =	ssyncset.done $0x0  }
0x117: {  	[sflag:s12] =	ssyncadd.s32 $0xFFFFD800  }
0x118: {  	_ =	sfence.sel $0x180000  }
0x119: {  	[bflag:$0x0] =	sbarrier.arrive $0xFFFF  }
0x11a: {  	p0 =	sne.s32 s0, $0x0;
	_ =	strace $0x90000047  }
0x11b: {  	s0 =	sadd.s32 @!p0 $0x100000, s1;
	[bflag:$0x2] =	sbarrier.arrive $0xFFFF  }
0x11c: {  	[sflag:s0] =	ssyncadd.tile.s32 @!p0 $0x1;
	_ =	shalt  }
.Lfunc_end2:
_tile_overlayer_lowered:
.L_overlay_start_2:
0x11d: {  	(tag) =	ssettag $0x2  }
0x11e: {  	s0 =	rddreg [dreg:$0x0];
	s2 =	stileid.u32  }
0x11f: {  	s1 =	rddreg [dreg:$0x1];
	p0 =	sne.s32 s2, $0x0  }
0x120: {  	s3 =	rddreg [dreg:$0x2];
	[bflag:$0x3] =	sbarrier.arrive $0xFFFF;
	s2 =	simm.s32 @!p0 $0x1C02  }
0x121: {  	[timem:s3], [sflag:s2] =	dma.local @!p0 [hbm:s0], s1  }
0x122: {  	s0 =	simm.s32 @!p0 $0x2  }
0x123: {  	_ =	swait.ge @!p0 [sflag:s0], s1  }
0x124: {  	s1 =	ssub.s32 @!p0 $0x0, s1;
	[sflag:s0] =	ssyncset.done @!p0 $0x0  }
0x125: {  	[sflag:s0] =	ssyncadd.s32 @!p0 s1  }
0x126: {  	[bflag:$0x3] =	sbarrier.arrive $0xFFFF  }
0x127: {  	_ =	shalt  }

// kernel: kernel.13.cloned.1.call-start
scs
__scs_entry_jumppad:
0x0: {  	(pc) =	sbr.rel $0x88, $3  }
0x1: {  	(tag) =	ssettag $0x0;
	lr =	simm.s32 $0x1  }
0x2: {  	[smem:$0x3F99] =	sst lr;
	_ =	strace $0xD0000000  }
0x3: {  	_ = 	snop  }
0x4: {  	_ = 	snop  }
0x5: {  	_ = 	snop  }
0x6: {  	_ = 	snop  }
0x7: {  	_ = 	snop  }
__scs_overlays_trampoline_lowered:
0x8: {  	[smem:$0x3FA8] =	sst s0  }
0x9: {  	[smem:$0x3FA9] =	sst s1  }
0xa: {  	[smem:$0x3FAA] =	sst s2  }
0xb: {  	[smem:$0x3FAB] =	sst s3  }
0xc: {  	[smem:$0x3FAC] =	sst s4  }
0xd: {  	[smem:$0x3FAD] =	sst s5  }
0xe: {  	[smem:$0x3FAE] =	sst s6  }
0xf: {  	[smem:$0x3FAF] =	sst s7  }
0x10: {  	[smem:$0x3FB0] =	sst s8  }
0x11: {  	[smem:$0x3FB1] =	sst s9;
	s0 =	simm.s32 @!p0 $0x0  }
0x12: {  	s1 =	sld [smem:$0x3F97];
	s0 =	simm.s32 @p0 $0x1  }
0x13: {  	[smem:$0x3FB2] =	sst s0;
	s0 =	simm.s32 @!p1 $0x0  }
0x14: {  	s2 =	sld [smem:$0x3F96];
	s0 =	simm.s32 @p1 $0x1  }
0x15: {  	[smem:$0x3FB3] =	sst s0;
	s0 =	simm.s32 @!p2 $0x0  }
0x16: {  	s3 =	sld [smem:$0x3FDB];
	s0 =	simm.s32 @p2 $0x1  }
0x17: {  	s4 =	simm.s32 $0x1BF5;
	[smem:$0x3FB5] =	sst s0  }
0x18: {  	s0 =	sld [smem:$0x3F98];
	_ =	swait.ge [sflag:s4], $0x0  }
0x19: {  	s7 =	sld [smem:$0x3F99]  }
0x1a: {  	s8 =	sadd.s32 $0xFFFFE003, lr  }
0x1b: {  	s9 =	sadd.s32 $0xFFFFFEF7, lr;
	s5 =	simm.s32 $0xFFFFFFFF;
	p2 =	slt.u32 s8, $0xFFFFF086  }
0x1c: {  	p1 =	slt.u32 s9, $0xF7A;
	s5 =	simm.s32 @!p2 $0x0  }
0x1d: {  	s5 =	simm.s32 @p1 $0x1;
	p0 =	seq.s32 s7, s2  }
0x1e: {  	s7 =	smul.u32 @!p0 $0xF7A, s2;
	p2 =	seq.s32 @!p0 s5, $0x0  }
0x1f: {  	s9 =	smul.u32 $0xF7A, s1;
	s8 =	simm.s32 @!p0 $0x1BF5;
	p2 =	por !p2, p0  }
0x20: {  	[sflag:s8] =	ssyncset.s32 @!p0 $0xFFFFF086;
	s6 =	sadd.s32 @!p0 s3, s7;
	s7 =	simm.s32 @!p0 $0x108  }
0x21: {  	s3 =	sadd.s32 s3, s9;
	s6 =	sadd.s32 @!p0 $0x88, s6;
	s7 =	simm.s32 @p2 $0x1082  }
0x22: {  	[simem:s7], [sflag:s8] =	dma.local @!p0 [hbm:s6], $0xF7A  }
0x23: {  	s9 =	sor.u32 $0xD0000000, s2;
	s6 =	simm.s32 $0x108;
	_ =	swait.ge @!p0 [sflag:s8], $0x0  }
0x24: {  	s3 =	sadd.s32 $0x88, s3;
	s6 =	simm.s32 @!p1 $0x1082;
	[sflag:s4] =	ssyncset.s32 $0xFFFFF086  }
0x25: {  	[simem:s6], [sflag:s4] =	dma.local [hbm:s3], $0xF7A  }
0x26: {  	[smem:$0x3F99] =	sst s1;
	(tag) =	ssettag s2;
	_ =	strace s9  }
0x27: {  	s1 =	sld [smem:$0x3FA9]  }
0x28: {  	s2 =	sld [smem:$0x3FAA]  }
0x29: {  	s4 =	sld [smem:$0x3FAC]  }
0x2a: {  	p0 =	seq.s32 s5, $0x0;
	s5 =	sld [smem:$0x3FAD]  }
0x2b: {  	s6 =	sld [smem:$0x3FAE]  }
0x2c: {  	s7 =	sld [smem:$0x3FAF]  }
0x2d: {  	s3 =	simm.s32 $0x108;
	s8 =	sld [smem:$0x3FB0]  }
0x2e: {  	s3 =	simm.s32 @!p0 $0x1082;
	s9 =	sld [smem:$0x3FB1]  }
0x2f: {  	lr =	sadd.s32 s0, s3;
	s0 =	sld [smem:$0x3FA8]  }
0x30: {  	s3 =	sld [smem:$0x3FAB]  }
0x31: {  	[smem:$0x3FB4] =	sst s10  }
0x32: {  	s10 =	sld [smem:$0x3FB2];
	_ =	sdelay $0x3  }
0x33: {  	p0 =	seq.s32 s10, $0x1;
	s10 =	sld [smem:$0x3FB4];
	_ =	sdelay $0x3  }
0x34: {  	[smem:$0x3FB4] =	sst s10  }
0x35: {  	s10 =	sld [smem:$0x3FB3];
	_ =	sdelay $0x3  }
0x36: {  	p1 =	seq.s32 s10, $0x1;
	s10 =	sld [smem:$0x3FB4];
	_ =	sdelay $0x3  }
0x37: {  	[smem:$0x3FB4] =	sst s10  }
0x38: {  	s10 =	sld [smem:$0x3FB5]  }
0x39: {  	_ = 	snop;
	(pc) =	sbr.ind lr, $3  }
0x3a: {  	_ = 	snop  }
0x3b: {  	_ = 	snop  }
0x3c: {  	p2 =	seq.s32 s10, $0x1;
	s10 =	sld [smem:$0x3FB4]  }
0x3d: {  	_ =	shalt  }
0x3e: {  	_ =	shalt  }
0x3f: {  	_ =	shalt  }
0x40: {  	_ =	shalt  }
0x41: {  	_ =	shalt  }
0x42: {  	_ =	shalt  }
0x43: {  	_ =	shalt  }
0x44: {  	_ =	shalt  }
0x45: {  	_ =	shalt  }
0x46: {  	_ =	shalt  }
0x47: {  	_ =	shalt  }
0x48: {  	_ =	shalt  }
0x49: {  	_ =	shalt  }
0x4a: {  	_ =	shalt  }
0x4b: {  	_ =	shalt  }
0x4c: {  	_ =	shalt  }
0x4d: {  	_ =	shalt  }
0x4e: {  	_ =	shalt  }
0x4f: {  	_ =	shalt  }
0x50: {  	_ =	shalt  }
0x51: {  	_ =	shalt  }
0x52: {  	_ =	shalt  }
0x53: {  	_ =	shalt  }
0x54: {  	_ =	shalt  }
0x55: {  	_ =	shalt  }
0x56: {  	_ =	shalt  }
0x57: {  	_ =	shalt  }
0x58: {  	_ =	shalt  }
0x59: {  	_ =	shalt  }
0x5a: {  	_ =	shalt  }
0x5b: {  	_ =	shalt  }
0x5c: {  	_ =	shalt  }
0x5d: {  	_ =	shalt  }
0x5e: {  	_ =	shalt  }
0x5f: {  	_ =	shalt  }
0x60: {  	_ =	shalt  }
0x61: {  	_ =	shalt  }
0x62: {  	_ =	shalt  }
0x63: {  	_ =	shalt  }
0x64: {  	_ =	shalt  }
0x65: {  	_ =	shalt  }
0x66: {  	_ =	shalt  }
0x67: {  	_ =	shalt  }
0x68: {  	_ =	shalt  }
0x69: {  	_ =	shalt  }
0x6a: {  	_ =	shalt  }
0x6b: {  	_ =	shalt  }
0x6c: {  	_ =	shalt  }
0x6d: {  	_ =	shalt  }
0x6e: {  	_ =	shalt  }
0x6f: {  	_ =	shalt  }
0x70: {  	_ =	shalt  }
0x71: {  	_ =	shalt  }
0x72: {  	_ =	shalt  }
0x73: {  	_ =	shalt  }
0x74: {  	_ =	shalt  }
0x75: {  	_ =	shalt  }
0x76: {  	_ =	shalt  }
0x77: {  	_ =	shalt  }
0x78: {  	_ =	shalt  }
0x79: {  	_ =	shalt  }
0x7a: {  	_ =	shalt  }
0x7b: {  	_ =	shalt  }
0x7c: {  	_ =	shalt  }
0x7d: {  	_ =	shalt  }
0x7e: {  	_ =	shalt  }
0x7f: {  	_ =	shalt  }
0x80: {  	_ =	shalt  }
0x81: {  	_ =	shalt  }
0x82: {  	_ =	shalt  }
0x83: {  	_ =	shalt  }
0x84: {  	_ =	shalt  }
0x85: {  	_ =	shalt  }
0x86: {  	_ =	shalt  }
0x87: {  	_ =	shalt  }
.Lfunc_end0:
.L_simem_size_0:
called_computation.1_lowered:
.L_overlay_start_0:
0x88: {  	s2 =	sld [smem:$0x3FD9]  }
0x89: {  	s3 =	sld [smem:$0x3FFE];
	_ =	sdelay $0x1  }
0x8a: {  	s1 =	srdreg.scid  }
0x8b: {  	s0 =	sand.u32 $0x1, s1  }
0x8c: {  	s17 =	sshll.u32 s0, $0xA;
	s2 =	sadd.s32 s3, s2  }
0x8d: {  	s2 =	sadd.s32 s2, s17  }
0x8e: {  	[smem:$0x3FC0] =	sst s2  }
0x8f: {  	_ = 	snop  }
0x90: {  	s2 =	sld [smem:$0x3FD0];
	(tm) =	ssettm $0x1  }
0x91: {  	s18 =	sld [smem:$0x3FFB];
	_ =	sdelay $0x3  }
0x92: {  	_ =	strace s18  }
0x93: {  	s3 =	sld [smem:$0x3FFC];
	_ =	sdelay $0x3  }
0x94: {  	_ =	strace s3  }
0x95: {  	s3 =	sld [smem:$0x3FFD];
	_ =	sdelay $0x3  }
0x96: {  	_ =	strace s3  }
0x97: {  	_ =	strace $0x8FFFFFFF  }
0x98: {  	s19 =	sld [smem:$0x3FDB];
	_ =	sdelay $0x1  }
0x99: {  	s4 =	simm.s32 $_scs_section_size  }
0x9a: {  	s5 =	simm.s32 $_size__tile_overlayer_lowered;
	s6 =	simm.s32 $_tile_overlayer_lowered  }
0x9b: {  	s22 =	simm.s32 $0x1BFF;
	s21 =	sshll.u32 s6, $0x1;
	s3 =	sadd.s32 s4, s19  }
0x9c: {  	s7 =	simm.s32 $0x0;
	s20 =	sshll.u32 s5, $0x1;
	s5 =	sadd.s32 s21, s3  }
0x9d: {  	[timem:s7], [sflag:s22] =	dma.local [hbm:s5], s20  }
0x9e: {  	_ =	swait.ge [sflag:s22], s20  }
0x9f: {  	s4 =	ssub.s32 $0x0, s20;
	[sflag:s22] =	ssyncset.done $0x0  }
0xa0: {  	[sflag:s22] =	ssyncadd.s32 s4;
	_ =	sdelay $0x1  }
0xa1: {  	s23 =	simm.s32 $0x1B8B  }
0xa2: {  	_ =	swait.ge [sflag:s23], $0x1  }
0xa3: {  	[sflag:s23] =	ssyncset.done $0x0  }
0xa4: {  	s25 =	simm.s32 $0x1B8E;
	s24 =	sld [smem:$0x3FFE];
	[sflag:s23] =	ssyncadd.s32 $0xFFFFFFFF  }
0xa5: {  	s26 =	simm.s32 $execute0_lowered;
	[smem:$0x3FD2] =	sst s25  }
0xa6: {  	s5 =	sshll.u32 s26, $0x1;
	_ =	strace $0x80000049;
	[dreg:$0x1] =	wrdreg $0xFFFFFFFF  }
0xa7: {  	s28 =	simm.s32 $_size_execute0_lowered;
	s3 =	sadd.s32 s3, s5;
	[dreg:$0x0] =	wrdreg $0x0  }
0xa8: {  	s5 =	sshll.u32 s28, $0x1;
	[dreg:$0x2] =	wrdreg s3  }
0xa9: {  	[dreg:$0x3] =	wrdreg s5  }
0xaa: {  	[dreg:$0x4] =	wrdreg $0xC0  }
0xab: {  	_ =	task [dreg:s7], $0x5FFFF  }
0xac: {  	[dreg:$0x1] =	wrdreg $0xFFFFFFFF  }
0xad: {  	[dreg:$0x0] =	wrdreg $0x60  }
0xae: {  	[dreg:$0x2] =	wrdreg s2  }
0xaf: {  	[dreg:$0x3] =	wrdreg s24  }
0xb0: {  	[dreg:$0x4] =	wrdreg $0xB8000  }
0xb1: {  	[dreg:$0x5] =	wrdreg $0x9  }
0xb2: {  	_ =	task.clear_ibuf [dreg:s7], $0x6FFFF;
	_ =	strace $0x90000049  }
0xb3: {  	s29 =	simm.s32 $0x9;
	_ =	strace $0x8000004B  }
0xb4: {  	_ =	swait.ge [sflag:s29], $0x1  }
0xb5: {  	[sflag:s29] =	ssyncadd.s32 $0xFFFFFFFF  }
0xb6: {  	_ =	strace $0x9000004B  }
0xb7: {  	_ =	sfence  }
0xb8: {  	s30 =	sld [smem:$0x0];
	_ =	sdelay $0x2  }
0xb9: {  	s31 =	sshll.u32 s1, $0xD;
	s1 =	sshrl.u32 s1, $0x2  }
0xba: {  	s3 =	sand.u32 $0x4000, s31;
	s1 =	sadd.s32 s1, s30  }
0xbb: {  	s0 =	sor.u32 s3, s0;
	s1 =	sshll.u32 s1, $0x11  }
0xbc: {  	s0 =	sor.u32 s1, s0  }
0xbd: {  	s0 =	sadd.s32 $0x8F2B, s0  }
0xbe: {  	[sflag:s0] =	ssyncadd.remote.s32 $0x1  }
0xbf: {  	_ =	sfence.sel $0xFFFF  }
0xc0: {  	[dreg:$0x0] =	wrdreg $0xFFFFFFFF;
	(pc) =	sbr.abs _section_cstart, $3  }
0xc1: {  	[dreg:$0x1] =	wrdreg $0xFFFFFFFF  }
0xc2: {  	_ =	task.clear_ibuf [dreg:s7], $0x2FFFF;
	_ =	strace $0x9FFFFFFF  }
0xc3: {  	(tm) =	ssettm $0x7FFFFFFF  }
tec
execute0_lowered:
.L_overlay_start_1:
0x0: {  	(tag) =	ssettag $0x1  }
0x1: {  	s1 =	rddreg [dreg:$0x0]  }
0x2: {  	s0 =	rddreg [dreg:$0x1]  }
0x3: {  	s2 =	rddreg [dreg:$0x2]  }
0x4: {  	s3 =	simm.s32 $0x0;
	s4 =	srdreg.scid;
	s12 =	stileid.u32  }
0x5: {  	s17 =	simm.s32 $0xF;
	s21 =	simm.s32 $0x32;
	s18 =	simm.s32 $0x9  }
0x6: {  	s19 =	simm.s32 $0xA;
	s20 =	simm.s32 $0xB;
	s22 =	simm.s32 $0xC  }
0x7: {  	[smem:$0x7FF] =	sst s3;
	s5 =	sadd.s32 $0xABE00, s0;
	s6 =	sadd.s32 $0xC4E00, s0  }
0x8: {  	s4 =	sand.u32 $0x1, s4;
	s7 =	smul.u32 $0x2700, s12;
	s8 =	sadd.s32 $0xCA00, s0  }
0x9: {  	s10 =	smul.u32 $0x4E000, s12;
	s25 =	sshll.u32 s12, $0x6;
	_ =	strace $0x8000004A  }
0xa: {  	s23 =	smul.u32 $0x27100, s4;
	s9 =	sshll.u32 s4, $0x4;
	s4 =	ssub.s32 $0x2, s4  }
0xb: {  	[dreg:$0x4] =	wrdreg s8;
	s9 =	sor.u32 s12, s9;
	s11 =	sshrl.u32 s4, $0x1  }
0xc: {  	s24 =	sshrl.u32 s10, $0x2;
	s7 =	sadd.s32 s7, s23;
	s8 =	smul.u32 $0x6400, s9  }
0xd: {  	s4 =	ssub.s32 s4, s11;
	s9 =	sor.u32 $0x1C0F, s25;
	s0 =	sadd.s32 s7, s0  }
0xe: {  	s23 =	simm.s32 $0x0;
	s26 =	sshrl.u32 s8, $0x3;
	s0 =	sadd.s32 $0xF200, s0  }
0xf: {  	s7 =	sadd.s32 s24, s2;
	s28 =	sadd.s32 s5, s26;
	[dreg:$0x9] =	wrdreg s0  }
0x10: {  	s29 =	sadd.s32 $0x80, s26;
	s10 =	sadd.s32 s6, s26;
	[dreg:$0x5] =	wrdreg s28  }
0x11: {  	s15 =	smax.u32 s4, $0x1;
	[dreg:$0x6] =	wrdreg s10;
	s30 =	sadd.s32 s5, s29  }
0x12: {  	s4 =	simm.s32 $0x8;
	s31 =	sadd.s32 s6, s29;
	[dreg:$0x7] =	wrdreg s30  }
0x13: {  	s16 =	sshrl.u32 s7, $0x3;
	s0 =	simm.s32 $0x7;
	[dreg:$0x8] =	wrdreg s31  }
.LBB2_1:
0x14: {  	s7 =	rddreg [dreg:$0x4]  }
0x15: {  	[spmem:s16], [sflag:s9] =	dma.local [hbm:s7], $0x2800  }
0x16: {  	_ =	swait.ge [sflag:s17], $0x2800  }
0x17: {  	[sflag:s17] =	ssyncset.done $0x0  }
0x18: {  	s14 =	rddreg [dreg:$0x5];
	[sflag:s17] =	ssyncadd.s32 $0xFFFFD800  }
0x19: {  	[tilespmem:s3], [sflag:$0xF] =	stream.linear.gather [hbm4b:s14+s3], $0x400, $0x38;
	[tilespmem:$0x1F080] =	vst v63  }
0x1a: {  	_ =	swait.ge [sflag:s17], $0x400  }
0x1b: {  	[sflag:s17] =	ssyncset.done $0x0  }
0x1c: {  	s10 =	simm.s32 $0x800;
	s24 =	rddreg [dreg:$0x6];
	[sflag:s17] =	ssyncadd.s32 $0xFFFFFC00  }
0x1d: {  	[tilespmem:s10], [sflag:$0xF] =	stream.linear.gather [hbm4b:s24+s3], $0x400, $0x38;
	[tilespmem:$0x1F080] =	vst v63  }
0x1e: {  	_ =	swait.ge [sflag:s17], $0x400  }
0x1f: {  	s26 =	simm.s32 $0x400;
	[sflag:s17] =	ssyncset.done $0x0  }
0x20: {  	s12 =	simm.s32 $0xC00;
	s25 =	rddreg [dreg:$0x7];
	[sflag:s17] =	ssyncadd.s32 $0xFFFFFC00  }
0x21: {  	[tilespmem:s26], [sflag:$0xE] =	stream.linear.gather [hbm4b:s25+s3], $0x400, $0x38;
	[tilespmem:$0x1F080] =	vst v63  }
0x22: {  	s13 =	simm.s32 $0x1000;
	p0 =	por $0x0, $0x0;
	s11 =	rddreg [dreg:$0x8]  }
0x23: {  	[tilespmem:s12], [sflag:$0xE] =	stream.linear.gather [hbm4b:s11+s3], $0x400, $0x38;
	[tilespmem:$0x1F080] =	vst v63  }
0x24: {  	p2 =	por @!p0 $0x1, $0x1;
	s12 =	smul.u32 $0xAB, s3;
	[bflag:$0x0] =	sbarrier.arrive $0xFFFF  }
0x25: {  	[tilespmem:s13], [sflag:$0x1] =	stream.indirect.gather [hbm4b:s1+s21], $0x80, s3, s21, $0xb8;
	[tilespmem:$0x1F080] =	vst v63  }
0x26: {  	p1 =	por p2, p0;
	s7 =	sshrl.u32 s12, $0xA  }
0x27: {  	s14 =	simm.s32 $0x80;
	s24 =	simm.s32 $0x2C00;
	s7 =	sand.u32 $0x3F, s7  }
0x28: {  	[tilespmem:s24], [sflag:$0x2] =	stream.indirect.gather [hbm4b:s1+s21], $0x80, s14, s21, $0xb8;
	[tilespmem:$0x1F080] =	vst v63  }
0x29: {  	s25 =	simm.s32 $0x100;
	s26 =	simm.s32 $0x4800;
	s7 =	smul.u32 $0x6, s7  }
0x2a: {  	[tilespmem:s26], [sflag:$0x3] =	stream.indirect.gather [hbm4b:s1+s21], $0x80, s25, s21, $0xb8;
	[tilespmem:$0x1F080] =	vst v63  }
0x2b: {  	s10 =	simm.s32 $0x180;
	s11 =	simm.s32 $0x6400;
	s7 =	ssub.s32 $0x0, s7  }
0x2c: {  	s13 =	simm.s32 $0x200;
	s24 =	simm.s32 $0x1;
	s7 =	sand.u32 $0xFF, s7  }
0x2d: {  	[tilespmem:s11], [sflag:$0x4] =	stream.indirect.gather [hbm4b:s1+s21], $0x80, s10, s21, $0xb8;
	[tilespmem:$0x1F080] =	vst v63  }
0x2e: {  	s11 =	simm.s32 $0x8000;
	s10 =	simm.s32 $0xA00;
	s14 =	smul.u32 $0x7000, s7  }
0x2f: {  	s26 =	sadd.s32 $0x1, s7;
	s7 =	sadd.s32 $0x7, s7;
	s10 =	sand.u32 @!p0 $0x1E00, s10  }
0x30: {  	[tilespmem:s11], [sflag:$0x5] =	stream.indirect.gather [hbm4b:s1+s21], $0x80, s13, s21, $0xb8;
	[tilespmem:$0x1F080] =	vst v63  }
0x31: {  	s11 =	simm.s32 $0x5;
	s25 =	sshrl.u32 @!p0 s10, $0x2;
	s13 =	simm.s32 $0x0  }
0x32: {  	s12 =	sand.u32 @!p1 $0x7, s11;
	s11 =	smul.u32 @!p0 $0xAB, s11;
	_ =	swait.ge [sflag:s26], $0x1900  }
0x33: {  	s13 =	sand.u32 $0x1E00, s13;
	p3 =	sne.s32 @!p1 s12, $0x0;
	[sflag:s26] =	ssyncset.done $0x0  }
0x34: {  	s13 =	sshrl.u32 s13, $0x2;
	p2 =	por @!p0 p3, p2;
	s10 =	sshrl.u32 @!p0 s11, $0xA  }
0x35: {  	s11 =	sshrl.u32 s14, $0x2;
	[sflag:s26] =	ssyncadd.s32 $0xFFFFE700;
	s10 =	sand.u32 @!p0 $0x3F, s10  }
0x36: {  	s14 =	sor.u32 $0x800, s13;
	s11 =	sadd.s32 $0x1000, s11;
	s10 =	smul.u32 @!p0 $0x6, s10  }
0x37: {  	[spmem:s2] =	stream.indirect.scatter.add.f32 [tilespmem:s11], [sflag:s7], $0x80, s14, s21, $0xb8;
	[tilespmem:$0x1F080] =	vst v63  }
0x38: {  	s26 =	sand.u32 $0x7, s3;
	p2 =	por p2, p0;
	s10 =	ssub.s32 @!p0 $0x5, s10  }
0x39: {  	p3 =	sne.s32 s26, $0x2;
	s13 =	simm.s32 @!p2 $0x0;
	s10 =	sand.u32 @!p0 $0xFF, s10  }
0x3a: {  	p4 =	por @!p3 $0x1, $0x1;
	s13 =	sand.u32 @!p2 $0x1, s13;
	s31 =	sadd.s32 @!p1 $0x7, s10  }
0x3b: {  	p3 =	por p4, p3;
	s29 =	smul.u32 @!p0 $0x7000, s10;
	_ =	swait.ge @!p1 [sflag:s31], $0x1900  }
0x3c: {  	s28 =	sadd.s32 @!p0 $0x1, s10;
	s10 =	simm.s32 @!p3 $0x1;
	[sflag:s31] =	ssyncset.done @!p1 $0x0  }
0x3d: {  	s7 =	sshrl.u32 @!p0 s29, $0x2;
	s29 =	sadd.s32 @!p2 $0xD, s13;
	[sflag:s31] =	ssyncadd.s32 @!p1 $0xFFFFE700  }
0x3e: {  	s26 =	simm.s32 $0xC00;
	s10 =	sand.u32 @!p3 $0x1, s10;
	_ =	swait.ge @!p2 [sflag:s29], $0x400  }
0x3f: {  	s12 =	sadd.s32 @!p3 $0x400, s8;
	s11 =	sshll.u32 @!p3 s10, $0xA;
	[sflag:s29] =	ssyncset.done @!p2 $0x0  }
0x40: {  	s10 =	sadd.s32 @!p3 $0xD, s10;
	s13 =	sshrl.u32 @!p3 s12, $0x3;
	[sflag:s29] =	ssyncadd.s32 @!p2 $0xFFFFFC00  }
0x41: {  	s30 =	sadd.s32 @!p0 $0x1000, s7;
	s7 =	simm.s32 @!p0 $0x32;
	_ =	swait.ge @!p2 [sflag:s29], $0x400  }
0x42: {  	s31 =	simm.s32 @!p3 $0x0;
	s12 =	sadd.s32 @!p3 s6, s13;
	[sflag:s29] =	ssyncset.done @!p2 $0x0  }
.LBB2_2:
0x43: {  	[sflag:s29] =	ssyncadd.s32 @!p2 $0xFFFFFC00;
	s13 =	sadd.s32 @!p3 s5, s13;
	s14 =	sor.u32 @!p3 $0x800, s11  }
0x44: {  	[tilespmem:s30], [sflag:s28] =	stream.indirect.gather @!p0 [hbm4b:s1+s7], $0x80, s25, s7, $0xb8;
	[tilespmem:$0x1F080] =	vst v63  }
0x45: {  	s29 =	smov.u32 s24;
	s24 =	sadd.s32 $0x1, s24  }
0x46: {  	[tilespmem:s11], [sflag:s10] =	stream.linear.gather @!p3 [hbm4b:s13+s31], $0x400, $0x38;
	[tilespmem:$0x1F080] =	vst v63  }
0x47: {  	s7 =	smul.u32 $0xAB, s29;
	p0 =	sgt.u32 s29, $0xC2;
	p1 =	sne.s32 s24, $0xC8  }
0x48: {  	[tilespmem:s14], [sflag:s10] =	stream.linear.gather @!p3 [hbm4b:s12+s31], $0x400, $0x38;
	[tilespmem:$0x1F080] =	vst v63  }
0x49: {  	p2 =	seq.s32 @!p0 s29, $0x0;
	s7 =	sshrl.u32 s7, $0xA;
	s10 =	sand.u32 @!p0 $0x1E00, s26  }
0x4a: {  	s11 =	sadd.s32 $0x5, s29;
	s7 =	sand.u32 $0x3F, s7;
	p3 =	por p2, p0  }
0x4b: {  	s7 =	smul.u32 $0x6, s7;
	s12 =	sand.u32 @!p3 $0x7, s11;
	s25 =	sshrl.u32 @!p0 s10, $0x2  }
0x4c: {  	s10 =	smul.u32 @!p0 $0xAB, s11;
	p4 =	sne.s32 @!p3 s12, $0x0  }
0x4d: {  	s7 =	ssub.s32 s29, s7;
	p2 =	por @!p0 p4, p2  }
0x4e: {  	s12 =	sadd.s32 $0xFFFFF600, s26;
	s7 =	sand.u32 $0xFF, s7;
	s10 =	sshrl.u32 @!p0 s10, $0xA  }
0x4f: {  	s13 =	smul.u32 $0x7000, s7;
	s14 =	sadd.s32 $0x1, s7;
	s10 =	sand.u32 @!p0 $0x3F, s10  }
0x50: {  	s12 =	sand.u32 $0x1E00, s12;
	s10 =	smul.u32 @!p0 $0x6, s10;
	_ =	swait.ge [sflag:s14], $0x1900  }
0x51: {  	s12 =	sshrl.u32 s12, $0x2;
	s13 =	sshrl.u32 s13, $0x2;
	[sflag:s14] =	ssyncset.done $0x0  }
0x52: {  	s12 =	sor.u32 $0x800, s12;
	s13 =	sadd.s32 $0x1000, s13;
	[sflag:s14] =	ssyncadd.s32 $0xFFFFE700  }
0x53: {  	s7 =	sadd.s32 $0x7, s7;
	p2 =	por p2, p0;
	s10 =	ssub.s32 @!p0 s11, s10  }
0x54: {  	s11 =	sshrl.u32 @!p2 s11, $0x3;
	s10 =	sand.u32 @!p0 $0xFF, s10;
	s14 =	sand.u32 $0x7, s29  }
0x55: {  	s11 =	sand.u32 @!p2 $0x1, s11;
	s31 =	sadd.s32 @!p3 $0x7, s10;
	s30 =	smul.u32 @!p0 $0x7000, s10  }
0x56: {  	s28 =	sadd.s32 @!p0 $0x1, s10;
	p4 =	sne.s32 s14, $0x2  }
0x57: {  	s10 =	sshrl.u32 @!p0 s30, $0x2;
	s14 =	sshrl.u32 s29, $0x3  }
0x58: {  	[spmem:s2] =	stream.indirect.scatter.add.f32 [tilespmem:s13], [sflag:s7], $0x80, s12, s21, $0xb8;
	[tilespmem:$0x1F080] =	vst v63  }
0x59: {  	s29 =	sadd.s32 @!p2 $0xD, s11;
	s7 =	sadd.s32 $0xFFFFFFFF, s14;
	_ =	swait.ge @!p3 [sflag:s31], $0x1900  }
0x5a: {  	s30 =	sadd.s32 @!p0 $0x1000, s10;
	p5 =	sgt.u32 @!p4 s7, $0x16;
	[sflag:s31] =	ssyncset.done @!p3 $0x0  }
0x5b: {  	s7 =	simm.s32 @!p0 $0x32;
	[sflag:s31] =	ssyncadd.s32 @!p3 $0xFFFFE700;
	p3 =	por p5, p4  }
0x5c: {  	_ =	swait.ge @!p2 [sflag:s29], $0x400  }
.Ltmp0:
0x5d: {  	s10 =	sadd.s32 @!p3 $0x1, s14;
	s31 =	simm.s32 @!p3 $0x0;
	(pc) =	sbr.rel @p1 .LBB2_2-.Ltmp0, $4  }
0x5e: {  	[sflag:s29] =	ssyncset.done @!p2 $0x0;
	s12 =	sand.u32 @!p3 $0x1, s10;
	s10 =	sshll.u32 @!p3 s10, $0xA  }
0x5f: {  	[sflag:s29] =	ssyncadd.s32 @!p2 $0xFFFFFC00;
	s13 =	sadd.s32 @!p3 s8, s10;
	s11 =	sshll.u32 @!p3 s12, $0xA  }
0x60: {  	s10 =	sadd.s32 @!p3 $0xD, s12;
	_ =	swait.ge @!p2 [sflag:s29], $0x400;
	s13 =	sshrl.u32 @!p3 s13, $0x3  }
0x61: {  	s26 =	sadd.s32 $0x200, s26;
	[sflag:s29] =	ssyncset.done @!p2 $0x0;
	s12 =	sadd.s32 @!p3 s6, s13  }
0x62: {  	[sflag:s29] =	ssyncadd.s32 @!p2 $0xFFFFFC00  }
0x63: {  	[tilespmem:s30], [sflag:s28] =	stream.indirect.gather @!p0 [hbm4b:s1+s7], $0x80, s25, s7, $0xb8;
	[tilespmem:$0x1F080] =	vst v63  }
0x64: {  	s7 =	sadd.s32 @!p3 s5, s13  }
0x65: {  	[tilespmem:s11], [sflag:s10] =	stream.linear.gather @!p3 [hbm4b:s7+s31], $0x400, $0x38;
	[tilespmem:$0x1F080] =	vst v63  }
0x66: {  	s7 =	sor.u32 @!p3 $0x800, s11  }
0x67: {  	[tilespmem:s7], [sflag:s10] =	stream.linear.gather @!p3 [hbm4b:s12+s31], $0x400, $0x38;
	[tilespmem:$0x1F080] =	vst v63  }
0x68: {  	_ =	swait.ge [sflag:s0], $0x1900  }
0x69: {  	[sflag:s0] =	ssyncset.done $0x0  }
0x6a: {  	[sflag:s0] =	ssyncadd.s32 $0xFFFFE700  }
0x6b: {  	_ =	swait.ge [sflag:s4], $0x1900  }
0x6c: {  	[sflag:s4] =	ssyncset.done $0x0  }
0x6d: {  	[sflag:s4] =	ssyncadd.s32 $0xFFFFE700  }
0x6e: {  	_ =	swait.ge [sflag:s18], $0x1900  }
0x6f: {  	[sflag:s18] =	ssyncset.done $0x0  }
0x70: {  	[sflag:s18] =	ssyncadd.s32 $0xFFFFE700  }
0x71: {  	_ =	swait.ge [sflag:s19], $0x1900  }
0x72: {  	[sflag:s19] =	ssyncset.done $0x0  }
0x73: {  	[sflag:s19] =	ssyncadd.s32 $0xFFFFE700  }
0x74: {  	_ =	swait.ge [sflag:s20], $0x1900  }
0x75: {  	[sflag:s20] =	ssyncset.done $0x0  }
0x76: {  	[sflag:s20] =	ssyncadd.s32 $0xFFFFE700  }
0x77: {  	_ =	swait.ge [sflag:s22], $0x1900  }
0x78: {  	[sflag:s22] =	ssyncset.done $0x0  }
0x79: {  	s23 =	sadd.s32 $0x1, s23;
	[sflag:s22] =	ssyncadd.s32 $0xFFFFE700  }
0x7a: {  	p0 =	sne.s32 s23, s15;
	[bflag:$0x0] =	sbarrier.arrive $0xFFFF  }
.Ltmp1:
0x7b: {  	s31 =	rddreg [dreg:$0x9];
	(pc) =	sbr.rel @p0 .LBB2_1-.Ltmp1, $4  }
0x7c: {  	[hbm:s31], [sflag:s9] =	dma.local [spmem:s16], $0x2800  }
0x7d: {  	_ =	swait.ge [sflag:s17], $0x2800  }
0x7e: {  	[sflag:s17] =	ssyncset.done $0x0  }
0x7f: {  	[sflag:s17] =	ssyncadd.s32 $0xFFFFD800  }
0x80: {  	_ =	sfence.sel $0x180000  }
0x81: {  	[bflag:$0x0] =	sbarrier.arrive $0xFFFF  }
0x82: {  	_ =	strace $0x9000004A  }
0x83: {  	s0 =	stileid.u32;
	[bflag:$0x2] =	sbarrier.arrive $0xFFFF  }
0x84: {  	p0 =	sne.s32 s0, $0x0;
	s0 =	rddreg [dreg:$0x3]  }
0x85: {  	s0 =	sadd.s32 @!p0 $0x100000, s0  }
0x86: {  	[sflag:s0] =	ssyncadd.tile.s32 @!p0 $0x1;
	_ =	shalt  }
.Lfunc_end2:
_tile_overlayer_lowered:
.L_overlay_start_2:
0x87: {  	(tag) =	ssettag $0x2  }
0x88: {  	s0 =	rddreg [dreg:$0x0];
	s2 =	stileid.u32  }
0x89: {  	s1 =	rddreg [dreg:$0x1];
	p0 =	sne.s32 s2, $0x0  }
0x8a: {  	s3 =	rddreg [dreg:$0x2];
	[bflag:$0x3] =	sbarrier.arrive $0xFFFF;
	s2 =	simm.s32 @!p0 $0x1C0F  }
0x8b: {  	[timem:s3], [sflag:s2] =	dma.local @!p0 [hbm:s0], s1  }
0x8c: {  	s0 =	simm.s32 @!p0 $0xF  }
0x8d: {  	_ =	swait.ge @!p0 [sflag:s0], s1  }
0x8e: {  	s1 =	ssub.s32 @!p0 $0x0, s1;
	[sflag:s0] =	ssyncset.done @!p0 $0x0  }
0x8f: {  	[sflag:s0] =	ssyncadd.s32 @!p0 s1  }
0x90: {  	[bflag:$0x3] =	sbarrier.arrive $0xFFFF  }
0x91: {  	_ =	shalt  }

// kernel: kernel.16.cloned.1.call-start
scs
__scs_entry_jumppad:
0x0: {  	(pc) =	sbr.rel $0x88, $3  }
0x1: {  	(tag) =	ssettag $0x0;
	lr =	simm.s32 $0x1  }
0x2: {  	[smem:$0x3F99] =	sst lr;
	_ =	strace $0xD0000000  }
0x3: {  	_ = 	snop  }
0x4: {  	_ = 	snop  }
0x5: {  	_ = 	snop  }
0x6: {  	_ = 	snop  }
0x7: {  	_ = 	snop  }
__scs_overlays_trampoline_lowered:
0x8: {  	[smem:$0x3FA8] =	sst s0  }
0x9: {  	[smem:$0x3FA9] =	sst s1  }
0xa: {  	[smem:$0x3FAA] =	sst s2  }
0xb: {  	[smem:$0x3FAB] =	sst s3  }
0xc: {  	[smem:$0x3FAC] =	sst s4  }
0xd: {  	[smem:$0x3FAD] =	sst s5  }
0xe: {  	[smem:$0x3FAE] =	sst s6  }
0xf: {  	[smem:$0x3FAF] =	sst s7  }
0x10: {  	[smem:$0x3FB0] =	sst s8  }
0x11: {  	[smem:$0x3FB1] =	sst s9;
	s0 =	simm.s32 @!p0 $0x0  }
0x12: {  	s1 =	sld [smem:$0x3F97];
	s0 =	simm.s32 @p0 $0x1  }
0x13: {  	[smem:$0x3FB2] =	sst s0;
	s0 =	simm.s32 @!p1 $0x0  }
0x14: {  	s2 =	sld [smem:$0x3F96];
	s0 =	simm.s32 @p1 $0x1  }
0x15: {  	[smem:$0x3FB3] =	sst s0;
	s0 =	simm.s32 @!p2 $0x0  }
0x16: {  	s3 =	sld [smem:$0x3FDB];
	s0 =	simm.s32 @p2 $0x1  }
0x17: {  	s4 =	simm.s32 $0x1BF5;
	[smem:$0x3FB5] =	sst s0  }
0x18: {  	s0 =	sld [smem:$0x3F98];
	_ =	swait.ge [sflag:s4], $0x0  }
0x19: {  	s7 =	sld [smem:$0x3F99]  }
0x1a: {  	s8 =	sadd.s32 $0xFFFFE003, lr  }
0x1b: {  	s9 =	sadd.s32 $0xFFFFFEF7, lr;
	s5 =	simm.s32 $0xFFFFFFFF;
	p2 =	slt.u32 s8, $0xFFFFF086  }
0x1c: {  	p1 =	slt.u32 s9, $0xF7A;
	s5 =	simm.s32 @!p2 $0x0  }
0x1d: {  	s5 =	simm.s32 @p1 $0x1;
	p0 =	seq.s32 s7, s2  }
0x1e: {  	s7 =	smul.u32 @!p0 $0xF7A, s2;
	p2 =	seq.s32 @!p0 s5, $0x0  }
0x1f: {  	s9 =	smul.u32 $0xF7A, s1;
	s8 =	simm.s32 @!p0 $0x1BF5;
	p2 =	por !p2, p0  }
0x20: {  	[sflag:s8] =	ssyncset.s32 @!p0 $0xFFFFF086;
	s6 =	sadd.s32 @!p0 s3, s7;
	s7 =	simm.s32 @!p0 $0x108  }
0x21: {  	s3 =	sadd.s32 s3, s9;
	s6 =	sadd.s32 @!p0 $0x88, s6;
	s7 =	simm.s32 @p2 $0x1082  }
0x22: {  	[simem:s7], [sflag:s8] =	dma.local @!p0 [hbm:s6], $0xF7A  }
0x23: {  	s9 =	sor.u32 $0xD0000000, s2;
	s6 =	simm.s32 $0x108;
	_ =	swait.ge @!p0 [sflag:s8], $0x0  }
0x24: {  	s3 =	sadd.s32 $0x88, s3;
	s6 =	simm.s32 @!p1 $0x1082;
	[sflag:s4] =	ssyncset.s32 $0xFFFFF086  }
0x25: {  	[simem:s6], [sflag:s4] =	dma.local [hbm:s3], $0xF7A  }
0x26: {  	[smem:$0x3F99] =	sst s1;
	(tag) =	ssettag s2;
	_ =	strace s9  }
0x27: {  	s1 =	sld [smem:$0x3FA9]  }
0x28: {  	s2 =	sld [smem:$0x3FAA]  }
0x29: {  	s4 =	sld [smem:$0x3FAC]  }
0x2a: {  	p0 =	seq.s32 s5, $0x0;
	s5 =	sld [smem:$0x3FAD]  }
0x2b: {  	s6 =	sld [smem:$0x3FAE]  }
0x2c: {  	s7 =	sld [smem:$0x3FAF]  }
0x2d: {  	s3 =	simm.s32 $0x108;
	s8 =	sld [smem:$0x3FB0]  }
0x2e: {  	s3 =	simm.s32 @!p0 $0x1082;
	s9 =	sld [smem:$0x3FB1]  }
0x2f: {  	lr =	sadd.s32 s0, s3;
	s0 =	sld [smem:$0x3FA8]  }
0x30: {  	s3 =	sld [smem:$0x3FAB]  }
0x31: {  	[smem:$0x3FB4] =	sst s10  }
0x32: {  	s10 =	sld [smem:$0x3FB2];
	_ =	sdelay $0x3  }
0x33: {  	p0 =	seq.s32 s10, $0x1;
	s10 =	sld [smem:$0x3FB4];
	_ =	sdelay $0x3  }
0x34: {  	[smem:$0x3FB4] =	sst s10  }
0x35: {  	s10 =	sld [smem:$0x3FB3];
	_ =	sdelay $0x3  }
0x36: {  	p1 =	seq.s32 s10, $0x1;
	s10 =	sld [smem:$0x3FB4];
	_ =	sdelay $0x3  }
0x37: {  	[smem:$0x3FB4] =	sst s10  }
0x38: {  	s10 =	sld [smem:$0x3FB5]  }
0x39: {  	_ = 	snop;
	(pc) =	sbr.ind lr, $3  }
0x3a: {  	_ = 	snop  }
0x3b: {  	_ = 	snop  }
0x3c: {  	p2 =	seq.s32 s10, $0x1;
	s10 =	sld [smem:$0x3FB4]  }
0x3d: {  	_ =	shalt  }
0x3e: {  	_ =	shalt  }
0x3f: {  	_ =	shalt  }
0x40: {  	_ =	shalt  }
0x41: {  	_ =	shalt  }
0x42: {  	_ =	shalt  }
0x43: {  	_ =	shalt  }
0x44: {  	_ =	shalt  }
0x45: {  	_ =	shalt  }
0x46: {  	_ =	shalt  }
0x47: {  	_ =	shalt  }
0x48: {  	_ =	shalt  }
0x49: {  	_ =	shalt  }
0x4a: {  	_ =	shalt  }
0x4b: {  	_ =	shalt  }
0x4c: {  	_ =	shalt  }
0x4d: {  	_ =	shalt  }
0x4e: {  	_ =	shalt  }
0x4f: {  	_ =	shalt  }
0x50: {  	_ =	shalt  }
0x51: {  	_ =	shalt  }
0x52: {  	_ =	shalt  }
0x53: {  	_ =	shalt  }
0x54: {  	_ =	shalt  }
0x55: {  	_ =	shalt  }
0x56: {  	_ =	shalt  }
0x57: {  	_ =	shalt  }
0x58: {  	_ =	shalt  }
0x59: {  	_ =	shalt  }
0x5a: {  	_ =	shalt  }
0x5b: {  	_ =	shalt  }
0x5c: {  	_ =	shalt  }
0x5d: {  	_ =	shalt  }
0x5e: {  	_ =	shalt  }
0x5f: {  	_ =	shalt  }
0x60: {  	_ =	shalt  }
0x61: {  	_ =	shalt  }
0x62: {  	_ =	shalt  }
0x63: {  	_ =	shalt  }
0x64: {  	_ =	shalt  }
0x65: {  	_ =	shalt  }
0x66: {  	_ =	shalt  }
0x67: {  	_ =	shalt  }
0x68: {  	_ =	shalt  }
0x69: {  	_ =	shalt  }
0x6a: {  	_ =	shalt  }
0x6b: {  	_ =	shalt  }
0x6c: {  	_ =	shalt  }
0x6d: {  	_ =	shalt  }
0x6e: {  	_ =	shalt  }
0x6f: {  	_ =	shalt  }
0x70: {  	_ =	shalt  }
0x71: {  	_ =	shalt  }
0x72: {  	_ =	shalt  }
0x73: {  	_ =	shalt  }
0x74: {  	_ =	shalt  }
0x75: {  	_ =	shalt  }
0x76: {  	_ =	shalt  }
0x77: {  	_ =	shalt  }
0x78: {  	_ =	shalt  }
0x79: {  	_ =	shalt  }
0x7a: {  	_ =	shalt  }
0x7b: {  	_ =	shalt  }
0x7c: {  	_ =	shalt  }
0x7d: {  	_ =	shalt  }
0x7e: {  	_ =	shalt  }
0x7f: {  	_ =	shalt  }
0x80: {  	_ =	shalt  }
0x81: {  	_ =	shalt  }
0x82: {  	_ =	shalt  }
0x83: {  	_ =	shalt  }
0x84: {  	_ =	shalt  }
0x85: {  	_ =	shalt  }
0x86: {  	_ =	shalt  }
0x87: {  	_ =	shalt  }
.Lfunc_end0:
.L_simem_size_0:
called_computation.2_lowered:
.L_overlay_start_0:
0x88: {  	s2 =	sld [smem:$0x3FD9]  }
0x89: {  	s3 =	sld [smem:$0x3FFE];
	_ =	sdelay $0x1  }
0x8a: {  	s1 =	srdreg.scid  }
0x8b: {  	s0 =	sand.u32 $0x1, s1  }
0x8c: {  	s17 =	sshll.u32 s0, $0xA;
	s2 =	sadd.s32 s3, s2  }
0x8d: {  	s2 =	sadd.s32 s2, s17  }
0x8e: {  	[smem:$0x3FC0] =	sst s2  }
0x8f: {  	_ = 	snop  }
0x90: {  	s2 =	sld [smem:$0x3FD0];
	(tm) =	ssettm $0x1  }
0x91: {  	s18 =	sld [smem:$0x3FFB];
	_ =	sdelay $0x3  }
0x92: {  	_ =	strace s18  }
0x93: {  	s3 =	sld [smem:$0x3FFC];
	_ =	sdelay $0x3  }
0x94: {  	_ =	strace s3  }
0x95: {  	s3 =	sld [smem:$0x3FFD];
	_ =	sdelay $0x3  }
0x96: {  	_ =	strace s3  }
0x97: {  	_ =	strace $0x8FFFFFFF  }
0x98: {  	s19 =	sld [smem:$0x3FDB];
	_ =	sdelay $0x1  }
0x99: {  	s4 =	simm.s32 $_scs_section_size  }
0x9a: {  	s5 =	simm.s32 $_size__tile_overlayer_lowered;
	s6 =	simm.s32 $_tile_overlayer_lowered  }
0x9b: {  	s22 =	simm.s32 $0x1BFF;
	s21 =	sshll.u32 s6, $0x1;
	s3 =	sadd.s32 s4, s19  }
0x9c: {  	s7 =	simm.s32 $0x0;
	s20 =	sshll.u32 s5, $0x1;
	s5 =	sadd.s32 s21, s3  }
0x9d: {  	[timem:s7], [sflag:s22] =	dma.local [hbm:s5], s20  }
0x9e: {  	_ =	swait.ge [sflag:s22], s20  }
0x9f: {  	s4 =	ssub.s32 $0x0, s20;
	[sflag:s22] =	ssyncset.done $0x0  }
0xa0: {  	[sflag:s22] =	ssyncadd.s32 s4;
	_ =	sdelay $0x1  }
0xa1: {  	s23 =	simm.s32 $0x1B8B  }
0xa2: {  	_ =	swait.ge [sflag:s23], $0x1  }
0xa3: {  	[sflag:s23] =	ssyncset.done $0x0  }
0xa4: {  	s25 =	simm.s32 $0x1B8E;
	s24 =	sld [smem:$0x3FFE];
	[sflag:s23] =	ssyncadd.s32 $0xFFFFFFFF  }
0xa5: {  	s26 =	simm.s32 $execute0_lowered;
	[smem:$0x3FD2] =	sst s25  }
0xa6: {  	s5 =	sshll.u32 s26, $0x1;
	_ =	strace $0x8000004C;
	[dreg:$0x1] =	wrdreg $0xFFFFFFFF  }
0xa7: {  	s28 =	simm.s32 $_size_execute0_lowered;
	s3 =	sadd.s32 s3, s5;
	[dreg:$0x0] =	wrdreg $0x0  }
0xa8: {  	s5 =	sshll.u32 s28, $0x1;
	[dreg:$0x2] =	wrdreg s3  }
0xa9: {  	[dreg:$0x3] =	wrdreg s5  }
0xaa: {  	[dreg:$0x4] =	wrdreg $0xC0  }
0xab: {  	_ =	task [dreg:s7], $0x5FFFF  }
0xac: {  	[dreg:$0x1] =	wrdreg $0xFFFFFFFF  }
0xad: {  	[dreg:$0x0] =	wrdreg $0x60  }
0xae: {  	[dreg:$0x2] =	wrdreg s2  }
0xaf: {  	[dreg:$0x3] =	wrdreg s24  }
0xb0: {  	[dreg:$0x4] =	wrdreg $0xB8000  }
0xb1: {  	[dreg:$0x5] =	wrdreg $0x9  }
0xb2: {  	_ =	task.clear_ibuf [dreg:s7], $0x6FFFF;
	_ =	strace $0x9000004C  }
0xb3: {  	s29 =	simm.s32 $0x9;
	_ =	strace $0x8000004E  }
0xb4: {  	_ =	swait.ge [sflag:s29], $0x1  }
0xb5: {  	[sflag:s29] =	ssyncadd.s32 $0xFFFFFFFF  }
0xb6: {  	_ =	strace $0x9000004E  }
0xb7: {  	_ =	sfence  }
0xb8: {  	s30 =	sld [smem:$0x0];
	_ =	sdelay $0x2  }
0xb9: {  	s31 =	sshll.u32 s1, $0xD;
	s1 =	sshrl.u32 s1, $0x2  }
0xba: {  	s3 =	sand.u32 $0x4000, s31;
	s1 =	sadd.s32 s1, s30  }
0xbb: {  	s0 =	sor.u32 s3, s0;
	s1 =	sshll.u32 s1, $0x11  }
0xbc: {  	s0 =	sor.u32 s1, s0  }
0xbd: {  	s0 =	sadd.s32 $0x8F2B, s0  }
0xbe: {  	[sflag:s0] =	ssyncadd.remote.s32 $0x1  }
0xbf: {  	_ =	sfence.sel $0xFFFF  }
0xc0: {  	[dreg:$0x0] =	wrdreg $0xFFFFFFFF;
	(pc) =	sbr.abs _section_cstart, $3  }
0xc1: {  	[dreg:$0x1] =	wrdreg $0xFFFFFFFF  }
0xc2: {  	_ =	task.clear_ibuf [dreg:s7], $0x2FFFF;
	_ =	strace $0x9FFFFFFF  }
0xc3: {  	(tm) =	ssettm $0x7FFFFFFF  }
tec
execute0_lowered:
.L_overlay_start_1:
0x0: {  	(tag) =	ssettag $0x1  }
0x1: {  	s1 =	rddreg [dreg:$0x0]  }
0x2: {  	s0 =	rddreg [dreg:$0x1]  }
0x3: {  	s2 =	rddreg [dreg:$0x2]  }
0x4: {  	s3 =	simm.s32 $0x0;
	s4 =	srdreg.scid;
	s12 =	stileid.u32  }
0x5: {  	s17 =	simm.s32 $0xF;
	s21 =	simm.s32 $0x32;
	s18 =	simm.s32 $0x9  }
0x6: {  	s19 =	simm.s32 $0xA;
	s20 =	simm.s32 $0xB;
	s22 =	simm.s32 $0xC  }
0x7: {  	[smem:$0x7FF] =	sst s3;
	s5 =	sadd.s32 $0xABE00, s0;
	s6 =	sadd.s32 $0xC4E00, s0  }
0x8: {  	s4 =	sand.u32 $0x1, s4;
	s7 =	smul.u32 $0x2700, s12;
	s8 =	sadd.s32 $0xCA00, s0  }
0x9: {  	s10 =	smul.u32 $0x4E000, s12;
	s25 =	sshll.u32 s12, $0x6;
	_ =	strace $0x8000004D  }
0xa: {  	s23 =	smul.u32 $0x27100, s4;
	s9 =	sshll.u32 s4, $0x4;
	s4 =	ssub.s32 $0x2, s4  }
0xb: {  	[dreg:$0x4] =	wrdreg s8;
	s9 =	sor.u32 s12, s9;
	s11 =	sshrl.u32 s4, $0x1  }
0xc: {  	s24 =	sshrl.u32 s10, $0x2;
	s7 =	sadd.s32 s7, s23;
	s8 =	smul.u32 $0x6400, s9  }
0xd: {  	s4 =	ssub.s32 s4, s11;
	s9 =	sor.u32 $0x1C0F, s25;
	s0 =	sadd.s32 s7, s0  }
0xe: {  	s23 =	simm.s32 $0x0;
	s26 =	sshrl.u32 s8, $0x3;
	s0 =	sadd.s32 $0xF200, s0  }
0xf: {  	s7 =	sadd.s32 s24, s2;
	s28 =	sadd.s32 s5, s26;
	[dreg:$0x9] =	wrdreg s0  }
0x10: {  	s29 =	sadd.s32 $0x80, s26;
	s10 =	sadd.s32 s6, s26;
	[dreg:$0x5] =	wrdreg s28  }
0x11: {  	s15 =	smax.u32 s4, $0x1;
	[dreg:$0x6] =	wrdreg s10;
	s30 =	sadd.s32 s5, s29  }
0x12: {  	s4 =	simm.s32 $0x8;
	s31 =	sadd.s32 s6, s29;
	[dreg:$0x7] =	wrdreg s30  }
0x13: {  	s16 =	sshrl.u32 s7, $0x3;
	s0 =	simm.s32 $0x7;
	[dreg:$0x8] =	wrdreg s31  }
.LBB2_1:
0x14: {  	s7 =	rddreg [dreg:$0x4]  }
0x15: {  	[spmem:s16], [sflag:s9] =	dma.local [hbm:s7], $0x2800  }
0x16: {  	_ =	swait.ge [sflag:s17], $0x2800  }
0x17: {  	[sflag:s17] =	ssyncset.done $0x0  }
0x18: {  	s14 =	rddreg [dreg:$0x5];
	[sflag:s17] =	ssyncadd.s32 $0xFFFFD800  }
0x19: {  	[tilespmem:s3], [sflag:$0xF] =	stream.linear.gather [hbm4b:s14+s3], $0x400, $0x38;
	[tilespmem:$0x1F080] =	vst v63  }
0x1a: {  	_ =	swait.ge [sflag:s17], $0x400  }
0x1b: {  	[sflag:s17] =	ssyncset.done $0x0  }
0x1c: {  	s10 =	simm.s32 $0x800;
	s24 =	rddreg [dreg:$0x6];
	[sflag:s17] =	ssyncadd.s32 $0xFFFFFC00  }
0x1d: {  	[tilespmem:s10], [sflag:$0xF] =	stream.linear.gather [hbm4b:s24+s3], $0x400, $0x38;
	[tilespmem:$0x1F080] =	vst v63  }
0x1e: {  	_ =	swait.ge [sflag:s17], $0x400  }
0x1f: {  	s26 =	simm.s32 $0x400;
	[sflag:s17] =	ssyncset.done $0x0  }
0x20: {  	s12 =	simm.s32 $0xC00;
	s25 =	rddreg [dreg:$0x7];
	[sflag:s17] =	ssyncadd.s32 $0xFFFFFC00  }
0x21: {  	[tilespmem:s26], [sflag:$0xE] =	stream.linear.gather [hbm4b:s25+s3], $0x400, $0x38;
	[tilespmem:$0x1F080] =	vst v63  }
0x22: {  	s13 =	simm.s32 $0x1000;
	p0 =	por $0x0, $0x0;
	s11 =	rddreg [dreg:$0x8]  }
0x23: {  	[tilespmem:s12], [sflag:$0xE] =	stream.linear.gather [hbm4b:s11+s3], $0x400, $0x38;
	[tilespmem:$0x1F080] =	vst v63  }
0x24: {  	p2 =	por @!p0 $0x1, $0x1;
	s12 =	smul.u32 $0xAB, s3;
	[bflag:$0x0] =	sbarrier.arrive $0xFFFF  }
0x25: {  	[tilespmem:s13], [sflag:$0x1] =	stream.indirect.gather [hbm4b:s1+s21], $0x80, s3, s21, $0xb8;
	[tilespmem:$0x1F080] =	vst v63  }
0x26: {  	p1 =	por p2, p0;
	s7 =	sshrl.u32 s12, $0xA  }
0x27: {  	s14 =	simm.s32 $0x80;
	s24 =	simm.s32 $0x2C00;
	s7 =	sand.u32 $0x3F, s7  }
0x28: {  	[tilespmem:s24], [sflag:$0x2] =	stream.indirect.gather [hbm4b:s1+s21], $0x80, s14, s21, $0xb8;
	[tilespmem:$0x1F080] =	vst v63  }
0x29: {  	s25 =	simm.s32 $0x100;
	s26 =	simm.s32 $0x4800;
	s7 =	smul.u32 $0x6, s7  }
0x2a: {  	[tilespmem:s26], [sflag:$0x3] =	stream.indirect.gather [hbm4b:s1+s21], $0x80, s25, s21, $0xb8;
	[tilespmem:$0x1F080] =	vst v63  }
0x2b: {  	s10 =	simm.s32 $0x180;
	s11 =	simm.s32 $0x6400;
	s7 =	ssub.s32 $0x0, s7  }
0x2c: {  	s13 =	simm.s32 $0x200;
	s24 =	simm.s32 $0x1;
	s7 =	sand.u32 $0xFF, s7  }
0x2d: {  	[tilespmem:s11], [sflag:$0x4] =	stream.indirect.gather [hbm4b:s1+s21], $0x80, s10, s21, $0xb8;
	[tilespmem:$0x1F080] =	vst v63  }
0x2e: {  	s11 =	simm.s32 $0x8000;
	s10 =	simm.s32 $0xA00;
	s14 =	smul.u32 $0x7000, s7  }
0x2f: {  	s26 =	sadd.s32 $0x1, s7;
	s7 =	sadd.s32 $0x7, s7;
	s10 =	sand.u32 @!p0 $0x1E00, s10  }
0x30: {  	[tilespmem:s11], [sflag:$0x5] =	stream.indirect.gather [hbm4b:s1+s21], $0x80, s13, s21, $0xb8;
	[tilespmem:$0x1F080] =	vst v63  }
0x31: {  	s11 =	simm.s32 $0x5;
	s25 =	sshrl.u32 @!p0 s10, $0x2;
	s13 =	simm.s32 $0x0  }
0x32: {  	s12 =	sand.u32 @!p1 $0x7, s11;
	s11 =	smul.u32 @!p0 $0xAB, s11;
	_ =	swait.ge [sflag:s26], $0x1900  }
0x33: {  	s13 =	sand.u32 $0x1E00, s13;
	p3 =	sne.s32 @!p1 s12, $0x0;
	[sflag:s26] =	ssyncset.done $0x0  }
0x34: {  	s13 =	sshrl.u32 s13, $0x2;
	p2 =	por @!p0 p3, p2;
	s10 =	sshrl.u32 @!p0 s11, $0xA  }
0x35: {  	s11 =	sshrl.u32 s14, $0x2;
	[sflag:s26] =	ssyncadd.s32 $0xFFFFE700;
	s10 =	sand.u32 @!p0 $0x3F, s10  }
0x36: {  	s14 =	sor.u32 $0x800, s13;
	s11 =	sadd.s32 $0x1000, s11;
	s10 =	smul.u32 @!p0 $0x6, s10  }
0x37: {  	[spmem:s2] =	stream.indirect.scatter.add.f32 [tilespmem:s11], [sflag:s7], $0x80, s14, s21, $0xb8;
	[tilespmem:$0x1F080] =	vst v63  }
0x38: {  	s26 =	sand.u32 $0x7, s3;
	p2 =	por p2, p0;
	s10 =	ssub.s32 @!p0 $0x5, s10  }
0x39: {  	p3 =	sne.s32 s26, $0x2;
	s13 =	simm.s32 @!p2 $0x0;
	s10 =	sand.u32 @!p0 $0xFF, s10  }
0x3a: {  	p4 =	por @!p3 $0x1, $0x1;
	s13 =	sand.u32 @!p2 $0x1, s13;
	s31 =	sadd.s32 @!p1 $0x7, s10  }
0x3b: {  	p3 =	por p4, p3;
	s29 =	smul.u32 @!p0 $0x7000, s10;
	_ =	swait.ge @!p1 [sflag:s31], $0x1900  }
0x3c: {  	s28 =	sadd.s32 @!p0 $0x1, s10;
	s10 =	simm.s32 @!p3 $0x1;
	[sflag:s31] =	ssyncset.done @!p1 $0x0  }
0x3d: {  	s7 =	sshrl.u32 @!p0 s29, $0x2;
	s29 =	sadd.s32 @!p2 $0xD, s13;
	[sflag:s31] =	ssyncadd.s32 @!p1 $0xFFFFE700  }
0x3e: {  	s26 =	simm.s32 $0xC00;
	s10 =	sand.u32 @!p3 $0x1, s10;
	_ =	swait.ge @!p2 [sflag:s29], $0x400  }
0x3f: {  	s12 =	sadd.s32 @!p3 $0x400, s8;
	s11 =	sshll.u32 @!p3 s10, $0xA;
	[sflag:s29] =	ssyncset.done @!p2 $0x0  }
0x40: {  	s10 =	sadd.s32 @!p3 $0xD, s10;
	s13 =	sshrl.u32 @!p3 s12, $0x3;
	[sflag:s29] =	ssyncadd.s32 @!p2 $0xFFFFFC00  }
0x41: {  	s30 =	sadd.s32 @!p0 $0x1000, s7;
	s7 =	simm.s32 @!p0 $0x32;
	_ =	swait.ge @!p2 [sflag:s29], $0x400  }
0x42: {  	s31 =	simm.s32 @!p3 $0x0;
	s12 =	sadd.s32 @!p3 s6, s13;
	[sflag:s29] =	ssyncset.done @!p2 $0x0  }
.LBB2_2:
0x43: {  	[sflag:s29] =	ssyncadd.s32 @!p2 $0xFFFFFC00;
	s13 =	sadd.s32 @!p3 s5, s13;
	s14 =	sor.u32 @!p3 $0x800, s11  }
0x44: {  	[tilespmem:s30], [sflag:s28] =	stream.indirect.gather @!p0 [hbm4b:s1+s7], $0x80, s25, s7, $0xb8;
	[tilespmem:$0x1F080] =	vst v63  }
0x45: {  	s29 =	smov.u32 s24;
	s24 =	sadd.s32 $0x1, s24  }
0x46: {  	[tilespmem:s11], [sflag:s10] =	stream.linear.gather @!p3 [hbm4b:s13+s31], $0x400, $0x38;
	[tilespmem:$0x1F080] =	vst v63  }
0x47: {  	s7 =	smul.u32 $0xAB, s29;
	p0 =	sgt.u32 s29, $0xC2;
	p1 =	sne.s32 s24, $0xC8  }
0x48: {  	[tilespmem:s14], [sflag:s10] =	stream.linear.gather @!p3 [hbm4b:s12+s31], $0x400, $0x38;
	[tilespmem:$0x1F080] =	vst v63  }
0x49: {  	p2 =	seq.s32 @!p0 s29, $0x0;
	s7 =	sshrl.u32 s7, $0xA;
	s10 =	sand.u32 @!p0 $0x1E00, s26  }
0x4a: {  	s11 =	sadd.s32 $0x5, s29;
	s7 =	sand.u32 $0x3F, s7;
	p3 =	por p2, p0  }
0x4b: {  	s7 =	smul.u32 $0x6, s7;
	s12 =	sand.u32 @!p3 $0x7, s11;
	s25 =	sshrl.u32 @!p0 s10, $0x2  }
0x4c: {  	s10 =	smul.u32 @!p0 $0xAB, s11;
	p4 =	sne.s32 @!p3 s12, $0x0  }
0x4d: {  	s7 =	ssub.s32 s29, s7;
	p2 =	por @!p0 p4, p2  }
0x4e: {  	s12 =	sadd.s32 $0xFFFFF600, s26;
	s7 =	sand.u32 $0xFF, s7;
	s10 =	sshrl.u32 @!p0 s10, $0xA  }
0x4f: {  	s13 =	smul.u32 $0x7000, s7;
	s14 =	sadd.s32 $0x1, s7;
	s10 =	sand.u32 @!p0 $0x3F, s10  }
0x50: {  	s12 =	sand.u32 $0x1E00, s12;
	s10 =	smul.u32 @!p0 $0x6, s10;
	_ =	swait.ge [sflag:s14], $0x1900  }
0x51: {  	s12 =	sshrl.u32 s12, $0x2;
	s13 =	sshrl.u32 s13, $0x2;
	[sflag:s14] =	ssyncset.done $0x0  }
0x52: {  	s12 =	sor.u32 $0x800, s12;
	s13 =	sadd.s32 $0x1000, s13;
	[sflag:s14] =	ssyncadd.s32 $0xFFFFE700  }
0x53: {  	s7 =	sadd.s32 $0x7, s7;
	p2 =	por p2, p0;
	s10 =	ssub.s32 @!p0 s11, s10  }
0x54: {  	s11 =	sshrl.u32 @!p2 s11, $0x3;
	s10 =	sand.u32 @!p0 $0xFF, s10;
	s14 =	sand.u32 $0x7, s29  }
0x55: {  	s11 =	sand.u32 @!p2 $0x1, s11;
	s31 =	sadd.s32 @!p3 $0x7, s10;
	s30 =	smul.u32 @!p0 $0x7000, s10  }
0x56: {  	s28 =	sadd.s32 @!p0 $0x1, s10;
	p4 =	sne.s32 s14, $0x2  }
0x57: {  	s10 =	sshrl.u32 @!p0 s30, $0x2;
	s14 =	sshrl.u32 s29, $0x3  }
0x58: {  	[spmem:s2] =	stream.indirect.scatter.add.f32 [tilespmem:s13], [sflag:s7], $0x80, s12, s21, $0xb8;
	[tilespmem:$0x1F080] =	vst v63  }
0x59: {  	s29 =	sadd.s32 @!p2 $0xD, s11;
	s7 =	sadd.s32 $0xFFFFFFFF, s14;
	_ =	swait.ge @!p3 [sflag:s31], $0x1900  }
0x5a: {  	s30 =	sadd.s32 @!p0 $0x1000, s10;
	p5 =	sgt.u32 @!p4 s7, $0x16;
	[sflag:s31] =	ssyncset.done @!p3 $0x0  }
0x5b: {  	s7 =	simm.s32 @!p0 $0x32;
	[sflag:s31] =	ssyncadd.s32 @!p3 $0xFFFFE700;
	p3 =	por p5, p4  }
0x5c: {  	_ =	swait.ge @!p2 [sflag:s29], $0x400  }
.Ltmp0:
0x5d: {  	s10 =	sadd.s32 @!p3 $0x1, s14;
	s31 =	simm.s32 @!p3 $0x0;
	(pc) =	sbr.rel @p1 .LBB2_2-.Ltmp0, $4  }
0x5e: {  	[sflag:s29] =	ssyncset.done @!p2 $0x0;
	s12 =	sand.u32 @!p3 $0x1, s10;
	s10 =	sshll.u32 @!p3 s10, $0xA  }
0x5f: {  	[sflag:s29] =	ssyncadd.s32 @!p2 $0xFFFFFC00;
	s13 =	sadd.s32 @!p3 s8, s10;
	s11 =	sshll.u32 @!p3 s12, $0xA  }
0x60: {  	s10 =	sadd.s32 @!p3 $0xD, s12;
	_ =	swait.ge @!p2 [sflag:s29], $0x400;
	s13 =	sshrl.u32 @!p3 s13, $0x3  }
0x61: {  	s26 =	sadd.s32 $0x200, s26;
	[sflag:s29] =	ssyncset.done @!p2 $0x0;
	s12 =	sadd.s32 @!p3 s6, s13  }
0x62: {  	[sflag:s29] =	ssyncadd.s32 @!p2 $0xFFFFFC00  }
0x63: {  	[tilespmem:s30], [sflag:s28] =	stream.indirect.gather @!p0 [hbm4b:s1+s7], $0x80, s25, s7, $0xb8;
	[tilespmem:$0x1F080] =	vst v63  }
0x64: {  	s7 =	sadd.s32 @!p3 s5, s13  }
0x65: {  	[tilespmem:s11], [sflag:s10] =	stream.linear.gather @!p3 [hbm4b:s7+s31], $0x400, $0x38;
	[tilespmem:$0x1F080] =	vst v63  }
0x66: {  	s7 =	sor.u32 @!p3 $0x800, s11  }
0x67: {  	[tilespmem:s7], [sflag:s10] =	stream.linear.gather @!p3 [hbm4b:s12+s31], $0x400, $0x38;
	[tilespmem:$0x1F080] =	vst v63  }
0x68: {  	_ =	swait.ge [sflag:s0], $0x1900  }
0x69: {  	[sflag:s0] =	ssyncset.done $0x0  }
0x6a: {  	[sflag:s0] =	ssyncadd.s32 $0xFFFFE700  }
0x6b: {  	_ =	swait.ge [sflag:s4], $0x1900  }
0x6c: {  	[sflag:s4] =	ssyncset.done $0x0  }
0x6d: {  	[sflag:s4] =	ssyncadd.s32 $0xFFFFE700  }
0x6e: {  	_ =	swait.ge [sflag:s18], $0x1900  }
0x6f: {  	[sflag:s18] =	ssyncset.done $0x0  }
0x70: {  	[sflag:s18] =	ssyncadd.s32 $0xFFFFE700  }
0x71: {  	_ =	swait.ge [sflag:s19], $0x1900  }
0x72: {  	[sflag:s19] =	ssyncset.done $0x0  }
0x73: {  	[sflag:s19] =	ssyncadd.s32 $0xFFFFE700  }
0x74: {  	_ =	swait.ge [sflag:s20], $0x1900  }
0x75: {  	[sflag:s20] =	ssyncset.done $0x0  }
0x76: {  	[sflag:s20] =	ssyncadd.s32 $0xFFFFE700  }
0x77: {  	_ =	swait.ge [sflag:s22], $0x1900  }
0x78: {  	[sflag:s22] =	ssyncset.done $0x0  }
0x79: {  	s23 =	sadd.s32 $0x1, s23;
	[sflag:s22] =	ssyncadd.s32 $0xFFFFE700  }
0x7a: {  	p0 =	sne.s32 s23, s15;
	[bflag:$0x0] =	sbarrier.arrive $0xFFFF  }
.Ltmp1:
0x7b: {  	s31 =	rddreg [dreg:$0x9];
	(pc) =	sbr.rel @p0 .LBB2_1-.Ltmp1, $4  }
0x7c: {  	[hbm:s31], [sflag:s9] =	dma.local [spmem:s16], $0x2800  }
0x7d: {  	_ =	swait.ge [sflag:s17], $0x2800  }
0x7e: {  	[sflag:s17] =	ssyncset.done $0x0  }
0x7f: {  	[sflag:s17] =	ssyncadd.s32 $0xFFFFD800  }
0x80: {  	_ =	sfence.sel $0x180000  }
0x81: {  	[bflag:$0x0] =	sbarrier.arrive $0xFFFF  }
0x82: {  	_ =	strace $0x9000004D  }
0x83: {  	s0 =	stileid.u32;
	[bflag:$0x2] =	sbarrier.arrive $0xFFFF  }
0x84: {  	p0 =	sne.s32 s0, $0x0;
	s0 =	rddreg [dreg:$0x3]  }
0x85: {  	s0 =	sadd.s32 @!p0 $0x100000, s0  }
0x86: {  	[sflag:s0] =	ssyncadd.tile.s32 @!p0 $0x1;
	_ =	shalt  }
.Lfunc_end2:
_tile_overlayer_lowered:
.L_overlay_start_2:
0x87: {  	(tag) =	ssettag $0x2  }
0x88: {  	s0 =	rddreg [dreg:$0x0];
	s2 =	stileid.u32  }
0x89: {  	s1 =	rddreg [dreg:$0x1];
	p0 =	sne.s32 s2, $0x0  }
0x8a: {  	s3 =	rddreg [dreg:$0x2];
	[bflag:$0x3] =	sbarrier.arrive $0xFFFF;
	s2 =	simm.s32 @!p0 $0x1C0F  }
0x8b: {  	[timem:s3], [sflag:s2] =	dma.local @!p0 [hbm:s0], s1  }
0x8c: {  	s0 =	simm.s32 @!p0 $0xF  }
0x8d: {  	_ =	swait.ge @!p0 [sflag:s0], s1  }
0x8e: {  	s1 =	ssub.s32 @!p0 $0x0, s1;
	[sflag:s0] =	ssyncset.done @!p0 $0x0  }
0x8f: {  	[sflag:s0] =	ssyncadd.s32 @!p0 s1  }
0x90: {  	[bflag:$0x3] =	sbarrier.arrive $0xFFFF  }
0x91: {  	_ =	shalt  }

// kernel: kernel.19.cloned.1.call-start
scs
__scs_entry_jumppad:
0x0: {  	(pc) =	sbr.rel $0x88, $3  }
0x1: {  	(tag) =	ssettag $0x0;
	lr =	simm.s32 $0x1  }
0x2: {  	[smem:$0x3F99] =	sst lr;
	_ =	strace $0xD0000000  }
0x3: {  	_ = 	snop  }
0x4: {  	_ = 	snop  }
0x5: {  	_ = 	snop  }
0x6: {  	_ = 	snop  }
0x7: {  	_ = 	snop  }
__scs_overlays_trampoline_lowered:
0x8: {  	[smem:$0x3FA8] =	sst s0  }
0x9: {  	[smem:$0x3FA9] =	sst s1  }
0xa: {  	[smem:$0x3FAA] =	sst s2  }
0xb: {  	[smem:$0x3FAB] =	sst s3  }
0xc: {  	[smem:$0x3FAC] =	sst s4  }
0xd: {  	[smem:$0x3FAD] =	sst s5  }
0xe: {  	[smem:$0x3FAE] =	sst s6  }
0xf: {  	[smem:$0x3FAF] =	sst s7  }
0x10: {  	[smem:$0x3FB0] =	sst s8  }
0x11: {  	[smem:$0x3FB1] =	sst s9;
	s0 =	simm.s32 @!p0 $0x0  }
0x12: {  	s1 =	sld [smem:$0x3F97];
	s0 =	simm.s32 @p0 $0x1  }
0x13: {  	[smem:$0x3FB2] =	sst s0;
	s0 =	simm.s32 @!p1 $0x0  }
0x14: {  	s2 =	sld [smem:$0x3F96];
	s0 =	simm.s32 @p1 $0x1  }
0x15: {  	[smem:$0x3FB3] =	sst s0;
	s0 =	simm.s32 @!p2 $0x0  }
0x16: {  	s3 =	sld [smem:$0x3FDB];
	s0 =	simm.s32 @p2 $0x1  }
0x17: {  	s4 =	simm.s32 $0x1BF5;
	[smem:$0x3FB5] =	sst s0  }
0x18: {  	s0 =	sld [smem:$0x3F98];
	_ =	swait.ge [sflag:s4], $0x0  }
0x19: {  	s7 =	sld [smem:$0x3F99]  }
0x1a: {  	s8 =	sadd.s32 $0xFFFFE003, lr  }
0x1b: {  	s9 =	sadd.s32 $0xFFFFFEF7, lr;
	s5 =	simm.s32 $0xFFFFFFFF;
	p2 =	slt.u32 s8, $0xFFFFF086  }
0x1c: {  	p1 =	slt.u32 s9, $0xF7A;
	s5 =	simm.s32 @!p2 $0x0  }
0x1d: {  	s5 =	simm.s32 @p1 $0x1;
	p0 =	seq.s32 s7, s2  }
0x1e: {  	s7 =	smul.u32 @!p0 $0xF7A, s2;
	p2 =	seq.s32 @!p0 s5, $0x0  }
0x1f: {  	s9 =	smul.u32 $0xF7A, s1;
	s8 =	simm.s32 @!p0 $0x1BF5;
	p2 =	por !p2, p0  }
0x20: {  	[sflag:s8] =	ssyncset.s32 @!p0 $0xFFFFF086;
	s6 =	sadd.s32 @!p0 s3, s7;
	s7 =	simm.s32 @!p0 $0x108  }
0x21: {  	s3 =	sadd.s32 s3, s9;
	s6 =	sadd.s32 @!p0 $0x88, s6;
	s7 =	simm.s32 @p2 $0x1082  }
0x22: {  	[simem:s7], [sflag:s8] =	dma.local @!p0 [hbm:s6], $0xF7A  }
0x23: {  	s9 =	sor.u32 $0xD0000000, s2;
	s6 =	simm.s32 $0x108;
	_ =	swait.ge @!p0 [sflag:s8], $0x0  }
0x24: {  	s3 =	sadd.s32 $0x88, s3;
	s6 =	simm.s32 @!p1 $0x1082;
	[sflag:s4] =	ssyncset.s32 $0xFFFFF086  }
0x25: {  	[simem:s6], [sflag:s4] =	dma.local [hbm:s3], $0xF7A  }
0x26: {  	[smem:$0x3F99] =	sst s1;
	(tag) =	ssettag s2;
	_ =	strace s9  }
0x27: {  	s1 =	sld [smem:$0x3FA9]  }
0x28: {  	s2 =	sld [smem:$0x3FAA]  }
0x29: {  	s4 =	sld [smem:$0x3FAC]  }
0x2a: {  	p0 =	seq.s32 s5, $0x0;
	s5 =	sld [smem:$0x3FAD]  }
0x2b: {  	s6 =	sld [smem:$0x3FAE]  }
0x2c: {  	s7 =	sld [smem:$0x3FAF]  }
0x2d: {  	s3 =	simm.s32 $0x108;
	s8 =	sld [smem:$0x3FB0]  }
0x2e: {  	s3 =	simm.s32 @!p0 $0x1082;
	s9 =	sld [smem:$0x3FB1]  }
0x2f: {  	lr =	sadd.s32 s0, s3;
	s0 =	sld [smem:$0x3FA8]  }
0x30: {  	s3 =	sld [smem:$0x3FAB]  }
0x31: {  	[smem:$0x3FB4] =	sst s10  }
0x32: {  	s10 =	sld [smem:$0x3FB2];
	_ =	sdelay $0x3  }
0x33: {  	p0 =	seq.s32 s10, $0x1;
	s10 =	sld [smem:$0x3FB4];
	_ =	sdelay $0x3  }
0x34: {  	[smem:$0x3FB4] =	sst s10  }
0x35: {  	s10 =	sld [smem:$0x3FB3];
	_ =	sdelay $0x3  }
0x36: {  	p1 =	seq.s32 s10, $0x1;
	s10 =	sld [smem:$0x3FB4];
	_ =	sdelay $0x3  }
0x37: {  	[smem:$0x3FB4] =	sst s10  }
0x38: {  	s10 =	sld [smem:$0x3FB5]  }
0x39: {  	_ = 	snop;
	(pc) =	sbr.ind lr, $3  }
0x3a: {  	_ = 	snop  }
0x3b: {  	_ = 	snop  }
0x3c: {  	p2 =	seq.s32 s10, $0x1;
	s10 =	sld [smem:$0x3FB4]  }
0x3d: {  	_ =	shalt  }
0x3e: {  	_ =	shalt  }
0x3f: {  	_ =	shalt  }
0x40: {  	_ =	shalt  }
0x41: {  	_ =	shalt  }
0x42: {  	_ =	shalt  }
0x43: {  	_ =	shalt  }
0x44: {  	_ =	shalt  }
0x45: {  	_ =	shalt  }
0x46: {  	_ =	shalt  }
0x47: {  	_ =	shalt  }
0x48: {  	_ =	shalt  }
0x49: {  	_ =	shalt  }
0x4a: {  	_ =	shalt  }
0x4b: {  	_ =	shalt  }
0x4c: {  	_ =	shalt  }
0x4d: {  	_ =	shalt  }
0x4e: {  	_ =	shalt  }
0x4f: {  	_ =	shalt  }
0x50: {  	_ =	shalt  }
0x51: {  	_ =	shalt  }
0x52: {  	_ =	shalt  }
0x53: {  	_ =	shalt  }
0x54: {  	_ =	shalt  }
0x55: {  	_ =	shalt  }
0x56: {  	_ =	shalt  }
0x57: {  	_ =	shalt  }
0x58: {  	_ =	shalt  }
0x59: {  	_ =	shalt  }
0x5a: {  	_ =	shalt  }
0x5b: {  	_ =	shalt  }
0x5c: {  	_ =	shalt  }
0x5d: {  	_ =	shalt  }
0x5e: {  	_ =	shalt  }
0x5f: {  	_ =	shalt  }
0x60: {  	_ =	shalt  }
0x61: {  	_ =	shalt  }
0x62: {  	_ =	shalt  }
0x63: {  	_ =	shalt  }
0x64: {  	_ =	shalt  }
0x65: {  	_ =	shalt  }
0x66: {  	_ =	shalt  }
0x67: {  	_ =	shalt  }
0x68: {  	_ =	shalt  }
0x69: {  	_ =	shalt  }
0x6a: {  	_ =	shalt  }
0x6b: {  	_ =	shalt  }
0x6c: {  	_ =	shalt  }
0x6d: {  	_ =	shalt  }
0x6e: {  	_ =	shalt  }
0x6f: {  	_ =	shalt  }
0x70: {  	_ =	shalt  }
0x71: {  	_ =	shalt  }
0x72: {  	_ =	shalt  }
0x73: {  	_ =	shalt  }
0x74: {  	_ =	shalt  }
0x75: {  	_ =	shalt  }
0x76: {  	_ =	shalt  }
0x77: {  	_ =	shalt  }
0x78: {  	_ =	shalt  }
0x79: {  	_ =	shalt  }
0x7a: {  	_ =	shalt  }
0x7b: {  	_ =	shalt  }
0x7c: {  	_ =	shalt  }
0x7d: {  	_ =	shalt  }
0x7e: {  	_ =	shalt  }
0x7f: {  	_ =	shalt  }
0x80: {  	_ =	shalt  }
0x81: {  	_ =	shalt  }
0x82: {  	_ =	shalt  }
0x83: {  	_ =	shalt  }
0x84: {  	_ =	shalt  }
0x85: {  	_ =	shalt  }
0x86: {  	_ =	shalt  }
0x87: {  	_ =	shalt  }
.Lfunc_end0:
.L_simem_size_0:
called_computation.3_lowered:
.L_overlay_start_0:
0x88: {  	s2 =	sld [smem:$0x3FD9]  }
0x89: {  	s3 =	sld [smem:$0x3FFE];
	_ =	sdelay $0x1  }
0x8a: {  	s1 =	srdreg.scid  }
0x8b: {  	s0 =	sand.u32 $0x1, s1  }
0x8c: {  	s17 =	sshll.u32 s0, $0xA;
	s2 =	sadd.s32 s3, s2  }
0x8d: {  	s2 =	sadd.s32 s2, s17  }
0x8e: {  	[smem:$0x3FC0] =	sst s2  }
0x8f: {  	_ = 	snop  }
0x90: {  	s2 =	sld [smem:$0x3FD0];
	(tm) =	ssettm $0x1  }
0x91: {  	s18 =	sld [smem:$0x3FFB];
	_ =	sdelay $0x3  }
0x92: {  	_ =	strace s18  }
0x93: {  	s3 =	sld [smem:$0x3FFC];
	_ =	sdelay $0x3  }
0x94: {  	_ =	strace s3  }
0x95: {  	s3 =	sld [smem:$0x3FFD];
	_ =	sdelay $0x3  }
0x96: {  	_ =	strace s3  }
0x97: {  	_ =	strace $0x8FFFFFFF  }
0x98: {  	s19 =	sld [smem:$0x3FDB];
	_ =	sdelay $0x1  }
0x99: {  	s4 =	simm.s32 $_scs_section_size  }
0x9a: {  	s5 =	simm.s32 $_size__tile_overlayer_lowered;
	s6 =	simm.s32 $_tile_overlayer_lowered  }
0x9b: {  	s22 =	simm.s32 $0x1BFF;
	s21 =	sshll.u32 s6, $0x1;
	s3 =	sadd.s32 s4, s19  }
0x9c: {  	s7 =	simm.s32 $0x0;
	s20 =	sshll.u32 s5, $0x1;
	s5 =	sadd.s32 s21, s3  }
0x9d: {  	[timem:s7], [sflag:s22] =	dma.local [hbm:s5], s20  }
0x9e: {  	_ =	swait.ge [sflag:s22], s20  }
0x9f: {  	s4 =	ssub.s32 $0x0, s20;
	[sflag:s22] =	ssyncset.done $0x0  }
0xa0: {  	[sflag:s22] =	ssyncadd.s32 s4;
	_ =	sdelay $0x1  }
0xa1: {  	s23 =	simm.s32 $0x1B8B  }
0xa2: {  	_ =	swait.ge [sflag:s23], $0x1  }
0xa3: {  	[sflag:s23] =	ssyncset.done $0x0  }
0xa4: {  	s25 =	simm.s32 $0x1B8E;
	s24 =	sld [smem:$0x3FFE];
	[sflag:s23] =	ssyncadd.s32 $0xFFFFFFFF  }
0xa5: {  	s26 =	simm.s32 $execute0_lowered;
	[smem:$0x3FD2] =	sst s25  }
0xa6: {  	s5 =	sshll.u32 s26, $0x1;
	_ =	strace $0x8000004F;
	[dreg:$0x1] =	wrdreg $0xFFFFFFFF  }
0xa7: {  	s28 =	simm.s32 $_size_execute0_lowered;
	s3 =	sadd.s32 s3, s5;
	[dreg:$0x0] =	wrdreg $0x0  }
0xa8: {  	s5 =	sshll.u32 s28, $0x1;
	[dreg:$0x2] =	wrdreg s3  }
0xa9: {  	[dreg:$0x3] =	wrdreg s5  }
0xaa: {  	[dreg:$0x4] =	wrdreg $0xC0  }
0xab: {  	_ =	task [dreg:s7], $0x5FFFF  }
0xac: {  	[dreg:$0x1] =	wrdreg $0xFFFFFFFF  }
0xad: {  	[dreg:$0x0] =	wrdreg $0x60  }
0xae: {  	[dreg:$0x2] =	wrdreg s2  }
0xaf: {  	[dreg:$0x3] =	wrdreg s24  }
0xb0: {  	[dreg:$0x4] =	wrdreg $0xB8000  }
0xb1: {  	[dreg:$0x5] =	wrdreg $0x9  }
0xb2: {  	_ =	task.clear_ibuf [dreg:s7], $0x6FFFF;
	_ =	strace $0x9000004F  }
0xb3: {  	s29 =	simm.s32 $0x9;
	_ =	strace $0x80000051  }
0xb4: {  	_ =	swait.ge [sflag:s29], $0x1  }
0xb5: {  	[sflag:s29] =	ssyncadd.s32 $0xFFFFFFFF  }
0xb6: {  	_ =	strace $0x90000051  }
0xb7: {  	_ =	sfence  }
0xb8: {  	s30 =	sld [smem:$0x0];
	_ =	sdelay $0x2  }
0xb9: {  	s31 =	sshll.u32 s1, $0xD;
	s1 =	sshrl.u32 s1, $0x2  }
0xba: {  	s3 =	sand.u32 $0x4000, s31;
	s1 =	sadd.s32 s1, s30  }
0xbb: {  	s0 =	sor.u32 s3, s0;
	s1 =	sshll.u32 s1, $0x11  }
0xbc: {  	s0 =	sor.u32 s1, s0  }
0xbd: {  	s0 =	sadd.s32 $0x8F2B, s0  }
0xbe: {  	[sflag:s0] =	ssyncadd.remote.s32 $0x1  }
0xbf: {  	_ =	sfence.sel $0xFFFF  }
0xc0: {  	[dreg:$0x0] =	wrdreg $0xFFFFFFFF;
	(pc) =	sbr.abs _section_cstart, $3  }
0xc1: {  	[dreg:$0x1] =	wrdreg $0xFFFFFFFF  }
0xc2: {  	_ =	task.clear_ibuf [dreg:s7], $0x2FFFF;
	_ =	strace $0x9FFFFFFF  }
0xc3: {  	(tm) =	ssettm $0x7FFFFFFF  }
tec
execute0_lowered:
.L_overlay_start_1:
0x0: {  	(tag) =	ssettag $0x1  }
0x1: {  	s1 =	rddreg [dreg:$0x0]  }
0x2: {  	s0 =	rddreg [dreg:$0x1]  }
0x3: {  	s2 =	rddreg [dreg:$0x2]  }
0x4: {  	s3 =	simm.s32 $0x0;
	s4 =	srdreg.scid;
	s12 =	stileid.u32  }
0x5: {  	s17 =	simm.s32 $0xF;
	s21 =	simm.s32 $0x32;
	s18 =	simm.s32 $0x9  }
0x6: {  	s19 =	simm.s32 $0xA;
	s20 =	simm.s32 $0xB;
	s22 =	simm.s32 $0xC  }
0x7: {  	[smem:$0x7FF] =	sst s3;
	s5 =	sadd.s32 $0xABE00, s0;
	s6 =	sadd.s32 $0xC4E00, s0  }
0x8: {  	s4 =	sand.u32 $0x1, s4;
	s7 =	smul.u32 $0x2700, s12;
	s8 =	sadd.s32 $0xCA00, s0  }
0x9: {  	s10 =	smul.u32 $0x4E000, s12;
	s25 =	sshll.u32 s12, $0x6;
	_ =	strace $0x80000050  }
0xa: {  	s23 =	smul.u32 $0x27100, s4;
	s9 =	sshll.u32 s4, $0x4;
	s4 =	ssub.s32 $0x2, s4  }
0xb: {  	[dreg:$0x4] =	wrdreg s8;
	s9 =	sor.u32 s12, s9;
	s11 =	sshrl.u32 s4, $0x1  }
0xc: {  	s24 =	sshrl.u32 s10, $0x2;
	s7 =	sadd.s32 s7, s23;
	s8 =	smul.u32 $0x6400, s9  }
0xd: {  	s4 =	ssub.s32 s4, s11;
	s9 =	sor.u32 $0x1C0F, s25;
	s0 =	sadd.s32 s7, s0  }
0xe: {  	s23 =	simm.s32 $0x0;
	s26 =	sshrl.u32 s8, $0x3;
	s0 =	sadd.s32 $0xF200, s0  }
0xf: {  	s7 =	sadd.s32 s24, s2;
	s28 =	sadd.s32 s5, s26;
	[dreg:$0x9] =	wrdreg s0  }
0x10: {  	s29 =	sadd.s32 $0x80, s26;
	s10 =	sadd.s32 s6, s26;
	[dreg:$0x5] =	wrdreg s28  }
0x11: {  	s15 =	smax.u32 s4, $0x1;
	[dreg:$0x6] =	wrdreg s10;
	s30 =	sadd.s32 s5, s29  }
0x12: {  	s4 =	simm.s32 $0x8;
	s31 =	sadd.s32 s6, s29;
	[dreg:$0x7] =	wrdreg s30  }
0x13: {  	s16 =	sshrl.u32 s7, $0x3;
	s0 =	simm.s32 $0x7;
	[dreg:$0x8] =	wrdreg s31  }
.LBB2_1:
0x14: {  	s7 =	rddreg [dreg:$0x4]  }
0x15: {  	[spmem:s16], [sflag:s9] =	dma.local [hbm:s7], $0x2800  }
0x16: {  	_ =	swait.ge [sflag:s17], $0x2800  }
0x17: {  	[sflag:s17] =	ssyncset.done $0x0  }
0x18: {  	s14 =	rddreg [dreg:$0x5];
	[sflag:s17] =	ssyncadd.s32 $0xFFFFD800  }
0x19: {  	[tilespmem:s3], [sflag:$0xF] =	stream.linear.gather [hbm4b:s14+s3], $0x400, $0x38;
	[tilespmem:$0x1F080] =	vst v63  }
0x1a: {  	_ =	swait.ge [sflag:s17], $0x400  }
0x1b: {  	[sflag:s17] =	ssyncset.done $0x0  }
0x1c: {  	s10 =	simm.s32 $0x800;
	s24 =	rddreg [dreg:$0x6];
	[sflag:s17] =	ssyncadd.s32 $0xFFFFFC00  }
0x1d: {  	[tilespmem:s10], [sflag:$0xF] =	stream.linear.gather [hbm4b:s24+s3], $0x400, $0x38;
	[tilespmem:$0x1F080] =	vst v63  }
0x1e: {  	_ =	swait.ge [sflag:s17], $0x400  }
0x1f: {  	s26 =	simm.s32 $0x400;
	[sflag:s17] =	ssyncset.done $0x0  }
0x20: {  	s12 =	simm.s32 $0xC00;
	s25 =	rddreg [dreg:$0x7];
	[sflag:s17] =	ssyncadd.s32 $0xFFFFFC00  }
0x21: {  	[tilespmem:s26], [sflag:$0xE] =	stream.linear.gather [hbm4b:s25+s3], $0x400, $0x38;
	[tilespmem:$0x1F080] =	vst v63  }
0x22: {  	s13 =	simm.s32 $0x1000;
	p0 =	por $0x0, $0x0;
	s11 =	rddreg [dreg:$0x8]  }
0x23: {  	[tilespmem:s12], [sflag:$0xE] =	stream.linear.gather [hbm4b:s11+s3], $0x400, $0x38;
	[tilespmem:$0x1F080] =	vst v63  }
0x24: {  	p2 =	por @!p0 $0x1, $0x1;
	s12 =	smul.u32 $0xAB, s3;
	[bflag:$0x0] =	sbarrier.arrive $0xFFFF  }
0x25: {  	[tilespmem:s13], [sflag:$0x1] =	stream.indirect.gather [hbm4b:s1+s21], $0x80, s3, s21, $0xb8;
	[tilespmem:$0x1F080] =	vst v63  }
0x26: {  	p1 =	por p2, p0;
	s7 =	sshrl.u32 s12, $0xA  }
0x27: {  	s14 =	simm.s32 $0x80;
	s24 =	simm.s32 $0x2C00;
	s7 =	sand.u32 $0x3F, s7  }
0x28: {  	[tilespmem:s24], [sflag:$0x2] =	stream.indirect.gather [hbm4b:s1+s21], $0x80, s14, s21, $0xb8;
	[tilespmem:$0x1F080] =	vst v63  }
0x29: {  	s25 =	simm.s32 $0x100;
	s26 =	simm.s32 $0x4800;
	s7 =	smul.u32 $0x6, s7  }
0x2a: {  	[tilespmem:s26], [sflag:$0x3] =	stream.indirect.gather [hbm4b:s1+s21], $0x80, s25, s21, $0xb8;
	[tilespmem:$0x1F080] =	vst v63  }
0x2b: {  	s10 =	simm.s32 $0x180;
	s11 =	simm.s32 $0x6400;
	s7 =	ssub.s32 $0x0, s7  }
0x2c: {  	s13 =	simm.s32 $0x200;
	s24 =	simm.s32 $0x1;
	s7 =	sand.u32 $0xFF, s7  }
0x2d: {  	[tilespmem:s11], [sflag:$0x4] =	stream.indirect.gather [hbm4b:s1+s21], $0x80, s10, s21, $0xb8;
	[tilespmem:$0x1F080] =	vst v63  }
0x2e: {  	s11 =	simm.s32 $0x8000;
	s10 =	simm.s32 $0xA00;
	s14 =	smul.u32 $0x7000, s7  }
0x2f: {  	s26 =	sadd.s32 $0x1, s7;
	s7 =	sadd.s32 $0x7, s7;
	s10 =	sand.u32 @!p0 $0x1E00, s10  }
0x30: {  	[tilespmem:s11], [sflag:$0x5] =	stream.indirect.gather [hbm4b:s1+s21], $0x80, s13, s21, $0xb8;
	[tilespmem:$0x1F080] =	vst v63  }
0x31: {  	s11 =	simm.s32 $0x5;
	s25 =	sshrl.u32 @!p0 s10, $0x2;
	s13 =	simm.s32 $0x0  }
0x32: {  	s12 =	sand.u32 @!p1 $0x7, s11;
	s11 =	smul.u32 @!p0 $0xAB, s11;
	_ =	swait.ge [sflag:s26], $0x1900  }
0x33: {  	s13 =	sand.u32 $0x1E00, s13;
	p3 =	sne.s32 @!p1 s12, $0x0;
	[sflag:s26] =	ssyncset.done $0x0  }
0x34: {  	s13 =	sshrl.u32 s13, $0x2;
	p2 =	por @!p0 p3, p2;
	s10 =	sshrl.u32 @!p0 s11, $0xA  }
0x35: {  	s11 =	sshrl.u32 s14, $0x2;
	[sflag:s26] =	ssyncadd.s32 $0xFFFFE700;
	s10 =	sand.u32 @!p0 $0x3F, s10  }
0x36: {  	s14 =	sor.u32 $0x800, s13;
	s11 =	sadd.s32 $0x1000, s11;
	s10 =	smul.u32 @!p0 $0x6, s10  }
0x37: {  	[spmem:s2] =	stream.indirect.scatter.add.f32 [tilespmem:s11], [sflag:s7], $0x80, s14, s21, $0xb8;
	[tilespmem:$0x1F080] =	vst v63  }
0x38: {  	s26 =	sand.u32 $0x7, s3;
	p2 =	por p2, p0;
	s10 =	ssub.s32 @!p0 $0x5, s10  }
0x39: {  	p3 =	sne.s32 s26, $0x2;
	s13 =	simm.s32 @!p2 $0x0;
	s10 =	sand.u32 @!p0 $0xFF, s10  }
0x3a: {  	p4 =	por @!p3 $0x1, $0x1;
	s13 =	sand.u32 @!p2 $0x1, s13;
	s31 =	sadd.s32 @!p1 $0x7, s10  }
0x3b: {  	p3 =	por p4, p3;
	s29 =	smul.u32 @!p0 $0x7000, s10;
	_ =	swait.ge @!p1 [sflag:s31], $0x1900  }
0x3c: {  	s28 =	sadd.s32 @!p0 $0x1, s10;
	s10 =	simm.s32 @!p3 $0x1;
	[sflag:s31] =	ssyncset.done @!p1 $0x0  }
0x3d: {  	s7 =	sshrl.u32 @!p0 s29, $0x2;
	s29 =	sadd.s32 @!p2 $0xD, s13;
	[sflag:s31] =	ssyncadd.s32 @!p1 $0xFFFFE700  }
0x3e: {  	s26 =	simm.s32 $0xC00;
	s10 =	sand.u32 @!p3 $0x1, s10;
	_ =	swait.ge @!p2 [sflag:s29], $0x400  }
0x3f: {  	s12 =	sadd.s32 @!p3 $0x400, s8;
	s11 =	sshll.u32 @!p3 s10, $0xA;
	[sflag:s29] =	ssyncset.done @!p2 $0x0  }
0x40: {  	s10 =	sadd.s32 @!p3 $0xD, s10;
	s13 =	sshrl.u32 @!p3 s12, $0x3;
	[sflag:s29] =	ssyncadd.s32 @!p2 $0xFFFFFC00  }
0x41: {  	s30 =	sadd.s32 @!p0 $0x1000, s7;
	s7 =	simm.s32 @!p0 $0x32;
	_ =	swait.ge @!p2 [sflag:s29], $0x400  }
0x42: {  	s31 =	simm.s32 @!p3 $0x0;
	s12 =	sadd.s32 @!p3 s6, s13;
	[sflag:s29] =	ssyncset.done @!p2 $0x0  }
.LBB2_2:
0x43: {  	[sflag:s29] =	ssyncadd.s32 @!p2 $0xFFFFFC00;
	s13 =	sadd.s32 @!p3 s5, s13;
	s14 =	sor.u32 @!p3 $0x800, s11  }
0x44: {  	[tilespmem:s30], [sflag:s28] =	stream.indirect.gather @!p0 [hbm4b:s1+s7], $0x80, s25, s7, $0xb8;
	[tilespmem:$0x1F080] =	vst v63  }
0x45: {  	s29 =	smov.u32 s24;
	s24 =	sadd.s32 $0x1, s24  }
0x46: {  	[tilespmem:s11], [sflag:s10] =	stream.linear.gather @!p3 [hbm4b:s13+s31], $0x400, $0x38;
	[tilespmem:$0x1F080] =	vst v63  }
0x47: {  	s7 =	smul.u32 $0xAB, s29;
	p0 =	sgt.u32 s29, $0xC2;
	p1 =	sne.s32 s24, $0xC8  }
0x48: {  	[tilespmem:s14], [sflag:s10] =	stream.linear.gather @!p3 [hbm4b:s12+s31], $0x400, $0x38;
	[tilespmem:$0x1F080] =	vst v63  }
0x49: {  	p2 =	seq.s32 @!p0 s29, $0x0;
	s7 =	sshrl.u32 s7, $0xA;
	s10 =	sand.u32 @!p0 $0x1E00, s26  }
0x4a: {  	s11 =	sadd.s32 $0x5, s29;
	s7 =	sand.u32 $0x3F, s7;
	p3 =	por p2, p0  }
0x4b: {  	s7 =	smul.u32 $0x6, s7;
	s12 =	sand.u32 @!p3 $0x7, s11;
	s25 =	sshrl.u32 @!p0 s10, $0x2  }
0x4c: {  	s10 =	smul.u32 @!p0 $0xAB, s11;
	p4 =	sne.s32 @!p3 s12, $0x0  }
0x4d: {  	s7 =	ssub.s32 s29, s7;
	p2 =	por @!p0 p4, p2  }
0x4e: {  	s12 =	sadd.s32 $0xFFFFF600, s26;
	s7 =	sand.u32 $0xFF, s7;
	s10 =	sshrl.u32 @!p0 s10, $0xA  }
0x4f: {  	s13 =	smul.u32 $0x7000, s7;
	s14 =	sadd.s32 $0x1, s7;
	s10 =	sand.u32 @!p0 $0x3F, s10  }
0x50: {  	s12 =	sand.u32 $0x1E00, s12;
	s10 =	smul.u32 @!p0 $0x6, s10;
	_ =	swait.ge [sflag:s14], $0x1900  }
0x51: {  	s12 =	sshrl.u32 s12, $0x2;
	s13 =	sshrl.u32 s13, $0x2;
	[sflag:s14] =	ssyncset.done $0x0  }
0x52: {  	s12 =	sor.u32 $0x800, s12;
	s13 =	sadd.s32 $0x1000, s13;
	[sflag:s14] =	ssyncadd.s32 $0xFFFFE700  }
0x53: {  	s7 =	sadd.s32 $0x7, s7;
	p2 =	por p2, p0;
	s10 =	ssub.s32 @!p0 s11, s10  }
0x54: {  	s11 =	sshrl.u32 @!p2 s11, $0x3;
	s10 =	sand.u32 @!p0 $0xFF, s10;
	s14 =	sand.u32 $0x7, s29  }
0x55: {  	s11 =	sand.u32 @!p2 $0x1, s11;
	s31 =	sadd.s32 @!p3 $0x7, s10;
	s30 =	smul.u32 @!p0 $0x7000, s10  }
0x56: {  	s28 =	sadd.s32 @!p0 $0x1, s10;
	p4 =	sne.s32 s14, $0x2  }
0x57: {  	s10 =	sshrl.u32 @!p0 s30, $0x2;
	s14 =	sshrl.u32 s29, $0x3  }
0x58: {  	[spmem:s2] =	stream.indirect.scatter.add.f32 [tilespmem:s13], [sflag:s7], $0x80, s12, s21, $0xb8;
	[tilespmem:$0x1F080] =	vst v63  }
0x59: {  	s29 =	sadd.s32 @!p2 $0xD, s11;
	s7 =	sadd.s32 $0xFFFFFFFF, s14;
	_ =	swait.ge @!p3 [sflag:s31], $0x1900  }
0x5a: {  	s30 =	sadd.s32 @!p0 $0x1000, s10;
	p5 =	sgt.u32 @!p4 s7, $0x16;
	[sflag:s31] =	ssyncset.done @!p3 $0x0  }
0x5b: {  	s7 =	simm.s32 @!p0 $0x32;
	[sflag:s31] =	ssyncadd.s32 @!p3 $0xFFFFE700;
	p3 =	por p5, p4  }
0x5c: {  	_ =	swait.ge @!p2 [sflag:s29], $0x400  }
.Ltmp0:
0x5d: {  	s10 =	sadd.s32 @!p3 $0x1, s14;
	s31 =	simm.s32 @!p3 $0x0;
	(pc) =	sbr.rel @p1 .LBB2_2-.Ltmp0, $4  }
0x5e: {  	[sflag:s29] =	ssyncset.done @!p2 $0x0;
	s12 =	sand.u32 @!p3 $0x1, s10;
	s10 =	sshll.u32 @!p3 s10, $0xA  }
0x5f: {  	[sflag:s29] =	ssyncadd.s32 @!p2 $0xFFFFFC00;
	s13 =	sadd.s32 @!p3 s8, s10;
	s11 =	sshll.u32 @!p3 s12, $0xA  }
0x60: {  	s10 =	sadd.s32 @!p3 $0xD, s12;
	_ =	swait.ge @!p2 [sflag:s29], $0x400;
	s13 =	sshrl.u32 @!p3 s13, $0x3  }
0x61: {  	s26 =	sadd.s32 $0x200, s26;
	[sflag:s29] =	ssyncset.done @!p2 $0x0;
	s12 =	sadd.s32 @!p3 s6, s13  }
0x62: {  	[sflag:s29] =	ssyncadd.s32 @!p2 $0xFFFFFC00  }
0x63: {  	[tilespmem:s30], [sflag:s28] =	stream.indirect.gather @!p0 [hbm4b:s1+s7], $0x80, s25, s7, $0xb8;
	[tilespmem:$0x1F080] =	vst v63  }
0x64: {  	s7 =	sadd.s32 @!p3 s5, s13  }
0x65: {  	[tilespmem:s11], [sflag:s10] =	stream.linear.gather @!p3 [hbm4b:s7+s31], $0x400, $0x38;
	[tilespmem:$0x1F080] =	vst v63  }
0x66: {  	s7 =	sor.u32 @!p3 $0x800, s11  }
0x67: {  	[tilespmem:s7], [sflag:s10] =	stream.linear.gather @!p3 [hbm4b:s12+s31], $0x400, $0x38;
	[tilespmem:$0x1F080] =	vst v63  }
0x68: {  	_ =	swait.ge [sflag:s0], $0x1900  }
0x69: {  	[sflag:s0] =	ssyncset.done $0x0  }
0x6a: {  	[sflag:s0] =	ssyncadd.s32 $0xFFFFE700  }
0x6b: {  	_ =	swait.ge [sflag:s4], $0x1900  }
0x6c: {  	[sflag:s4] =	ssyncset.done $0x0  }
0x6d: {  	[sflag:s4] =	ssyncadd.s32 $0xFFFFE700  }
0x6e: {  	_ =	swait.ge [sflag:s18], $0x1900  }
0x6f: {  	[sflag:s18] =	ssyncset.done $0x0  }
0x70: {  	[sflag:s18] =	ssyncadd.s32 $0xFFFFE700  }
0x71: {  	_ =	swait.ge [sflag:s19], $0x1900  }
0x72: {  	[sflag:s19] =	ssyncset.done $0x0  }
0x73: {  	[sflag:s19] =	ssyncadd.s32 $0xFFFFE700  }
0x74: {  	_ =	swait.ge [sflag:s20], $0x1900  }
0x75: {  	[sflag:s20] =	ssyncset.done $0x0  }
0x76: {  	[sflag:s20] =	ssyncadd.s32 $0xFFFFE700  }
0x77: {  	_ =	swait.ge [sflag:s22], $0x1900  }
0x78: {  	[sflag:s22] =	ssyncset.done $0x0  }
0x79: {  	s23 =	sadd.s32 $0x1, s23;
	[sflag:s22] =	ssyncadd.s32 $0xFFFFE700  }
0x7a: {  	p0 =	sne.s32 s23, s15;
	[bflag:$0x0] =	sbarrier.arrive $0xFFFF  }
.Ltmp1:
0x7b: {  	s31 =	rddreg [dreg:$0x9];
	(pc) =	sbr.rel @p0 .LBB2_1-.Ltmp1, $4  }
0x7c: {  	[hbm:s31], [sflag:s9] =	dma.local [spmem:s16], $0x2800  }
0x7d: {  	_ =	swait.ge [sflag:s17], $0x2800  }
0x7e: {  	[sflag:s17] =	ssyncset.done $0x0  }
0x7f: {  	[sflag:s17] =	ssyncadd.s32 $0xFFFFD800  }
0x80: {  	_ =	sfence.sel $0x180000  }
0x81: {  	[bflag:$0x0] =	sbarrier.arrive $0xFFFF  }
0x82: {  	_ =	strace $0x90000050  }
0x83: {  	s0 =	stileid.u32;
	[bflag:$0x2] =	sbarrier.arrive $0xFFFF  }
0x84: {  	p0 =	sne.s32 s0, $0x0;
	s0 =	rddreg [dreg:$0x3]  }
0x85: {  	s0 =	sadd.s32 @!p0 $0x100000, s0  }
0x86: {  	[sflag:s0] =	ssyncadd.tile.s32 @!p0 $0x1;
	_ =	shalt  }
.Lfunc_end2:
_tile_overlayer_lowered:
.L_overlay_start_2:
0x87: {  	(tag) =	ssettag $0x2  }
0x88: {  	s0 =	rddreg [dreg:$0x0];
	s2 =	stileid.u32  }
0x89: {  	s1 =	rddreg [dreg:$0x1];
	p0 =	sne.s32 s2, $0x0  }
0x8a: {  	s3 =	rddreg [dreg:$0x2];
	[bflag:$0x3] =	sbarrier.arrive $0xFFFF;
	s2 =	simm.s32 @!p0 $0x1C0F  }
0x8b: {  	[timem:s3], [sflag:s2] =	dma.local @!p0 [hbm:s0], s1  }
0x8c: {  	s0 =	simm.s32 @!p0 $0xF  }
0x8d: {  	_ =	swait.ge @!p0 [sflag:s0], s1  }
0x8e: {  	s1 =	ssub.s32 @!p0 $0x0, s1;
	[sflag:s0] =	ssyncset.done @!p0 $0x0  }
0x8f: {  	[sflag:s0] =	ssyncadd.s32 @!p0 s1  }
0x90: {  	[bflag:$0x3] =	sbarrier.arrive $0xFFFF  }
0x91: {  	_ =	shalt  }

</sc_bundles>
